<compile_context>
chip_gen: v7x
topology: tpu7x:2x2x1
jax: 0.10.2.dev20260603
libtpu: 0.0.44.dev20260713+nightly
codegen_flags: <defaults>
</compile_context>

<pallas_src>
import functools

import jax
import jax.numpy as jnp
from jax import lax
from jax.experimental import pallas as pl
from jax.experimental.pallas import tpu as pltpu
from jax.experimental.pallas import tpu_sc as plsc

N = 10000
E = 160000
D_IN = 256
H0 = 256
H1 = 64
D_OUT = 40

NC = 2
NS = 16
NW = NC * NS
NP = 10240
C = 128
CH = 40
C1 = 64
CH1 = 40
PH1 = 4
EP = NW * CH * C
RPS = NP // NS

_mesh = plsc.VectorSubcoreMesh(core_axis_name="c", subcore_axis_name="s")
_sc_params = pltpu.CompilerParams(needs_layout_passes=False)
_sc_params_lin = pltpu.CompilerParams(
    needs_layout_passes=False, use_tc_tiling_on_sc=False)


@functools.partial(
    pl.kernel,
    out_type=jax.ShapeDtypeStruct((NW, NP), jnp.float32),
    mesh=_mesh,
    compiler_params=_sc_params,
    scratch_types=[
        pltpu.VMEM((CH, C), jnp.int32),
        pltpu.VMEM((NP,), jnp.float32),
    ],
)
def _deg_kernel(dst_hbm, out_hbm, d_all, deg_v):
    cid = lax.axis_index("c")
    sid = lax.axis_index("s")
    wid = cid * NS + sid
    pltpu.sync_copy(dst_hbm.at[wid], d_all)

    def _zero(j, _):
        for u in range(8):
            deg_v[pl.ds((j * 8 + u) * 16, 16)] = jnp.zeros((16,), jnp.float32)
        return 0

    lax.fori_loop(0, NP // 128, _zero, 0)

    ones = jnp.ones((16,), jnp.float32)

    def _count(k, _):
        for u in range(C // 16):
            idx = d_all[k, pl.ds(u * 16, 16)]
            plsc.addupdate_scatter(deg_v, [idx], ones)
        return 0

    lax.fori_loop(0, CH, _count, 0)
    pltpu.sync_copy(deg_v, out_hbm.at[wid])


def _ring_loop(nb, lag, nchunks, g_hbm, s_all, d_all, rows, gsems, ssems,
               acc_sh):
    for b in range(nb):
        pltpu.async_copy(g_hbm.at[s_all.at[b]], rows[b], gsems[b])

    def _outer(k0, _):
        for b in range(nb):
            k = k0 * nb + b
            pltpu.make_async_copy(
                g_hbm.at[s_all.at[0]], rows[b], gsems[b]).wait()
            pltpu.async_copy(rows[b], acc_sh.at[d_all.at[k]], ssems[b],
                             add=True)

            @pl.when(k >= lag)
            def _():
                bl = (b - lag) % nb
                pltpu.make_async_copy(
                    rows[bl], acc_sh.at[d_all.at[0]], ssems[bl]).wait()
                kn = k - lag + nb

                @pl.when(kn < nchunks)
                def _():
                    pltpu.async_copy(g_hbm.at[s_all.at[kn]], rows[bl],
                                     gsems[bl])
        return 0

    lax.fori_loop(0, nchunks // nb, _outer, 0)
    for j in range(lag):
        b = (nchunks - lag + j) % nb
        pltpu.make_async_copy(
            rows[b], acc_sh.at[d_all.at[0]], ssems[b]).wait()


def _zero_acc_slice(z_hbm, acc_sh, sid):
    for j in range(RPS // C):
        pltpu.sync_copy(z_hbm, acc_sh.at[pl.ds(sid * RPS + j * C, C)])


NB1 = 4


def _edge1_body(srcb_hbm, dstb_hbm, g_hbm, z_hbm, out_hbm, s_all, d_all,
                *rest):
    rows = rest[:NB1]
    acc_sh = rest[NB1]
    gsems = rest[NB1 + 1:2 * NB1 + 1]
    ssems = rest[2 * NB1 + 1:]
    cid = lax.axis_index("c")
    sid = lax.axis_index("s")
    _zero_acc_slice(z_hbm, acc_sh, sid)
    plsc.subcore_barrier()
    for half in range(PH1):
        pltpu.sync_copy(srcb_hbm.at[cid, sid, half], s_all)
        pltpu.sync_copy(dstb_hbm.at[sid, half], d_all)
        _ring_loop(NB1, 1, CH1, g_hbm, s_all, d_all, rows, gsems, ssems,
                   acc_sh)
    plsc.subcore_barrier()
    pltpu.sync_copy(
        acc_sh.at[pl.ds(sid * RPS, RPS)],
        out_hbm.at[cid, pl.ds(sid * RPS, RPS)],
    )


_edge1 = pl.kernel(
    _edge1_body,
    out_type=jax.ShapeDtypeStruct((NC, NP, 128), jnp.float32),
    mesh=_mesh,
    compiler_params=_sc_params,
    scratch_types=[
        pltpu.VMEM((CH1, C1), jnp.int32),
        pltpu.VMEM((CH1, C1), jnp.int32),
    ] + [pltpu.VMEM((C1, 128), jnp.float32) for _ in range(NB1)] + [
        pltpu.VMEM_SHARED((NP, 128), jnp.float32),
    ] + [pltpu.SemaphoreType.DMA for _ in range(2 * NB1)],
)


NB2 = 5


def _edge64_body(src_hbm, dst_hbm, g_hbm, z_hbm, out_hbm, s_all, d_all,
                 *rest):
    rows = rest[:NB2]
    acc_sh = rest[NB2]
    gsems = rest[NB2 + 1:2 * NB2 + 1]
    ssems = rest[2 * NB2 + 1:]
    cid = lax.axis_index("c")
    sid = lax.axis_index("s")
    wid = cid * NS + sid
    pltpu.sync_copy(src_hbm.at[wid], s_all)
    pltpu.sync_copy(dst_hbm.at[wid], d_all)
    _zero_acc_slice(z_hbm, acc_sh, sid)
    plsc.subcore_barrier()
    _ring_loop(NB2, 2, CH, g_hbm, s_all, d_all, rows, gsems, ssems, acc_sh)
    plsc.subcore_barrier()
    pltpu.sync_copy(
        acc_sh.at[pl.ds(sid * RPS, RPS)],
        out_hbm.at[cid, pl.ds(sid * RPS, RPS)],
    )


_edge64 = pl.kernel(
    _edge64_body,
    out_type=jax.ShapeDtypeStruct((NC, NP, H1), jnp.float32),
    mesh=_mesh,
    compiler_params=_sc_params_lin,
    scratch_types=[
        pltpu.VMEM((CH, C), jnp.int32),
        pltpu.VMEM((CH, C), jnp.int32),
    ] + [pltpu.VMEM((C, H1), jnp.float32) for _ in range(NB2)] + [
        pltpu.VMEM_SHARED((NP, H1), jnp.float32),
    ] + [pltpu.SemaphoreType.DMA for _ in range(2 * NB2)],
)


def _dis_body(deg_ref, out_ref):
    tot = jnp.sum(deg_ref[...], axis=0, keepdims=True) + 1.0
    col = lax.broadcasted_iota(jnp.int32, (1, NP), 1)
    out_ref[...] = jnp.where(col < N, lax.rsqrt(tot), 0.0)


def _dis_call(degp):
    return pl.pallas_call(
        _dis_body,
        out_shape=jax.ShapeDtypeStruct((1, NP), jnp.float32),
    )(degp)


RB = 2000
NRB = N // RB


def _mm1_body(x_ref, w_ref, out_ref):
    hw = jnp.dot(x_ref[...], w_ref[...], preferred_element_type=jnp.float32)
    out_ref[0] = hw[:, :128]
    out_ref[1] = hw[:, 128:]


def _mm1_call(x, W1):
    return pl.pallas_call(
        _mm1_body,
        grid=(NRB,),
        in_specs=[
            pl.BlockSpec((RB, D_IN), lambda i: (i, 0)),
            pl.BlockSpec((D_IN, H0), lambda i: (0, 0)),
        ],
        out_specs=pl.BlockSpec((2, RB, 128), lambda i: (0, i, 0)),
        out_shape=jax.ShapeDtypeStruct((2, NP, 128), jnp.float32),
    )(x, W1)


def _scale_body(hw_ref, dis_ref, out_ref):
    dis = dis_ref[...]
    out_ref[0] = hw_ref[0] * dis
    out_ref[1] = hw_ref[1] * dis


def _scale_call(hw, dis_col):
    return pl.pallas_call(
        _scale_body,
        grid=(NRB,),
        in_specs=[
            pl.BlockSpec((2, RB, 128), lambda i: (0, i, 0)),
            pl.BlockSpec((RB, 1), lambda i: (i, 0)),
        ],
        out_specs=pl.BlockSpec((2, RB, 128), lambda i: (0, i, 0)),
        out_shape=jax.ShapeDtypeStruct((2, NP, 128), jnp.float32),
    )(hw, dis_col)


def _mid1_body(p_ref, g_ref, dis_ref, b_ref, w_ref, out_ref):
    dis = dis_ref[...]
    h0 = jnp.maximum(dis * (p_ref[0] + g_ref[0]) + b_ref[0, :128], 0.0)
    h1 = jnp.maximum(dis * (p_ref[1] + g_ref[1]) + b_ref[0, 128:], 0.0)
    hw = (jnp.dot(h0, w_ref[:128], preferred_element_type=jnp.float32)
          + jnp.dot(h1, w_ref[128:], preferred_element_type=jnp.float32))
    out_ref[...] = hw * dis


def _mid1_call(p1, g1, dis_col, b1r, W2):
    return pl.pallas_call(
        _mid1_body,
        grid=(NRB,),
        in_specs=[
            pl.BlockSpec((NC, RB, 128), lambda i: (0, i, 0)),
            pl.BlockSpec((2, RB, 128), lambda i: (0, i, 0)),
            pl.BlockSpec((RB, 1), lambda i: (i, 0)),
            pl.BlockSpec((1, H0), lambda i: (0, 0)),
            pl.BlockSpec((H0, H1), lambda i: (0, 0)),
        ],
        out_specs=pl.BlockSpec((RB, H1), lambda i: (i, 0)),
        out_shape=jax.ShapeDtypeStruct((NP, H1), jnp.float32),
    )(p1, g1, dis_col, b1r, W2)


def _mid2_body(p_ref, g_ref, dis_ref, b_ref, w_ref, out_ref):
    dis = dis_ref[...]
    h = jnp.maximum(dis * (p_ref[0] + p_ref[1] + g_ref[...]) + b_ref[...], 0.0)
    out_ref[...] = jnp.dot(h, w_ref[...], preferred_element_type=jnp.float32) * dis


def _mid2_call(p2, g2, dis_col, b2r, W3p):
    return pl.pallas_call(
        _mid2_body,
        grid=(NRB,),
        in_specs=[
            pl.BlockSpec((NC, RB, H1), lambda i: (0, i, 0)),
            pl.BlockSpec((RB, H1), lambda i: (i, 0)),
            pl.BlockSpec((RB, 1), lambda i: (i, 0)),
            pl.BlockSpec((1, H1), lambda i: (0, 0)),
            pl.BlockSpec((H1, H1), lambda i: (0, 0)),
        ],
        out_specs=pl.BlockSpec((RB, H1), lambda i: (i, 0)),
        out_shape=jax.ShapeDtypeStruct((NP, H1), jnp.float32),
    )(p2, g2, dis_col, b2r, W3p)


def _final_body(p_ref, g_ref, dis_ref, b_ref, out_ref):
    z = dis_ref[...] * (p_ref[0] + p_ref[1] + g_ref[...]) + b_ref[...]
    col = lax.broadcasted_iota(jnp.int32, (RB, H1), 1)
    valid = col < D_OUT
    zm = jnp.where(valid, z, -jnp.inf)
    m = jnp.max(zm, axis=1, keepdims=True)
    e = jnp.where(valid, jnp.exp(z - m), 0.0)
    s = jnp.sum(e, axis=1, keepdims=True)
    out_ref[...] = (z - m - jnp.log(s))[:, :D_OUT]


def _final_call(p3, g3, dis_col, b3r):
    return pl.pallas_call(
        _final_body,
        grid=(NRB,),
        in_specs=[
            pl.BlockSpec((NC, RB, H1), lambda i: (0, i, 0)),
            pl.BlockSpec((RB, H1), lambda i: (i, 0)),
            pl.BlockSpec((RB, 1), lambda i: (i, 0)),
            pl.BlockSpec((1, H1), lambda i: (0, 0)),
        ],
        out_specs=pl.BlockSpec((RB, D_OUT), lambda i: (i, 0)),
        out_shape=jax.ShapeDtypeStruct((N, D_OUT), jnp.float32),
    )(p3, g3, dis_col, b3r)


def kernel(x, edge_index, W1, b1, W2, b2, W3, b3):
    src = edge_index[0]
    dst = edge_index[1]
    padi = (N + jnp.arange(EP - E, dtype=jnp.int32) % (NP - N))
    srcp = jnp.concatenate([src, padi])
    dstp = jnp.concatenate([dst, padi])
    src16 = srcp.reshape(NS, PH1, CH1, C1)
    srcb = jnp.stack([src16, src16 + NP])
    dstb = dstp.reshape(NS, PH1, CH1, C1)
    src32 = srcp.reshape(NW, CH, C)
    dst32 = dstp.reshape(NW, CH, C)
    z128 = jnp.zeros((C, 128), jnp.float32)
    z64 = jnp.zeros((C, H1), jnp.float32)
    b1r = b1.reshape(1, H0)
    b2r = b2.reshape(1, H1)
    W3p = jnp.pad(W3, ((0, 0), (0, H1 - D_OUT)))
    b3r = jnp.pad(b3, (0, H1 - D_OUT)).reshape(1, H1)

    hw1 = _mm1_call(x, W1)
    degp = _deg_kernel(dst32)
    dis_col = _dis_call(degp).reshape(NP, 1)
    g1 = _scale_call(hw1, dis_col)
    p1 = _edge1(srcb, dstb, g1.reshape(NC * NP, 128), z128)
    g2 = _mid1_call(p1, g1, dis_col, b1r, W2)
    p2 = _edge64(src32, dst32, g2, z64)
    g3 = _mid2_call(p2, g2, dis_col, b2r, W3p)
    p3 = _edge64(src32, dst32, g3, z64)
    return _final_call(p3, g3, dis_col, b3r)

# --- scband reference (transcript-rebuilt; emitter-appended) ---
"""Pipeline reference for scband-gnnclassifier-15831249453220 (READ-ONLY COPY).

The authoritative reference and input builder live on the scoring server;
editing this copy changes nothing except your own understanding.
"""

import jax, jax.numpy as jnp
import numpy as np

N = 10000
E = 160000
D_IN = 256
H0 = 256
H1 = 64
D_OUT = 40


def setup_inputs(seed: int = 0) -> dict:
    key = jax.random.key(seed)
    ks = jax.random.split(key, 8)
    x = jax.random.normal(ks[0], (N, D_IN), dtype=jnp.float32)
    edge_index = jax.random.randint(ks[1], (2, E), 0, N, dtype=jnp.int32)
    W1 = jax.random.normal(ks[2], (D_IN, H0), dtype=jnp.float32) * (1.0 / np.sqrt(D_IN))
    b1 = jnp.zeros((H0,), dtype=jnp.float32)
    W2 = jax.random.normal(ks[3], (H0, H1), dtype=jnp.float32) * (1.0 / np.sqrt(H0))
    b2 = jnp.zeros((H1,), dtype=jnp.float32)
    W3 = jax.random.normal(ks[4], (H1, D_OUT), dtype=jnp.float32) * (1.0 / np.sqrt(H1))
    b3 = jnp.zeros((D_OUT,), dtype=jnp.float32)
    return {"x": x, "edge_index": edge_index, "W1": W1, "b1": b1, "W2": W2, "b2": b2, "W3": W3, "b3": b3}


def _gcn_conv(h, src, dst, W, b, n_nodes):
    # GCNConv with added self-loops and symmetric normalization (PyG semantics)
    loop = jnp.arange(n_nodes, dtype=src.dtype)
    s = jnp.concatenate([src, loop])
    d = jnp.concatenate([dst, loop])
    ones = jnp.ones(s.shape[0], dtype=h.dtype)
    deg = jax.ops.segment_sum(ones, d, num_segments=n_nodes)
    dis = jnp.where(deg > 0, 1.0 / jnp.sqrt(deg), 0.0)
    norm = dis[s] * dis[d]
    hw = h @ W
    msg = hw[s] * norm[:, None]
    out = jax.ops.segment_sum(msg, d, num_segments=n_nodes)
    return out + b


def reference(x, edge_index, W1, b1, W2, b2, W3, b3):
    src = edge_index[0]
    dst = edge_index[1]
    h = jax.nn.relu(_gcn_conv(x, src, dst, W1, b1, N))
    # dropout with training=False -> identity
    h = jax.nn.relu(_gcn_conv(h, src, dst, W2, b2, N))
    h = _gcn_conv(h, src, dst, W3, b3, N)
    return jax.nn.log_softmax(h, axis=1)

if __name__ == "__main__":
    import jax
    _d = setup_inputs()
    print(jax.jit(kernel)(*tuple(_d.values())))

</pallas_src>

<mosaic_0001>
#map = affine_map<(d0, d1) -> (0, 0, 0)>
#map1 = affine_map<(d0, d1) -> (0, 0)>
module attributes {stable_mosaic.version = 14 : i64} {
  func.func @_deg_kernel(%arg0: i32, %arg1: i32, %arg2: memref<32x40x128xi32, #tpu.memory_space<hbm>>, %arg3: memref<32x10240xf32, #tpu.memory_space<hbm>>, %arg4: memref<40x128xi32, #tpu.memory_space<vmem>>, %arg5: memref<10240xf32, #tpu.memory_space<vmem>>) attributes {dimension_semantics = [#tpu.dimension_semantics<core_parallel>, #tpu.dimension_semantics<subcore_parallel>], iteration_bounds = array<i64: 2, 16>, scalar_prefetch = 0 : i64, scratch_operands = 2 : i64, tpu.core_type = #tpu.core_type<sc_vector_subcore>, window_params = [{transform_indices = #map}, {transform_indices = #map1}]} {
    %mul3A = arith.constant 16 : i32
    %mul3A_0 = arith.muli %arg0, %mul3A : i32
    %add3A = arith.addi %mul3A_0, %arg1 : i32
    "tpu.region"() ({
      %run_scoped3A = tpu.sem_alloc : memref<!tpu.dma_semaphore, #tpu.memory_space<semaphore_mem>>
      %dma_start3A = arith.constant 0 : i32
      %dma_start3A_15 = arith.constant 0 : i32
      %dma_start3A_16 = tpu.memref_slice %arg2[%add3A, %dma_start3A, %dma_start3A_15] : memref<32x40x128xi32, #tpu.memory_space<hbm>> -> memref<1x40x128xi32, #tpu.memory_space<hbm>>
      %dma_start3A_17 = tpu.memref_squeeze %dma_start3A_16 : memref<1x40x128xi32, #tpu.memory_space<hbm>> -> memref<40x128xi32, #tpu.memory_space<hbm>>
      %dma_start3A_18 = arith.constant 0 : i32
      %dma_start3A_19 = arith.constant 0 : i32
      %dma_start3A_20 = tpu.memref_slice %arg2[%add3A, %dma_start3A_18, %dma_start3A_19] : memref<32x40x128xi32, #tpu.memory_space<hbm>> -> memref<1x40x128xi32, #tpu.memory_space<hbm>>
      %dma_start3A_21 = tpu.memref_squeeze %dma_start3A_20 : memref<1x40x128xi32, #tpu.memory_space<hbm>> -> memref<40x128xi32, #tpu.memory_space<hbm>>
      tpu.enqueue_dma source(%dma_start3A_21 : memref<40x128xi32, #tpu.memory_space<hbm>>) target(%arg4 : memref<40x128xi32, #tpu.memory_space<vmem>>) target_semaphore(%run_scoped3A : memref<!tpu.dma_semaphore, #tpu.memory_space<semaphore_mem>>)
      %dma_wait3A = arith.constant 0 : i32
      %dma_wait3A_22 = arith.constant 0 : i32
      %dma_wait3A_23 = tpu.memref_slice %arg2[%add3A, %dma_wait3A, %dma_wait3A_22] : memref<32x40x128xi32, #tpu.memory_space<hbm>> -> memref<1x40x128xi32, #tpu.memory_space<hbm>>
      %dma_wait3A_24 = tpu.memref_squeeze %dma_wait3A_23 : memref<1x40x128xi32, #tpu.memory_space<hbm>> -> memref<40x128xi32, #tpu.memory_space<hbm>>
      %dma_wait3A_25 = arith.constant 0 : i32
      %dma_wait3A_26 = arith.constant 0 : i32
      %dma_wait3A_27 = tpu.memref_slice %arg2[%add3A, %dma_wait3A_25, %dma_wait3A_26] : memref<32x40x128xi32, #tpu.memory_space<hbm>> -> memref<1x40x128xi32, #tpu.memory_space<hbm>>
      %dma_wait3A_28 = tpu.memref_squeeze %dma_wait3A_27 : memref<1x40x128xi32, #tpu.memory_space<hbm>> -> memref<40x128xi32, #tpu.memory_space<hbm>>
      tpu.wait_dma2 semaphore(%run_scoped3A : memref<!tpu.dma_semaphore, #tpu.memory_space<semaphore_mem>>) src(%dma_wait3A_28 : memref<40x128xi32, #tpu.memory_space<hbm>>) dst(%arg4 : memref<40x128xi32, #tpu.memory_space<vmem>>)
      tpu.yield
    }) : () -> ()
    %scan3A = arith.constant 0 : i32
    %scan3A_1 = arith.constant 0 : i32
    %scan3A_2 = arith.constant 80 : i32
    %scan3A_3 = arith.addi %scan3A_1, %scan3A_2 : i32
    %scan3A_4 = arith.constant 1 : i32
    %scan3A_5 = scf.for %scan3A_15 = %scan3A_1 to %scan3A_3 step %scan3A_4 iter_args(%scan3A_16 = %scan3A) -> (i32)  : i32 {
      %broadcast_in_dim3A_17 = arith.constant 0.000000e+00 : f32
      %broadcast_in_dim3A_18 = vector.broadcast %broadcast_in_dim3A_17 : f32 to vector<16xf32>
      %mul3A_19 = arith.constant 8 : i32
      %mul3A_20 = arith.muli %scan3A_15, %mul3A_19 : i32
      %add3A_21 = arith.constant 0 : i32
      %add3A_22 = arith.addi %mul3A_20, %add3A_21 : i32
      %mul3A_23 = arith.constant 16 : i32
      %mul3A_24 = arith.muli %add3A_22, %mul3A_23 : i32
      %swap3A = arith.index_cast %mul3A_24 : i32 to index
      %swap3A_25 = tpu.vector_load %arg5[%swap3A] {strides = array<i32>} : memref<10240xf32, #tpu.memory_space<vmem>>, vector<16xf32>,
      tpu.vector_store %arg5[%swap3A], %broadcast_in_dim3A_18 {strides = array<i32>} : memref<10240xf32, #tpu.memory_space<vmem>>, vector<16xf32>,
      %broadcast_in_dim3A_26 = arith.constant 0.000000e+00 : f32
      %broadcast_in_dim3A_27 = vector.broadcast %broadcast_in_dim3A_26 : f32 to vector<16xf32>
      %mul3A_28 = arith.constant 8 : i32
      %mul3A_29 = arith.muli %scan3A_15, %mul3A_28 : i32
      %add3A_30 = arith.constant 1 : i32
      %add3A_31 = arith.addi %mul3A_29, %add3A_30 : i32
      %mul3A_32 = arith.constant 16 : i32
      %mul3A_33 = arith.muli %add3A_31, %mul3A_32 : i32
      %swap3A_34 = arith.index_cast %mul3A_33 : i32 to index
      %swap3A_35 = tpu.vector_load %arg5[%swap3A_34] {strides = array<i32>} : memref<10240xf32, #tpu.memory_space<vmem>>, vector<16xf32>,
      tpu.vector_store %arg5[%swap3A_34], %broadcast_in_dim3A_27 {strides = array<i32>} : memref<10240xf32, #tpu.memory_space<vmem>>, vector<16xf32>,
      %broadcast_in_dim3A_36 = arith.constant 0.000000e+00 : f32
      %broadcast_in_dim3A_37 = vector.broadcast %broadcast_in_dim3A_36 : f32 to vector<16xf32>
      %mul3A_38 = arith.constant 8 : i32
      %mul3A_39 = arith.muli %scan3A_15, %mul3A_38 : i32
      %add3A_40 = arith.constant 2 : i32
      %add3A_41 = arith.addi %mul3A_39, %add3A_40 : i32
      %mul3A_42 = arith.constant 16 : i32
      %mul3A_43 = arith.muli %add3A_41, %mul3A_42 : i32
      %swap3A_44 = arith.index_cast %mul3A_43 : i32 to index
      %swap3A_45 = tpu.vector_load %arg5[%swap3A_44] {strides = array<i32>} : memref<10240xf32, #tpu.memory_space<vmem>>, vector<16xf32>,
      tpu.vector_store %arg5[%swap3A_44], %broadcast_in_dim3A_37 {strides = array<i32>} : memref<10240xf32, #tpu.memory_space<vmem>>, vector<16xf32>,
      %broadcast_in_dim3A_46 = arith.constant 0.000000e+00 : f32
      %broadcast_in_dim3A_47 = vector.broadcast %broadcast_in_dim3A_46 : f32 to vector<16xf32>
      %mul3A_48 = arith.constant 8 : i32
      %mul3A_49 = arith.muli %scan3A_15, %mul3A_48 : i32
      %add3A_50 = arith.constant 3 : i32
      %add3A_51 = arith.addi %mul3A_49, %add3A_50 : i32
      %mul3A_52 = arith.constant 16 : i32
      %mul3A_53 = arith.muli %add3A_51, %mul3A_52 : i32
      %swap3A_54 = arith.index_cast %mul3A_53 : i32 to index
      %swap3A_55 = tpu.vector_load %arg5[%swap3A_54] {strides = array<i32>} : memref<10240xf32, #tpu.memory_space<vmem>>, vector<16xf32>,
      tpu.vector_store %arg5[%swap3A_54], %broadcast_in_dim3A_47 {strides = array<i32>} : memref<10240xf32, #tpu.memory_space<vmem>>, vector<16xf32>,
      %broadcast_in_dim3A_56 = arith.constant 0.000000e+00 : f32
      %broadcast_in_dim3A_57 = vector.broadcast %broadcast_in_dim3A_56 : f32 to vector<16xf32>
      %mul3A_58 = arith.constant 8 : i32
      %mul3A_59 = arith.muli %scan3A_15, %mul3A_58 : i32
      %add3A_60 = arith.constant 4 : i32
      %add3A_61 = arith.addi %mul3A_59, %add3A_60 : i32
      %mul3A_62 = arith.constant 16 : i32
      %mul3A_63 = arith.muli %add3A_61, %mul3A_62 : i32
      %swap3A_64 = arith.index_cast %mul3A_63 : i32 to index
      %swap3A_65 = tpu.vector_load %arg5[%swap3A_64] {strides = array<i32>} : memref<10240xf32, #tpu.memory_space<vmem>>, vector<16xf32>,
      tpu.vector_store %arg5[%swap3A_64], %broadcast_in_dim3A_57 {strides = array<i32>} : memref<10240xf32, #tpu.memory_space<vmem>>, vector<16xf32>,
      %broadcast_in_dim3A_66 = arith.constant 0.000000e+00 : f32
      %broadcast_in_dim3A_67 = vector.broadcast %broadcast_in_dim3A_66 : f32 to vector<16xf32>
      %mul3A_68 = arith.constant 8 : i32
      %mul3A_69 = arith.muli %scan3A_15, %mul3A_68 : i32
      %add3A_70 = arith.constant 5 : i32
      %add3A_71 = arith.addi %mul3A_69, %add3A_70 : i32
      %mul3A_72 = arith.constant 16 : i32
      %mul3A_73 = arith.muli %add3A_71, %mul3A_72 : i32
      %swap3A_74 = arith.index_cast %mul3A_73 : i32 to index
      %swap3A_75 = tpu.vector_load %arg5[%swap3A_74] {strides = array<i32>} : memref<10240xf32, #tpu.memory_space<vmem>>, vector<16xf32>,
      tpu.vector_store %arg5[%swap3A_74], %broadcast_in_dim3A_67 {strides = array<i32>} : memref<10240xf32, #tpu.memory_space<vmem>>, vector<16xf32>,
      %broadcast_in_dim3A_76 = arith.constant 0.000000e+00 : f32
      %broadcast_in_dim3A_77 = vector.broadcast %broadcast_in_dim3A_76 : f32 to vector<16xf32>
      %mul3A_78 = arith.constant 8 : i32
      %mul3A_79 = arith.muli %scan3A_15, %mul3A_78 : i32
      %add3A_80 = arith.constant 6 : i32
      %add3A_81 = arith.addi %mul3A_79, %add3A_80 : i32
      %mul3A_82 = arith.constant 16 : i32
      %mul3A_83 = arith.muli %add3A_81, %mul3A_82 : i32
      %swap3A_84 = arith.index_cast %mul3A_83 : i32 to index
      %swap3A_85 = tpu.vector_load %arg5[%swap3A_84] {strides = array<i32>} : memref<10240xf32, #tpu.memory_space<vmem>>, vector<16xf32>,
      tpu.vector_store %arg5[%swap3A_84], %broadcast_in_dim3A_77 {strides = array<i32>} : memref<10240xf32, #tpu.memory_space<vmem>>, vector<16xf32>,
      %broadcast_in_dim3A_86 = arith.constant 0.000000e+00 : f32
      %broadcast_in_dim3A_87 = vector.broadcast %broadcast_in_dim3A_86 : f32 to vector<16xf32>
      %mul3A_88 = arith.constant 8 : i32
      %mul3A_89 = arith.muli %scan3A_15, %mul3A_88 : i32
      %add3A_90 = arith.constant 7 : i32
      %add3A_91 = arith.addi %mul3A_89, %add3A_90 : i32
      %mul3A_92 = arith.constant 16 : i32
      %mul3A_93 = arith.muli %add3A_91, %mul3A_92 : i32
      %swap3A_94 = arith.index_cast %mul3A_93 : i32 to index
      %swap3A_95 = tpu.vector_load %arg5[%swap3A_94] {strides = array<i32>} : memref<10240xf32, #tpu.memory_space<vmem>>, vector<16xf32>,
      tpu.vector_store %arg5[%swap3A_94], %broadcast_in_dim3A_87 {strides = array<i32>} : memref<10240xf32, #tpu.memory_space<vmem>>, vector<16xf32>,
      %scan3A_96 = arith.constant 0 : i32
      scf.yield %scan3A_96 : i32
    }
    %scan3A_6 = arith.constant 80 : i32
    %broadcast_in_dim3A = arith.constant 1.000000e+00 : f32
    %broadcast_in_dim3A_7 = vector.broadcast %broadcast_in_dim3A : f32 to vector<16xf32>
    %scan3A_8 = arith.constant 0 : i32
    %scan3A_9 = arith.constant 0 : i32
    %scan3A_10 = arith.constant 40 : i32
    %scan3A_11 = arith.addi %scan3A_9, %scan3A_10 : i32
    %scan3A_12 = arith.constant 1 : i32
    %scan3A_13 = scf.for %scan3A_15 = %scan3A_9 to %scan3A_11 step %scan3A_12 iter_args(%scan3A_16 = %scan3A_8) -> (i32)  : i32 {
      %get3A = arith.index_cast %scan3A_15 : i32 to index
      %get3A_17 = arith.constant 0 : index
      %get3A_18 = tpu.vector_load %arg4[%get3A, %get3A_17] {strides = array<i32>} : memref<40x128xi32, #tpu.memory_space<vmem>>, vector<16xi32>,
      tpu.vector_store_idx %arg5[%get3A_18], %broadcast_in_dim3A_7 {add = true} : memref<10240xf32, #tpu.memory_space<vmem>>[vector<16xi32>], vector<16xf32>,
      %get3A_19 = arith.index_cast %scan3A_15 : i32 to index
      %get3A_20 = arith.constant 16 : index
      %get3A_21 = tpu.vector_load %arg4[%get3A_19, %get3A_20] {strides = array<i32>} : memref<40x128xi32, #tpu.memory_space<vmem>>, vector<16xi32>,
      tpu.vector_store_idx %arg5[%get3A_21], %broadcast_in_dim3A_7 {add = true} : memref<10240xf32, #tpu.memory_space<vmem>>[vector<16xi32>], vector<16xf32>,
      %get3A_22 = arith.index_cast %scan3A_15 : i32 to index
      %get3A_23 = arith.constant 32 : index
      %get3A_24 = tpu.vector_load %arg4[%get3A_22, %get3A_23] {strides = array<i32>} : memref<40x128xi32, #tpu.memory_space<vmem>>, vector<16xi32>,
      tpu.vector_store_idx %arg5[%get3A_24], %broadcast_in_dim3A_7 {add = true} : memref<10240xf32, #tpu.memory_space<vmem>>[vector<16xi32>], vector<16xf32>,
      %get3A_25 = arith.index_cast %scan3A_15 : i32 to index
      %get3A_26 = arith.constant 48 : index
      %get3A_27 = tpu.vector_load %arg4[%get3A_25, %get3A_26] {strides = array<i32>} : memref<40x128xi32, #tpu.memory_space<vmem>>, vector<16xi32>,
      tpu.vector_store_idx %arg5[%get3A_27], %broadcast_in_dim3A_7 {add = true} : memref<10240xf32, #tpu.memory_space<vmem>>[vector<16xi32>], vector<16xf32>,
      %get3A_28 = arith.index_cast %scan3A_15 : i32 to index
      %get3A_29 = arith.constant 64 : index
      %get3A_30 = tpu.vector_load %arg4[%get3A_28, %get3A_29] {strides = array<i32>} : memref<40x128xi32, #tpu.memory_space<vmem>>, vector<16xi32>,
      tpu.vector_store_idx %arg5[%get3A_30], %broadcast_in_dim3A_7 {add = true} : memref<10240xf32, #tpu.memory_space<vmem>>[vector<16xi32>], vector<16xf32>,
      %get3A_31 = arith.index_cast %scan3A_15 : i32 to index
      %get3A_32 = arith.constant 80 : index
      %get3A_33 = tpu.vector_load %arg4[%get3A_31, %get3A_32] {strides = array<i32>} : memref<40x128xi32, #tpu.memory_space<vmem>>, vector<16xi32>,
      tpu.vector_store_idx %arg5[%get3A_33], %broadcast_in_dim3A_7 {add = true} : memref<10240xf32, #tpu.memory_space<vmem>>[vector<16xi32>], vector<16xf32>,
      %get3A_34 = arith.index_cast %scan3A_15 : i32 to index
      %get3A_35 = arith.constant 96 : index
      %get3A_36 = tpu.vector_load %arg4[%get3A_34, %get3A_35] {strides = array<i32>} : memref<40x128xi32, #tpu.memory_space<vmem>>, vector<16xi32>,
      tpu.vector_store_idx %arg5[%get3A_36], %broadcast_in_dim3A_7 {add = true} : memref<10240xf32, #tpu.memory_space<vmem>>[vector<16xi32>], vector<16xf32>,
      %get3A_37 = arith.index_cast %scan3A_15 : i32 to index
      %get3A_38 = arith.constant 112 : index
      %get3A_39 = tpu.vector_load %arg4[%get3A_37, %get3A_38] {strides = array<i32>} : memref<40x128xi32, #tpu.memory_space<vmem>>, vector<16xi32>,
      tpu.vector_store_idx %arg5[%get3A_39], %broadcast_in_dim3A_7 {add = true} : memref<10240xf32, #tpu.memory_space<vmem>>[vector<16xi32>], vector<16xf32>,
      %scan3A_40 = arith.constant 0 : i32
      scf.yield %scan3A_40 : i32
    }
    %scan3A_14 = arith.constant 40 : i32
    "tpu.region"() ({
      %run_scoped3A = tpu.sem_alloc : memref<!tpu.dma_semaphore, #tpu.memory_space<semaphore_mem>>
      %dma_start3A = arith.constant 0 : i32
      %dma_start3A_15 = tpu.memref_slice %arg3[%add3A, %dma_start3A] : memref<32x10240xf32, #tpu.memory_space<hbm>> -> memref<1x10240xf32, #tpu.memory_space<hbm>>
      %dma_start3A_16 = tpu.memref_squeeze %dma_start3A_15 : memref<1x10240xf32, #tpu.memory_space<hbm>> -> memref<10240xf32, #tpu.memory_space<hbm>>
      %dma_start3A_17 = arith.constant 0 : i32
      %dma_start3A_18 = tpu.memref_slice %arg3[%add3A, %dma_start3A_17] : memref<32x10240xf32, #tpu.memory_space<hbm>> -> memref<1x10240xf32, #tpu.memory_space<hbm>>
      %dma_start3A_19 = tpu.memref_squeeze %dma_start3A_18 : memref<1x10240xf32, #tpu.memory_space<hbm>> -> memref<10240xf32, #tpu.memory_space<hbm>>
      tpu.enqueue_dma source(%arg5 : memref<10240xf32, #tpu.memory_space<vmem>>) target(%dma_start3A_19 : memref<10240xf32, #tpu.memory_space<hbm>>) target_semaphore(%run_scoped3A : memref<!tpu.dma_semaphore, #tpu.memory_space<semaphore_mem>>)
      %dma_wait3A = arith.constant 0 : i32
      %dma_wait3A_20 = tpu.memref_slice %arg3[%add3A, %dma_wait3A] : memref<32x10240xf32, #tpu.memory_space<hbm>> -> memref<1x10240xf32, #tpu.memory_space<hbm>>
      %dma_wait3A_21 = tpu.memref_squeeze %dma_wait3A_20 : memref<1x10240xf32, #tpu.memory_space<hbm>> -> memref<10240xf32, #tpu.memory_space<hbm>>
      %dma_wait3A_22 = arith.constant 0 : i32
      %dma_wait3A_23 = tpu.memref_slice %arg3[%add3A, %dma_wait3A_22] : memref<32x10240xf32, #tpu.memory_space<hbm>> -> memref<1x10240xf32, #tpu.memory_space<hbm>>
      %dma_wait3A_24 = tpu.memref_squeeze %dma_wait3A_23 : memref<1x10240xf32, #tpu.memory_space<hbm>> -> memref<10240xf32, #tpu.memory_space<hbm>>
      tpu.wait_dma2 semaphore(%run_scoped3A : memref<!tpu.dma_semaphore, #tpu.memory_space<semaphore_mem>>) src(%arg5 : memref<10240xf32, #tpu.memory_space<vmem>>) dst(%dma_wait3A_24 : memref<10240xf32, #tpu.memory_space<hbm>>)
      tpu.yield
    }) : () -> ()
    return
  }
}

#map = affine_map<(d0, d1) -> (0, 0, 0)>
#map1 = affine_map<(d0, d1) -> (0, 0)>
module attributes {stable_mosaic.version = 14 : i64} {
  func.func @_edge64_body(%arg0: i32, %arg1: i32, %arg2: memref<32x40x128xi32, #tpu.memory_space<hbm>>, %arg3: memref<32x40x128xi32, #tpu.memory_space<hbm>>, %arg4: memref<10240x64xf32, #tpu.memory_space<hbm>>, %arg5: memref<128x64xf32, #tpu.memory_space<hbm>>, %arg6: memref<2x10240x64xf32, #tpu.memory_space<hbm>>, %arg7: memref<40x128xi32, #tpu.memory_space<vmem>>, %arg8: memref<40x128xi32, #tpu.memory_space<vmem>>, %arg9: memref<128x64xf32, #tpu.memory_space<vmem>>, %arg10: memref<128x64xf32, #tpu.memory_space<vmem>>, %arg11: memref<128x64xf32, #tpu.memory_space<vmem>>, %arg12: memref<128x64xf32, #tpu.memory_space<vmem>>, %arg13: memref<128x64xf32, #tpu.memory_space<vmem>>, %arg14: memref<10240x64xf32, #tpu.memory_space<vmem_shared>>, %arg15: memref<!tpu.dma_semaphore, #tpu.memory_space<semaphore_mem>>, %arg16: memref<!tpu.dma_semaphore, #tpu.memory_space<semaphore_mem>>, %arg17: memref<!tpu.dma_semaphore, #tpu.memory_space<semaphore_mem>>, %arg18: memref<!tpu.dma_semaphore, #tpu.memory_space<semaphore_mem>>, %arg19: memref<!tpu.dma_semaphore, #tpu.memory_space<semaphore_mem>>, %arg20: memref<!tpu.dma_semaphore, #tpu.memory_space<semaphore_mem>>, %arg21: memref<!tpu.dma_semaphore, #tpu.memory_space<semaphore_mem>>, %arg22: memref<!tpu.dma_semaphore, #tpu.memory_space<semaphore_mem>>, %arg23: memref<!tpu.dma_semaphore, #tpu.memory_space<semaphore_mem>>, %arg24: memref<!tpu.dma_semaphore, #tpu.memory_space<semaphore_mem>>) attributes {dimension_semantics = [#tpu.dimension_semantics<core_parallel>, #tpu.dimension_semantics<subcore_parallel>], iteration_bounds = array<i64: 2, 16>, scalar_prefetch = 0 : i64, scratch_operands = 18 : i64, tpu.core_type = #tpu.core_type<sc_vector_subcore>, window_params = [{transform_indices = #map}, {transform_indices = #map}, {transform_indices = #map1}, {transform_indices = #map1}, {transform_indices = #map}]} {
    %mul3A = arith.constant 16 : i32
    %mul3A_0 = arith.muli %arg0, %mul3A : i32
    %add3A = arith.addi %mul3A_0, %arg1 : i32
    "tpu.region"() ({
      %run_scoped3A = tpu.sem_alloc : memref<!tpu.dma_semaphore, #tpu.memory_space<semaphore_mem>>
      %dma_start3A_79 = arith.constant 0 : i32
      %dma_start3A_80 = arith.constant 0 : i32
      %dma_start3A_81 = tpu.memref_slice %arg2[%add3A, %dma_start3A_79, %dma_start3A_80] : memref<32x40x128xi32, #tpu.memory_space<hbm>> -> memref<1x40x128xi32, #tpu.memory_space<hbm>>
      %dma_start3A_82 = tpu.memref_squeeze %dma_start3A_81 : memref<1x40x128xi32, #tpu.memory_space<hbm>> -> memref<40x128xi32, #tpu.memory_space<hbm>>
      %dma_start3A_83 = arith.constant 0 : i32
      %dma_start3A_84 = arith.constant 0 : i32
      %dma_start3A_85 = tpu.memref_slice %arg2[%add3A, %dma_start3A_83, %dma_start3A_84] : memref<32x40x128xi32, #tpu.memory_space<hbm>> -> memref<1x40x128xi32, #tpu.memory_space<hbm>>
      %dma_start3A_86 = tpu.memref_squeeze %dma_start3A_85 : memref<1x40x128xi32, #tpu.memory_space<hbm>> -> memref<40x128xi32, #tpu.memory_space<hbm>>
      tpu.enqueue_dma source(%dma_start3A_86 : memref<40x128xi32, #tpu.memory_space<hbm>>) target(%arg7 : memref<40x128xi32, #tpu.memory_space<vmem>>) target_semaphore(%run_scoped3A : memref<!tpu.dma_semaphore, #tpu.memory_space<semaphore_mem>>)
      %dma_wait3A_87 = arith.constant 0 : i32
      %dma_wait3A_88 = arith.constant 0 : i32
      %dma_wait3A_89 = tpu.memref_slice %arg2[%add3A, %dma_wait3A_87, %dma_wait3A_88] : memref<32x40x128xi32, #tpu.memory_space<hbm>> -> memref<1x40x128xi32, #tpu.memory_space<hbm>>
      %dma_wait3A_90 = tpu.memref_squeeze %dma_wait3A_89 : memref<1x40x128xi32, #tpu.memory_space<hbm>> -> memref<40x128xi32, #tpu.memory_space<hbm>>
      %dma_wait3A_91 = arith.constant 0 : i32
      %dma_wait3A_92 = arith.constant 0 : i32
      %dma_wait3A_93 = tpu.memref_slice %arg2[%add3A, %dma_wait3A_91, %dma_wait3A_92] : memref<32x40x128xi32, #tpu.memory_space<hbm>> -> memref<1x40x128xi32, #tpu.memory_space<hbm>>
      %dma_wait3A_94 = tpu.memref_squeeze %dma_wait3A_93 : memref<1x40x128xi32, #tpu.memory_space<hbm>> -> memref<40x128xi32, #tpu.memory_space<hbm>>
      tpu.wait_dma2 semaphore(%run_scoped3A : memref<!tpu.dma_semaphore, #tpu.memory_space<semaphore_mem>>) src(%dma_wait3A_94 : memref<40x128xi32, #tpu.memory_space<hbm>>) dst(%arg7 : memref<40x128xi32, #tpu.memory_space<vmem>>)
      tpu.yield
    }) : () -> ()
    "tpu.region"() ({
      %run_scoped3A = tpu.sem_alloc : memref<!tpu.dma_semaphore, #tpu.memory_space<semaphore_mem>>
      %dma_start3A_79 = arith.constant 0 : i32
      %dma_start3A_80 = arith.constant 0 : i32
      %dma_start3A_81 = tpu.memref_slice %arg3[%add3A, %dma_start3A_79, %dma_start3A_80] : memref<32x40x128xi32, #tpu.memory_space<hbm>> -> memref<1x40x128xi32, #tpu.memory_space<hbm>>
      %dma_start3A_82 = tpu.memref_squeeze %dma_start3A_81 : memref<1x40x128xi32, #tpu.memory_space<hbm>> -> memref<40x128xi32, #tpu.memory_space<hbm>>
      %dma_start3A_83 = arith.constant 0 : i32
      %dma_start3A_84 = arith.constant 0 : i32
      %dma_start3A_85 = tpu.memref_slice %arg3[%add3A, %dma_start3A_83, %dma_start3A_84] : memref<32x40x128xi32, #tpu.memory_space<hbm>> -> memref<1x40x128xi32, #tpu.memory_space<hbm>>
      %dma_start3A_86 = tpu.memref_squeeze %dma_start3A_85 : memref<1x40x128xi32, #tpu.memory_space<hbm>> -> memref<40x128xi32, #tpu.memory_space<hbm>>
      tpu.enqueue_dma source(%dma_start3A_86 : memref<40x128xi32, #tpu.memory_space<hbm>>) target(%arg8 : memref<40x128xi32, #tpu.memory_space<vmem>>) target_semaphore(%run_scoped3A : memref<!tpu.dma_semaphore, #tpu.memory_space<semaphore_mem>>)
      %dma_wait3A_87 = arith.constant 0 : i32
      %dma_wait3A_88 = arith.constant 0 : i32
      %dma_wait3A_89 = tpu.memref_slice %arg3[%add3A, %dma_wait3A_87, %dma_wait3A_88] : memref<32x40x128xi32, #tpu.memory_space<hbm>> -> memref<1x40x128xi32, #tpu.memory_space<hbm>>
      %dma_wait3A_90 = tpu.memref_squeeze %dma_wait3A_89 : memref<1x40x128xi32, #tpu.memory_space<hbm>> -> memref<40x128xi32, #tpu.memory_space<hbm>>
      %dma_wait3A_91 = arith.constant 0 : i32
      %dma_wait3A_92 = arith.constant 0 : i32
      %dma_wait3A_93 = tpu.memref_slice %arg3[%add3A, %dma_wait3A_91, %dma_wait3A_92] : memref<32x40x128xi32, #tpu.memory_space<hbm>> -> memref<1x40x128xi32, #tpu.memory_space<hbm>>
      %dma_wait3A_94 = tpu.memref_squeeze %dma_wait3A_93 : memref<1x40x128xi32, #tpu.memory_space<hbm>> -> memref<40x128xi32, #tpu.memory_space<hbm>>
      tpu.wait_dma2 semaphore(%run_scoped3A : memref<!tpu.dma_semaphore, #tpu.memory_space<semaphore_mem>>) src(%dma_wait3A_94 : memref<40x128xi32, #tpu.memory_space<hbm>>) dst(%arg8 : memref<40x128xi32, #tpu.memory_space<vmem>>)
      tpu.yield
    }) : () -> ()
    %mul3A_1 = arith.constant 640 : i32
    %mul3A_2 = arith.muli %arg1, %mul3A_1 : i32
    %add3A_3 = arith.constant 0 : i32
    %add3A_4 = arith.addi %mul3A_2, %add3A_3 : i32
    "tpu.region"() ({
      %run_scoped3A = tpu.sem_alloc : memref<!tpu.dma_semaphore, #tpu.memory_space<semaphore_mem>>
      %dma_start3A_79 = arith.constant 0 : i32
      %dma_start3A_80 = tpu.memref_slice %arg14[%add3A_4, %dma_start3A_79] : memref<10240x64xf32, #tpu.memory_space<vmem_shared>> -> memref<128x64xf32, #tpu.memory_space<vmem_shared>>
      tpu.enqueue_dma source(%arg5 : memref<128x64xf32, #tpu.memory_space<hbm>>) target(%dma_start3A_80 : memref<128x64xf32, #tpu.memory_space<vmem_shared>>) target_semaphore(%run_scoped3A : memref<!tpu.dma_semaphore, #tpu.memory_space<semaphore_mem>>)
      %dma_wait3A_81 = arith.constant 0 : i32
      %dma_wait3A_82 = tpu.memref_slice %arg14[%add3A_4, %dma_wait3A_81] : memref<10240x64xf32, #tpu.memory_space<vmem_shared>> -> memref<128x64xf32, #tpu.memory_space<vmem_shared>>
      tpu.wait_dma2 semaphore(%run_scoped3A : memref<!tpu.dma_semaphore, #tpu.memory_space<semaphore_mem>>) src(%arg5 : memref<128x64xf32, #tpu.memory_space<hbm>>) dst(%dma_wait3A_82 : memref<128x64xf32, #tpu.memory_space<vmem_shared>>)
      tpu.yield
    }) : () -> ()
    %mul3A_5 = arith.constant 640 : i32
    %mul3A_6 = arith.muli %arg1, %mul3A_5 : i32
    %add3A_7 = arith.constant 128 : i32
    %add3A_8 = arith.addi %mul3A_6, %add3A_7 : i32
    "tpu.region"() ({
      %run_scoped3A = tpu.sem_alloc : memref<!tpu.dma_semaphore, #tpu.memory_space<semaphore_mem>>
      %dma_start3A_79 = arith.constant 0 : i32
      %dma_start3A_80 = tpu.memref_slice %arg14[%add3A_8, %dma_start3A_79] : memref<10240x64xf32, #tpu.memory_space<vmem_shared>> -> memref<128x64xf32, #tpu.memory_space<vmem_shared>>
      tpu.enqueue_dma source(%arg5 : memref<128x64xf32, #tpu.memory_space<hbm>>) target(%dma_start3A_80 : memref<128x64xf32, #tpu.memory_space<vmem_shared>>) target_semaphore(%run_scoped3A : memref<!tpu.dma_semaphore, #tpu.memory_space<semaphore_mem>>)
      %dma_wait3A_81 = arith.constant 0 : i32
      %dma_wait3A_82 = tpu.memref_slice %arg14[%add3A_8, %dma_wait3A_81] : memref<10240x64xf32, #tpu.memory_space<vmem_shared>> -> memref<128x64xf32, #tpu.memory_space<vmem_shared>>
      tpu.wait_dma2 semaphore(%run_scoped3A : memref<!tpu.dma_semaphore, #tpu.memory_space<semaphore_mem>>) src(%arg5 : memref<128x64xf32, #tpu.memory_space<hbm>>) dst(%dma_wait3A_82 : memref<128x64xf32, #tpu.memory_space<vmem_shared>>)
      tpu.yield
    }) : () -> ()
    %mul3A_9 = arith.constant 640 : i32
    %mul3A_10 = arith.muli %arg1, %mul3A_9 : i32
    %add3A_11 = arith.constant 256 : i32
    %add3A_12 = arith.addi %mul3A_10, %add3A_11 : i32
    "tpu.region"() ({
      %run_scoped3A = tpu.sem_alloc : memref<!tpu.dma_semaphore, #tpu.memory_space<semaphore_mem>>
      %dma_start3A_79 = arith.constant 0 : i32
      %dma_start3A_80 = tpu.memref_slice %arg14[%add3A_12, %dma_start3A_79] : memref<10240x64xf32, #tpu.memory_space<vmem_shared>> -> memref<128x64xf32, #tpu.memory_space<vmem_shared>>
      tpu.enqueue_dma source(%arg5 : memref<128x64xf32, #tpu.memory_space<hbm>>) target(%dma_start3A_80 : memref<128x64xf32, #tpu.memory_space<vmem_shared>>) target_semaphore(%run_scoped3A : memref<!tpu.dma_semaphore, #tpu.memory_space<semaphore_mem>>)
      %dma_wait3A_81 = arith.constant 0 : i32
      %dma_wait3A_82 = tpu.memref_slice %arg14[%add3A_12, %dma_wait3A_81] : memref<10240x64xf32, #tpu.memory_space<vmem_shared>> -> memref<128x64xf32, #tpu.memory_space<vmem_shared>>
      tpu.wait_dma2 semaphore(%run_scoped3A : memref<!tpu.dma_semaphore, #tpu.memory_space<semaphore_mem>>) src(%arg5 : memref<128x64xf32, #tpu.memory_space<hbm>>) dst(%dma_wait3A_82 : memref<128x64xf32, #tpu.memory_space<vmem_shared>>)
      tpu.yield
    }) : () -> ()
    %mul3A_13 = arith.constant 640 : i32
    %mul3A_14 = arith.muli %arg1, %mul3A_13 : i32
    %add3A_15 = arith.constant 384 : i32
    %add3A_16 = arith.addi %mul3A_14, %add3A_15 : i32
    "tpu.region"() ({
      %run_scoped3A = tpu.sem_alloc : memref<!tpu.dma_semaphore, #tpu.memory_space<semaphore_mem>>
      %dma_start3A_79 = arith.constant 0 : i32
      %dma_start3A_80 = tpu.memref_slice %arg14[%add3A_16, %dma_start3A_79] : memref<10240x64xf32, #tpu.memory_space<vmem_shared>> -> memref<128x64xf32, #tpu.memory_space<vmem_shared>>
      tpu.enqueue_dma source(%arg5 : memref<128x64xf32, #tpu.memory_space<hbm>>) target(%dma_start3A_80 : memref<128x64xf32, #tpu.memory_space<vmem_shared>>) target_semaphore(%run_scoped3A : memref<!tpu.dma_semaphore, #tpu.memory_space<semaphore_mem>>)
      %dma_wait3A_81 = arith.constant 0 : i32
      %dma_wait3A_82 = tpu.memref_slice %arg14[%add3A_16, %dma_wait3A_81] : memref<10240x64xf32, #tpu.memory_space<vmem_shared>> -> memref<128x64xf32, #tpu.memory_space<vmem_shared>>
      tpu.wait_dma2 semaphore(%run_scoped3A : memref<!tpu.dma_semaphore, #tpu.memory_space<semaphore_mem>>) src(%arg5 : memref<128x64xf32, #tpu.memory_space<hbm>>) dst(%dma_wait3A_82 : memref<128x64xf32, #tpu.memory_space<vmem_shared>>)
      tpu.yield
    }) : () -> ()
    %mul3A_17 = arith.constant 640 : i32
    %mul3A_18 = arith.muli %arg1, %mul3A_17 : i32
    %add3A_19 = arith.constant 512 : i32
    %add3A_20 = arith.addi %mul3A_18, %add3A_19 : i32
    "tpu.region"() ({
      %run_scoped3A = tpu.sem_alloc : memref<!tpu.dma_semaphore, #tpu.memory_space<semaphore_mem>>
      %dma_start3A_79 = arith.constant 0 : i32
      %dma_start3A_80 = tpu.memref_slice %arg14[%add3A_20, %dma_start3A_79] : memref<10240x64xf32, #tpu.memory_space<vmem_shared>> -> memref<128x64xf32, #tpu.memory_space<vmem_shared>>
      tpu.enqueue_dma source(%arg5 : memref<128x64xf32, #tpu.memory_space<hbm>>) target(%dma_start3A_80 : memref<128x64xf32, #tpu.memory_space<vmem_shared>>) target_semaphore(%run_scoped3A : memref<!tpu.dma_semaphore, #tpu.memory_space<semaphore_mem>>)
      %dma_wait3A_81 = arith.constant 0 : i32
      %dma_wait3A_82 = tpu.memref_slice %arg14[%add3A_20, %dma_wait3A_81] : memref<10240x64xf32, #tpu.memory_space<vmem_shared>> -> memref<128x64xf32, #tpu.memory_space<vmem_shared>>
      tpu.wait_dma2 semaphore(%run_scoped3A : memref<!tpu.dma_semaphore, #tpu.memory_space<semaphore_mem>>) src(%arg5 : memref<128x64xf32, #tpu.memory_space<hbm>>) dst(%dma_wait3A_82 : memref<128x64xf32, #tpu.memory_space<vmem_shared>>)
      tpu.yield
    }) : () -> ()
    %barrier3A = arith.constant 0 : index
    tpu.barrier barrier_id(%barrier3A)
    %dma_start3A = arith.constant 0 : i32
    %dma_start3A_21 = arith.constant 0 : i32
    %dma_start3A_22 = tpu.memref_slice %arg7[%dma_start3A, %dma_start3A_21] : memref<40x128xi32, #tpu.memory_space<vmem>> -> memref<1x128xi32, #tpu.memory_space<vmem>>
    %dma_start3A_23 = tpu.memref_squeeze %dma_start3A_22 : memref<1x128xi32, #tpu.memory_space<vmem>> -> memref<128xi32, #tpu.memory_space<vmem>>
    %dma_start3A_24 = arith.constant 0 : i32
    %dma_start3A_25 = arith.constant 0 : i32
    %dma_start3A_26 = tpu.memref_slice %arg4[%dma_start3A_24, %dma_start3A_25] : memref<10240x64xf32, #tpu.memory_space<hbm>> -> memref<10240x64xf32, #tpu.memory_space<hbm>>
    tpu.enqueue_indirect_dma source(%dma_start3A_26 : memref<10240x64xf32, #tpu.memory_space<hbm>>) target(%arg9 : memref<128x64xf32, #tpu.memory_space<vmem>>) offsets(%dma_start3A_23 : memref<128xi32, #tpu.memory_space<vmem>>) semaphore(%arg15 : memref<!tpu.dma_semaphore, #tpu.memory_space<semaphore_mem>>)
    %dma_start3A_27 = arith.constant 1 : i32
    %dma_start3A_28 = arith.constant 0 : i32
    %dma_start3A_29 = tpu.memref_slice %arg7[%dma_start3A_27, %dma_start3A_28] : memref<40x128xi32, #tpu.memory_space<vmem>> -> memref<1x128xi32, #tpu.memory_space<vmem>>
    %dma_start3A_30 = tpu.memref_squeeze %dma_start3A_29 : memref<1x128xi32, #tpu.memory_space<vmem>> -> memref<128xi32, #tpu.memory_space<vmem>>
    %dma_start3A_31 = arith.constant 0 : i32
    %dma_start3A_32 = arith.constant 0 : i32
    %dma_start3A_33 = tpu.memref_slice %arg4[%dma_start3A_31, %dma_start3A_32] : memref<10240x64xf32, #tpu.memory_space<hbm>> -> memref<10240x64xf32, #tpu.memory_space<hbm>>
    tpu.enqueue_indirect_dma source(%dma_start3A_33 : memref<10240x64xf32, #tpu.memory_space<hbm>>) target(%arg10 : memref<128x64xf32, #tpu.memory_space<vmem>>) offsets(%dma_start3A_30 : memref<128xi32, #tpu.memory_space<vmem>>) semaphore(%arg16 : memref<!tpu.dma_semaphore, #tpu.memory_space<semaphore_mem>>)
    %dma_start3A_34 = arith.constant 2 : i32
    %dma_start3A_35 = arith.constant 0 : i32
    %dma_start3A_36 = tpu.memref_slice %arg7[%dma_start3A_34, %dma_start3A_35] : memref<40x128xi32, #tpu.memory_space<vmem>> -> memref<1x128xi32, #tpu.memory_space<vmem>>
    %dma_start3A_37 = tpu.memref_squeeze %dma_start3A_36 : memref<1x128xi32, #tpu.memory_space<vmem>> -> memref<128xi32, #tpu.memory_space<vmem>>
    %dma_start3A_38 = arith.constant 0 : i32
    %dma_start3A_39 = arith.constant 0 : i32
    %dma_start3A_40 = tpu.memref_slice %arg4[%dma_start3A_38, %dma_start3A_39] : memref<10240x64xf32, #tpu.memory_space<hbm>> -> memref<10240x64xf32, #tpu.memory_space<hbm>>
    tpu.enqueue_indirect_dma source(%dma_start3A_40 : memref<10240x64xf32, #tpu.memory_space<hbm>>) target(%arg11 : memref<128x64xf32, #tpu.memory_space<vmem>>) offsets(%dma_start3A_37 : memref<128xi32, #tpu.memory_space<vmem>>) semaphore(%arg17 : memref<!tpu.dma_semaphore, #tpu.memory_space<semaphore_mem>>)
    %dma_start3A_41 = arith.constant 3 : i32
    %dma_start3A_42 = arith.constant 0 : i32
    %dma_start3A_43 = tpu.memref_slice %arg7[%dma_start3A_41, %dma_start3A_42] : memref<40x128xi32, #tpu.memory_space<vmem>> -> memref<1x128xi32, #tpu.memory_space<vmem>>
    %dma_start3A_44 = tpu.memref_squeeze %dma_start3A_43 : memref<1x128xi32, #tpu.memory_space<vmem>> -> memref<128xi32, #tpu.memory_space<vmem>>
    %dma_start3A_45 = arith.constant 0 : i32
    %dma_start3A_46 = arith.constant 0 : i32
    %dma_start3A_47 = tpu.memref_slice %arg4[%dma_start3A_45, %dma_start3A_46] : memref<10240x64xf32, #tpu.memory_space<hbm>> -> memref<10240x64xf32, #tpu.memory_space<hbm>>
    tpu.enqueue_indirect_dma source(%dma_start3A_47 : memref<10240x64xf32, #tpu.memory_space<hbm>>) target(%arg12 : memref<128x64xf32, #tpu.memory_space<vmem>>) offsets(%dma_start3A_44 : memref<128xi32, #tpu.memory_space<vmem>>) semaphore(%arg18 : memref<!tpu.dma_semaphore, #tpu.memory_space<semaphore_mem>>)
    %dma_start3A_48 = arith.constant 4 : i32
    %dma_start3A_49 = arith.constant 0 : i32
    %dma_start3A_50 = tpu.memref_slice %arg7[%dma_start3A_48, %dma_start3A_49] : memref<40x128xi32, #tpu.memory_space<vmem>> -> memref<1x128xi32, #tpu.memory_space<vmem>>
    %dma_start3A_51 = tpu.memref_squeeze %dma_start3A_50 : memref<1x128xi32, #tpu.memory_space<vmem>> -> memref<128xi32, #tpu.memory_space<vmem>>
    %dma_start3A_52 = arith.constant 0 : i32
    %dma_start3A_53 = arith.constant 0 : i32
    %dma_start3A_54 = tpu.memref_slice %arg4[%dma_start3A_52, %dma_start3A_53] : memref<10240x64xf32, #tpu.memory_space<hbm>> -> memref<10240x64xf32, #tpu.memory_space<hbm>>
    tpu.enqueue_indirect_dma source(%dma_start3A_54 : memref<10240x64xf32, #tpu.memory_space<hbm>>) target(%arg13 : memref<128x64xf32, #tpu.memory_space<vmem>>) offsets(%dma_start3A_51 : memref<128xi32, #tpu.memory_space<vmem>>) semaphore(%arg19 : memref<!tpu.dma_semaphore, #tpu.memory_space<semaphore_mem>>)
    %scan3A = arith.constant 0 : i32
    %scan3A_55 = arith.constant 0 : i32
    %scan3A_56 = arith.constant 8 : i32
    %scan3A_57 = arith.addi %scan3A_55, %scan3A_56 : i32
    %scan3A_58 = arith.constant 1 : i32
    %scan3A_59 = scf.for %scan3A_79 = %scan3A_55 to %scan3A_57 step %scan3A_58 iter_args(%scan3A_80 = %scan3A) -> (i32)  : i32 {
      %mul3A_81 = arith.constant 5 : i32
      %mul3A_82 = arith.muli %scan3A_79, %mul3A_81 : i32
      %add3A_83 = arith.constant 0 : i32
      %add3A_84 = arith.addi %mul3A_82, %add3A_83 : i32
      %dma_wait3A_85 = arith.constant 0 : i32
      %dma_wait3A_86 = arith.constant 0 : i32
      %dma_wait3A_87 = tpu.memref_slice %arg7[%dma_wait3A_85, %dma_wait3A_86] : memref<40x128xi32, #tpu.memory_space<vmem>> -> memref<1x128xi32, #tpu.memory_space<vmem>>
      %dma_wait3A_88 = tpu.memref_squeeze %dma_wait3A_87 : memref<1x128xi32, #tpu.memory_space<vmem>> -> memref<128xi32, #tpu.memory_space<vmem>>
      %dma_wait3A_89 = arith.constant 0 : i32
      %dma_wait3A_90 = arith.constant 0 : i32
      %dma_wait3A_91 = tpu.memref_slice %arg4[%dma_wait3A_89, %dma_wait3A_90] : memref<10240x64xf32, #tpu.memory_space<hbm>> -> memref<10240x64xf32, #tpu.memory_space<hbm>>
      tpu.wait_indirect_dma semaphore(%arg15 : memref<!tpu.dma_semaphore, #tpu.memory_space<semaphore_mem>>) src(%dma_wait3A_91 : memref<10240x64xf32, #tpu.memory_space<hbm>>) dst(%arg9 : memref<128x64xf32, #tpu.memory_space<vmem>>)
      %dma_start3A_92 = arith.constant 0 : i32
      %dma_start3A_93 = tpu.memref_slice %arg8[%add3A_84, %dma_start3A_92] : memref<40x128xi32, #tpu.memory_space<vmem>> -> memref<1x128xi32, #tpu.memory_space<vmem>>
      %dma_start3A_94 = tpu.memref_squeeze %dma_start3A_93 : memref<1x128xi32, #tpu.memory_space<vmem>> -> memref<128xi32, #tpu.memory_space<vmem>>
      %dma_start3A_95 = arith.constant 0 : i32
      %dma_start3A_96 = arith.constant 0 : i32
      %dma_start3A_97 = tpu.memref_slice %arg14[%dma_start3A_95, %dma_start3A_96] : memref<10240x64xf32, #tpu.memory_space<vmem_shared>> -> memref<10240x64xf32, #tpu.memory_space<vmem_shared>>
      tpu.enqueue_indirect_dma source(%arg9 : memref<128x64xf32, #tpu.memory_space<vmem>>) target(%dma_start3A_97 : memref<10240x64xf32, #tpu.memory_space<vmem_shared>>) offsets(%dma_start3A_94 : memref<128xi32, #tpu.memory_space<vmem>>) semaphore(%arg20 : memref<!tpu.dma_semaphore, #tpu.memory_space<semaphore_mem>>) {add = true}
      %ge3A = arith.constant 2 : i32
      %ge3A_98 = arith.cmpi sge, %add3A_84, %ge3A : i32
      %convert_element_type3A = arith.extui %ge3A_98 : i1 to i32
      %cond3A = arith.constant 0 : i32
      %cond3A_99 = arith.cmpi ne, %convert_element_type3A, %cond3A : i32
      scf.if %cond3A_99 {
        %dma_wait3A_189 = arith.constant 0 : i32
        %dma_wait3A_190 = arith.constant 0 : i32
        %dma_wait3A_191 = tpu.memref_slice %arg8[%dma_wait3A_189, %dma_wait3A_190] : memref<40x128xi32, #tpu.memory_space<vmem>> -> memref<1x128xi32, #tpu.memory_space<vmem>>
        %dma_wait3A_192 = tpu.memref_squeeze %dma_wait3A_191 : memref<1x128xi32, #tpu.memory_space<vmem>> -> memref<128xi32, #tpu.memory_space<vmem>>
        %dma_wait3A_193 = arith.constant 0 : i32
        %dma_wait3A_194 = arith.constant 0 : i32
        %dma_wait3A_195 = tpu.memref_slice %arg14[%dma_wait3A_193, %dma_wait3A_194] : memref<10240x64xf32, #tpu.memory_space<vmem_shared>> -> memref<10240x64xf32, #tpu.memory_space<vmem_shared>>
        tpu.wait_indirect_dma semaphore(%arg23 : memref<!tpu.dma_semaphore, #tpu.memory_space<semaphore_mem>>) src(%arg12 : memref<128x64xf32, #tpu.memory_space<vmem>>) dst(%dma_wait3A_195 : memref<10240x64xf32, #tpu.memory_space<vmem_shared>>)
        %sub3A = arith.constant 2 : i32
        %sub3A_196 = arith.subi %add3A_84, %sub3A : i32
        %add3A_197 = arith.constant 5 : i32
        %add3A_198 = arith.addi %sub3A_196, %add3A_197 : i32
        %lt3A = arith.constant 40 : i32
        %lt3A_199 = arith.cmpi slt, %add3A_198, %lt3A : i32
        %convert_element_type3A_200 = arith.extui %lt3A_199 : i1 to i32
        %cond3A_201 = arith.constant 0 : i32
        %cond3A_202 = arith.cmpi ne, %convert_element_type3A_200, %cond3A_201 : i32
        scf.if %cond3A_202 {
          %dma_start3A_203 = arith.constant 0 : i32
          %dma_start3A_204 = tpu.memref_slice %arg7[%add3A_198, %dma_start3A_203] : memref<40x128xi32, #tpu.memory_space<vmem>> -> memref<1x128xi32, #tpu.memory_space<vmem>>
          %dma_start3A_205 = tpu.memref_squeeze %dma_start3A_204 : memref<1x128xi32, #tpu.memory_space<vmem>> -> memref<128xi32, #tpu.memory_space<vmem>>
          %dma_start3A_206 = arith.constant 0 : i32
          %dma_start3A_207 = arith.constant 0 : i32
          %dma_start3A_208 = tpu.memref_slice %arg4[%dma_start3A_206, %dma_start3A_207] : memref<10240x64xf32, #tpu.memory_space<hbm>> -> memref<10240x64xf32, #tpu.memory_space<hbm>>
          tpu.enqueue_indirect_dma source(%dma_start3A_208 : memref<10240x64xf32, #tpu.memory_space<hbm>>) target(%arg12 : memref<128x64xf32, #tpu.memory_space<vmem>>) offsets(%dma_start3A_205 : memref<128xi32, #tpu.memory_space<vmem>>) semaphore(%arg18 : memref<!tpu.dma_semaphore, #tpu.memory_space<semaphore_mem>>)
        } else {
        }
      } else {
      }
      %mul3A_100 = arith.constant 5 : i32
      %mul3A_101 = arith.muli %scan3A_79, %mul3A_100 : i32
      %add3A_102 = arith.constant 1 : i32
      %add3A_103 = arith.addi %mul3A_101, %add3A_102 : i32
      %dma_wait3A_104 = arith.constant 0 : i32
      %dma_wait3A_105 = arith.constant 0 : i32
      %dma_wait3A_106 = tpu.memref_slice %arg7[%dma_wait3A_104, %dma_wait3A_105] : memref<40x128xi32, #tpu.memory_space<vmem>> -> memref<1x128xi32, #tpu.memory_space<vmem>>
      %dma_wait3A_107 = tpu.memref_squeeze %dma_wait3A_106 : memref<1x128xi32, #tpu.memory_space<vmem>> -> memref<128xi32, #tpu.memory_space<vmem>>
      %dma_wait3A_108 = arith.constant 0 : i32
      %dma_wait3A_109 = arith.constant 0 : i32
      %dma_wait3A_110 = tpu.memref_slice %arg4[%dma_wait3A_108, %dma_wait3A_109] : memref<10240x64xf32, #tpu.memory_space<hbm>> -> memref<10240x64xf32, #tpu.memory_space<hbm>>
      tpu.wait_indirect_dma semaphore(%arg16 : memref<!tpu.dma_semaphore, #tpu.memory_space<semaphore_mem>>) src(%dma_wait3A_110 : memref<10240x64xf32, #tpu.memory_space<hbm>>) dst(%arg10 : memref<128x64xf32, #tpu.memory_space<vmem>>)
      %dma_start3A_111 = arith.constant 0 : i32
      %dma_start3A_112 = tpu.memref_slice %arg8[%add3A_103, %dma_start3A_111] : memref<40x128xi32, #tpu.memory_space<vmem>> -> memref<1x128xi32, #tpu.memory_space<vmem>>
      %dma_start3A_113 = tpu.memref_squeeze %dma_start3A_112 : memref<1x128xi32, #tpu.memory_space<vmem>> -> memref<128xi32, #tpu.memory_space<vmem>>
      %dma_start3A_114 = arith.constant 0 : i32
      %dma_start3A_115 = arith.constant 0 : i32
      %dma_start3A_116 = tpu.memref_slice %arg14[%dma_start3A_114, %dma_start3A_115] : memref<10240x64xf32, #tpu.memory_space<vmem_shared>> -> memref<10240x64xf32, #tpu.memory_space<vmem_shared>>
      tpu.enqueue_indirect_dma source(%arg10 : memref<128x64xf32, #tpu.memory_space<vmem>>) target(%dma_start3A_116 : memref<10240x64xf32, #tpu.memory_space<vmem_shared>>) offsets(%dma_start3A_113 : memref<128xi32, #tpu.memory_space<vmem>>) semaphore(%arg21 : memref<!tpu.dma_semaphore, #tpu.memory_space<semaphore_mem>>) {add = true}
      %ge3A_117 = arith.constant 2 : i32
      %ge3A_118 = arith.cmpi sge, %add3A_103, %ge3A_117 : i32
      %convert_element_type3A_119 = arith.extui %ge3A_118 : i1 to i32
      %cond3A_120 = arith.constant 0 : i32
      %cond3A_121 = arith.cmpi ne, %convert_element_type3A_119, %cond3A_120 : i32
      scf.if %cond3A_121 {
        %dma_wait3A_189 = arith.constant 0 : i32
        %dma_wait3A_190 = arith.constant 0 : i32
        %dma_wait3A_191 = tpu.memref_slice %arg8[%dma_wait3A_189, %dma_wait3A_190] : memref<40x128xi32, #tpu.memory_space<vmem>> -> memref<1x128xi32, #tpu.memory_space<vmem>>
        %dma_wait3A_192 = tpu.memref_squeeze %dma_wait3A_191 : memref<1x128xi32, #tpu.memory_space<vmem>> -> memref<128xi32, #tpu.memory_space<vmem>>
        %dma_wait3A_193 = arith.constant 0 : i32
        %dma_wait3A_194 = arith.constant 0 : i32
        %dma_wait3A_195 = tpu.memref_slice %arg14[%dma_wait3A_193, %dma_wait3A_194] : memref<10240x64xf32, #tpu.memory_space<vmem_shared>> -> memref<10240x64xf32, #tpu.memory_space<vmem_shared>>
        tpu.wait_indirect_dma semaphore(%arg24 : memref<!tpu.dma_semaphore, #tpu.memory_space<semaphore_mem>>) src(%arg13 : memref<128x64xf32, #tpu.memory_space<vmem>>) dst(%dma_wait3A_195 : memref<10240x64xf32, #tpu.memory_space<vmem_shared>>)
        %sub3A = arith.constant 2 : i32
        %sub3A_196 = arith.subi %add3A_103, %sub3A : i32
        %add3A_197 = arith.constant 5 : i32
        %add3A_198 = arith.addi %sub3A_196, %add3A_197 : i32
        %lt3A = arith.constant 40 : i32
        %lt3A_199 = arith.cmpi slt, %add3A_198, %lt3A : i32
        %convert_element_type3A_200 = arith.extui %lt3A_199 : i1 to i32
        %cond3A_201 = arith.constant 0 : i32
        %cond3A_202 = arith.cmpi ne, %convert_element_type3A_200, %cond3A_201 : i32
        scf.if %cond3A_202 {
          %dma_start3A_203 = arith.constant 0 : i32
          %dma_start3A_204 = tpu.memref_slice %arg7[%add3A_198, %dma_start3A_203] : memref<40x128xi32, #tpu.memory_space<vmem>> -> memref<1x128xi32, #tpu.memory_space<vmem>>
          %dma_start3A_205 = tpu.memref_squeeze %dma_start3A_204 : memref<1x128xi32, #tpu.memory_space<vmem>> -> memref<128xi32, #tpu.memory_space<vmem>>
          %dma_start3A_206 = arith.constant 0 : i32
          %dma_start3A_207 = arith.constant 0 : i32
          %dma_start3A_208 = tpu.memref_slice %arg4[%dma_start3A_206, %dma_start3A_207] : memref<10240x64xf32, #tpu.memory_space<hbm>> -> memref<10240x64xf32, #tpu.memory_space<hbm>>
          tpu.enqueue_indirect_dma source(%dma_start3A_208 : memref<10240x64xf32, #tpu.memory_space<hbm>>) target(%arg13 : memref<128x64xf32, #tpu.memory_space<vmem>>) offsets(%dma_start3A_205 : memref<128xi32, #tpu.memory_space<vmem>>) semaphore(%arg19 : memref<!tpu.dma_semaphore, #tpu.memory_space<semaphore_mem>>)
        } else {
        }
      } else {
      }
      %mul3A_122 = arith.constant 5 : i32
      %mul3A_123 = arith.muli %scan3A_79, %mul3A_122 : i32
      %add3A_124 = arith.constant 2 : i32
      %add3A_125 = arith.addi %mul3A_123, %add3A_124 : i32
      %dma_wait3A_126 = arith.constant 0 : i32
      %dma_wait3A_127 = arith.constant 0 : i32
      %dma_wait3A_128 = tpu.memref_slice %arg7[%dma_wait3A_126, %dma_wait3A_127] : memref<40x128xi32, #tpu.memory_space<vmem>> -> memref<1x128xi32, #tpu.memory_space<vmem>>
      %dma_wait3A_129 = tpu.memref_squeeze %dma_wait3A_128 : memref<1x128xi32, #tpu.memory_space<vmem>> -> memref<128xi32, #tpu.memory_space<vmem>>
      %dma_wait3A_130 = arith.constant 0 : i32
      %dma_wait3A_131 = arith.constant 0 : i32
      %dma_wait3A_132 = tpu.memref_slice %arg4[%dma_wait3A_130, %dma_wait3A_131] : memref<10240x64xf32, #tpu.memory_space<hbm>> -> memref<10240x64xf32, #tpu.memory_space<hbm>>
      tpu.wait_indirect_dma semaphore(%arg17 : memref<!tpu.dma_semaphore, #tpu.memory_space<semaphore_mem>>) src(%dma_wait3A_132 : memref<10240x64xf32, #tpu.memory_space<hbm>>) dst(%arg11 : memref<128x64xf32, #tpu.memory_space<vmem>>)
      %dma_start3A_133 = arith.constant 0 : i32
      %dma_start3A_134 = tpu.memref_slice %arg8[%add3A_125, %dma_start3A_133] : memref<40x128xi32, #tpu.memory_space<vmem>> -> memref<1x128xi32, #tpu.memory_space<vmem>>
      %dma_start3A_135 = tpu.memref_squeeze %dma_start3A_134 : memref<1x128xi32, #tpu.memory_space<vmem>> -> memref<128xi32, #tpu.memory_space<vmem>>
      %dma_start3A_136 = arith.constant 0 : i32
      %dma_start3A_137 = arith.constant 0 : i32
      %dma_start3A_138 = tpu.memref_slice %arg14[%dma_start3A_136, %dma_start3A_137] : memref<10240x64xf32, #tpu.memory_space<vmem_shared>> -> memref<10240x64xf32, #tpu.memory_space<vmem_shared>>
      tpu.enqueue_indirect_dma source(%arg11 : memref<128x64xf32, #tpu.memory_space<vmem>>) target(%dma_start3A_138 : memref<10240x64xf32, #tpu.memory_space<vmem_shared>>) offsets(%dma_start3A_135 : memref<128xi32, #tpu.memory_space<vmem>>) semaphore(%arg22 : memref<!tpu.dma_semaphore, #tpu.memory_space<semaphore_mem>>) {add = true}
      %ge3A_139 = arith.constant 2 : i32
      %ge3A_140 = arith.cmpi sge, %add3A_125, %ge3A_139 : i32
      %convert_element_type3A_141 = arith.extui %ge3A_140 : i1 to i32
      %cond3A_142 = arith.constant 0 : i32
      %cond3A_143 = arith.cmpi ne, %convert_element_type3A_141, %cond3A_142 : i32
      scf.if %cond3A_143 {
        %dma_wait3A_189 = arith.constant 0 : i32
        %dma_wait3A_190 = arith.constant 0 : i32
        %dma_wait3A_191 = tpu.memref_slice %arg8[%dma_wait3A_189, %dma_wait3A_190] : memref<40x128xi32, #tpu.memory_space<vmem>> -> memref<1x128xi32, #tpu.memory_space<vmem>>
        %dma_wait3A_192 = tpu.memref_squeeze %dma_wait3A_191 : memref<1x128xi32, #tpu.memory_space<vmem>> -> memref<128xi32, #tpu.memory_space<vmem>>
        %dma_wait3A_193 = arith.constant 0 : i32
        %dma_wait3A_194 = arith.constant 0 : i32
        %dma_wait3A_195 = tpu.memref_slice %arg14[%dma_wait3A_193, %dma_wait3A_194] : memref<10240x64xf32, #tpu.memory_space<vmem_shared>> -> memref<10240x64xf32, #tpu.memory_space<vmem_shared>>
        tpu.wait_indirect_dma semaphore(%arg20 : memref<!tpu.dma_semaphore, #tpu.memory_space<semaphore_mem>>) src(%arg9 : memref<128x64xf32, #tpu.memory_space<vmem>>) dst(%dma_wait3A_195 : memref<10240x64xf32, #tpu.memory_space<vmem_shared>>)
        %sub3A = arith.constant 2 : i32
        %sub3A_196 = arith.subi %add3A_125, %sub3A : i32
        %add3A_197 = arith.constant 5 : i32
        %add3A_198 = arith.addi %sub3A_196, %add3A_197 : i32
        %lt3A = arith.constant 40 : i32
        %lt3A_199 = arith.cmpi slt, %add3A_198, %lt3A : i32
        %convert_element_type3A_200 = arith.extui %lt3A_199 : i1 to i32
        %cond3A_201 = arith.constant 0 : i32
        %cond3A_202 = arith.cmpi ne, %convert_element_type3A_200, %cond3A_201 : i32
        scf.if %cond3A_202 {
          %dma_start3A_203 = arith.constant 0 : i32
          %dma_start3A_204 = tpu.memref_slice %arg7[%add3A_198, %dma_start3A_203] : memref<40x128xi32, #tpu.memory_space<vmem>> -> memref<1x128xi32, #tpu.memory_space<vmem>>
          %dma_start3A_205 = tpu.memref_squeeze %dma_start3A_204 : memref<1x128xi32, #tpu.memory_space<vmem>> -> memref<128xi32, #tpu.memory_space<vmem>>
          %dma_start3A_206 = arith.constant 0 : i32
          %dma_start3A_207 = arith.constant 0 : i32
          %dma_start3A_208 = tpu.memref_slice %arg4[%dma_start3A_206, %dma_start3A_207] : memref<10240x64xf32, #tpu.memory_space<hbm>> -> memref<10240x64xf32, #tpu.memory_space<hbm>>
          tpu.enqueue_indirect_dma source(%dma_start3A_208 : memref<10240x64xf32, #tpu.memory_space<hbm>>) target(%arg9 : memref<128x64xf32, #tpu.memory_space<vmem>>) offsets(%dma_start3A_205 : memref<128xi32, #tpu.memory_space<vmem>>) semaphore(%arg15 : memref<!tpu.dma_semaphore, #tpu.memory_space<semaphore_mem>>)
        } else {
        }
      } else {
      }
      %mul3A_144 = arith.constant 5 : i32
      %mul3A_145 = arith.muli %scan3A_79, %mul3A_144 : i32
      %add3A_146 = arith.constant 3 : i32
      %add3A_147 = arith.addi %mul3A_145, %add3A_146 : i32
      %dma_wait3A_148 = arith.constant 0 : i32
      %dma_wait3A_149 = arith.constant 0 : i32
      %dma_wait3A_150 = tpu.memref_slice %arg7[%dma_wait3A_148, %dma_wait3A_149] : memref<40x128xi32, #tpu.memory_space<vmem>> -> memref<1x128xi32, #tpu.memory_space<vmem>>
      %dma_wait3A_151 = tpu.memref_squeeze %dma_wait3A_150 : memref<1x128xi32, #tpu.memory_space<vmem>> -> memref<128xi32, #tpu.memory_space<vmem>>
      %dma_wait3A_152 = arith.constant 0 : i32
      %dma_wait3A_153 = arith.constant 0 : i32
      %dma_wait3A_154 = tpu.memref_slice %arg4[%dma_wait3A_152, %dma_wait3A_153] : memref<10240x64xf32, #tpu.memory_space<hbm>> -> memref<10240x64xf32, #tpu.memory_space<hbm>>
      tpu.wait_indirect_dma semaphore(%arg18 : memref<!tpu.dma_semaphore, #tpu.memory_space<semaphore_mem>>) src(%dma_wait3A_154 : memref<10240x64xf32, #tpu.memory_space<hbm>>) dst(%arg12 : memref<128x64xf32, #tpu.memory_space<vmem>>)
      %dma_start3A_155 = arith.constant 0 : i32
      %dma_start3A_156 = tpu.memref_slice %arg8[%add3A_147, %dma_start3A_155] : memref<40x128xi32, #tpu.memory_space<vmem>> -> memref<1x128xi32, #tpu.memory_space<vmem>>
      %dma_start3A_157 = tpu.memref_squeeze %dma_start3A_156 : memref<1x128xi32, #tpu.memory_space<vmem>> -> memref<128xi32, #tpu.memory_space<vmem>>
      %dma_start3A_158 = arith.constant 0 : i32
      %dma_start3A_159 = arith.constant 0 : i32
      %dma_start3A_160 = tpu.memref_slice %arg14[%dma_start3A_158, %dma_start3A_159] : memref<10240x64xf32, #tpu.memory_space<vmem_shared>> -> memref<10240x64xf32, #tpu.memory_space<vmem_shared>>
      tpu.enqueue_indirect_dma source(%arg12 : memref<128x64xf32, #tpu.memory_space<vmem>>) target(%dma_start3A_160 : memref<10240x64xf32, #tpu.memory_space<vmem_shared>>) offsets(%dma_start3A_157 : memref<128xi32, #tpu.memory_space<vmem>>) semaphore(%arg23 : memref<!tpu.dma_semaphore, #tpu.memory_space<semaphore_mem>>) {add = true}
      %ge3A_161 = arith.constant 2 : i32
      %ge3A_162 = arith.cmpi sge, %add3A_147, %ge3A_161 : i32
      %convert_element_type3A_163 = arith.extui %ge3A_162 : i1 to i32
      %cond3A_164 = arith.constant 0 : i32
      %cond3A_165 = arith.cmpi ne, %convert_element_type3A_163, %cond3A_164 : i32
      scf.if %cond3A_165 {
        %dma_wait3A_189 = arith.constant 0 : i32
        %dma_wait3A_190 = arith.constant 0 : i32
        %dma_wait3A_191 = tpu.memref_slice %arg8[%dma_wait3A_189, %dma_wait3A_190] : memref<40x128xi32, #tpu.memory_space<vmem>> -> memref<1x128xi32, #tpu.memory_space<vmem>>
        %dma_wait3A_192 = tpu.memref_squeeze %dma_wait3A_191 : memref<1x128xi32, #tpu.memory_space<vmem>> -> memref<128xi32, #tpu.memory_space<vmem>>
        %dma_wait3A_193 = arith.constant 0 : i32
        %dma_wait3A_194 = arith.constant 0 : i32
        %dma_wait3A_195 = tpu.memref_slice %arg14[%dma_wait3A_193, %dma_wait3A_194] : memref<10240x64xf32, #tpu.memory_space<vmem_shared>> -> memref<10240x64xf32, #tpu.memory_space<vmem_shared>>
        tpu.wait_indirect_dma semaphore(%arg21 : memref<!tpu.dma_semaphore, #tpu.memory_space<semaphore_mem>>) src(%arg10 : memref<128x64xf32, #tpu.memory_space<vmem>>) dst(%dma_wait3A_195 : memref<10240x64xf32, #tpu.memory_space<vmem_shared>>)
        %sub3A = arith.constant 2 : i32
        %sub3A_196 = arith.subi %add3A_147, %sub3A : i32
        %add3A_197 = arith.constant 5 : i32
        %add3A_198 = arith.addi %sub3A_196, %add3A_197 : i32
        %lt3A = arith.constant 40 : i32
        %lt3A_199 = arith.cmpi slt, %add3A_198, %lt3A : i32
        %convert_element_type3A_200 = arith.extui %lt3A_199 : i1 to i32
        %cond3A_201 = arith.constant 0 : i32
        %cond3A_202 = arith.cmpi ne, %convert_element_type3A_200, %cond3A_201 : i32
        scf.if %cond3A_202 {
          %dma_start3A_203 = arith.constant 0 : i32
          %dma_start3A_204 = tpu.memref_slice %arg7[%add3A_198, %dma_start3A_203] : memref<40x128xi32, #tpu.memory_space<vmem>> -> memref<1x128xi32, #tpu.memory_space<vmem>>
          %dma_start3A_205 = tpu.memref_squeeze %dma_start3A_204 : memref<1x128xi32, #tpu.memory_space<vmem>> -> memref<128xi32, #tpu.memory_space<vmem>>
          %dma_start3A_206 = arith.constant 0 : i32
          %dma_start3A_207 = arith.constant 0 : i32
          %dma_start3A_208 = tpu.memref_slice %arg4[%dma_start3A_206, %dma_start3A_207] : memref<10240x64xf32, #tpu.memory_space<hbm>> -> memref<10240x64xf32, #tpu.memory_space<hbm>>
          tpu.enqueue_indirect_dma source(%dma_start3A_208 : memref<10240x64xf32, #tpu.memory_space<hbm>>) target(%arg10 : memref<128x64xf32, #tpu.memory_space<vmem>>) offsets(%dma_start3A_205 : memref<128xi32, #tpu.memory_space<vmem>>) semaphore(%arg16 : memref<!tpu.dma_semaphore, #tpu.memory_space<semaphore_mem>>)
        } else {
        }
      } else {
      }
      %mul3A_166 = arith.constant 5 : i32
      %mul3A_167 = arith.muli %scan3A_79, %mul3A_166 : i32
      %add3A_168 = arith.constant 4 : i32
      %add3A_169 = arith.addi %mul3A_167, %add3A_168 : i32
      %dma_wait3A_170 = arith.constant 0 : i32
      %dma_wait3A_171 = arith.constant 0 : i32
      %dma_wait3A_172 = tpu.memref_slice %arg7[%dma_wait3A_170, %dma_wait3A_171] : memref<40x128xi32, #tpu.memory_space<vmem>> -> memref<1x128xi32, #tpu.memory_space<vmem>>
      %dma_wait3A_173 = tpu.memref_squeeze %dma_wait3A_172 : memref<1x128xi32, #tpu.memory_space<vmem>> -> memref<128xi32, #tpu.memory_space<vmem>>
      %dma_wait3A_174 = arith.constant 0 : i32
      %dma_wait3A_175 = arith.constant 0 : i32
      %dma_wait3A_176 = tpu.memref_slice %arg4[%dma_wait3A_174, %dma_wait3A_175] : memref<10240x64xf32, #tpu.memory_space<hbm>> -> memref<10240x64xf32, #tpu.memory_space<hbm>>
      tpu.wait_indirect_dma semaphore(%arg19 : memref<!tpu.dma_semaphore, #tpu.memory_space<semaphore_mem>>) src(%dma_wait3A_176 : memref<10240x64xf32, #tpu.memory_space<hbm>>) dst(%arg13 : memref<128x64xf32, #tpu.memory_space<vmem>>)
      %dma_start3A_177 = arith.constant 0 : i32
      %dma_start3A_178 = tpu.memref_slice %arg8[%add3A_169, %dma_start3A_177] : memref<40x128xi32, #tpu.memory_space<vmem>> -> memref<1x128xi32, #tpu.memory_space<vmem>>
      %dma_start3A_179 = tpu.memref_squeeze %dma_start3A_178 : memref<1x128xi32, #tpu.memory_space<vmem>> -> memref<128xi32, #tpu.memory_space<vmem>>
      %dma_start3A_180 = arith.constant 0 : i32
      %dma_start3A_181 = arith.constant 0 : i32
      %dma_start3A_182 = tpu.memref_slice %arg14[%dma_start3A_180, %dma_start3A_181] : memref<10240x64xf32, #tpu.memory_space<vmem_shared>> -> memref<10240x64xf32, #tpu.memory_space<vmem_shared>>
      tpu.enqueue_indirect_dma source(%arg13 : memref<128x64xf32, #tpu.memory_space<vmem>>) target(%dma_start3A_182 : memref<10240x64xf32, #tpu.memory_space<vmem_shared>>) offsets(%dma_start3A_179 : memref<128xi32, #tpu.memory_space<vmem>>) semaphore(%arg24 : memref<!tpu.dma_semaphore, #tpu.memory_space<semaphore_mem>>) {add = true}
      %ge3A_183 = arith.constant 2 : i32
      %ge3A_184 = arith.cmpi sge, %add3A_169, %ge3A_183 : i32
      %convert_element_type3A_185 = arith.extui %ge3A_184 : i1 to i32
      %cond3A_186 = arith.constant 0 : i32
      %cond3A_187 = arith.cmpi ne, %convert_element_type3A_185, %cond3A_186 : i32
      scf.if %cond3A_187 {
        %dma_wait3A_189 = arith.constant 0 : i32
        %dma_wait3A_190 = arith.constant 0 : i32
        %dma_wait3A_191 = tpu.memref_slice %arg8[%dma_wait3A_189, %dma_wait3A_190] : memref<40x128xi32, #tpu.memory_space<vmem>> -> memref<1x128xi32, #tpu.memory_space<vmem>>
        %dma_wait3A_192 = tpu.memref_squeeze %dma_wait3A_191 : memref<1x128xi32, #tpu.memory_space<vmem>> -> memref<128xi32, #tpu.memory_space<vmem>>
        %dma_wait3A_193 = arith.constant 0 : i32
        %dma_wait3A_194 = arith.constant 0 : i32
        %dma_wait3A_195 = tpu.memref_slice %arg14[%dma_wait3A_193, %dma_wait3A_194] : memref<10240x64xf32, #tpu.memory_space<vmem_shared>> -> memref<10240x64xf32, #tpu.memory_space<vmem_shared>>
        tpu.wait_indirect_dma semaphore(%arg22 : memref<!tpu.dma_semaphore, #tpu.memory_space<semaphore_mem>>) src(%arg11 : memref<128x64xf32, #tpu.memory_space<vmem>>) dst(%dma_wait3A_195 : memref<10240x64xf32, #tpu.memory_space<vmem_shared>>)
        %sub3A = arith.constant 2 : i32
        %sub3A_196 = arith.subi %add3A_169, %sub3A : i32
        %add3A_197 = arith.constant 5 : i32
        %add3A_198 = arith.addi %sub3A_196, %add3A_197 : i32
        %lt3A = arith.constant 40 : i32
        %lt3A_199 = arith.cmpi slt, %add3A_198, %lt3A : i32
        %convert_element_type3A_200 = arith.extui %lt3A_199 : i1 to i32
        %cond3A_201 = arith.constant 0 : i32
        %cond3A_202 = arith.cmpi ne, %convert_element_type3A_200, %cond3A_201 : i32
        scf.if %cond3A_202 {
          %dma_start3A_203 = arith.constant 0 : i32
          %dma_start3A_204 = tpu.memref_slice %arg7[%add3A_198, %dma_start3A_203] : memref<40x128xi32, #tpu.memory_space<vmem>> -> memref<1x128xi32, #tpu.memory_space<vmem>>
          %dma_start3A_205 = tpu.memref_squeeze %dma_start3A_204 : memref<1x128xi32, #tpu.memory_space<vmem>> -> memref<128xi32, #tpu.memory_space<vmem>>
          %dma_start3A_206 = arith.constant 0 : i32
          %dma_start3A_207 = arith.constant 0 : i32
          %dma_start3A_208 = tpu.memref_slice %arg4[%dma_start3A_206, %dma_start3A_207] : memref<10240x64xf32, #tpu.memory_space<hbm>> -> memref<10240x64xf32, #tpu.memory_space<hbm>>
          tpu.enqueue_indirect_dma source(%dma_start3A_208 : memref<10240x64xf32, #tpu.memory_space<hbm>>) target(%arg11 : memref<128x64xf32, #tpu.memory_space<vmem>>) offsets(%dma_start3A_205 : memref<128xi32, #tpu.memory_space<vmem>>) semaphore(%arg17 : memref<!tpu.dma_semaphore, #tpu.memory_space<semaphore_mem>>)
        } else {
        }
      } else {
      }
      %scan3A_188 = arith.constant 0 : i32
      scf.yield %scan3A_188 : i32
    }
    %scan3A_60 = arith.constant 8 : i32
    %dma_wait3A = arith.constant 0 : i32
    %dma_wait3A_61 = arith.constant 0 : i32
    %dma_wait3A_62 = tpu.memref_slice %arg8[%dma_wait3A, %dma_wait3A_61] : memref<40x128xi32, #tpu.memory_space<vmem>> -> memref<1x128xi32, #tpu.memory_space<vmem>>
    %dma_wait3A_63 = tpu.memref_squeeze %dma_wait3A_62 : memref<1x128xi32, #tpu.memory_space<vmem>> -> memref<128xi32, #tpu.memory_space<vmem>>
    %dma_wait3A_64 = arith.constant 0 : i32
    %dma_wait3A_65 = arith.constant 0 : i32
    %dma_wait3A_66 = tpu.memref_slice %arg14[%dma_wait3A_64, %dma_wait3A_65] : memref<10240x64xf32, #tpu.memory_space<vmem_shared>> -> memref<10240x64xf32, #tpu.memory_space<vmem_shared>>
    tpu.wait_indirect_dma semaphore(%arg23 : memref<!tpu.dma_semaphore, #tpu.memory_space<semaphore_mem>>) src(%arg12 : memref<128x64xf32, #tpu.memory_space<vmem>>) dst(%dma_wait3A_66 : memref<10240x64xf32, #tpu.memory_space<vmem_shared>>)
    %dma_wait3A_67 = arith.constant 0 : i32
    %dma_wait3A_68 = arith.constant 0 : i32
    %dma_wait3A_69 = tpu.memref_slice %arg8[%dma_wait3A_67, %dma_wait3A_68] : memref<40x128xi32, #tpu.memory_space<vmem>> -> memref<1x128xi32, #tpu.memory_space<vmem>>
    %dma_wait3A_70 = tpu.memref_squeeze %dma_wait3A_69 : memref<1x128xi32, #tpu.memory_space<vmem>> -> memref<128xi32, #tpu.memory_space<vmem>>
    %dma_wait3A_71 = arith.constant 0 : i32
    %dma_wait3A_72 = arith.constant 0 : i32
    %dma_wait3A_73 = tpu.memref_slice %arg14[%dma_wait3A_71, %dma_wait3A_72] : memref<10240x64xf32, #tpu.memory_space<vmem_shared>> -> memref<10240x64xf32, #tpu.memory_space<vmem_shared>>
    tpu.wait_indirect_dma semaphore(%arg24 : memref<!tpu.dma_semaphore, #tpu.memory_space<semaphore_mem>>) src(%arg13 : memref<128x64xf32, #tpu.memory_space<vmem>>) dst(%dma_wait3A_73 : memref<10240x64xf32, #tpu.memory_space<vmem_shared>>)
    %barrier3A_74 = arith.constant 0 : index
    tpu.barrier barrier_id(%barrier3A_74)
    %mul3A_75 = arith.constant 640 : i32
    %mul3A_76 = arith.muli %arg1, %mul3A_75 : i32
    %mul3A_77 = arith.constant 640 : i32
    %mul3A_78 = arith.muli %arg1, %mul3A_77 : i32
    "tpu.region"() ({
      %run_scoped3A = tpu.sem_alloc : memref<!tpu.dma_semaphore, #tpu.memory_space<semaphore_mem>>
      %dma_start3A_79 = arith.constant 0 : i32
      %dma_start3A_80 = tpu.memref_slice %arg6[%arg0, %mul3A_78, %dma_start3A_79] : memref<2x10240x64xf32, #tpu.memory_space<hbm>> -> memref<1x640x64xf32, #tpu.memory_space<hbm>>
      %dma_start3A_81 = tpu.memref_squeeze %dma_start3A_80 : memref<1x640x64xf32, #tpu.memory_space<hbm>> -> memref<640x64xf32, #tpu.memory_space<hbm>>
      %dma_start3A_82 = arith.constant 0 : i32
      %dma_start3A_83 = tpu.memref_slice %arg14[%mul3A_76, %dma_start3A_82] : memref<10240x64xf32, #tpu.memory_space<vmem_shared>> -> memref<640x64xf32, #tpu.memory_space<vmem_shared>>
      tpu.enqueue_dma source(%dma_start3A_83 : memref<640x64xf32, #tpu.memory_space<vmem_shared>>) target(%dma_start3A_81 : memref<640x64xf32, #tpu.memory_space<hbm>>) target_semaphore(%run_scoped3A : memref<!tpu.dma_semaphore, #tpu.memory_space<semaphore_mem>>)
      %dma_wait3A_84 = arith.constant 0 : i32
      %dma_wait3A_85 = tpu.memref_slice %arg6[%arg0, %mul3A_78, %dma_wait3A_84] : memref<2x10240x64xf32, #tpu.memory_space<hbm>> -> memref<1x640x64xf32, #tpu.memory_space<hbm>>
      %dma_wait3A_86 = tpu.memref_squeeze %dma_wait3A_85 : memref<1x640x64xf32, #tpu.memory_space<hbm>> -> memref<640x64xf32, #tpu.memory_space<hbm>>
      %dma_wait3A_87 = arith.constant 0 : i32
      %dma_wait3A_88 = tpu.memref_slice %arg14[%mul3A_76, %dma_wait3A_87] : memref<10240x64xf32, #tpu.memory_space<vmem_shared>> -> memref<640x64xf32, #tpu.memory_space<vmem_shared>>
      tpu.wait_dma2 semaphore(%run_scoped3A : memref<!tpu.dma_semaphore, #tpu.memory_space<semaphore_mem>>) src(%dma_wait3A_88 : memref<640x64xf32, #tpu.memory_space<vmem_shared>>) dst(%dma_wait3A_86 : memref<640x64xf32, #tpu.memory_space<hbm>>)
      tpu.yield
    }) : () -> ()
    return
  }
}

#map = affine_map<(d0, d1) -> (0, 0, 0)>
#map1 = affine_map<(d0, d1) -> (0, 0)>
module attributes {stable_mosaic.version = 14 : i64} {
  func.func @_edge64_body(%arg0: i32, %arg1: i32, %arg2: memref<32x40x128xi32, #tpu.memory_space<hbm>>, %arg3: memref<32x40x128xi32, #tpu.memory_space<hbm>>, %arg4: memref<10240x64xf32, #tpu.memory_space<hbm>>, %arg5: memref<128x64xf32, #tpu.memory_space<hbm>>, %arg6: memref<2x10240x64xf32, #tpu.memory_space<hbm>>, %arg7: memref<40x128xi32, #tpu.memory_space<vmem>>, %arg8: memref<40x128xi32, #tpu.memory_space<vmem>>, %arg9: memref<128x64xf32, #tpu.memory_space<vmem>>, %arg10: memref<128x64xf32, #tpu.memory_space<vmem>>, %arg11: memref<128x64xf32, #tpu.memory_space<vmem>>, %arg12: memref<128x64xf32, #tpu.memory_space<vmem>>, %arg13: memref<128x64xf32, #tpu.memory_space<vmem>>, %arg14: memref<10240x64xf32, #tpu.memory_space<vmem_shared>>, %arg15: memref<!tpu.dma_semaphore, #tpu.memory_space<semaphore_mem>>, %arg16: memref<!tpu.dma_semaphore, #tpu.memory_space<semaphore_mem>>, %arg17: memref<!tpu.dma_semaphore, #tpu.memory_space<semaphore_mem>>, %arg18: memref<!tpu.dma_semaphore, #tpu.memory_space<semaphore_mem>>, %arg19: memref<!tpu.dma_semaphore, #tpu.memory_space<semaphore_mem>>, %arg20: memref<!tpu.dma_semaphore, #tpu.memory_space<semaphore_mem>>, %arg21: memref<!tpu.dma_semaphore, #tpu.memory_space<semaphore_mem>>, %arg22: memref<!tpu.dma_semaphore, #tpu.memory_space<semaphore_mem>>, %arg23: memref<!tpu.dma_semaphore, #tpu.memory_space<semaphore_mem>>, %arg24: memref<!tpu.dma_semaphore, #tpu.memory_space<semaphore_mem>>) attributes {dimension_semantics = [#tpu.dimension_semantics<core_parallel>, #tpu.dimension_semantics<subcore_parallel>], iteration_bounds = array<i64: 2, 16>, scalar_prefetch = 0 : i64, scratch_operands = 18 : i64, tpu.core_type = #tpu.core_type<sc_vector_subcore>, window_params = [{transform_indices = #map}, {transform_indices = #map}, {transform_indices = #map1}, {transform_indices = #map1}, {transform_indices = #map}]} {
    %mul3A = arith.constant 16 : i32
    %mul3A_0 = arith.muli %arg0, %mul3A : i32
    %add3A = arith.addi %mul3A_0, %arg1 : i32
    "tpu.region"() ({
      %run_scoped3A = tpu.sem_alloc : memref<!tpu.dma_semaphore, #tpu.memory_space<semaphore_mem>>
      %dma_start3A_79 = arith.constant 0 : i32
      %dma_start3A_80 = arith.constant 0 : i32
      %dma_start3A_81 = tpu.memref_slice %arg2[%add3A, %dma_start3A_79, %dma_start3A_80] : memref<32x40x128xi32, #tpu.memory_space<hbm>> -> memref<1x40x128xi32, #tpu.memory_space<hbm>>
      %dma_start3A_82 = tpu.memref_squeeze %dma_start3A_81 : memref<1x40x128xi32, #tpu.memory_space<hbm>> -> memref<40x128xi32, #tpu.memory_space<hbm>>
      %dma_start3A_83 = arith.constant 0 : i32
      %dma_start3A_84 = arith.constant 0 : i32
      %dma_start3A_85 = tpu.memref_slice %arg2[%add3A, %dma_start3A_83, %dma_start3A_84] : memref<32x40x128xi32, #tpu.memory_space<hbm>> -> memref<1x40x128xi32, #tpu.memory_space<hbm>>
      %dma_start3A_86 = tpu.memref_squeeze %dma_start3A_85 : memref<1x40x128xi32, #tpu.memory_space<hbm>> -> memref<40x128xi32, #tpu.memory_space<hbm>>
      tpu.enqueue_dma source(%dma_start3A_86 : memref<40x128xi32, #tpu.memory_space<hbm>>) target(%arg7 : memref<40x128xi32, #tpu.memory_space<vmem>>) target_semaphore(%run_scoped3A : memref<!tpu.dma_semaphore, #tpu.memory_space<semaphore_mem>>)
      %dma_wait3A_87 = arith.constant 0 : i32
      %dma_wait3A_88 = arith.constant 0 : i32
      %dma_wait3A_89 = tpu.memref_slice %arg2[%add3A, %dma_wait3A_87, %dma_wait3A_88] : memref<32x40x128xi32, #tpu.memory_space<hbm>> -> memref<1x40x128xi32, #tpu.memory_space<hbm>>
      %dma_wait3A_90 = tpu.memref_squeeze %dma_wait3A_89 : memref<1x40x128xi32, #tpu.memory_space<hbm>> -> memref<40x128xi32, #tpu.memory_space<hbm>>
      %dma_wait3A_91 = arith.constant 0 : i32
      %dma_wait3A_92 = arith.constant 0 : i32
      %dma_wait3A_93 = tpu.memref_slice %arg2[%add3A, %dma_wait3A_91, %dma_wait3A_92] : memref<32x40x128xi32, #tpu.memory_space<hbm>> -> memref<1x40x128xi32, #tpu.memory_space<hbm>>
      %dma_wait3A_94 = tpu.memref_squeeze %dma_wait3A_93 : memref<1x40x128xi32, #tpu.memory_space<hbm>> -> memref<40x128xi32, #tpu.memory_space<hbm>>
      tpu.wait_dma2 semaphore(%run_scoped3A : memref<!tpu.dma_semaphore, #tpu.memory_space<semaphore_mem>>) src(%dma_wait3A_94 : memref<40x128xi32, #tpu.memory_space<hbm>>) dst(%arg7 : memref<40x128xi32, #tpu.memory_space<vmem>>)
      tpu.yield
    }) : () -> ()
    "tpu.region"() ({
      %run_scoped3A = tpu.sem_alloc : memref<!tpu.dma_semaphore, #tpu.memory_space<semaphore_mem>>
      %dma_start3A_79 = arith.constant 0 : i32
      %dma_start3A_80 = arith.constant 0 : i32
      %dma_start3A_81 = tpu.memref_slice %arg3[%add3A, %dma_start3A_79, %dma_start3A_80] : memref<32x40x128xi32, #tpu.memory_space<hbm>> -> memref<1x40x128xi32, #tpu.memory_space<hbm>>
      %dma_start3A_82 = tpu.memref_squeeze %dma_start3A_81 : memref<1x40x128xi32, #tpu.memory_space<hbm>> -> memref<40x128xi32, #tpu.memory_space<hbm>>
      %dma_start3A_83 = arith.constant 0 : i32
      %dma_start3A_84 = arith.constant 0 : i32
      %dma_start3A_85 = tpu.memref_slice %arg3[%add3A, %dma_start3A_83, %dma_start3A_84] : memref<32x40x128xi32, #tpu.memory_space<hbm>> -> memref<1x40x128xi32, #tpu.memory_space<hbm>>
      %dma_start3A_86 = tpu.memref_squeeze %dma_start3A_85 : memref<1x40x128xi32, #tpu.memory_space<hbm>> -> memref<40x128xi32, #tpu.memory_space<hbm>>
      tpu.enqueue_dma source(%dma_start3A_86 : memref<40x128xi32, #tpu.memory_space<hbm>>) target(%arg8 : memref<40x128xi32, #tpu.memory_space<vmem>>) target_semaphore(%run_scoped3A : memref<!tpu.dma_semaphore, #tpu.memory_space<semaphore_mem>>)
      %dma_wait3A_87 = arith.constant 0 : i32
      %dma_wait3A_88 = arith.constant 0 : i32
      %dma_wait3A_89 = tpu.memref_slice %arg3[%add3A, %dma_wait3A_87, %dma_wait3A_88] : memref<32x40x128xi32, #tpu.memory_space<hbm>> -> memref<1x40x128xi32, #tpu.memory_space<hbm>>
      %dma_wait3A_90 = tpu.memref_squeeze %dma_wait3A_89 : memref<1x40x128xi32, #tpu.memory_space<hbm>> -> memref<40x128xi32, #tpu.memory_space<hbm>>
      %dma_wait3A_91 = arith.constant 0 : i32
      %dma_wait3A_92 = arith.constant 0 : i32
      %dma_wait3A_93 = tpu.memref_slice %arg3[%add3A, %dma_wait3A_91, %dma_wait3A_92] : memref<32x40x128xi32, #tpu.memory_space<hbm>> -> memref<1x40x128xi32, #tpu.memory_space<hbm>>
      %dma_wait3A_94 = tpu.memref_squeeze %dma_wait3A_93 : memref<1x40x128xi32, #tpu.memory_space<hbm>> -> memref<40x128xi32, #tpu.memory_space<hbm>>
      tpu.wait_dma2 semaphore(%run_scoped3A : memref<!tpu.dma_semaphore, #tpu.memory_space<semaphore_mem>>) src(%dma_wait3A_94 : memref<40x128xi32, #tpu.memory_space<hbm>>) dst(%arg8 : memref<40x128xi32, #tpu.memory_space<vmem>>)
      tpu.yield
    }) : () -> ()
    %mul3A_1 = arith.constant 640 : i32
    %mul3A_2 = arith.muli %arg1, %mul3A_1 : i32
    %add3A_3 = arith.constant 0 : i32
    %add3A_4 = arith.addi %mul3A_2, %add3A_3 : i32
    "tpu.region"() ({
      %run_scoped3A = tpu.sem_alloc : memref<!tpu.dma_semaphore, #tpu.memory_space<semaphore_mem>>
      %dma_start3A_79 = arith.constant 0 : i32
      %dma_start3A_80 = tpu.memref_slice %arg14[%add3A_4, %dma_start3A_79] : memref<10240x64xf32, #tpu.memory_space<vmem_shared>> -> memref<128x64xf32, #tpu.memory_space<vmem_shared>>
      tpu.enqueue_dma source(%arg5 : memref<128x64xf32, #tpu.memory_space<hbm>>) target(%dma_start3A_80 : memref<128x64xf32, #tpu.memory_space<vmem_shared>>) target_semaphore(%run_scoped3A : memref<!tpu.dma_semaphore, #tpu.memory_space<semaphore_mem>>)
      %dma_wait3A_81 = arith.constant 0 : i32
      %dma_wait3A_82 = tpu.memref_slice %arg14[%add3A_4, %dma_wait3A_81] : memref<10240x64xf32, #tpu.memory_space<vmem_shared>> -> memref<128x64xf32, #tpu.memory_space<vmem_shared>>
      tpu.wait_dma2 semaphore(%run_scoped3A : memref<!tpu.dma_semaphore, #tpu.memory_space<semaphore_mem>>) src(%arg5 : memref<128x64xf32, #tpu.memory_space<hbm>>) dst(%dma_wait3A_82 : memref<128x64xf32, #tpu.memory_space<vmem_shared>>)
      tpu.yield
    }) : () -> ()
    %mul3A_5 = arith.constant 640 : i32
    %mul3A_6 = arith.muli %arg1, %mul3A_5 : i32
    %add3A_7 = arith.constant 128 : i32
    %add3A_8 = arith.addi %mul3A_6, %add3A_7 : i32
    "tpu.region"() ({
      %run_scoped3A = tpu.sem_alloc : memref<!tpu.dma_semaphore, #tpu.memory_space<semaphore_mem>>
      %dma_start3A_79 = arith.constant 0 : i32
      %dma_start3A_80 = tpu.memref_slice %arg14[%add3A_8, %dma_start3A_79] : memref<10240x64xf32, #tpu.memory_space<vmem_shared>> -> memref<128x64xf32, #tpu.memory_space<vmem_shared>>
      tpu.enqueue_dma source(%arg5 : memref<128x64xf32, #tpu.memory_space<hbm>>) target(%dma_start3A_80 : memref<128x64xf32, #tpu.memory_space<vmem_shared>>) target_semaphore(%run_scoped3A : memref<!tpu.dma_semaphore, #tpu.memory_space<semaphore_mem>>)
      %dma_wait3A_81 = arith.constant 0 : i32
      %dma_wait3A_82 = tpu.memref_slice %arg14[%add3A_8, %dma_wait3A_81] : memref<10240x64xf32, #tpu.memory_space<vmem_shared>> -> memref<128x64xf32, #tpu.memory_space<vmem_shared>>
      tpu.wait_dma2 semaphore(%run_scoped3A : memref<!tpu.dma_semaphore, #tpu.memory_space<semaphore_mem>>) src(%arg5 : memref<128x64xf32, #tpu.memory_space<hbm>>) dst(%dma_wait3A_82 : memref<128x64xf32, #tpu.memory_space<vmem_shared>>)
      tpu.yield
    }) : () -> ()
    %mul3A_9 = arith.constant 640 : i32
    %mul3A_10 = arith.muli %arg1, %mul3A_9 : i32
    %add3A_11 = arith.constant 256 : i32
    %add3A_12 = arith.addi %mul3A_10, %add3A_11 : i32
    "tpu.region"() ({
      %run_scoped3A = tpu.sem_alloc : memref<!tpu.dma_semaphore, #tpu.memory_space<semaphore_mem>>
      %dma_start3A_79 = arith.constant 0 : i32
      %dma_start3A_80 = tpu.memref_slice %arg14[%add3A_12, %dma_start3A_79] : memref<10240x64xf32, #tpu.memory_space<vmem_shared>> -> memref<128x64xf32, #tpu.memory_space<vmem_shared>>
      tpu.enqueue_dma source(%arg5 : memref<128x64xf32, #tpu.memory_space<hbm>>) target(%dma_start3A_80 : memref<128x64xf32, #tpu.memory_space<vmem_shared>>) target_semaphore(%run_scoped3A : memref<!tpu.dma_semaphore, #tpu.memory_space<semaphore_mem>>)
      %dma_wait3A_81 = arith.constant 0 : i32
      %dma_wait3A_82 = tpu.memref_slice %arg14[%add3A_12, %dma_wait3A_81] : memref<10240x64xf32, #tpu.memory_space<vmem_shared>> -> memref<128x64xf32, #tpu.memory_space<vmem_shared>>
      tpu.wait_dma2 semaphore(%run_scoped3A : memref<!tpu.dma_semaphore, #tpu.memory_space<semaphore_mem>>) src(%arg5 : memref<128x64xf32, #tpu.memory_space<hbm>>) dst(%dma_wait3A_82 : memref<128x64xf32, #tpu.memory_space<vmem_shared>>)
      tpu.yield
    }) : () -> ()
    %mul3A_13 = arith.constant 640 : i32
    %mul3A_14 = arith.muli %arg1, %mul3A_13 : i32
    %add3A_15 = arith.constant 384 : i32
    %add3A_16 = arith.addi %mul3A_14, %add3A_15 : i32
    "tpu.region"() ({
      %run_scoped3A = tpu.sem_alloc : memref<!tpu.dma_semaphore, #tpu.memory_space<semaphore_mem>>
      %dma_start3A_79 = arith.constant 0 : i32
      %dma_start3A_80 = tpu.memref_slice %arg14[%add3A_16, %dma_start3A_79] : memref<10240x64xf32, #tpu.memory_space<vmem_shared>> -> memref<128x64xf32, #tpu.memory_space<vmem_shared>>
      tpu.enqueue_dma source(%arg5 : memref<128x64xf32, #tpu.memory_space<hbm>>) target(%dma_start3A_80 : memref<128x64xf32, #tpu.memory_space<vmem_shared>>) target_semaphore(%run_scoped3A : memref<!tpu.dma_semaphore, #tpu.memory_space<semaphore_mem>>)
      %dma_wait3A_81 = arith.constant 0 : i32
      %dma_wait3A_82 = tpu.memref_slice %arg14[%add3A_16, %dma_wait3A_81] : memref<10240x64xf32, #tpu.memory_space<vmem_shared>> -> memref<128x64xf32, #tpu.memory_space<vmem_shared>>
      tpu.wait_dma2 semaphore(%run_scoped3A : memref<!tpu.dma_semaphore, #tpu.memory_space<semaphore_mem>>) src(%arg5 : memref<128x64xf32, #tpu.memory_space<hbm>>) dst(%dma_wait3A_82 : memref<128x64xf32, #tpu.memory_space<vmem_shared>>)
      tpu.yield
    }) : () -> ()
    %mul3A_17 = arith.constant 640 : i32
    %mul3A_18 = arith.muli %arg1, %mul3A_17 : i32
    %add3A_19 = arith.constant 512 : i32
    %add3A_20 = arith.addi %mul3A_18, %add3A_19 : i32
    "tpu.region"() ({
      %run_scoped3A = tpu.sem_alloc : memref<!tpu.dma_semaphore, #tpu.memory_space<semaphore_mem>>
      %dma_start3A_79 = arith.constant 0 : i32
      %dma_start3A_80 = tpu.memref_slice %arg14[%add3A_20, %dma_start3A_79] : memref<10240x64xf32, #tpu.memory_space<vmem_shared>> -> memref<128x64xf32, #tpu.memory_space<vmem_shared>>
      tpu.enqueue_dma source(%arg5 : memref<128x64xf32, #tpu.memory_space<hbm>>) target(%dma_start3A_80 : memref<128x64xf32, #tpu.memory_space<vmem_shared>>) target_semaphore(%run_scoped3A : memref<!tpu.dma_semaphore, #tpu.memory_space<semaphore_mem>>)
      %dma_wait3A_81 = arith.constant 0 : i32
      %dma_wait3A_82 = tpu.memref_slice %arg14[%add3A_20, %dma_wait3A_81] : memref<10240x64xf32, #tpu.memory_space<vmem_shared>> -> memref<128x64xf32, #tpu.memory_space<vmem_shared>>
      tpu.wait_dma2 semaphore(%run_scoped3A : memref<!tpu.dma_semaphore, #tpu.memory_space<semaphore_mem>>) src(%arg5 : memref<128x64xf32, #tpu.memory_space<hbm>>) dst(%dma_wait3A_82 : memref<128x64xf32, #tpu.memory_space<vmem_shared>>)
      tpu.yield
    }) : () -> ()
    %barrier3A = arith.constant 0 : index
    tpu.barrier barrier_id(%barrier3A)
    %dma_start3A = arith.constant 0 : i32
    %dma_start3A_21 = arith.constant 0 : i32
    %dma_start3A_22 = tpu.memref_slice %arg7[%dma_start3A, %dma_start3A_21] : memref<40x128xi32, #tpu.memory_space<vmem>> -> memref<1x128xi32, #tpu.memory_space<vmem>>
    %dma_start3A_23 = tpu.memref_squeeze %dma_start3A_22 : memref<1x128xi32, #tpu.memory_space<vmem>> -> memref<128xi32, #tpu.memory_space<vmem>>
    %dma_start3A_24 = arith.constant 0 : i32
    %dma_start3A_25 = arith.constant 0 : i32
    %dma_start3A_26 = tpu.memref_slice %arg4[%dma_start3A_24, %dma_start3A_25] : memref<10240x64xf32, #tpu.memory_space<hbm>> -> memref<10240x64xf32, #tpu.memory_space<hbm>>
    tpu.enqueue_indirect_dma source(%dma_start3A_26 : memref<10240x64xf32, #tpu.memory_space<hbm>>) target(%arg9 : memref<128x64xf32, #tpu.memory_space<vmem>>) offsets(%dma_start3A_23 : memref<128xi32, #tpu.memory_space<vmem>>) semaphore(%arg15 : memref<!tpu.dma_semaphore, #tpu.memory_space<semaphore_mem>>)
    %dma_start3A_27 = arith.constant 1 : i32
    %dma_start3A_28 = arith.constant 0 : i32
    %dma_start3A_29 = tpu.memref_slice %arg7[%dma_start3A_27, %dma_start3A_28] : memref<40x128xi32, #tpu.memory_space<vmem>> -> memref<1x128xi32, #tpu.memory_space<vmem>>
    %dma_start3A_30 = tpu.memref_squeeze %dma_start3A_29 : memref<1x128xi32, #tpu.memory_space<vmem>> -> memref<128xi32, #tpu.memory_space<vmem>>
    %dma_start3A_31 = arith.constant 0 : i32
    %dma_start3A_32 = arith.constant 0 : i32
    %dma_start3A_33 = tpu.memref_slice %arg4[%dma_start3A_31, %dma_start3A_32] : memref<10240x64xf32, #tpu.memory_space<hbm>> -> memref<10240x64xf32, #tpu.memory_space<hbm>>
    tpu.enqueue_indirect_dma source(%dma_start3A_33 : memref<10240x64xf32, #tpu.memory_space<hbm>>) target(%arg10 : memref<128x64xf32, #tpu.memory_space<vmem>>) offsets(%dma_start3A_30 : memref<128xi32, #tpu.memory_space<vmem>>) semaphore(%arg16 : memref<!tpu.dma_semaphore, #tpu.memory_space<semaphore_mem>>)
    %dma_start3A_34 = arith.constant 2 : i32
    %dma_start3A_35 = arith.constant 0 : i32
    %dma_start3A_36 = tpu.memref_slice %arg7[%dma_start3A_34, %dma_start3A_35] : memref<40x128xi32, #tpu.memory_space<vmem>> -> memref<1x128xi32, #tpu.memory_space<vmem>>
    %dma_start3A_37 = tpu.memref_squeeze %dma_start3A_36 : memref<1x128xi32, #tpu.memory_space<vmem>> -> memref<128xi32, #tpu.memory_space<vmem>>
    %dma_start3A_38 = arith.constant 0 : i32
    %dma_start3A_39 = arith.constant 0 : i32
    %dma_start3A_40 = tpu.memref_slice %arg4[%dma_start3A_38, %dma_start3A_39] : memref<10240x64xf32, #tpu.memory_space<hbm>> -> memref<10240x64xf32, #tpu.memory_space<hbm>>
    tpu.enqueue_indirect_dma source(%dma_start3A_40 : memref<10240x64xf32, #tpu.memory_space<hbm>>) target(%arg11 : memref<128x64xf32, #tpu.memory_space<vmem>>) offsets(%dma_start3A_37 : memref<128xi32, #tpu.memory_space<vmem>>) semaphore(%arg17 : memref<!tpu.dma_semaphore, #tpu.memory_space<semaphore_mem>>)
    %dma_start3A_41 = arith.constant 3 : i32
    %dma_start3A_42 = arith.constant 0 : i32
    %dma_start3A_43 = tpu.memref_slice %arg7[%dma_start3A_41, %dma_start3A_42] : memref<40x128xi32, #tpu.memory_space<vmem>> -> memref<1x128xi32, #tpu.memory_space<vmem>>
    %dma_start3A_44 = tpu.memref_squeeze %dma_start3A_43 : memref<1x128xi32, #tpu.memory_space<vmem>> -> memref<128xi32, #tpu.memory_space<vmem>>
    %dma_start3A_45 = arith.constant 0 : i32
    %dma_start3A_46 = arith.constant 0 : i32
    %dma_start3A_47 = tpu.memref_slice %arg4[%dma_start3A_45, %dma_start3A_46] : memref<10240x64xf32, #tpu.memory_space<hbm>> -> memref<10240x64xf32, #tpu.memory_space<hbm>>
    tpu.enqueue_indirect_dma source(%dma_start3A_47 : memref<10240x64xf32, #tpu.memory_space<hbm>>) target(%arg12 : memref<128x64xf32, #tpu.memory_space<vmem>>) offsets(%dma_start3A_44 : memref<128xi32, #tpu.memory_space<vmem>>) semaphore(%arg18 : memref<!tpu.dma_semaphore, #tpu.memory_space<semaphore_mem>>)
    %dma_start3A_48 = arith.constant 4 : i32
    %dma_start3A_49 = arith.constant 0 : i32
    %dma_start3A_50 = tpu.memref_slice %arg7[%dma_start3A_48, %dma_start3A_49] : memref<40x128xi32, #tpu.memory_space<vmem>> -> memref<1x128xi32, #tpu.memory_space<vmem>>
    %dma_start3A_51 = tpu.memref_squeeze %dma_start3A_50 : memref<1x128xi32, #tpu.memory_space<vmem>> -> memref<128xi32, #tpu.memory_space<vmem>>
    %dma_start3A_52 = arith.constant 0 : i32
    %dma_start3A_53 = arith.constant 0 : i32
    %dma_start3A_54 = tpu.memref_slice %arg4[%dma_start3A_52, %dma_start3A_53] : memref<10240x64xf32, #tpu.memory_space<hbm>> -> memref<10240x64xf32, #tpu.memory_space<hbm>>
    tpu.enqueue_indirect_dma source(%dma_start3A_54 : memref<10240x64xf32, #tpu.memory_space<hbm>>) target(%arg13 : memref<128x64xf32, #tpu.memory_space<vmem>>) offsets(%dma_start3A_51 : memref<128xi32, #tpu.memory_space<vmem>>) semaphore(%arg19 : memref<!tpu.dma_semaphore, #tpu.memory_space<semaphore_mem>>)
    %scan3A = arith.constant 0 : i32
    %scan3A_55 = arith.constant 0 : i32
    %scan3A_56 = arith.constant 8 : i32
    %scan3A_57 = arith.addi %scan3A_55, %scan3A_56 : i32
    %scan3A_58 = arith.constant 1 : i32
    %scan3A_59 = scf.for %scan3A_79 = %scan3A_55 to %scan3A_57 step %scan3A_58 iter_args(%scan3A_80 = %scan3A) -> (i32)  : i32 {
      %mul3A_81 = arith.constant 5 : i32
      %mul3A_82 = arith.muli %scan3A_79, %mul3A_81 : i32
      %add3A_83 = arith.constant 0 : i32
      %add3A_84 = arith.addi %mul3A_82, %add3A_83 : i32
      %dma_wait3A_85 = arith.constant 0 : i32
      %dma_wait3A_86 = arith.constant 0 : i32
      %dma_wait3A_87 = tpu.memref_slice %arg7[%dma_wait3A_85, %dma_wait3A_86] : memref<40x128xi32, #tpu.memory_space<vmem>> -> memref<1x128xi32, #tpu.memory_space<vmem>>
      %dma_wait3A_88 = tpu.memref_squeeze %dma_wait3A_87 : memref<1x128xi32, #tpu.memory_space<vmem>> -> memref<128xi32, #tpu.memory_space<vmem>>
      %dma_wait3A_89 = arith.constant 0 : i32
      %dma_wait3A_90 = arith.constant 0 : i32
      %dma_wait3A_91 = tpu.memref_slice %arg4[%dma_wait3A_89, %dma_wait3A_90] : memref<10240x64xf32, #tpu.memory_space<hbm>> -> memref<10240x64xf32, #tpu.memory_space<hbm>>
      tpu.wait_indirect_dma semaphore(%arg15 : memref<!tpu.dma_semaphore, #tpu.memory_space<semaphore_mem>>) src(%dma_wait3A_91 : memref<10240x64xf32, #tpu.memory_space<hbm>>) dst(%arg9 : memref<128x64xf32, #tpu.memory_space<vmem>>)
      %dma_start3A_92 = arith.constant 0 : i32
      %dma_start3A_93 = tpu.memref_slice %arg8[%add3A_84, %dma_start3A_92] : memref<40x128xi32, #tpu.memory_space<vmem>> -> memref<1x128xi32, #tpu.memory_space<vmem>>
      %dma_start3A_94 = tpu.memref_squeeze %dma_start3A_93 : memref<1x128xi32, #tpu.memory_space<vmem>> -> memref<128xi32, #tpu.memory_space<vmem>>
      %dma_start3A_95 = arith.constant 0 : i32
      %dma_start3A_96 = arith.constant 0 : i32
      %dma_start3A_97 = tpu.memref_slice %arg14[%dma_start3A_95, %dma_start3A_96] : memref<10240x64xf32, #tpu.memory_space<vmem_shared>> -> memref<10240x64xf32, #tpu.memory_space<vmem_shared>>
      tpu.enqueue_indirect_dma source(%arg9 : memref<128x64xf32, #tpu.memory_space<vmem>>) target(%dma_start3A_97 : memref<10240x64xf32, #tpu.memory_space<vmem_shared>>) offsets(%dma_start3A_94 : memref<128xi32, #tpu.memory_space<vmem>>) semaphore(%arg20 : memref<!tpu.dma_semaphore, #tpu.memory_space<semaphore_mem>>) {add = true}
      %ge3A = arith.constant 2 : i32
      %ge3A_98 = arith.cmpi sge, %add3A_84, %ge3A : i32
      %convert_element_type3A = arith.extui %ge3A_98 : i1 to i32
      %cond3A = arith.constant 0 : i32
      %cond3A_99 = arith.cmpi ne, %convert_element_type3A, %cond3A : i32
      scf.if %cond3A_99 {
        %dma_wait3A_189 = arith.constant 0 : i32
        %dma_wait3A_190 = arith.constant 0 : i32
        %dma_wait3A_191 = tpu.memref_slice %arg8[%dma_wait3A_189, %dma_wait3A_190] : memref<40x128xi32, #tpu.memory_space<vmem>> -> memref<1x128xi32, #tpu.memory_space<vmem>>
        %dma_wait3A_192 = tpu.memref_squeeze %dma_wait3A_191 : memref<1x128xi32, #tpu.memory_space<vmem>> -> memref<128xi32, #tpu.memory_space<vmem>>
        %dma_wait3A_193 = arith.constant 0 : i32
        %dma_wait3A_194 = arith.constant 0 : i32
        %dma_wait3A_195 = tpu.memref_slice %arg14[%dma_wait3A_193, %dma_wait3A_194] : memref<10240x64xf32, #tpu.memory_space<vmem_shared>> -> memref<10240x64xf32, #tpu.memory_space<vmem_shared>>
        tpu.wait_indirect_dma semaphore(%arg23 : memref<!tpu.dma_semaphore, #tpu.memory_space<semaphore_mem>>) src(%arg12 : memref<128x64xf32, #tpu.memory_space<vmem>>) dst(%dma_wait3A_195 : memref<10240x64xf32, #tpu.memory_space<vmem_shared>>)
        %sub3A = arith.constant 2 : i32
        %sub3A_196 = arith.subi %add3A_84, %sub3A : i32
        %add3A_197 = arith.constant 5 : i32
        %add3A_198 = arith.addi %sub3A_196, %add3A_197 : i32
        %lt3A = arith.constant 40 : i32
        %lt3A_199 = arith.cmpi slt, %add3A_198, %lt3A : i32
        %convert_element_type3A_200 = arith.extui %lt3A_199 : i1 to i32
        %cond3A_201 = arith.constant 0 : i32
        %cond3A_202 = arith.cmpi ne, %convert_element_type3A_200, %cond3A_201 : i32
        scf.if %cond3A_202 {
          %dma_start3A_203 = arith.constant 0 : i32
          %dma_start3A_204 = tpu.memref_slice %arg7[%add3A_198, %dma_start3A_203] : memref<40x128xi32, #tpu.memory_space<vmem>> -> memref<1x128xi32, #tpu.memory_space<vmem>>
          %dma_start3A_205 = tpu.memref_squeeze %dma_start3A_204 : memref<1x128xi32, #tpu.memory_space<vmem>> -> memref<128xi32, #tpu.memory_space<vmem>>
          %dma_start3A_206 = arith.constant 0 : i32
          %dma_start3A_207 = arith.constant 0 : i32
          %dma_start3A_208 = tpu.memref_slice %arg4[%dma_start3A_206, %dma_start3A_207] : memref<10240x64xf32, #tpu.memory_space<hbm>> -> memref<10240x64xf32, #tpu.memory_space<hbm>>
          tpu.enqueue_indirect_dma source(%dma_start3A_208 : memref<10240x64xf32, #tpu.memory_space<hbm>>) target(%arg12 : memref<128x64xf32, #tpu.memory_space<vmem>>) offsets(%dma_start3A_205 : memref<128xi32, #tpu.memory_space<vmem>>) semaphore(%arg18 : memref<!tpu.dma_semaphore, #tpu.memory_space<semaphore_mem>>)
        } else {
        }
      } else {
      }
      %mul3A_100 = arith.constant 5 : i32
      %mul3A_101 = arith.muli %scan3A_79, %mul3A_100 : i32
      %add3A_102 = arith.constant 1 : i32
      %add3A_103 = arith.addi %mul3A_101, %add3A_102 : i32
      %dma_wait3A_104 = arith.constant 0 : i32
      %dma_wait3A_105 = arith.constant 0 : i32
      %dma_wait3A_106 = tpu.memref_slice %arg7[%dma_wait3A_104, %dma_wait3A_105] : memref<40x128xi32, #tpu.memory_space<vmem>> -> memref<1x128xi32, #tpu.memory_space<vmem>>
      %dma_wait3A_107 = tpu.memref_squeeze %dma_wait3A_106 : memref<1x128xi32, #tpu.memory_space<vmem>> -> memref<128xi32, #tpu.memory_space<vmem>>
      %dma_wait3A_108 = arith.constant 0 : i32
      %dma_wait3A_109 = arith.constant 0 : i32
      %dma_wait3A_110 = tpu.memref_slice %arg4[%dma_wait3A_108, %dma_wait3A_109] : memref<10240x64xf32, #tpu.memory_space<hbm>> -> memref<10240x64xf32, #tpu.memory_space<hbm>>
      tpu.wait_indirect_dma semaphore(%arg16 : memref<!tpu.dma_semaphore, #tpu.memory_space<semaphore_mem>>) src(%dma_wait3A_110 : memref<10240x64xf32, #tpu.memory_space<hbm>>) dst(%arg10 : memref<128x64xf32, #tpu.memory_space<vmem>>)
      %dma_start3A_111 = arith.constant 0 : i32
      %dma_start3A_112 = tpu.memref_slice %arg8[%add3A_103, %dma_start3A_111] : memref<40x128xi32, #tpu.memory_space<vmem>> -> memref<1x128xi32, #tpu.memory_space<vmem>>
      %dma_start3A_113 = tpu.memref_squeeze %dma_start3A_112 : memref<1x128xi32, #tpu.memory_space<vmem>> -> memref<128xi32, #tpu.memory_space<vmem>>
      %dma_start3A_114 = arith.constant 0 : i32
      %dma_start3A_115 = arith.constant 0 : i32
      %dma_start3A_116 = tpu.memref_slice %arg14[%dma_start3A_114, %dma_start3A_115] : memref<10240x64xf32, #tpu.memory_space<vmem_shared>> -> memref<10240x64xf32, #tpu.memory_space<vmem_shared>>
      tpu.enqueue_indirect_dma source(%arg10 : memref<128x64xf32, #tpu.memory_space<vmem>>) target(%dma_start3A_116 : memref<10240x64xf32, #tpu.memory_space<vmem_shared>>) offsets(%dma_start3A_113 : memref<128xi32, #tpu.memory_space<vmem>>) semaphore(%arg21 : memref<!tpu.dma_semaphore, #tpu.memory_space<semaphore_mem>>) {add = true}
      %ge3A_117 = arith.constant 2 : i32
      %ge3A_118 = arith.cmpi sge, %add3A_103, %ge3A_117 : i32
      %convert_element_type3A_119 = arith.extui %ge3A_118 : i1 to i32
      %cond3A_120 = arith.constant 0 : i32
      %cond3A_121 = arith.cmpi ne, %convert_element_type3A_119, %cond3A_120 : i32
      scf.if %cond3A_121 {
        %dma_wait3A_189 = arith.constant 0 : i32
        %dma_wait3A_190 = arith.constant 0 : i32
        %dma_wait3A_191 = tpu.memref_slice %arg8[%dma_wait3A_189, %dma_wait3A_190] : memref<40x128xi32, #tpu.memory_space<vmem>> -> memref<1x128xi32, #tpu.memory_space<vmem>>
        %dma_wait3A_192 = tpu.memref_squeeze %dma_wait3A_191 : memref<1x128xi32, #tpu.memory_space<vmem>> -> memref<128xi32, #tpu.memory_space<vmem>>
        %dma_wait3A_193 = arith.constant 0 : i32
        %dma_wait3A_194 = arith.constant 0 : i32
        %dma_wait3A_195 = tpu.memref_slice %arg14[%dma_wait3A_193, %dma_wait3A_194] : memref<10240x64xf32, #tpu.memory_space<vmem_shared>> -> memref<10240x64xf32, #tpu.memory_space<vmem_shared>>
        tpu.wait_indirect_dma semaphore(%arg24 : memref<!tpu.dma_semaphore, #tpu.memory_space<semaphore_mem>>) src(%arg13 : memref<128x64xf32, #tpu.memory_space<vmem>>) dst(%dma_wait3A_195 : memref<10240x64xf32, #tpu.memory_space<vmem_shared>>)
        %sub3A = arith.constant 2 : i32
        %sub3A_196 = arith.subi %add3A_103, %sub3A : i32
        %add3A_197 = arith.constant 5 : i32
        %add3A_198 = arith.addi %sub3A_196, %add3A_197 : i32
        %lt3A = arith.constant 40 : i32
        %lt3A_199 = arith.cmpi slt, %add3A_198, %lt3A : i32
        %convert_element_type3A_200 = arith.extui %lt3A_199 : i1 to i32
        %cond3A_201 = arith.constant 0 : i32
        %cond3A_202 = arith.cmpi ne, %convert_element_type3A_200, %cond3A_201 : i32
        scf.if %cond3A_202 {
          %dma_start3A_203 = arith.constant 0 : i32
          %dma_start3A_204 = tpu.memref_slice %arg7[%add3A_198, %dma_start3A_203] : memref<40x128xi32, #tpu.memory_space<vmem>> -> memref<1x128xi32, #tpu.memory_space<vmem>>
          %dma_start3A_205 = tpu.memref_squeeze %dma_start3A_204 : memref<1x128xi32, #tpu.memory_space<vmem>> -> memref<128xi32, #tpu.memory_space<vmem>>
          %dma_start3A_206 = arith.constant 0 : i32
          %dma_start3A_207 = arith.constant 0 : i32
          %dma_start3A_208 = tpu.memref_slice %arg4[%dma_start3A_206, %dma_start3A_207] : memref<10240x64xf32, #tpu.memory_space<hbm>> -> memref<10240x64xf32, #tpu.memory_space<hbm>>
          tpu.enqueue_indirect_dma source(%dma_start3A_208 : memref<10240x64xf32, #tpu.memory_space<hbm>>) target(%arg13 : memref<128x64xf32, #tpu.memory_space<vmem>>) offsets(%dma_start3A_205 : memref<128xi32, #tpu.memory_space<vmem>>) semaphore(%arg19 : memref<!tpu.dma_semaphore, #tpu.memory_space<semaphore_mem>>)
        } else {
        }
      } else {
      }
      %mul3A_122 = arith.constant 5 : i32
      %mul3A_123 = arith.muli %scan3A_79, %mul3A_122 : i32
      %add3A_124 = arith.constant 2 : i32
      %add3A_125 = arith.addi %mul3A_123, %add3A_124 : i32
      %dma_wait3A_126 = arith.constant 0 : i32
      %dma_wait3A_127 = arith.constant 0 : i32
      %dma_wait3A_128 = tpu.memref_slice %arg7[%dma_wait3A_126, %dma_wait3A_127] : memref<40x128xi32, #tpu.memory_space<vmem>> -> memref<1x128xi32, #tpu.memory_space<vmem>>
      %dma_wait3A_129 = tpu.memref_squeeze %dma_wait3A_128 : memref<1x128xi32, #tpu.memory_space<vmem>> -> memref<128xi32, #tpu.memory_space<vmem>>
      %dma_wait3A_130 = arith.constant 0 : i32
      %dma_wait3A_131 = arith.constant 0 : i32
      %dma_wait3A_132 = tpu.memref_slice %arg4[%dma_wait3A_130, %dma_wait3A_131] : memref<10240x64xf32, #tpu.memory_space<hbm>> -> memref<10240x64xf32, #tpu.memory_space<hbm>>
      tpu.wait_indirect_dma semaphore(%arg17 : memref<!tpu.dma_semaphore, #tpu.memory_space<semaphore_mem>>) src(%dma_wait3A_132 : memref<10240x64xf32, #tpu.memory_space<hbm>>) dst(%arg11 : memref<128x64xf32, #tpu.memory_space<vmem>>)
      %dma_start3A_133 = arith.constant 0 : i32
      %dma_start3A_134 = tpu.memref_slice %arg8[%add3A_125, %dma_start3A_133] : memref<40x128xi32, #tpu.memory_space<vmem>> -> memref<1x128xi32, #tpu.memory_space<vmem>>
      %dma_start3A_135 = tpu.memref_squeeze %dma_start3A_134 : memref<1x128xi32, #tpu.memory_space<vmem>> -> memref<128xi32, #tpu.memory_space<vmem>>
      %dma_start3A_136 = arith.constant 0 : i32
      %dma_start3A_137 = arith.constant 0 : i32
      %dma_start3A_138 = tpu.memref_slice %arg14[%dma_start3A_136, %dma_start3A_137] : memref<10240x64xf32, #tpu.memory_space<vmem_shared>> -> memref<10240x64xf32, #tpu.memory_space<vmem_shared>>
      tpu.enqueue_indirect_dma source(%arg11 : memref<128x64xf32, #tpu.memory_space<vmem>>) target(%dma_start3A_138 : memref<10240x64xf32, #tpu.memory_space<vmem_shared>>) offsets(%dma_start3A_135 : memref<128xi32, #tpu.memory_space<vmem>>) semaphore(%arg22 : memref<!tpu.dma_semaphore, #tpu.memory_space<semaphore_mem>>) {add = true}
      %ge3A_139 = arith.constant 2 : i32
      %ge3A_140 = arith.cmpi sge, %add3A_125, %ge3A_139 : i32
      %convert_element_type3A_141 = arith.extui %ge3A_140 : i1 to i32
      %cond3A_142 = arith.constant 0 : i32
      %cond3A_143 = arith.cmpi ne, %convert_element_type3A_141, %cond3A_142 : i32
      scf.if %cond3A_143 {
        %dma_wait3A_189 = arith.constant 0 : i32
        %dma_wait3A_190 = arith.constant 0 : i32
        %dma_wait3A_191 = tpu.memref_slice %arg8[%dma_wait3A_189, %dma_wait3A_190] : memref<40x128xi32, #tpu.memory_space<vmem>> -> memref<1x128xi32, #tpu.memory_space<vmem>>
        %dma_wait3A_192 = tpu.memref_squeeze %dma_wait3A_191 : memref<1x128xi32, #tpu.memory_space<vmem>> -> memref<128xi32, #tpu.memory_space<vmem>>
        %dma_wait3A_193 = arith.constant 0 : i32
        %dma_wait3A_194 = arith.constant 0 : i32
        %dma_wait3A_195 = tpu.memref_slice %arg14[%dma_wait3A_193, %dma_wait3A_194] : memref<10240x64xf32, #tpu.memory_space<vmem_shared>> -> memref<10240x64xf32, #tpu.memory_space<vmem_shared>>
        tpu.wait_indirect_dma semaphore(%arg20 : memref<!tpu.dma_semaphore, #tpu.memory_space<semaphore_mem>>) src(%arg9 : memref<128x64xf32, #tpu.memory_space<vmem>>) dst(%dma_wait3A_195 : memref<10240x64xf32, #tpu.memory_space<vmem_shared>>)
        %sub3A = arith.constant 2 : i32
        %sub3A_196 = arith.subi %add3A_125, %sub3A : i32
        %add3A_197 = arith.constant 5 : i32
        %add3A_198 = arith.addi %sub3A_196, %add3A_197 : i32
        %lt3A = arith.constant 40 : i32
        %lt3A_199 = arith.cmpi slt, %add3A_198, %lt3A : i32
        %convert_element_type3A_200 = arith.extui %lt3A_199 : i1 to i32
        %cond3A_201 = arith.constant 0 : i32
        %cond3A_202 = arith.cmpi ne, %convert_element_type3A_200, %cond3A_201 : i32
        scf.if %cond3A_202 {
          %dma_start3A_203 = arith.constant 0 : i32
          %dma_start3A_204 = tpu.memref_slice %arg7[%add3A_198, %dma_start3A_203] : memref<40x128xi32, #tpu.memory_space<vmem>> -> memref<1x128xi32, #tpu.memory_space<vmem>>
          %dma_start3A_205 = tpu.memref_squeeze %dma_start3A_204 : memref<1x128xi32, #tpu.memory_space<vmem>> -> memref<128xi32, #tpu.memory_space<vmem>>
          %dma_start3A_206 = arith.constant 0 : i32
          %dma_start3A_207 = arith.constant 0 : i32
          %dma_start3A_208 = tpu.memref_slice %arg4[%dma_start3A_206, %dma_start3A_207] : memref<10240x64xf32, #tpu.memory_space<hbm>> -> memref<10240x64xf32, #tpu.memory_space<hbm>>
          tpu.enqueue_indirect_dma source(%dma_start3A_208 : memref<10240x64xf32, #tpu.memory_space<hbm>>) target(%arg9 : memref<128x64xf32, #tpu.memory_space<vmem>>) offsets(%dma_start3A_205 : memref<128xi32, #tpu.memory_space<vmem>>) semaphore(%arg15 : memref<!tpu.dma_semaphore, #tpu.memory_space<semaphore_mem>>)
        } else {
        }
      } else {
      }
      %mul3A_144 = arith.constant 5 : i32
      %mul3A_145 = arith.muli %scan3A_79, %mul3A_144 : i32
      %add3A_146 = arith.constant 3 : i32
      %add3A_147 = arith.addi %mul3A_145, %add3A_146 : i32
      %dma_wait3A_148 = arith.constant 0 : i32
      %dma_wait3A_149 = arith.constant 0 : i32
      %dma_wait3A_150 = tpu.memref_slice %arg7[%dma_wait3A_148, %dma_wait3A_149] : memref<40x128xi32, #tpu.memory_space<vmem>> -> memref<1x128xi32, #tpu.memory_space<vmem>>
      %dma_wait3A_151 = tpu.memref_squeeze %dma_wait3A_150 : memref<1x128xi32, #tpu.memory_space<vmem>> -> memref<128xi32, #tpu.memory_space<vmem>>
      %dma_wait3A_152 = arith.constant 0 : i32
      %dma_wait3A_153 = arith.constant 0 : i32
      %dma_wait3A_154 = tpu.memref_slice %arg4[%dma_wait3A_152, %dma_wait3A_153] : memref<10240x64xf32, #tpu.memory_space<hbm>> -> memref<10240x64xf32, #tpu.memory_space<hbm>>
      tpu.wait_indirect_dma semaphore(%arg18 : memref<!tpu.dma_semaphore, #tpu.memory_space<semaphore_mem>>) src(%dma_wait3A_154 : memref<10240x64xf32, #tpu.memory_space<hbm>>) dst(%arg12 : memref<128x64xf32, #tpu.memory_space<vmem>>)
      %dma_start3A_155 = arith.constant 0 : i32
      %dma_start3A_156 = tpu.memref_slice %arg8[%add3A_147, %dma_start3A_155] : memref<40x128xi32, #tpu.memory_space<vmem>> -> memref<1x128xi32, #tpu.memory_space<vmem>>
      %dma_start3A_157 = tpu.memref_squeeze %dma_start3A_156 : memref<1x128xi32, #tpu.memory_space<vmem>> -> memref<128xi32, #tpu.memory_space<vmem>>
      %dma_start3A_158 = arith.constant 0 : i32
      %dma_start3A_159 = arith.constant 0 : i32
      %dma_start3A_160 = tpu.memref_slice %arg14[%dma_start3A_158, %dma_start3A_159] : memref<10240x64xf32, #tpu.memory_space<vmem_shared>> -> memref<10240x64xf32, #tpu.memory_space<vmem_shared>>
      tpu.enqueue_indirect_dma source(%arg12 : memref<128x64xf32, #tpu.memory_space<vmem>>) target(%dma_start3A_160 : memref<10240x64xf32, #tpu.memory_space<vmem_shared>>) offsets(%dma_start3A_157 : memref<128xi32, #tpu.memory_space<vmem>>) semaphore(%arg23 : memref<!tpu.dma_semaphore, #tpu.memory_space<semaphore_mem>>) {add = true}
      %ge3A_161 = arith.constant 2 : i32
      %ge3A_162 = arith.cmpi sge, %add3A_147, %ge3A_161 : i32
      %convert_element_type3A_163 = arith.extui %ge3A_162 : i1 to i32
      %cond3A_164 = arith.constant 0 : i32
      %cond3A_165 = arith.cmpi ne, %convert_element_type3A_163, %cond3A_164 : i32
      scf.if %cond3A_165 {
        %dma_wait3A_189 = arith.constant 0 : i32
        %dma_wait3A_190 = arith.constant 0 : i32
        %dma_wait3A_191 = tpu.memref_slice %arg8[%dma_wait3A_189, %dma_wait3A_190] : memref<40x128xi32, #tpu.memory_space<vmem>> -> memref<1x128xi32, #tpu.memory_space<vmem>>
        %dma_wait3A_192 = tpu.memref_squeeze %dma_wait3A_191 : memref<1x128xi32, #tpu.memory_space<vmem>> -> memref<128xi32, #tpu.memory_space<vmem>>
        %dma_wait3A_193 = arith.constant 0 : i32
        %dma_wait3A_194 = arith.constant 0 : i32
        %dma_wait3A_195 = tpu.memref_slice %arg14[%dma_wait3A_193, %dma_wait3A_194] : memref<10240x64xf32, #tpu.memory_space<vmem_shared>> -> memref<10240x64xf32, #tpu.memory_space<vmem_shared>>
        tpu.wait_indirect_dma semaphore(%arg21 : memref<!tpu.dma_semaphore, #tpu.memory_space<semaphore_mem>>) src(%arg10 : memref<128x64xf32, #tpu.memory_space<vmem>>) dst(%dma_wait3A_195 : memref<10240x64xf32, #tpu.memory_space<vmem_shared>>)
        %sub3A = arith.constant 2 : i32
        %sub3A_196 = arith.subi %add3A_147, %sub3A : i32
        %add3A_197 = arith.constant 5 : i32
        %add3A_198 = arith.addi %sub3A_196, %add3A_197 : i32
        %lt3A = arith.constant 40 : i32
        %lt3A_199 = arith.cmpi slt, %add3A_198, %lt3A : i32
        %convert_element_type3A_200 = arith.extui %lt3A_199 : i1 to i32
        %cond3A_201 = arith.constant 0 : i32
        %cond3A_202 = arith.cmpi ne, %convert_element_type3A_200, %cond3A_201 : i32
        scf.if %cond3A_202 {
          %dma_start3A_203 = arith.constant 0 : i32
          %dma_start3A_204 = tpu.memref_slice %arg7[%add3A_198, %dma_start3A_203] : memref<40x128xi32, #tpu.memory_space<vmem>> -> memref<1x128xi32, #tpu.memory_space<vmem>>
          %dma_start3A_205 = tpu.memref_squeeze %dma_start3A_204 : memref<1x128xi32, #tpu.memory_space<vmem>> -> memref<128xi32, #tpu.memory_space<vmem>>
          %dma_start3A_206 = arith.constant 0 : i32
          %dma_start3A_207 = arith.constant 0 : i32
          %dma_start3A_208 = tpu.memref_slice %arg4[%dma_start3A_206, %dma_start3A_207] : memref<10240x64xf32, #tpu.memory_space<hbm>> -> memref<10240x64xf32, #tpu.memory_space<hbm>>
          tpu.enqueue_indirect_dma source(%dma_start3A_208 : memref<10240x64xf32, #tpu.memory_space<hbm>>) target(%arg10 : memref<128x64xf32, #tpu.memory_space<vmem>>) offsets(%dma_start3A_205 : memref<128xi32, #tpu.memory_space<vmem>>) semaphore(%arg16 : memref<!tpu.dma_semaphore, #tpu.memory_space<semaphore_mem>>)
        } else {
        }
      } else {
      }
      %mul3A_166 = arith.constant 5 : i32
      %mul3A_167 = arith.muli %scan3A_79, %mul3A_166 : i32
      %add3A_168 = arith.constant 4 : i32
      %add3A_169 = arith.addi %mul3A_167, %add3A_168 : i32
      %dma_wait3A_170 = arith.constant 0 : i32
      %dma_wait3A_171 = arith.constant 0 : i32
      %dma_wait3A_172 = tpu.memref_slice %arg7[%dma_wait3A_170, %dma_wait3A_171] : memref<40x128xi32, #tpu.memory_space<vmem>> -> memref<1x128xi32, #tpu.memory_space<vmem>>
      %dma_wait3A_173 = tpu.memref_squeeze %dma_wait3A_172 : memref<1x128xi32, #tpu.memory_space<vmem>> -> memref<128xi32, #tpu.memory_space<vmem>>
      %dma_wait3A_174 = arith.constant 0 : i32
      %dma_wait3A_175 = arith.constant 0 : i32
      %dma_wait3A_176 = tpu.memref_slice %arg4[%dma_wait3A_174, %dma_wait3A_175] : memref<10240x64xf32, #tpu.memory_space<hbm>> -> memref<10240x64xf32, #tpu.memory_space<hbm>>
      tpu.wait_indirect_dma semaphore(%arg19 : memref<!tpu.dma_semaphore, #tpu.memory_space<semaphore_mem>>) src(%dma_wait3A_176 : memref<10240x64xf32, #tpu.memory_space<hbm>>) dst(%arg13 : memref<128x64xf32, #tpu.memory_space<vmem>>)
      %dma_start3A_177 = arith.constant 0 : i32
      %dma_start3A_178 = tpu.memref_slice %arg8[%add3A_169, %dma_start3A_177] : memref<40x128xi32, #tpu.memory_space<vmem>> -> memref<1x128xi32, #tpu.memory_space<vmem>>
      %dma_start3A_179 = tpu.memref_squeeze %dma_start3A_178 : memref<1x128xi32, #tpu.memory_space<vmem>> -> memref<128xi32, #tpu.memory_space<vmem>>
      %dma_start3A_180 = arith.constant 0 : i32
      %dma_start3A_181 = arith.constant 0 : i32
      %dma_start3A_182 = tpu.memref_slice %arg14[%dma_start3A_180, %dma_start3A_181] : memref<10240x64xf32, #tpu.memory_space<vmem_shared>> -> memref<10240x64xf32, #tpu.memory_space<vmem_shared>>
      tpu.enqueue_indirect_dma source(%arg13 : memref<128x64xf32, #tpu.memory_space<vmem>>) target(%dma_start3A_182 : memref<10240x64xf32, #tpu.memory_space<vmem_shared>>) offsets(%dma_start3A_179 : memref<128xi32, #tpu.memory_space<vmem>>) semaphore(%arg24 : memref<!tpu.dma_semaphore, #tpu.memory_space<semaphore_mem>>) {add = true}
      %ge3A_183 = arith.constant 2 : i32
      %ge3A_184 = arith.cmpi sge, %add3A_169, %ge3A_183 : i32
      %convert_element_type3A_185 = arith.extui %ge3A_184 : i1 to i32
      %cond3A_186 = arith.constant 0 : i32
      %cond3A_187 = arith.cmpi ne, %convert_element_type3A_185, %cond3A_186 : i32
      scf.if %cond3A_187 {
        %dma_wait3A_189 = arith.constant 0 : i32
        %dma_wait3A_190 = arith.constant 0 : i32
        %dma_wait3A_191 = tpu.memref_slice %arg8[%dma_wait3A_189, %dma_wait3A_190] : memref<40x128xi32, #tpu.memory_space<vmem>> -> memref<1x128xi32, #tpu.memory_space<vmem>>
        %dma_wait3A_192 = tpu.memref_squeeze %dma_wait3A_191 : memref<1x128xi32, #tpu.memory_space<vmem>> -> memref<128xi32, #tpu.memory_space<vmem>>
        %dma_wait3A_193 = arith.constant 0 : i32
        %dma_wait3A_194 = arith.constant 0 : i32
        %dma_wait3A_195 = tpu.memref_slice %arg14[%dma_wait3A_193, %dma_wait3A_194] : memref<10240x64xf32, #tpu.memory_space<vmem_shared>> -> memref<10240x64xf32, #tpu.memory_space<vmem_shared>>
        tpu.wait_indirect_dma semaphore(%arg22 : memref<!tpu.dma_semaphore, #tpu.memory_space<semaphore_mem>>) src(%arg11 : memref<128x64xf32, #tpu.memory_space<vmem>>) dst(%dma_wait3A_195 : memref<10240x64xf32, #tpu.memory_space<vmem_shared>>)
        %sub3A = arith.constant 2 : i32
        %sub3A_196 = arith.subi %add3A_169, %sub3A : i32
        %add3A_197 = arith.constant 5 : i32
        %add3A_198 = arith.addi %sub3A_196, %add3A_197 : i32
        %lt3A = arith.constant 40 : i32
        %lt3A_199 = arith.cmpi slt, %add3A_198, %lt3A : i32
        %convert_element_type3A_200 = arith.extui %lt3A_199 : i1 to i32
        %cond3A_201 = arith.constant 0 : i32
        %cond3A_202 = arith.cmpi ne, %convert_element_type3A_200, %cond3A_201 : i32
        scf.if %cond3A_202 {
          %dma_start3A_203 = arith.constant 0 : i32
          %dma_start3A_204 = tpu.memref_slice %arg7[%add3A_198, %dma_start3A_203] : memref<40x128xi32, #tpu.memory_space<vmem>> -> memref<1x128xi32, #tpu.memory_space<vmem>>
          %dma_start3A_205 = tpu.memref_squeeze %dma_start3A_204 : memref<1x128xi32, #tpu.memory_space<vmem>> -> memref<128xi32, #tpu.memory_space<vmem>>
          %dma_start3A_206 = arith.constant 0 : i32
          %dma_start3A_207 = arith.constant 0 : i32
          %dma_start3A_208 = tpu.memref_slice %arg4[%dma_start3A_206, %dma_start3A_207] : memref<10240x64xf32, #tpu.memory_space<hbm>> -> memref<10240x64xf32, #tpu.memory_space<hbm>>
          tpu.enqueue_indirect_dma source(%dma_start3A_208 : memref<10240x64xf32, #tpu.memory_space<hbm>>) target(%arg11 : memref<128x64xf32, #tpu.memory_space<vmem>>) offsets(%dma_start3A_205 : memref<128xi32, #tpu.memory_space<vmem>>) semaphore(%arg17 : memref<!tpu.dma_semaphore, #tpu.memory_space<semaphore_mem>>)
        } else {
        }
      } else {
      }
      %scan3A_188 = arith.constant 0 : i32
      scf.yield %scan3A_188 : i32
    }
    %scan3A_60 = arith.constant 8 : i32
    %dma_wait3A = arith.constant 0 : i32
    %dma_wait3A_61 = arith.constant 0 : i32
    %dma_wait3A_62 = tpu.memref_slice %arg8[%dma_wait3A, %dma_wait3A_61] : memref<40x128xi32, #tpu.memory_space<vmem>> -> memref<1x128xi32, #tpu.memory_space<vmem>>
    %dma_wait3A_63 = tpu.memref_squeeze %dma_wait3A_62 : memref<1x128xi32, #tpu.memory_space<vmem>> -> memref<128xi32, #tpu.memory_space<vmem>>
    %dma_wait3A_64 = arith.constant 0 : i32
    %dma_wait3A_65 = arith.constant 0 : i32
    %dma_wait3A_66 = tpu.memref_slice %arg14[%dma_wait3A_64, %dma_wait3A_65] : memref<10240x64xf32, #tpu.memory_space<vmem_shared>> -> memref<10240x64xf32, #tpu.memory_space<vmem_shared>>
    tpu.wait_indirect_dma semaphore(%arg23 : memref<!tpu.dma_semaphore, #tpu.memory_space<semaphore_mem>>) src(%arg12 : memref<128x64xf32, #tpu.memory_space<vmem>>) dst(%dma_wait3A_66 : memref<10240x64xf32, #tpu.memory_space<vmem_shared>>)
    %dma_wait3A_67 = arith.constant 0 : i32
    %dma_wait3A_68 = arith.constant 0 : i32
    %dma_wait3A_69 = tpu.memref_slice %arg8[%dma_wait3A_67, %dma_wait3A_68] : memref<40x128xi32, #tpu.memory_space<vmem>> -> memref<1x128xi32, #tpu.memory_space<vmem>>
    %dma_wait3A_70 = tpu.memref_squeeze %dma_wait3A_69 : memref<1x128xi32, #tpu.memory_space<vmem>> -> memref<128xi32, #tpu.memory_space<vmem>>
    %dma_wait3A_71 = arith.constant 0 : i32
    %dma_wait3A_72 = arith.constant 0 : i32
    %dma_wait3A_73 = tpu.memref_slice %arg14[%dma_wait3A_71, %dma_wait3A_72] : memref<10240x64xf32, #tpu.memory_space<vmem_shared>> -> memref<10240x64xf32, #tpu.memory_space<vmem_shared>>
    tpu.wait_indirect_dma semaphore(%arg24 : memref<!tpu.dma_semaphore, #tpu.memory_space<semaphore_mem>>) src(%arg13 : memref<128x64xf32, #tpu.memory_space<vmem>>) dst(%dma_wait3A_73 : memref<10240x64xf32, #tpu.memory_space<vmem_shared>>)
    %barrier3A_74 = arith.constant 0 : index
    tpu.barrier barrier_id(%barrier3A_74)
    %mul3A_75 = arith.constant 640 : i32
    %mul3A_76 = arith.muli %arg1, %mul3A_75 : i32
    %mul3A_77 = arith.constant 640 : i32
    %mul3A_78 = arith.muli %arg1, %mul3A_77 : i32
    "tpu.region"() ({
      %run_scoped3A = tpu.sem_alloc : memref<!tpu.dma_semaphore, #tpu.memory_space<semaphore_mem>>
      %dma_start3A_79 = arith.constant 0 : i32
      %dma_start3A_80 = tpu.memref_slice %arg6[%arg0, %mul3A_78, %dma_start3A_79] : memref<2x10240x64xf32, #tpu.memory_space<hbm>> -> memref<1x640x64xf32, #tpu.memory_space<hbm>>
      %dma_start3A_81 = tpu.memref_squeeze %dma_start3A_80 : memref<1x640x64xf32, #tpu.memory_space<hbm>> -> memref<640x64xf32, #tpu.memory_space<hbm>>
      %dma_start3A_82 = arith.constant 0 : i32
      %dma_start3A_83 = tpu.memref_slice %arg14[%mul3A_76, %dma_start3A_82] : memref<10240x64xf32, #tpu.memory_space<vmem_shared>> -> memref<640x64xf32, #tpu.memory_space<vmem_shared>>
      tpu.enqueue_dma source(%dma_start3A_83 : memref<640x64xf32, #tpu.memory_space<vmem_shared>>) target(%dma_start3A_81 : memref<640x64xf32, #tpu.memory_space<hbm>>) target_semaphore(%run_scoped3A : memref<!tpu.dma_semaphore, #tpu.memory_space<semaphore_mem>>)
      %dma_wait3A_84 = arith.constant 0 : i32
      %dma_wait3A_85 = tpu.memref_slice %arg6[%arg0, %mul3A_78, %dma_wait3A_84] : memref<2x10240x64xf32, #tpu.memory_space<hbm>> -> memref<1x640x64xf32, #tpu.memory_space<hbm>>
      %dma_wait3A_86 = tpu.memref_squeeze %dma_wait3A_85 : memref<1x640x64xf32, #tpu.memory_space<hbm>> -> memref<640x64xf32, #tpu.memory_space<hbm>>
      %dma_wait3A_87 = arith.constant 0 : i32
      %dma_wait3A_88 = tpu.memref_slice %arg14[%mul3A_76, %dma_wait3A_87] : memref<10240x64xf32, #tpu.memory_space<vmem_shared>> -> memref<640x64xf32, #tpu.memory_space<vmem_shared>>
      tpu.wait_dma2 semaphore(%run_scoped3A : memref<!tpu.dma_semaphore, #tpu.memory_space<semaphore_mem>>) src(%dma_wait3A_88 : memref<640x64xf32, #tpu.memory_space<vmem_shared>>) dst(%dma_wait3A_86 : memref<640x64xf32, #tpu.memory_space<hbm>>)
      tpu.yield
    }) : () -> ()
    return
  }
}

#map = affine_map<(d0, d1) -> (0, 0, 0, 0, 0)>
#map1 = affine_map<(d0, d1) -> (0, 0, 0, 0)>
#map2 = affine_map<(d0, d1) -> (0, 0)>
#map3 = affine_map<(d0, d1) -> (0, 0, 0)>
module attributes {stable_mosaic.version = 14 : i64} {
  func.func @_edge1_body(%arg0: i32, %arg1: i32, %arg2: memref<2x16x4x40x64xi32, #tpu.memory_space<hbm>>, %arg3: memref<16x4x40x64xi32, #tpu.memory_space<hbm>>, %arg4: memref<20480x128xf32, #tpu.memory_space<hbm>>, %arg5: memref<128x128xf32, #tpu.memory_space<hbm>>, %arg6: memref<2x10240x128xf32, #tpu.memory_space<hbm>>, %arg7: memref<40x64xi32, #tpu.memory_space<vmem>>, %arg8: memref<40x64xi32, #tpu.memory_space<vmem>>, %arg9: memref<64x128xf32, #tpu.memory_space<vmem>>, %arg10: memref<64x128xf32, #tpu.memory_space<vmem>>, %arg11: memref<64x128xf32, #tpu.memory_space<vmem>>, %arg12: memref<64x128xf32, #tpu.memory_space<vmem>>, %arg13: memref<10240x128xf32, #tpu.memory_space<vmem_shared>>, %arg14: memref<!tpu.dma_semaphore, #tpu.memory_space<semaphore_mem>>, %arg15: memref<!tpu.dma_semaphore, #tpu.memory_space<semaphore_mem>>, %arg16: memref<!tpu.dma_semaphore, #tpu.memory_space<semaphore_mem>>, %arg17: memref<!tpu.dma_semaphore, #tpu.memory_space<semaphore_mem>>, %arg18: memref<!tpu.dma_semaphore, #tpu.memory_space<semaphore_mem>>, %arg19: memref<!tpu.dma_semaphore, #tpu.memory_space<semaphore_mem>>, %arg20: memref<!tpu.dma_semaphore, #tpu.memory_space<semaphore_mem>>, %arg21: memref<!tpu.dma_semaphore, #tpu.memory_space<semaphore_mem>>) attributes {dimension_semantics = [#tpu.dimension_semantics<core_parallel>, #tpu.dimension_semantics<subcore_parallel>], iteration_bounds = array<i64: 2, 16>, scalar_prefetch = 0 : i64, scratch_operands = 15 : i64, tpu.core_type = #tpu.core_type<sc_vector_subcore>, window_params = [{transform_indices = #map}, {transform_indices = #map1}, {transform_indices = #map2}, {transform_indices = #map2}, {transform_indices = #map3}]} {
    %mul3A = arith.constant 640 : i32
    %mul3A_0 = arith.muli %arg1, %mul3A : i32
    %add3A = arith.constant 0 : i32
    %add3A_1 = arith.addi %mul3A_0, %add3A : i32
    "tpu.region"() ({
      %run_scoped3A_195 = tpu.sem_alloc : memref<!tpu.dma_semaphore, #tpu.memory_space<semaphore_mem>>
      %dma_start3A_196 = arith.constant 0 : i32
      %dma_start3A_197 = tpu.memref_slice %arg13[%add3A_1, %dma_start3A_196] : memref<10240x128xf32, #tpu.memory_space<vmem_shared>> -> memref<128x128xf32, #tpu.memory_space<vmem_shared>>
      tpu.enqueue_dma source(%arg5 : memref<128x128xf32, #tpu.memory_space<hbm>>) target(%dma_start3A_197 : memref<128x128xf32, #tpu.memory_space<vmem_shared>>) target_semaphore(%run_scoped3A_195 : memref<!tpu.dma_semaphore, #tpu.memory_space<semaphore_mem>>)
      %dma_wait3A_198 = arith.constant 0 : i32
      %dma_wait3A_199 = tpu.memref_slice %arg13[%add3A_1, %dma_wait3A_198] : memref<10240x128xf32, #tpu.memory_space<vmem_shared>> -> memref<128x128xf32, #tpu.memory_space<vmem_shared>>
      tpu.wait_dma2 semaphore(%run_scoped3A_195 : memref<!tpu.dma_semaphore, #tpu.memory_space<semaphore_mem>>) src(%arg5 : memref<128x128xf32, #tpu.memory_space<hbm>>) dst(%dma_wait3A_199 : memref<128x128xf32, #tpu.memory_space<vmem_shared>>)
      tpu.yield
    }) : () -> ()
    %mul3A_2 = arith.constant 640 : i32
    %mul3A_3 = arith.muli %arg1, %mul3A_2 : i32
    %add3A_4 = arith.constant 128 : i32
    %add3A_5 = arith.addi %mul3A_3, %add3A_4 : i32
    "tpu.region"() ({
      %run_scoped3A_195 = tpu.sem_alloc : memref<!tpu.dma_semaphore, #tpu.memory_space<semaphore_mem>>
      %dma_start3A_196 = arith.constant 0 : i32
      %dma_start3A_197 = tpu.memref_slice %arg13[%add3A_5, %dma_start3A_196] : memref<10240x128xf32, #tpu.memory_space<vmem_shared>> -> memref<128x128xf32, #tpu.memory_space<vmem_shared>>
      tpu.enqueue_dma source(%arg5 : memref<128x128xf32, #tpu.memory_space<hbm>>) target(%dma_start3A_197 : memref<128x128xf32, #tpu.memory_space<vmem_shared>>) target_semaphore(%run_scoped3A_195 : memref<!tpu.dma_semaphore, #tpu.memory_space<semaphore_mem>>)
      %dma_wait3A_198 = arith.constant 0 : i32
      %dma_wait3A_199 = tpu.memref_slice %arg13[%add3A_5, %dma_wait3A_198] : memref<10240x128xf32, #tpu.memory_space<vmem_shared>> -> memref<128x128xf32, #tpu.memory_space<vmem_shared>>
      tpu.wait_dma2 semaphore(%run_scoped3A_195 : memref<!tpu.dma_semaphore, #tpu.memory_space<semaphore_mem>>) src(%arg5 : memref<128x128xf32, #tpu.memory_space<hbm>>) dst(%dma_wait3A_199 : memref<128x128xf32, #tpu.memory_space<vmem_shared>>)
      tpu.yield
    }) : () -> ()
    %mul3A_6 = arith.constant 640 : i32
    %mul3A_7 = arith.muli %arg1, %mul3A_6 : i32
    %add3A_8 = arith.constant 256 : i32
    %add3A_9 = arith.addi %mul3A_7, %add3A_8 : i32
    "tpu.region"() ({
      %run_scoped3A_195 = tpu.sem_alloc : memref<!tpu.dma_semaphore, #tpu.memory_space<semaphore_mem>>
      %dma_start3A_196 = arith.constant 0 : i32
      %dma_start3A_197 = tpu.memref_slice %arg13[%add3A_9, %dma_start3A_196] : memref<10240x128xf32, #tpu.memory_space<vmem_shared>> -> memref<128x128xf32, #tpu.memory_space<vmem_shared>>
      tpu.enqueue_dma source(%arg5 : memref<128x128xf32, #tpu.memory_space<hbm>>) target(%dma_start3A_197 : memref<128x128xf32, #tpu.memory_space<vmem_shared>>) target_semaphore(%run_scoped3A_195 : memref<!tpu.dma_semaphore, #tpu.memory_space<semaphore_mem>>)
      %dma_wait3A_198 = arith.constant 0 : i32
      %dma_wait3A_199 = tpu.memref_slice %arg13[%add3A_9, %dma_wait3A_198] : memref<10240x128xf32, #tpu.memory_space<vmem_shared>> -> memref<128x128xf32, #tpu.memory_space<vmem_shared>>
      tpu.wait_dma2 semaphore(%run_scoped3A_195 : memref<!tpu.dma_semaphore, #tpu.memory_space<semaphore_mem>>) src(%arg5 : memref<128x128xf32, #tpu.memory_space<hbm>>) dst(%dma_wait3A_199 : memref<128x128xf32, #tpu.memory_space<vmem_shared>>)
      tpu.yield
    }) : () -> ()
    %mul3A_10 = arith.constant 640 : i32
    %mul3A_11 = arith.muli %arg1, %mul3A_10 : i32
    %add3A_12 = arith.constant 384 : i32
    %add3A_13 = arith.addi %mul3A_11, %add3A_12 : i32
    "tpu.region"() ({
      %run_scoped3A_195 = tpu.sem_alloc : memref<!tpu.dma_semaphore, #tpu.memory_space<semaphore_mem>>
      %dma_start3A_196 = arith.constant 0 : i32
      %dma_start3A_197 = tpu.memref_slice %arg13[%add3A_13, %dma_start3A_196] : memref<10240x128xf32, #tpu.memory_space<vmem_shared>> -> memref<128x128xf32, #tpu.memory_space<vmem_shared>>
      tpu.enqueue_dma source(%arg5 : memref<128x128xf32, #tpu.memory_space<hbm>>) target(%dma_start3A_197 : memref<128x128xf32, #tpu.memory_space<vmem_shared>>) target_semaphore(%run_scoped3A_195 : memref<!tpu.dma_semaphore, #tpu.memory_space<semaphore_mem>>)
      %dma_wait3A_198 = arith.constant 0 : i32
      %dma_wait3A_199 = tpu.memref_slice %arg13[%add3A_13, %dma_wait3A_198] : memref<10240x128xf32, #tpu.memory_space<vmem_shared>> -> memref<128x128xf32, #tpu.memory_space<vmem_shared>>
      tpu.wait_dma2 semaphore(%run_scoped3A_195 : memref<!tpu.dma_semaphore, #tpu.memory_space<semaphore_mem>>) src(%arg5 : memref<128x128xf32, #tpu.memory_space<hbm>>) dst(%dma_wait3A_199 : memref<128x128xf32, #tpu.memory_space<vmem_shared>>)
      tpu.yield
    }) : () -> ()
    %mul3A_14 = arith.constant 640 : i32
    %mul3A_15 = arith.muli %arg1, %mul3A_14 : i32
    %add3A_16 = arith.constant 512 : i32
    %add3A_17 = arith.addi %mul3A_15, %add3A_16 : i32
    "tpu.region"() ({
      %run_scoped3A_195 = tpu.sem_alloc : memref<!tpu.dma_semaphore, #tpu.memory_space<semaphore_mem>>
      %dma_start3A_196 = arith.constant 0 : i32
      %dma_start3A_197 = tpu.memref_slice %arg13[%add3A_17, %dma_start3A_196] : memref<10240x128xf32, #tpu.memory_space<vmem_shared>> -> memref<128x128xf32, #tpu.memory_space<vmem_shared>>
      tpu.enqueue_dma source(%arg5 : memref<128x128xf32, #tpu.memory_space<hbm>>) target(%dma_start3A_197 : memref<128x128xf32, #tpu.memory_space<vmem_shared>>) target_semaphore(%run_scoped3A_195 : memref<!tpu.dma_semaphore, #tpu.memory_space<semaphore_mem>>)
      %dma_wait3A_198 = arith.constant 0 : i32
      %dma_wait3A_199 = tpu.memref_slice %arg13[%add3A_17, %dma_wait3A_198] : memref<10240x128xf32, #tpu.memory_space<vmem_shared>> -> memref<128x128xf32, #tpu.memory_space<vmem_shared>>
      tpu.wait_dma2 semaphore(%run_scoped3A_195 : memref<!tpu.dma_semaphore, #tpu.memory_space<semaphore_mem>>) src(%arg5 : memref<128x128xf32, #tpu.memory_space<hbm>>) dst(%dma_wait3A_199 : memref<128x128xf32, #tpu.memory_space<vmem_shared>>)
      tpu.yield
    }) : () -> ()
    %barrier3A = arith.constant 0 : index
    tpu.barrier barrier_id(%barrier3A)
    %run_scoped3A = arith.constant 0 : i32
    "tpu.region"() ({
      %run_scoped3A_195 = tpu.sem_alloc : memref<!tpu.dma_semaphore, #tpu.memory_space<semaphore_mem>>
      %dma_start3A_196 = arith.constant 0 : i32
      %dma_start3A_197 = arith.constant 0 : i32
      %dma_start3A_198 = tpu.memref_slice %arg2[%arg0, %arg1, %run_scoped3A, %dma_start3A_196, %dma_start3A_197] : memref<2x16x4x40x64xi32, #tpu.memory_space<hbm>> -> memref<1x1x1x40x64xi32, #tpu.memory_space<hbm>>
      %dma_start3A_199 = tpu.memref_squeeze %dma_start3A_198 : memref<1x1x1x40x64xi32, #tpu.memory_space<hbm>> -> memref<40x64xi32, #tpu.memory_space<hbm>>
      %dma_start3A_200 = arith.constant 0 : i32
      %dma_start3A_201 = arith.constant 0 : i32
      %dma_start3A_202 = tpu.memref_slice %arg2[%arg0, %arg1, %run_scoped3A, %dma_start3A_200, %dma_start3A_201] : memref<2x16x4x40x64xi32, #tpu.memory_space<hbm>> -> memref<1x1x1x40x64xi32, #tpu.memory_space<hbm>>
      %dma_start3A_203 = tpu.memref_squeeze %dma_start3A_202 : memref<1x1x1x40x64xi32, #tpu.memory_space<hbm>> -> memref<40x64xi32, #tpu.memory_space<hbm>>
      tpu.enqueue_dma source(%dma_start3A_203 : memref<40x64xi32, #tpu.memory_space<hbm>>) target(%arg7 : memref<40x64xi32, #tpu.memory_space<vmem>>) target_semaphore(%run_scoped3A_195 : memref<!tpu.dma_semaphore, #tpu.memory_space<semaphore_mem>>)
      %dma_wait3A_204 = arith.constant 0 : i32
      %dma_wait3A_205 = arith.constant 0 : i32
      %dma_wait3A_206 = tpu.memref_slice %arg2[%arg0, %arg1, %run_scoped3A, %dma_wait3A_204, %dma_wait3A_205] : memref<2x16x4x40x64xi32, #tpu.memory_space<hbm>> -> memref<1x1x1x40x64xi32, #tpu.memory_space<hbm>>
      %dma_wait3A_207 = tpu.memref_squeeze %dma_wait3A_206 : memref<1x1x1x40x64xi32, #tpu.memory_space<hbm>> -> memref<40x64xi32, #tpu.memory_space<hbm>>
      %dma_wait3A_208 = arith.constant 0 : i32
      %dma_wait3A_209 = arith.constant 0 : i32
      %dma_wait3A_210 = tpu.memref_slice %arg2[%arg0, %arg1, %run_scoped3A, %dma_wait3A_208, %dma_wait3A_209] : memref<2x16x4x40x64xi32, #tpu.memory_space<hbm>> -> memref<1x1x1x40x64xi32, #tpu.memory_space<hbm>>
      %dma_wait3A_211 = tpu.memref_squeeze %dma_wait3A_210 : memref<1x1x1x40x64xi32, #tpu.memory_space<hbm>> -> memref<40x64xi32, #tpu.memory_space<hbm>>
      tpu.wait_dma2 semaphore(%run_scoped3A_195 : memref<!tpu.dma_semaphore, #tpu.memory_space<semaphore_mem>>) src(%dma_wait3A_211 : memref<40x64xi32, #tpu.memory_space<hbm>>) dst(%arg7 : memref<40x64xi32, #tpu.memory_space<vmem>>)
      tpu.yield
    }) : () -> ()
    %run_scoped3A_18 = arith.constant 0 : i32
    "tpu.region"() ({
      %run_scoped3A_195 = tpu.sem_alloc : memref<!tpu.dma_semaphore, #tpu.memory_space<semaphore_mem>>
      %dma_start3A_196 = arith.constant 0 : i32
      %dma_start3A_197 = arith.constant 0 : i32
      %dma_start3A_198 = tpu.memref_slice %arg3[%arg1, %run_scoped3A_18, %dma_start3A_196, %dma_start3A_197] : memref<16x4x40x64xi32, #tpu.memory_space<hbm>> -> memref<1x1x40x64xi32, #tpu.memory_space<hbm>>
      %dma_start3A_199 = tpu.memref_squeeze %dma_start3A_198 : memref<1x1x40x64xi32, #tpu.memory_space<hbm>> -> memref<40x64xi32, #tpu.memory_space<hbm>>
      %dma_start3A_200 = arith.constant 0 : i32
      %dma_start3A_201 = arith.constant 0 : i32
      %dma_start3A_202 = tpu.memref_slice %arg3[%arg1, %run_scoped3A_18, %dma_start3A_200, %dma_start3A_201] : memref<16x4x40x64xi32, #tpu.memory_space<hbm>> -> memref<1x1x40x64xi32, #tpu.memory_space<hbm>>
      %dma_start3A_203 = tpu.memref_squeeze %dma_start3A_202 : memref<1x1x40x64xi32, #tpu.memory_space<hbm>> -> memref<40x64xi32, #tpu.memory_space<hbm>>
      tpu.enqueue_dma source(%dma_start3A_203 : memref<40x64xi32, #tpu.memory_space<hbm>>) target(%arg8 : memref<40x64xi32, #tpu.memory_space<vmem>>) target_semaphore(%run_scoped3A_195 : memref<!tpu.dma_semaphore, #tpu.memory_space<semaphore_mem>>)
      %dma_wait3A_204 = arith.constant 0 : i32
      %dma_wait3A_205 = arith.constant 0 : i32
      %dma_wait3A_206 = tpu.memref_slice %arg3[%arg1, %run_scoped3A_18, %dma_wait3A_204, %dma_wait3A_205] : memref<16x4x40x64xi32, #tpu.memory_space<hbm>> -> memref<1x1x40x64xi32, #tpu.memory_space<hbm>>
      %dma_wait3A_207 = tpu.memref_squeeze %dma_wait3A_206 : memref<1x1x40x64xi32, #tpu.memory_space<hbm>> -> memref<40x64xi32, #tpu.memory_space<hbm>>
      %dma_wait3A_208 = arith.constant 0 : i32
      %dma_wait3A_209 = arith.constant 0 : i32
      %dma_wait3A_210 = tpu.memref_slice %arg3[%arg1, %run_scoped3A_18, %dma_wait3A_208, %dma_wait3A_209] : memref<16x4x40x64xi32, #tpu.memory_space<hbm>> -> memref<1x1x40x64xi32, #tpu.memory_space<hbm>>
      %dma_wait3A_211 = tpu.memref_squeeze %dma_wait3A_210 : memref<1x1x40x64xi32, #tpu.memory_space<hbm>> -> memref<40x64xi32, #tpu.memory_space<hbm>>
      tpu.wait_dma2 semaphore(%run_scoped3A_195 : memref<!tpu.dma_semaphore, #tpu.memory_space<semaphore_mem>>) src(%dma_wait3A_211 : memref<40x64xi32, #tpu.memory_space<hbm>>) dst(%arg8 : memref<40x64xi32, #tpu.memory_space<vmem>>)
      tpu.yield
    }) : () -> ()
    %dma_start3A = arith.constant 0 : i32
    %dma_start3A_19 = arith.constant 0 : i32
    %dma_start3A_20 = tpu.memref_slice %arg7[%dma_start3A, %dma_start3A_19] : memref<40x64xi32, #tpu.memory_space<vmem>> -> memref<1x64xi32, #tpu.memory_space<vmem>>
    %dma_start3A_21 = tpu.memref_squeeze %dma_start3A_20 : memref<1x64xi32, #tpu.memory_space<vmem>> -> memref<64xi32, #tpu.memory_space<vmem>>
    %dma_start3A_22 = arith.constant 0 : i32
    %dma_start3A_23 = arith.constant 0 : i32
    %dma_start3A_24 = tpu.memref_slice %arg4[%dma_start3A_22, %dma_start3A_23] : memref<20480x128xf32, #tpu.memory_space<hbm>> -> memref<20480x128xf32, #tpu.memory_space<hbm>>
    tpu.enqueue_indirect_dma source(%dma_start3A_24 : memref<20480x128xf32, #tpu.memory_space<hbm>>) target(%arg9 : memref<64x128xf32, #tpu.memory_space<vmem>>) offsets(%dma_start3A_21 : memref<64xi32, #tpu.memory_space<vmem>>) semaphore(%arg14 : memref<!tpu.dma_semaphore, #tpu.memory_space<semaphore_mem>>)
    %dma_start3A_25 = arith.constant 1 : i32
    %dma_start3A_26 = arith.constant 0 : i32
    %dma_start3A_27 = tpu.memref_slice %arg7[%dma_start3A_25, %dma_start3A_26] : memref<40x64xi32, #tpu.memory_space<vmem>> -> memref<1x64xi32, #tpu.memory_space<vmem>>
    %dma_start3A_28 = tpu.memref_squeeze %dma_start3A_27 : memref<1x64xi32, #tpu.memory_space<vmem>> -> memref<64xi32, #tpu.memory_space<vmem>>
    %dma_start3A_29 = arith.constant 0 : i32
    %dma_start3A_30 = arith.constant 0 : i32
    %dma_start3A_31 = tpu.memref_slice %arg4[%dma_start3A_29, %dma_start3A_30] : memref<20480x128xf32, #tpu.memory_space<hbm>> -> memref<20480x128xf32, #tpu.memory_space<hbm>>
    tpu.enqueue_indirect_dma source(%dma_start3A_31 : memref<20480x128xf32, #tpu.memory_space<hbm>>) target(%arg10 : memref<64x128xf32, #tpu.memory_space<vmem>>) offsets(%dma_start3A_28 : memref<64xi32, #tpu.memory_space<vmem>>) semaphore(%arg15 : memref<!tpu.dma_semaphore, #tpu.memory_space<semaphore_mem>>)
    %dma_start3A_32 = arith.constant 2 : i32
    %dma_start3A_33 = arith.constant 0 : i32
    %dma_start3A_34 = tpu.memref_slice %arg7[%dma_start3A_32, %dma_start3A_33] : memref<40x64xi32, #tpu.memory_space<vmem>> -> memref<1x64xi32, #tpu.memory_space<vmem>>
    %dma_start3A_35 = tpu.memref_squeeze %dma_start3A_34 : memref<1x64xi32, #tpu.memory_space<vmem>> -> memref<64xi32, #tpu.memory_space<vmem>>
    %dma_start3A_36 = arith.constant 0 : i32
    %dma_start3A_37 = arith.constant 0 : i32
    %dma_start3A_38 = tpu.memref_slice %arg4[%dma_start3A_36, %dma_start3A_37] : memref<20480x128xf32, #tpu.memory_space<hbm>> -> memref<20480x128xf32, #tpu.memory_space<hbm>>
    tpu.enqueue_indirect_dma source(%dma_start3A_38 : memref<20480x128xf32, #tpu.memory_space<hbm>>) target(%arg11 : memref<64x128xf32, #tpu.memory_space<vmem>>) offsets(%dma_start3A_35 : memref<64xi32, #tpu.memory_space<vmem>>) semaphore(%arg16 : memref<!tpu.dma_semaphore, #tpu.memory_space<semaphore_mem>>)
    %dma_start3A_39 = arith.constant 3 : i32
    %dma_start3A_40 = arith.constant 0 : i32
    %dma_start3A_41 = tpu.memref_slice %arg7[%dma_start3A_39, %dma_start3A_40] : memref<40x64xi32, #tpu.memory_space<vmem>> -> memref<1x64xi32, #tpu.memory_space<vmem>>
    %dma_start3A_42 = tpu.memref_squeeze %dma_start3A_41 : memref<1x64xi32, #tpu.memory_space<vmem>> -> memref<64xi32, #tpu.memory_space<vmem>>
    %dma_start3A_43 = arith.constant 0 : i32
    %dma_start3A_44 = arith.constant 0 : i32
    %dma_start3A_45 = tpu.memref_slice %arg4[%dma_start3A_43, %dma_start3A_44] : memref<20480x128xf32, #tpu.memory_space<hbm>> -> memref<20480x128xf32, #tpu.memory_space<hbm>>
    tpu.enqueue_indirect_dma source(%dma_start3A_45 : memref<20480x128xf32, #tpu.memory_space<hbm>>) target(%arg12 : memref<64x128xf32, #tpu.memory_space<vmem>>) offsets(%dma_start3A_42 : memref<64xi32, #tpu.memory_space<vmem>>) semaphore(%arg17 : memref<!tpu.dma_semaphore, #tpu.memory_space<semaphore_mem>>)
    %scan3A = arith.constant 0 : i32
    %scan3A_46 = arith.constant 0 : i32
    %scan3A_47 = arith.constant 10 : i32
    %scan3A_48 = arith.addi %scan3A_46, %scan3A_47 : i32
    %scan3A_49 = arith.constant 1 : i32
    %scan3A_50 = scf.for %scan3A_195 = %scan3A_46 to %scan3A_48 step %scan3A_49 iter_args(%scan3A_196 = %scan3A) -> (i32)  : i32 {
      %mul3A_197 = arith.constant 4 : i32
      %mul3A_198 = arith.muli %scan3A_195, %mul3A_197 : i32
      %add3A_199 = arith.constant 0 : i32
      %add3A_200 = arith.addi %mul3A_198, %add3A_199 : i32
      %dma_wait3A_201 = arith.constant 0 : i32
      %dma_wait3A_202 = arith.constant 0 : i32
      %dma_wait3A_203 = tpu.memref_slice %arg7[%dma_wait3A_201, %dma_wait3A_202] : memref<40x64xi32, #tpu.memory_space<vmem>> -> memref<1x64xi32, #tpu.memory_space<vmem>>
      %dma_wait3A_204 = tpu.memref_squeeze %dma_wait3A_203 : memref<1x64xi32, #tpu.memory_space<vmem>> -> memref<64xi32, #tpu.memory_space<vmem>>
      %dma_wait3A_205 = arith.constant 0 : i32
      %dma_wait3A_206 = arith.constant 0 : i32
      %dma_wait3A_207 = tpu.memref_slice %arg4[%dma_wait3A_205, %dma_wait3A_206] : memref<20480x128xf32, #tpu.memory_space<hbm>> -> memref<20480x128xf32, #tpu.memory_space<hbm>>
      tpu.wait_indirect_dma semaphore(%arg14 : memref<!tpu.dma_semaphore, #tpu.memory_space<semaphore_mem>>) src(%dma_wait3A_207 : memref<20480x128xf32, #tpu.memory_space<hbm>>) dst(%arg9 : memref<64x128xf32, #tpu.memory_space<vmem>>)
      %dma_start3A_208 = arith.constant 0 : i32
      %dma_start3A_209 = tpu.memref_slice %arg8[%add3A_200, %dma_start3A_208] : memref<40x64xi32, #tpu.memory_space<vmem>> -> memref<1x64xi32, #tpu.memory_space<vmem>>
      %dma_start3A_210 = tpu.memref_squeeze %dma_start3A_209 : memref<1x64xi32, #tpu.memory_space<vmem>> -> memref<64xi32, #tpu.memory_space<vmem>>
      %dma_start3A_211 = arith.constant 0 : i32
      %dma_start3A_212 = arith.constant 0 : i32
      %dma_start3A_213 = tpu.memref_slice %arg13[%dma_start3A_211, %dma_start3A_212] : memref<10240x128xf32, #tpu.memory_space<vmem_shared>> -> memref<10240x128xf32, #tpu.memory_space<vmem_shared>>
      tpu.enqueue_indirect_dma source(%arg9 : memref<64x128xf32, #tpu.memory_space<vmem>>) target(%dma_start3A_213 : memref<10240x128xf32, #tpu.memory_space<vmem_shared>>) offsets(%dma_start3A_210 : memref<64xi32, #tpu.memory_space<vmem>>) semaphore(%arg18 : memref<!tpu.dma_semaphore, #tpu.memory_space<semaphore_mem>>) {add = true}
      %ge3A = arith.constant 1 : i32
      %ge3A_214 = arith.cmpi sge, %add3A_200, %ge3A : i32
      %convert_element_type3A = arith.extui %ge3A_214 : i1 to i32
      %cond3A = arith.constant 0 : i32
      %cond3A_215 = arith.cmpi ne, %convert_element_type3A, %cond3A : i32
      scf.if %cond3A_215 {
        %dma_wait3A_283 = arith.constant 0 : i32
        %dma_wait3A_284 = arith.constant 0 : i32
        %dma_wait3A_285 = tpu.memref_slice %arg8[%dma_wait3A_283, %dma_wait3A_284] : memref<40x64xi32, #tpu.memory_space<vmem>> -> memref<1x64xi32, #tpu.memory_space<vmem>>
        %dma_wait3A_286 = tpu.memref_squeeze %dma_wait3A_285 : memref<1x64xi32, #tpu.memory_space<vmem>> -> memref<64xi32, #tpu.memory_space<vmem>>
        %dma_wait3A_287 = arith.constant 0 : i32
        %dma_wait3A_288 = arith.constant 0 : i32
        %dma_wait3A_289 = tpu.memref_slice %arg13[%dma_wait3A_287, %dma_wait3A_288] : memref<10240x128xf32, #tpu.memory_space<vmem_shared>> -> memref<10240x128xf32, #tpu.memory_space<vmem_shared>>
        tpu.wait_indirect_dma semaphore(%arg21 : memref<!tpu.dma_semaphore, #tpu.memory_space<semaphore_mem>>) src(%arg12 : memref<64x128xf32, #tpu.memory_space<vmem>>) dst(%dma_wait3A_289 : memref<10240x128xf32, #tpu.memory_space<vmem_shared>>)
        %sub3A = arith.constant 1 : i32
        %sub3A_290 = arith.subi %add3A_200, %sub3A : i32
        %add3A_291 = arith.constant 4 : i32
        %add3A_292 = arith.addi %sub3A_290, %add3A_291 : i32
        %lt3A = arith.constant 40 : i32
        %lt3A_293 = arith.cmpi slt, %add3A_292, %lt3A : i32
        %convert_element_type3A_294 = arith.extui %lt3A_293 : i1 to i32
        %cond3A_295 = arith.constant 0 : i32
        %cond3A_296 = arith.cmpi ne, %convert_element_type3A_294, %cond3A_295 : i32
        scf.if %cond3A_296 {
          %dma_start3A_297 = arith.constant 0 : i32
          %dma_start3A_298 = tpu.memref_slice %arg7[%add3A_292, %dma_start3A_297] : memref<40x64xi32, #tpu.memory_space<vmem>> -> memref<1x64xi32, #tpu.memory_space<vmem>>
          %dma_start3A_299 = tpu.memref_squeeze %dma_start3A_298 : memref<1x64xi32, #tpu.memory_space<vmem>> -> memref<64xi32, #tpu.memory_space<vmem>>
          %dma_start3A_300 = arith.constant 0 : i32
          %dma_start3A_301 = arith.constant 0 : i32
          %dma_start3A_302 = tpu.memref_slice %arg4[%dma_start3A_300, %dma_start3A_301] : memref<20480x128xf32, #tpu.memory_space<hbm>> -> memref<20480x128xf32, #tpu.memory_space<hbm>>
          tpu.enqueue_indirect_dma source(%dma_start3A_302 : memref<20480x128xf32, #tpu.memory_space<hbm>>) target(%arg12 : memref<64x128xf32, #tpu.memory_space<vmem>>) offsets(%dma_start3A_299 : memref<64xi32, #tpu.memory_space<vmem>>) semaphore(%arg17 : memref<!tpu.dma_semaphore, #tpu.memory_space<semaphore_mem>>)
        } else {
        }
      } else {
      }
      %mul3A_216 = arith.constant 4 : i32
      %mul3A_217 = arith.muli %scan3A_195, %mul3A_216 : i32
      %add3A_218 = arith.constant 1 : i32
      %add3A_219 = arith.addi %mul3A_217, %add3A_218 : i32
      %dma_wait3A_220 = arith.constant 0 : i32
      %dma_wait3A_221 = arith.constant 0 : i32
      %dma_wait3A_222 = tpu.memref_slice %arg7[%dma_wait3A_220, %dma_wait3A_221] : memref<40x64xi32, #tpu.memory_space<vmem>> -> memref<1x64xi32, #tpu.memory_space<vmem>>
      %dma_wait3A_223 = tpu.memref_squeeze %dma_wait3A_222 : memref<1x64xi32, #tpu.memory_space<vmem>> -> memref<64xi32, #tpu.memory_space<vmem>>
      %dma_wait3A_224 = arith.constant 0 : i32
      %dma_wait3A_225 = arith.constant 0 : i32
      %dma_wait3A_226 = tpu.memref_slice %arg4[%dma_wait3A_224, %dma_wait3A_225] : memref<20480x128xf32, #tpu.memory_space<hbm>> -> memref<20480x128xf32, #tpu.memory_space<hbm>>
      tpu.wait_indirect_dma semaphore(%arg15 : memref<!tpu.dma_semaphore, #tpu.memory_space<semaphore_mem>>) src(%dma_wait3A_226 : memref<20480x128xf32, #tpu.memory_space<hbm>>) dst(%arg10 : memref<64x128xf32, #tpu.memory_space<vmem>>)
      %dma_start3A_227 = arith.constant 0 : i32
      %dma_start3A_228 = tpu.memref_slice %arg8[%add3A_219, %dma_start3A_227] : memref<40x64xi32, #tpu.memory_space<vmem>> -> memref<1x64xi32, #tpu.memory_space<vmem>>
      %dma_start3A_229 = tpu.memref_squeeze %dma_start3A_228 : memref<1x64xi32, #tpu.memory_space<vmem>> -> memref<64xi32, #tpu.memory_space<vmem>>
      %dma_start3A_230 = arith.constant 0 : i32
      %dma_start3A_231 = arith.constant 0 : i32
      %dma_start3A_232 = tpu.memref_slice %arg13[%dma_start3A_230, %dma_start3A_231] : memref<10240x128xf32, #tpu.memory_space<vmem_shared>> -> memref<10240x128xf32, #tpu.memory_space<vmem_shared>>
      tpu.enqueue_indirect_dma source(%arg10 : memref<64x128xf32, #tpu.memory_space<vmem>>) target(%dma_start3A_232 : memref<10240x128xf32, #tpu.memory_space<vmem_shared>>) offsets(%dma_start3A_229 : memref<64xi32, #tpu.memory_space<vmem>>) semaphore(%arg19 : memref<!tpu.dma_semaphore, #tpu.memory_space<semaphore_mem>>) {add = true}
      %ge3A_233 = arith.constant 1 : i32
      %ge3A_234 = arith.cmpi sge, %add3A_219, %ge3A_233 : i32
      %convert_element_type3A_235 = arith.extui %ge3A_234 : i1 to i32
      %cond3A_236 = arith.constant 0 : i32
      %cond3A_237 = arith.cmpi ne, %convert_element_type3A_235, %cond3A_236 : i32
      scf.if %cond3A_237 {
        %dma_wait3A_283 = arith.constant 0 : i32
        %dma_wait3A_284 = arith.constant 0 : i32
        %dma_wait3A_285 = tpu.memref_slice %arg8[%dma_wait3A_283, %dma_wait3A_284] : memref<40x64xi32, #tpu.memory_space<vmem>> -> memref<1x64xi32, #tpu.memory_space<vmem>>
        %dma_wait3A_286 = tpu.memref_squeeze %dma_wait3A_285 : memref<1x64xi32, #tpu.memory_space<vmem>> -> memref<64xi32, #tpu.memory_space<vmem>>
        %dma_wait3A_287 = arith.constant 0 : i32
        %dma_wait3A_288 = arith.constant 0 : i32
        %dma_wait3A_289 = tpu.memref_slice %arg13[%dma_wait3A_287, %dma_wait3A_288] : memref<10240x128xf32, #tpu.memory_space<vmem_shared>> -> memref<10240x128xf32, #tpu.memory_space<vmem_shared>>
        tpu.wait_indirect_dma semaphore(%arg18 : memref<!tpu.dma_semaphore, #tpu.memory_space<semaphore_mem>>) src(%arg9 : memref<64x128xf32, #tpu.memory_space<vmem>>) dst(%dma_wait3A_289 : memref<10240x128xf32, #tpu.memory_space<vmem_shared>>)
        %sub3A = arith.constant 1 : i32
        %sub3A_290 = arith.subi %add3A_219, %sub3A : i32
        %add3A_291 = arith.constant 4 : i32
        %add3A_292 = arith.addi %sub3A_290, %add3A_291 : i32
        %lt3A = arith.constant 40 : i32
        %lt3A_293 = arith.cmpi slt, %add3A_292, %lt3A : i32
        %convert_element_type3A_294 = arith.extui %lt3A_293 : i1 to i32
        %cond3A_295 = arith.constant 0 : i32
        %cond3A_296 = arith.cmpi ne, %convert_element_type3A_294, %cond3A_295 : i32
        scf.if %cond3A_296 {
          %dma_start3A_297 = arith.constant 0 : i32
          %dma_start3A_298 = tpu.memref_slice %arg7[%add3A_292, %dma_start3A_297] : memref<40x64xi32, #tpu.memory_space<vmem>> -> memref<1x64xi32, #tpu.memory_space<vmem>>
          %dma_start3A_299 = tpu.memref_squeeze %dma_start3A_298 : memref<1x64xi32, #tpu.memory_space<vmem>> -> memref<64xi32, #tpu.memory_space<vmem>>
          %dma_start3A_300 = arith.constant 0 : i32
          %dma_start3A_301 = arith.constant 0 : i32
          %dma_start3A_302 = tpu.memref_slice %arg4[%dma_start3A_300, %dma_start3A_301] : memref<20480x128xf32, #tpu.memory_space<hbm>> -> memref<20480x128xf32, #tpu.memory_space<hbm>>
          tpu.enqueue_indirect_dma source(%dma_start3A_302 : memref<20480x128xf32, #tpu.memory_space<hbm>>) target(%arg9 : memref<64x128xf32, #tpu.memory_space<vmem>>) offsets(%dma_start3A_299 : memref<64xi32, #tpu.memory_space<vmem>>) semaphore(%arg14 : memref<!tpu.dma_semaphore, #tpu.memory_space<semaphore_mem>>)
        } else {
        }
      } else {
      }
      %mul3A_238 = arith.constant 4 : i32
      %mul3A_239 = arith.muli %scan3A_195, %mul3A_238 : i32
      %add3A_240 = arith.constant 2 : i32
      %add3A_241 = arith.addi %mul3A_239, %add3A_240 : i32
      %dma_wait3A_242 = arith.constant 0 : i32
      %dma_wait3A_243 = arith.constant 0 : i32
      %dma_wait3A_244 = tpu.memref_slice %arg7[%dma_wait3A_242, %dma_wait3A_243] : memref<40x64xi32, #tpu.memory_space<vmem>> -> memref<1x64xi32, #tpu.memory_space<vmem>>
      %dma_wait3A_245 = tpu.memref_squeeze %dma_wait3A_244 : memref<1x64xi32, #tpu.memory_space<vmem>> -> memref<64xi32, #tpu.memory_space<vmem>>
      %dma_wait3A_246 = arith.constant 0 : i32
      %dma_wait3A_247 = arith.constant 0 : i32
      %dma_wait3A_248 = tpu.memref_slice %arg4[%dma_wait3A_246, %dma_wait3A_247] : memref<20480x128xf32, #tpu.memory_space<hbm>> -> memref<20480x128xf32, #tpu.memory_space<hbm>>
      tpu.wait_indirect_dma semaphore(%arg16 : memref<!tpu.dma_semaphore, #tpu.memory_space<semaphore_mem>>) src(%dma_wait3A_248 : memref<20480x128xf32, #tpu.memory_space<hbm>>) dst(%arg11 : memref<64x128xf32, #tpu.memory_space<vmem>>)
      %dma_start3A_249 = arith.constant 0 : i32
      %dma_start3A_250 = tpu.memref_slice %arg8[%add3A_241, %dma_start3A_249] : memref<40x64xi32, #tpu.memory_space<vmem>> -> memref<1x64xi32, #tpu.memory_space<vmem>>
      %dma_start3A_251 = tpu.memref_squeeze %dma_start3A_250 : memref<1x64xi32, #tpu.memory_space<vmem>> -> memref<64xi32, #tpu.memory_space<vmem>>
      %dma_start3A_252 = arith.constant 0 : i32
      %dma_start3A_253 = arith.constant 0 : i32
      %dma_start3A_254 = tpu.memref_slice %arg13[%dma_start3A_252, %dma_start3A_253] : memref<10240x128xf32, #tpu.memory_space<vmem_shared>> -> memref<10240x128xf32, #tpu.memory_space<vmem_shared>>
      tpu.enqueue_indirect_dma source(%arg11 : memref<64x128xf32, #tpu.memory_space<vmem>>) target(%dma_start3A_254 : memref<10240x128xf32, #tpu.memory_space<vmem_shared>>) offsets(%dma_start3A_251 : memref<64xi32, #tpu.memory_space<vmem>>) semaphore(%arg20 : memref<!tpu.dma_semaphore, #tpu.memory_space<semaphore_mem>>) {add = true}
      %ge3A_255 = arith.constant 1 : i32
      %ge3A_256 = arith.cmpi sge, %add3A_241, %ge3A_255 : i32
      %convert_element_type3A_257 = arith.extui %ge3A_256 : i1 to i32
      %cond3A_258 = arith.constant 0 : i32
      %cond3A_259 = arith.cmpi ne, %convert_element_type3A_257, %cond3A_258 : i32
      scf.if %cond3A_259 {
        %dma_wait3A_283 = arith.constant 0 : i32
        %dma_wait3A_284 = arith.constant 0 : i32
        %dma_wait3A_285 = tpu.memref_slice %arg8[%dma_wait3A_283, %dma_wait3A_284] : memref<40x64xi32, #tpu.memory_space<vmem>> -> memref<1x64xi32, #tpu.memory_space<vmem>>
        %dma_wait3A_286 = tpu.memref_squeeze %dma_wait3A_285 : memref<1x64xi32, #tpu.memory_space<vmem>> -> memref<64xi32, #tpu.memory_space<vmem>>
        %dma_wait3A_287 = arith.constant 0 : i32
        %dma_wait3A_288 = arith.constant 0 : i32
        %dma_wait3A_289 = tpu.memref_slice %arg13[%dma_wait3A_287, %dma_wait3A_288] : memref<10240x128xf32, #tpu.memory_space<vmem_shared>> -> memref<10240x128xf32, #tpu.memory_space<vmem_shared>>
        tpu.wait_indirect_dma semaphore(%arg19 : memref<!tpu.dma_semaphore, #tpu.memory_space<semaphore_mem>>) src(%arg10 : memref<64x128xf32, #tpu.memory_space<vmem>>) dst(%dma_wait3A_289 : memref<10240x128xf32, #tpu.memory_space<vmem_shared>>)
        %sub3A = arith.constant 1 : i32
        %sub3A_290 = arith.subi %add3A_241, %sub3A : i32
        %add3A_291 = arith.constant 4 : i32
        %add3A_292 = arith.addi %sub3A_290, %add3A_291 : i32
        %lt3A = arith.constant 40 : i32
        %lt3A_293 = arith.cmpi slt, %add3A_292, %lt3A : i32
        %convert_element_type3A_294 = arith.extui %lt3A_293 : i1 to i32
        %cond3A_295 = arith.constant 0 : i32
        %cond3A_296 = arith.cmpi ne, %convert_element_type3A_294, %cond3A_295 : i32
        scf.if %cond3A_296 {
          %dma_start3A_297 = arith.constant 0 : i32
          %dma_start3A_298 = tpu.memref_slice %arg7[%add3A_292, %dma_start3A_297] : memref<40x64xi32, #tpu.memory_space<vmem>> -> memref<1x64xi32, #tpu.memory_space<vmem>>
          %dma_start3A_299 = tpu.memref_squeeze %dma_start3A_298 : memref<1x64xi32, #tpu.memory_space<vmem>> -> memref<64xi32, #tpu.memory_space<vmem>>
          %dma_start3A_300 = arith.constant 0 : i32
          %dma_start3A_301 = arith.constant 0 : i32
          %dma_start3A_302 = tpu.memref_slice %arg4[%dma_start3A_300, %dma_start3A_301] : memref<20480x128xf32, #tpu.memory_space<hbm>> -> memref<20480x128xf32, #tpu.memory_space<hbm>>
          tpu.enqueue_indirect_dma source(%dma_start3A_302 : memref<20480x128xf32, #tpu.memory_space<hbm>>) target(%arg10 : memref<64x128xf32, #tpu.memory_space<vmem>>) offsets(%dma_start3A_299 : memref<64xi32, #tpu.memory_space<vmem>>) semaphore(%arg15 : memref<!tpu.dma_semaphore, #tpu.memory_space<semaphore_mem>>)
        } else {
        }
      } else {
      }
      %mul3A_260 = arith.constant 4 : i32
      %mul3A_261 = arith.muli %scan3A_195, %mul3A_260 : i32
      %add3A_262 = arith.constant 3 : i32
      %add3A_263 = arith.addi %mul3A_261, %add3A_262 : i32
      %dma_wait3A_264 = arith.constant 0 : i32
      %dma_wait3A_265 = arith.constant 0 : i32
      %dma_wait3A_266 = tpu.memref_slice %arg7[%dma_wait3A_264, %dma_wait3A_265] : memref<40x64xi32, #tpu.memory_space<vmem>> -> memref<1x64xi32, #tpu.memory_space<vmem>>
      %dma_wait3A_267 = tpu.memref_squeeze %dma_wait3A_266 : memref<1x64xi32, #tpu.memory_space<vmem>> -> memref<64xi32, #tpu.memory_space<vmem>>
      %dma_wait3A_268 = arith.constant 0 : i32
      %dma_wait3A_269 = arith.constant 0 : i32
      %dma_wait3A_270 = tpu.memref_slice %arg4[%dma_wait3A_268, %dma_wait3A_269] : memref<20480x128xf32, #tpu.memory_space<hbm>> -> memref<20480x128xf32, #tpu.memory_space<hbm>>
      tpu.wait_indirect_dma semaphore(%arg17 : memref<!tpu.dma_semaphore, #tpu.memory_space<semaphore_mem>>) src(%dma_wait3A_270 : memref<20480x128xf32, #tpu.memory_space<hbm>>) dst(%arg12 : memref<64x128xf32, #tpu.memory_space<vmem>>)
      %dma_start3A_271 = arith.constant 0 : i32
      %dma_start3A_272 = tpu.memref_slice %arg8[%add3A_263, %dma_start3A_271] : memref<40x64xi32, #tpu.memory_space<vmem>> -> memref<1x64xi32, #tpu.memory_space<vmem>>
      %dma_start3A_273 = tpu.memref_squeeze %dma_start3A_272 : memref<1x64xi32, #tpu.memory_space<vmem>> -> memref<64xi32, #tpu.memory_space<vmem>>
      %dma_start3A_274 = arith.constant 0 : i32
      %dma_start3A_275 = arith.constant 0 : i32
      %dma_start3A_276 = tpu.memref_slice %arg13[%dma_start3A_274, %dma_start3A_275] : memref<10240x128xf32, #tpu.memory_space<vmem_shared>> -> memref<10240x128xf32, #tpu.memory_space<vmem_shared>>
      tpu.enqueue_indirect_dma source(%arg12 : memref<64x128xf32, #tpu.memory_space<vmem>>) target(%dma_start3A_276 : memref<10240x128xf32, #tpu.memory_space<vmem_shared>>) offsets(%dma_start3A_273 : memref<64xi32, #tpu.memory_space<vmem>>) semaphore(%arg21 : memref<!tpu.dma_semaphore, #tpu.memory_space<semaphore_mem>>) {add = true}
      %ge3A_277 = arith.constant 1 : i32
      %ge3A_278 = arith.cmpi sge, %add3A_263, %ge3A_277 : i32
      %convert_element_type3A_279 = arith.extui %ge3A_278 : i1 to i32
      %cond3A_280 = arith.constant 0 : i32
      %cond3A_281 = arith.cmpi ne, %convert_element_type3A_279, %cond3A_280 : i32
      scf.if %cond3A_281 {
        %dma_wait3A_283 = arith.constant 0 : i32
        %dma_wait3A_284 = arith.constant 0 : i32
        %dma_wait3A_285 = tpu.memref_slice %arg8[%dma_wait3A_283, %dma_wait3A_284] : memref<40x64xi32, #tpu.memory_space<vmem>> -> memref<1x64xi32, #tpu.memory_space<vmem>>
        %dma_wait3A_286 = tpu.memref_squeeze %dma_wait3A_285 : memref<1x64xi32, #tpu.memory_space<vmem>> -> memref<64xi32, #tpu.memory_space<vmem>>
        %dma_wait3A_287 = arith.constant 0 : i32
        %dma_wait3A_288 = arith.constant 0 : i32
        %dma_wait3A_289 = tpu.memref_slice %arg13[%dma_wait3A_287, %dma_wait3A_288] : memref<10240x128xf32, #tpu.memory_space<vmem_shared>> -> memref<10240x128xf32, #tpu.memory_space<vmem_shared>>
        tpu.wait_indirect_dma semaphore(%arg20 : memref<!tpu.dma_semaphore, #tpu.memory_space<semaphore_mem>>) src(%arg11 : memref<64x128xf32, #tpu.memory_space<vmem>>) dst(%dma_wait3A_289 : memref<10240x128xf32, #tpu.memory_space<vmem_shared>>)
        %sub3A = arith.constant 1 : i32
        %sub3A_290 = arith.subi %add3A_263, %sub3A : i32
        %add3A_291 = arith.constant 4 : i32
        %add3A_292 = arith.addi %sub3A_290, %add3A_291 : i32
        %lt3A = arith.constant 40 : i32
        %lt3A_293 = arith.cmpi slt, %add3A_292, %lt3A : i32
        %convert_element_type3A_294 = arith.extui %lt3A_293 : i1 to i32
        %cond3A_295 = arith.constant 0 : i32
        %cond3A_296 = arith.cmpi ne, %convert_element_type3A_294, %cond3A_295 : i32
        scf.if %cond3A_296 {
          %dma_start3A_297 = arith.constant 0 : i32
          %dma_start3A_298 = tpu.memref_slice %arg7[%add3A_292, %dma_start3A_297] : memref<40x64xi32, #tpu.memory_space<vmem>> -> memref<1x64xi32, #tpu.memory_space<vmem>>
          %dma_start3A_299 = tpu.memref_squeeze %dma_start3A_298 : memref<1x64xi32, #tpu.memory_space<vmem>> -> memref<64xi32, #tpu.memory_space<vmem>>
          %dma_start3A_300 = arith.constant 0 : i32
          %dma_start3A_301 = arith.constant 0 : i32
          %dma_start3A_302 = tpu.memref_slice %arg4[%dma_start3A_300, %dma_start3A_301] : memref<20480x128xf32, #tpu.memory_space<hbm>> -> memref<20480x128xf32, #tpu.memory_space<hbm>>
          tpu.enqueue_indirect_dma source(%dma_start3A_302 : memref<20480x128xf32, #tpu.memory_space<hbm>>) target(%arg11 : memref<64x128xf32, #tpu.memory_space<vmem>>) offsets(%dma_start3A_299 : memref<64xi32, #tpu.memory_space<vmem>>) semaphore(%arg16 : memref<!tpu.dma_semaphore, #tpu.memory_space<semaphore_mem>>)
        } else {
        }
      } else {
      }
      %scan3A_282 = arith.constant 0 : i32
      scf.yield %scan3A_282 : i32
    }
    %scan3A_51 = arith.constant 10 : i32
    %dma_wait3A = arith.constant 0 : i32
    %dma_wait3A_52 = arith.constant 0 : i32
    %dma_wait3A_53 = tpu.memref_slice %arg8[%dma_wait3A, %dma_wait3A_52] : memref<40x64xi32, #tpu.memory_space<vmem>> -> memref<1x64xi32, #tpu.memory_space<vmem>>
    %dma_wait3A_54 = tpu.memref_squeeze %dma_wait3A_53 : memref<1x64xi32, #tpu.memory_space<vmem>> -> memref<64xi32, #tpu.memory_space<vmem>>
    %dma_wait3A_55 = arith.constant 0 : i32
    %dma_wait3A_56 = arith.constant 0 : i32
    %dma_wait3A_57 = tpu.memref_slice %arg13[%dma_wait3A_55, %dma_wait3A_56] : memref<10240x128xf32, #tpu.memory_space<vmem_shared>> -> memref<10240x128xf32, #tpu.memory_space<vmem_shared>>
    tpu.wait_indirect_dma semaphore(%arg21 : memref<!tpu.dma_semaphore, #tpu.memory_space<semaphore_mem>>) src(%arg12 : memref<64x128xf32, #tpu.memory_space<vmem>>) dst(%dma_wait3A_57 : memref<10240x128xf32, #tpu.memory_space<vmem_shared>>)
    %run_scoped3A_58 = arith.constant 1 : i32
    "tpu.region"() ({
      %run_scoped3A_195 = tpu.sem_alloc : memref<!tpu.dma_semaphore, #tpu.memory_space<semaphore_mem>>
      %dma_start3A_196 = arith.constant 0 : i32
      %dma_start3A_197 = arith.constant 0 : i32
      %dma_start3A_198 = tpu.memref_slice %arg2[%arg0, %arg1, %run_scoped3A_58, %dma_start3A_196, %dma_start3A_197] : memref<2x16x4x40x64xi32, #tpu.memory_space<hbm>> -> memref<1x1x1x40x64xi32, #tpu.memory_space<hbm>>
      %dma_start3A_199 = tpu.memref_squeeze %dma_start3A_198 : memref<1x1x1x40x64xi32, #tpu.memory_space<hbm>> -> memref<40x64xi32, #tpu.memory_space<hbm>>
      %dma_start3A_200 = arith.constant 0 : i32
      %dma_start3A_201 = arith.constant 0 : i32
      %dma_start3A_202 = tpu.memref_slice %arg2[%arg0, %arg1, %run_scoped3A_58, %dma_start3A_200, %dma_start3A_201] : memref<2x16x4x40x64xi32, #tpu.memory_space<hbm>> -> memref<1x1x1x40x64xi32, #tpu.memory_space<hbm>>
      %dma_start3A_203 = tpu.memref_squeeze %dma_start3A_202 : memref<1x1x1x40x64xi32, #tpu.memory_space<hbm>> -> memref<40x64xi32, #tpu.memory_space<hbm>>
      tpu.enqueue_dma source(%dma_start3A_203 : memref<40x64xi32, #tpu.memory_space<hbm>>) target(%arg7 : memref<40x64xi32, #tpu.memory_space<vmem>>) target_semaphore(%run_scoped3A_195 : memref<!tpu.dma_semaphore, #tpu.memory_space<semaphore_mem>>)
      %dma_wait3A_204 = arith.constant 0 : i32
      %dma_wait3A_205 = arith.constant 0 : i32
      %dma_wait3A_206 = tpu.memref_slice %arg2[%arg0, %arg1, %run_scoped3A_58, %dma_wait3A_204, %dma_wait3A_205] : memref<2x16x4x40x64xi32, #tpu.memory_space<hbm>> -> memref<1x1x1x40x64xi32, #tpu.memory_space<hbm>>
      %dma_wait3A_207 = tpu.memref_squeeze %dma_wait3A_206 : memref<1x1x1x40x64xi32, #tpu.memory_space<hbm>> -> memref<40x64xi32, #tpu.memory_space<hbm>>
      %dma_wait3A_208 = arith.constant 0 : i32
      %dma_wait3A_209 = arith.constant 0 : i32
      %dma_wait3A_210 = tpu.memref_slice %arg2[%arg0, %arg1, %run_scoped3A_58, %dma_wait3A_208, %dma_wait3A_209] : memref<2x16x4x40x64xi32, #tpu.memory_space<hbm>> -> memref<1x1x1x40x64xi32, #tpu.memory_space<hbm>>
      %dma_wait3A_211 = tpu.memref_squeeze %dma_wait3A_210 : memref<1x1x1x40x64xi32, #tpu.memory_space<hbm>> -> memref<40x64xi32, #tpu.memory_space<hbm>>
      tpu.wait_dma2 semaphore(%run_scoped3A_195 : memref<!tpu.dma_semaphore, #tpu.memory_space<semaphore_mem>>) src(%dma_wait3A_211 : memref<40x64xi32, #tpu.memory_space<hbm>>) dst(%arg7 : memref<40x64xi32, #tpu.memory_space<vmem>>)
      tpu.yield
    }) : () -> ()
    %run_scoped3A_59 = arith.constant 1 : i32
    "tpu.region"() ({
      %run_scoped3A_195 = tpu.sem_alloc : memref<!tpu.dma_semaphore, #tpu.memory_space<semaphore_mem>>
      %dma_start3A_196 = arith.constant 0 : i32
      %dma_start3A_197 = arith.constant 0 : i32
      %dma_start3A_198 = tpu.memref_slice %arg3[%arg1, %run_scoped3A_59, %dma_start3A_196, %dma_start3A_197] : memref<16x4x40x64xi32, #tpu.memory_space<hbm>> -> memref<1x1x40x64xi32, #tpu.memory_space<hbm>>
      %dma_start3A_199 = tpu.memref_squeeze %dma_start3A_198 : memref<1x1x40x64xi32, #tpu.memory_space<hbm>> -> memref<40x64xi32, #tpu.memory_space<hbm>>
      %dma_start3A_200 = arith.constant 0 : i32
      %dma_start3A_201 = arith.constant 0 : i32
      %dma_start3A_202 = tpu.memref_slice %arg3[%arg1, %run_scoped3A_59, %dma_start3A_200, %dma_start3A_201] : memref<16x4x40x64xi32, #tpu.memory_space<hbm>> -> memref<1x1x40x64xi32, #tpu.memory_space<hbm>>
      %dma_start3A_203 = tpu.memref_squeeze %dma_start3A_202 : memref<1x1x40x64xi32, #tpu.memory_space<hbm>> -> memref<40x64xi32, #tpu.memory_space<hbm>>
      tpu.enqueue_dma source(%dma_start3A_203 : memref<40x64xi32, #tpu.memory_space<hbm>>) target(%arg8 : memref<40x64xi32, #tpu.memory_space<vmem>>) target_semaphore(%run_scoped3A_195 : memref<!tpu.dma_semaphore, #tpu.memory_space<semaphore_mem>>)
      %dma_wait3A_204 = arith.constant 0 : i32
      %dma_wait3A_205 = arith.constant 0 : i32
      %dma_wait3A_206 = tpu.memref_slice %arg3[%arg1, %run_scoped3A_59, %dma_wait3A_204, %dma_wait3A_205] : memref<16x4x40x64xi32, #tpu.memory_space<hbm>> -> memref<1x1x40x64xi32, #tpu.memory_space<hbm>>
      %dma_wait3A_207 = tpu.memref_squeeze %dma_wait3A_206 : memref<1x1x40x64xi32, #tpu.memory_space<hbm>> -> memref<40x64xi32, #tpu.memory_space<hbm>>
      %dma_wait3A_208 = arith.constant 0 : i32
      %dma_wait3A_209 = arith.constant 0 : i32
      %dma_wait3A_210 = tpu.memref_slice %arg3[%arg1, %run_scoped3A_59, %dma_wait3A_208, %dma_wait3A_209] : memref<16x4x40x64xi32, #tpu.memory_space<hbm>> -> memref<1x1x40x64xi32, #tpu.memory_space<hbm>>
      %dma_wait3A_211 = tpu.memref_squeeze %dma_wait3A_210 : memref<1x1x40x64xi32, #tpu.memory_space<hbm>> -> memref<40x64xi32, #tpu.memory_space<hbm>>
      tpu.wait_dma2 semaphore(%run_scoped3A_195 : memref<!tpu.dma_semaphore, #tpu.memory_space<semaphore_mem>>) src(%dma_wait3A_211 : memref<40x64xi32, #tpu.memory_space<hbm>>) dst(%arg8 : memref<40x64xi32, #tpu.memory_space<vmem>>)
      tpu.yield
    }) : () -> ()
    %dma_start3A_60 = arith.constant 0 : i32
    %dma_start3A_61 = arith.constant 0 : i32
    %dma_start3A_62 = tpu.memref_slice %arg7[%dma_start3A_60, %dma_start3A_61] : memref<40x64xi32, #tpu.memory_space<vmem>> -> memref<1x64xi32, #tpu.memory_space<vmem>>
    %dma_start3A_63 = tpu.memref_squeeze %dma_start3A_62 : memref<1x64xi32, #tpu.memory_space<vmem>> -> memref<64xi32, #tpu.memory_space<vmem>>
    %dma_start3A_64 = arith.constant 0 : i32
    %dma_start3A_65 = arith.constant 0 : i32
    %dma_start3A_66 = tpu.memref_slice %arg4[%dma_start3A_64, %dma_start3A_65] : memref<20480x128xf32, #tpu.memory_space<hbm>> -> memref<20480x128xf32, #tpu.memory_space<hbm>>
    tpu.enqueue_indirect_dma source(%dma_start3A_66 : memref<20480x128xf32, #tpu.memory_space<hbm>>) target(%arg9 : memref<64x128xf32, #tpu.memory_space<vmem>>) offsets(%dma_start3A_63 : memref<64xi32, #tpu.memory_space<vmem>>) semaphore(%arg14 : memref<!tpu.dma_semaphore, #tpu.memory_space<semaphore_mem>>)
    %dma_start3A_67 = arith.constant 1 : i32
    %dma_start3A_68 = arith.constant 0 : i32
    %dma_start3A_69 = tpu.memref_slice %arg7[%dma_start3A_67, %dma_start3A_68] : memref<40x64xi32, #tpu.memory_space<vmem>> -> memref<1x64xi32, #tpu.memory_space<vmem>>
    %dma_start3A_70 = tpu.memref_squeeze %dma_start3A_69 : memref<1x64xi32, #tpu.memory_space<vmem>> -> memref<64xi32, #tpu.memory_space<vmem>>
    %dma_start3A_71 = arith.constant 0 : i32
    %dma_start3A_72 = arith.constant 0 : i32
    %dma_start3A_73 = tpu.memref_slice %arg4[%dma_start3A_71, %dma_start3A_72] : memref<20480x128xf32, #tpu.memory_space<hbm>> -> memref<20480x128xf32, #tpu.memory_space<hbm>>
    tpu.enqueue_indirect_dma source(%dma_start3A_73 : memref<20480x128xf32, #tpu.memory_space<hbm>>) target(%arg10 : memref<64x128xf32, #tpu.memory_space<vmem>>) offsets(%dma_start3A_70 : memref<64xi32, #tpu.memory_space<vmem>>) semaphore(%arg15 : memref<!tpu.dma_semaphore, #tpu.memory_space<semaphore_mem>>)
    %dma_start3A_74 = arith.constant 2 : i32
    %dma_start3A_75 = arith.constant 0 : i32
    %dma_start3A_76 = tpu.memref_slice %arg7[%dma_start3A_74, %dma_start3A_75] : memref<40x64xi32, #tpu.memory_space<vmem>> -> memref<1x64xi32, #tpu.memory_space<vmem>>
    %dma_start3A_77 = tpu.memref_squeeze %dma_start3A_76 : memref<1x64xi32, #tpu.memory_space<vmem>> -> memref<64xi32, #tpu.memory_space<vmem>>
    %dma_start3A_78 = arith.constant 0 : i32
    %dma_start3A_79 = arith.constant 0 : i32
    %dma_start3A_80 = tpu.memref_slice %arg4[%dma_start3A_78, %dma_start3A_79] : memref<20480x128xf32, #tpu.memory_space<hbm>> -> memref<20480x128xf32, #tpu.memory_space<hbm>>
    tpu.enqueue_indirect_dma source(%dma_start3A_80 : memref<20480x128xf32, #tpu.memory_space<hbm>>) target(%arg11 : memref<64x128xf32, #tpu.memory_space<vmem>>) offsets(%dma_start3A_77 : memref<64xi32, #tpu.memory_space<vmem>>) semaphore(%arg16 : memref<!tpu.dma_semaphore, #tpu.memory_space<semaphore_mem>>)
    %dma_start3A_81 = arith.constant 3 : i32
    %dma_start3A_82 = arith.constant 0 : i32
    %dma_start3A_83 = tpu.memref_slice %arg7[%dma_start3A_81, %dma_start3A_82] : memref<40x64xi32, #tpu.memory_space<vmem>> -> memref<1x64xi32, #tpu.memory_space<vmem>>
    %dma_start3A_84 = tpu.memref_squeeze %dma_start3A_83 : memref<1x64xi32, #tpu.memory_space<vmem>> -> memref<64xi32, #tpu.memory_space<vmem>>
    %dma_start3A_85 = arith.constant 0 : i32
    %dma_start3A_86 = arith.constant 0 : i32
    %dma_start3A_87 = tpu.memref_slice %arg4[%dma_start3A_85, %dma_start3A_86] : memref<20480x128xf32, #tpu.memory_space<hbm>> -> memref<20480x128xf32, #tpu.memory_space<hbm>>
    tpu.enqueue_indirect_dma source(%dma_start3A_87 : memref<20480x128xf32, #tpu.memory_space<hbm>>) target(%arg12 : memref<64x128xf32, #tpu.memory_space<vmem>>) offsets(%dma_start3A_84 : memref<64xi32, #tpu.memory_space<vmem>>) semaphore(%arg17 : memref<!tpu.dma_semaphore, #tpu.memory_space<semaphore_mem>>)
    %scan3A_88 = arith.constant 0 : i32
    %scan3A_89 = arith.constant 0 : i32
    %scan3A_90 = arith.constant 10 : i32
    %scan3A_91 = arith.addi %scan3A_89, %scan3A_90 : i32
    %scan3A_92 = arith.constant 1 : i32
    %scan3A_93 = scf.for %scan3A_195 = %scan3A_89 to %scan3A_91 step %scan3A_92 iter_args(%scan3A_196 = %scan3A_88) -> (i32)  : i32 {
      %mul3A_197 = arith.constant 4 : i32
      %mul3A_198 = arith.muli %scan3A_195, %mul3A_197 : i32
      %add3A_199 = arith.constant 0 : i32
      %add3A_200 = arith.addi %mul3A_198, %add3A_199 : i32
      %dma_wait3A_201 = arith.constant 0 : i32
      %dma_wait3A_202 = arith.constant 0 : i32
      %dma_wait3A_203 = tpu.memref_slice %arg7[%dma_wait3A_201, %dma_wait3A_202] : memref<40x64xi32, #tpu.memory_space<vmem>> -> memref<1x64xi32, #tpu.memory_space<vmem>>
      %dma_wait3A_204 = tpu.memref_squeeze %dma_wait3A_203 : memref<1x64xi32, #tpu.memory_space<vmem>> -> memref<64xi32, #tpu.memory_space<vmem>>
      %dma_wait3A_205 = arith.constant 0 : i32
      %dma_wait3A_206 = arith.constant 0 : i32
      %dma_wait3A_207 = tpu.memref_slice %arg4[%dma_wait3A_205, %dma_wait3A_206] : memref<20480x128xf32, #tpu.memory_space<hbm>> -> memref<20480x128xf32, #tpu.memory_space<hbm>>
      tpu.wait_indirect_dma semaphore(%arg14 : memref<!tpu.dma_semaphore, #tpu.memory_space<semaphore_mem>>) src(%dma_wait3A_207 : memref<20480x128xf32, #tpu.memory_space<hbm>>) dst(%arg9 : memref<64x128xf32, #tpu.memory_space<vmem>>)
      %dma_start3A_208 = arith.constant 0 : i32
      %dma_start3A_209 = tpu.memref_slice %arg8[%add3A_200, %dma_start3A_208] : memref<40x64xi32, #tpu.memory_space<vmem>> -> memref<1x64xi32, #tpu.memory_space<vmem>>
      %dma_start3A_210 = tpu.memref_squeeze %dma_start3A_209 : memref<1x64xi32, #tpu.memory_space<vmem>> -> memref<64xi32, #tpu.memory_space<vmem>>
      %dma_start3A_211 = arith.constant 0 : i32
      %dma_start3A_212 = arith.constant 0 : i32
      %dma_start3A_213 = tpu.memref_slice %arg13[%dma_start3A_211, %dma_start3A_212] : memref<10240x128xf32, #tpu.memory_space<vmem_shared>> -> memref<10240x128xf32, #tpu.memory_space<vmem_shared>>
      tpu.enqueue_indirect_dma source(%arg9 : memref<64x128xf32, #tpu.memory_space<vmem>>) target(%dma_start3A_213 : memref<10240x128xf32, #tpu.memory_space<vmem_shared>>) offsets(%dma_start3A_210 : memref<64xi32, #tpu.memory_space<vmem>>) semaphore(%arg18 : memref<!tpu.dma_semaphore, #tpu.memory_space<semaphore_mem>>) {add = true}
      %ge3A = arith.constant 1 : i32
      %ge3A_214 = arith.cmpi sge, %add3A_200, %ge3A : i32
      %convert_element_type3A = arith.extui %ge3A_214 : i1 to i32
      %cond3A = arith.constant 0 : i32
      %cond3A_215 = arith.cmpi ne, %convert_element_type3A, %cond3A : i32
      scf.if %cond3A_215 {
        %dma_wait3A_283 = arith.constant 0 : i32
        %dma_wait3A_284 = arith.constant 0 : i32
        %dma_wait3A_285 = tpu.memref_slice %arg8[%dma_wait3A_283, %dma_wait3A_284] : memref<40x64xi32, #tpu.memory_space<vmem>> -> memref<1x64xi32, #tpu.memory_space<vmem>>
        %dma_wait3A_286 = tpu.memref_squeeze %dma_wait3A_285 : memref<1x64xi32, #tpu.memory_space<vmem>> -> memref<64xi32, #tpu.memory_space<vmem>>
        %dma_wait3A_287 = arith.constant 0 : i32
        %dma_wait3A_288 = arith.constant 0 : i32
        %dma_wait3A_289 = tpu.memref_slice %arg13[%dma_wait3A_287, %dma_wait3A_288] : memref<10240x128xf32, #tpu.memory_space<vmem_shared>> -> memref<10240x128xf32, #tpu.memory_space<vmem_shared>>
        tpu.wait_indirect_dma semaphore(%arg21 : memref<!tpu.dma_semaphore, #tpu.memory_space<semaphore_mem>>) src(%arg12 : memref<64x128xf32, #tpu.memory_space<vmem>>) dst(%dma_wait3A_289 : memref<10240x128xf32, #tpu.memory_space<vmem_shared>>)
        %sub3A = arith.constant 1 : i32
        %sub3A_290 = arith.subi %add3A_200, %sub3A : i32
        %add3A_291 = arith.constant 4 : i32
        %add3A_292 = arith.addi %sub3A_290, %add3A_291 : i32
        %lt3A = arith.constant 40 : i32
        %lt3A_293 = arith.cmpi slt, %add3A_292, %lt3A : i32
        %convert_element_type3A_294 = arith.extui %lt3A_293 : i1 to i32
        %cond3A_295 = arith.constant 0 : i32
        %cond3A_296 = arith.cmpi ne, %convert_element_type3A_294, %cond3A_295 : i32
        scf.if %cond3A_296 {
          %dma_start3A_297 = arith.constant 0 : i32
          %dma_start3A_298 = tpu.memref_slice %arg7[%add3A_292, %dma_start3A_297] : memref<40x64xi32, #tpu.memory_space<vmem>> -> memref<1x64xi32, #tpu.memory_space<vmem>>
          %dma_start3A_299 = tpu.memref_squeeze %dma_start3A_298 : memref<1x64xi32, #tpu.memory_space<vmem>> -> memref<64xi32, #tpu.memory_space<vmem>>
          %dma_start3A_300 = arith.constant 0 : i32
          %dma_start3A_301 = arith.constant 0 : i32
          %dma_start3A_302 = tpu.memref_slice %arg4[%dma_start3A_300, %dma_start3A_301] : memref<20480x128xf32, #tpu.memory_space<hbm>> -> memref<20480x128xf32, #tpu.memory_space<hbm>>
          tpu.enqueue_indirect_dma source(%dma_start3A_302 : memref<20480x128xf32, #tpu.memory_space<hbm>>) target(%arg12 : memref<64x128xf32, #tpu.memory_space<vmem>>) offsets(%dma_start3A_299 : memref<64xi32, #tpu.memory_space<vmem>>) semaphore(%arg17 : memref<!tpu.dma_semaphore, #tpu.memory_space<semaphore_mem>>)
        } else {
        }
      } else {
      }
      %mul3A_216 = arith.constant 4 : i32
      %mul3A_217 = arith.muli %scan3A_195, %mul3A_216 : i32
      %add3A_218 = arith.constant 1 : i32
      %add3A_219 = arith.addi %mul3A_217, %add3A_218 : i32
      %dma_wait3A_220 = arith.constant 0 : i32
      %dma_wait3A_221 = arith.constant 0 : i32
      %dma_wait3A_222 = tpu.memref_slice %arg7[%dma_wait3A_220, %dma_wait3A_221] : memref<40x64xi32, #tpu.memory_space<vmem>> -> memref<1x64xi32, #tpu.memory_space<vmem>>
      %dma_wait3A_223 = tpu.memref_squeeze %dma_wait3A_222 : memref<1x64xi32, #tpu.memory_space<vmem>> -> memref<64xi32, #tpu.memory_space<vmem>>
      %dma_wait3A_224 = arith.constant 0 : i32
      %dma_wait3A_225 = arith.constant 0 : i32
      %dma_wait3A_226 = tpu.memref_slice %arg4[%dma_wait3A_224, %dma_wait3A_225] : memref<20480x128xf32, #tpu.memory_space<hbm>> -> memref<20480x128xf32, #tpu.memory_space<hbm>>
      tpu.wait_indirect_dma semaphore(%arg15 : memref<!tpu.dma_semaphore, #tpu.memory_space<semaphore_mem>>) src(%dma_wait3A_226 : memref<20480x128xf32, #tpu.memory_space<hbm>>) dst(%arg10 : memref<64x128xf32, #tpu.memory_space<vmem>>)
      %dma_start3A_227 = arith.constant 0 : i32
      %dma_start3A_228 = tpu.memref_slice %arg8[%add3A_219, %dma_start3A_227] : memref<40x64xi32, #tpu.memory_space<vmem>> -> memref<1x64xi32, #tpu.memory_space<vmem>>
      %dma_start3A_229 = tpu.memref_squeeze %dma_start3A_228 : memref<1x64xi32, #tpu.memory_space<vmem>> -> memref<64xi32, #tpu.memory_space<vmem>>
      %dma_start3A_230 = arith.constant 0 : i32
      %dma_start3A_231 = arith.constant 0 : i32
      %dma_start3A_232 = tpu.memref_slice %arg13[%dma_start3A_230, %dma_start3A_231] : memref<10240x128xf32, #tpu.memory_space<vmem_shared>> -> memref<10240x128xf32, #tpu.memory_space<vmem_shared>>
      tpu.enqueue_indirect_dma source(%arg10 : memref<64x128xf32, #tpu.memory_space<vmem>>) target(%dma_start3A_232 : memref<10240x128xf32, #tpu.memory_space<vmem_shared>>) offsets(%dma_start3A_229 : memref<64xi32, #tpu.memory_space<vmem>>) semaphore(%arg19 : memref<!tpu.dma_semaphore, #tpu.memory_space<semaphore_mem>>) {add = true}
      %ge3A_233 = arith.constant 1 : i32
      %ge3A_234 = arith.cmpi sge, %add3A_219, %ge3A_233 : i32
      %convert_element_type3A_235 = arith.extui %ge3A_234 : i1 to i32
      %cond3A_236 = arith.constant 0 : i32
      %cond3A_237 = arith.cmpi ne, %convert_element_type3A_235, %cond3A_236 : i32
      scf.if %cond3A_237 {
        %dma_wait3A_283 = arith.constant 0 : i32
        %dma_wait3A_284 = arith.constant 0 : i32
        %dma_wait3A_285 = tpu.memref_slice %arg8[%dma_wait3A_283, %dma_wait3A_284] : memref<40x64xi32, #tpu.memory_space<vmem>> -> memref<1x64xi32, #tpu.memory_space<vmem>>
        %dma_wait3A_286 = tpu.memref_squeeze %dma_wait3A_285 : memref<1x64xi32, #tpu.memory_space<vmem>> -> memref<64xi32, #tpu.memory_space<vmem>>
        %dma_wait3A_287 = arith.constant 0 : i32
        %dma_wait3A_288 = arith.constant 0 : i32
        %dma_wait3A_289 = tpu.memref_slice %arg13[%dma_wait3A_287, %dma_wait3A_288] : memref<10240x128xf32, #tpu.memory_space<vmem_shared>> -> memref<10240x128xf32, #tpu.memory_space<vmem_shared>>
        tpu.wait_indirect_dma semaphore(%arg18 : memref<!tpu.dma_semaphore, #tpu.memory_space<semaphore_mem>>) src(%arg9 : memref<64x128xf32, #tpu.memory_space<vmem>>) dst(%dma_wait3A_289 : memref<10240x128xf32, #tpu.memory_space<vmem_shared>>)
        %sub3A = arith.constant 1 : i32
        %sub3A_290 = arith.subi %add3A_219, %sub3A : i32
        %add3A_291 = arith.constant 4 : i32
        %add3A_292 = arith.addi %sub3A_290, %add3A_291 : i32
        %lt3A = arith.constant 40 : i32
        %lt3A_293 = arith.cmpi slt, %add3A_292, %lt3A : i32
        %convert_element_type3A_294 = arith.extui %lt3A_293 : i1 to i32
        %cond3A_295 = arith.constant 0 : i32
        %cond3A_296 = arith.cmpi ne, %convert_element_type3A_294, %cond3A_295 : i32
        scf.if %cond3A_296 {
          %dma_start3A_297 = arith.constant 0 : i32
          %dma_start3A_298 = tpu.memref_slice %arg7[%add3A_292, %dma_start3A_297] : memref<40x64xi32, #tpu.memory_space<vmem>> -> memref<1x64xi32, #tpu.memory_space<vmem>>
          %dma_start3A_299 = tpu.memref_squeeze %dma_start3A_298 : memref<1x64xi32, #tpu.memory_space<vmem>> -> memref<64xi32, #tpu.memory_space<vmem>>
          %dma_start3A_300 = arith.constant 0 : i32
          %dma_start3A_301 = arith.constant 0 : i32
          %dma_start3A_302 = tpu.memref_slice %arg4[%dma_start3A_300, %dma_start3A_301] : memref<20480x128xf32, #tpu.memory_space<hbm>> -> memref<20480x128xf32, #tpu.memory_space<hbm>>
          tpu.enqueue_indirect_dma source(%dma_start3A_302 : memref<20480x128xf32, #tpu.memory_space<hbm>>) target(%arg9 : memref<64x128xf32, #tpu.memory_space<vmem>>) offsets(%dma_start3A_299 : memref<64xi32, #tpu.memory_space<vmem>>) semaphore(%arg14 : memref<!tpu.dma_semaphore, #tpu.memory_space<semaphore_mem>>)
        } else {
        }
      } else {
      }
      %mul3A_238 = arith.constant 4 : i32
      %mul3A_239 = arith.muli %scan3A_195, %mul3A_238 : i32
      %add3A_240 = arith.constant 2 : i32
      %add3A_241 = arith.addi %mul3A_239, %add3A_240 : i32
      %dma_wait3A_242 = arith.constant 0 : i32
      %dma_wait3A_243 = arith.constant 0 : i32
      %dma_wait3A_244 = tpu.memref_slice %arg7[%dma_wait3A_242, %dma_wait3A_243] : memref<40x64xi32, #tpu.memory_space<vmem>> -> memref<1x64xi32, #tpu.memory_space<vmem>>
      %dma_wait3A_245 = tpu.memref_squeeze %dma_wait3A_244 : memref<1x64xi32, #tpu.memory_space<vmem>> -> memref<64xi32, #tpu.memory_space<vmem>>
      %dma_wait3A_246 = arith.constant 0 : i32
      %dma_wait3A_247 = arith.constant 0 : i32
      %dma_wait3A_248 = tpu.memref_slice %arg4[%dma_wait3A_246, %dma_wait3A_247] : memref<20480x128xf32, #tpu.memory_space<hbm>> -> memref<20480x128xf32, #tpu.memory_space<hbm>>
      tpu.wait_indirect_dma semaphore(%arg16 : memref<!tpu.dma_semaphore, #tpu.memory_space<semaphore_mem>>) src(%dma_wait3A_248 : memref<20480x128xf32, #tpu.memory_space<hbm>>) dst(%arg11 : memref<64x128xf32, #tpu.memory_space<vmem>>)
      %dma_start3A_249 = arith.constant 0 : i32
      %dma_start3A_250 = tpu.memref_slice %arg8[%add3A_241, %dma_start3A_249] : memref<40x64xi32, #tpu.memory_space<vmem>> -> memref<1x64xi32, #tpu.memory_space<vmem>>
      %dma_start3A_251 = tpu.memref_squeeze %dma_start3A_250 : memref<1x64xi32, #tpu.memory_space<vmem>> -> memref<64xi32, #tpu.memory_space<vmem>>
      %dma_start3A_252 = arith.constant 0 : i32
      %dma_start3A_253 = arith.constant 0 : i32
      %dma_start3A_254 = tpu.memref_slice %arg13[%dma_start3A_252, %dma_start3A_253] : memref<10240x128xf32, #tpu.memory_space<vmem_shared>> -> memref<10240x128xf32, #tpu.memory_space<vmem_shared>>
      tpu.enqueue_indirect_dma source(%arg11 : memref<64x128xf32, #tpu.memory_space<vmem>>) target(%dma_start3A_254 : memref<10240x128xf32, #tpu.memory_space<vmem_shared>>) offsets(%dma_start3A_251 : memref<64xi32, #tpu.memory_space<vmem>>) semaphore(%arg20 : memref<!tpu.dma_semaphore, #tpu.memory_space<semaphore_mem>>) {add = true}
      %ge3A_255 = arith.constant 1 : i32
      %ge3A_256 = arith.cmpi sge, %add3A_241, %ge3A_255 : i32
      %convert_element_type3A_257 = arith.extui %ge3A_256 : i1 to i32
      %cond3A_258 = arith.constant 0 : i32
      %cond3A_259 = arith.cmpi ne, %convert_element_type3A_257, %cond3A_258 : i32
      scf.if %cond3A_259 {
        %dma_wait3A_283 = arith.constant 0 : i32
        %dma_wait3A_284 = arith.constant 0 : i32
        %dma_wait3A_285 = tpu.memref_slice %arg8[%dma_wait3A_283, %dma_wait3A_284] : memref<40x64xi32, #tpu.memory_space<vmem>> -> memref<1x64xi32, #tpu.memory_space<vmem>>
        %dma_wait3A_286 = tpu.memref_squeeze %dma_wait3A_285 : memref<1x64xi32, #tpu.memory_space<vmem>> -> memref<64xi32, #tpu.memory_space<vmem>>
        %dma_wait3A_287 = arith.constant 0 : i32
        %dma_wait3A_288 = arith.constant 0 : i32
        %dma_wait3A_289 = tpu.memref_slice %arg13[%dma_wait3A_287, %dma_wait3A_288] : memref<10240x128xf32, #tpu.memory_space<vmem_shared>> -> memref<10240x128xf32, #tpu.memory_space<vmem_shared>>
        tpu.wait_indirect_dma semaphore(%arg19 : memref<!tpu.dma_semaphore, #tpu.memory_space<semaphore_mem>>) src(%arg10 : memref<64x128xf32, #tpu.memory_space<vmem>>) dst(%dma_wait3A_289 : memref<10240x128xf32, #tpu.memory_space<vmem_shared>>)
        %sub3A = arith.constant 1 : i32
        %sub3A_290 = arith.subi %add3A_241, %sub3A : i32
        %add3A_291 = arith.constant 4 : i32
        %add3A_292 = arith.addi %sub3A_290, %add3A_291 : i32
        %lt3A = arith.constant 40 : i32
        %lt3A_293 = arith.cmpi slt, %add3A_292, %lt3A : i32
        %convert_element_type3A_294 = arith.extui %lt3A_293 : i1 to i32
        %cond3A_295 = arith.constant 0 : i32
        %cond3A_296 = arith.cmpi ne, %convert_element_type3A_294, %cond3A_295 : i32
        scf.if %cond3A_296 {
          %dma_start3A_297 = arith.constant 0 : i32
          %dma_start3A_298 = tpu.memref_slice %arg7[%add3A_292, %dma_start3A_297] : memref<40x64xi32, #tpu.memory_space<vmem>> -> memref<1x64xi32, #tpu.memory_space<vmem>>
          %dma_start3A_299 = tpu.memref_squeeze %dma_start3A_298 : memref<1x64xi32, #tpu.memory_space<vmem>> -> memref<64xi32, #tpu.memory_space<vmem>>
          %dma_start3A_300 = arith.constant 0 : i32
          %dma_start3A_301 = arith.constant 0 : i32
          %dma_start3A_302 = tpu.memref_slice %arg4[%dma_start3A_300, %dma_start3A_301] : memref<20480x128xf32, #tpu.memory_space<hbm>> -> memref<20480x128xf32, #tpu.memory_space<hbm>>
          tpu.enqueue_indirect_dma source(%dma_start3A_302 : memref<20480x128xf32, #tpu.memory_space<hbm>>) target(%arg10 : memref<64x128xf32, #tpu.memory_space<vmem>>) offsets(%dma_start3A_299 : memref<64xi32, #tpu.memory_space<vmem>>) semaphore(%arg15 : memref<!tpu.dma_semaphore, #tpu.memory_space<semaphore_mem>>)
        } else {
        }
      } else {
      }
      %mul3A_260 = arith.constant 4 : i32
      %mul3A_261 = arith.muli %scan3A_195, %mul3A_260 : i32
      %add3A_262 = arith.constant 3 : i32
      %add3A_263 = arith.addi %mul3A_261, %add3A_262 : i32
      %dma_wait3A_264 = arith.constant 0 : i32
      %dma_wait3A_265 = arith.constant 0 : i32
      %dma_wait3A_266 = tpu.memref_slice %arg7[%dma_wait3A_264, %dma_wait3A_265] : memref<40x64xi32, #tpu.memory_space<vmem>> -> memref<1x64xi32, #tpu.memory_space<vmem>>
      %dma_wait3A_267 = tpu.memref_squeeze %dma_wait3A_266 : memref<1x64xi32, #tpu.memory_space<vmem>> -> memref<64xi32, #tpu.memory_space<vmem>>
      %dma_wait3A_268 = arith.constant 0 : i32
      %dma_wait3A_269 = arith.constant 0 : i32
      %dma_wait3A_270 = tpu.memref_slice %arg4[%dma_wait3A_268, %dma_wait3A_269] : memref<20480x128xf32, #tpu.memory_space<hbm>> -> memref<20480x128xf32, #tpu.memory_space<hbm>>
      tpu.wait_indirect_dma semaphore(%arg17 : memref<!tpu.dma_semaphore, #tpu.memory_space<semaphore_mem>>) src(%dma_wait3A_270 : memref<20480x128xf32, #tpu.memory_space<hbm>>) dst(%arg12 : memref<64x128xf32, #tpu.memory_space<vmem>>)
      %dma_start3A_271 = arith.constant 0 : i32
      %dma_start3A_272 = tpu.memref_slice %arg8[%add3A_263, %dma_start3A_271] : memref<40x64xi32, #tpu.memory_space<vmem>> -> memref<1x64xi32, #tpu.memory_space<vmem>>
      %dma_start3A_273 = tpu.memref_squeeze %dma_start3A_272 : memref<1x64xi32, #tpu.memory_space<vmem>> -> memref<64xi32, #tpu.memory_space<vmem>>
      %dma_start3A_274 = arith.constant 0 : i32
      %dma_start3A_275 = arith.constant 0 : i32
      %dma_start3A_276 = tpu.memref_slice %arg13[%dma_start3A_274, %dma_start3A_275] : memref<10240x128xf32, #tpu.memory_space<vmem_shared>> -> memref<10240x128xf32, #tpu.memory_space<vmem_shared>>
      tpu.enqueue_indirect_dma source(%arg12 : memref<64x128xf32, #tpu.memory_space<vmem>>) target(%dma_start3A_276 : memref<10240x128xf32, #tpu.memory_space<vmem_shared>>) offsets(%dma_start3A_273 : memref<64xi32, #tpu.memory_space<vmem>>) semaphore(%arg21 : memref<!tpu.dma_semaphore, #tpu.memory_space<semaphore_mem>>) {add = true}
      %ge3A_277 = arith.constant 1 : i32
      %ge3A_278 = arith.cmpi sge, %add3A_263, %ge3A_277 : i32
      %convert_element_type3A_279 = arith.extui %ge3A_278 : i1 to i32
      %cond3A_280 = arith.constant 0 : i32
      %cond3A_281 = arith.cmpi ne, %convert_element_type3A_279, %cond3A_280 : i32
      scf.if %cond3A_281 {
        %dma_wait3A_283 = arith.constant 0 : i32
        %dma_wait3A_284 = arith.constant 0 : i32
        %dma_wait3A_285 = tpu.memref_slice %arg8[%dma_wait3A_283, %dma_wait3A_284] : memref<40x64xi32, #tpu.memory_space<vmem>> -> memref<1x64xi32, #tpu.memory_space<vmem>>
        %dma_wait3A_286 = tpu.memref_squeeze %dma_wait3A_285 : memref<1x64xi32, #tpu.memory_space<vmem>> -> memref<64xi32, #tpu.memory_space<vmem>>
        %dma_wait3A_287 = arith.constant 0 : i32
        %dma_wait3A_288 = arith.constant 0 : i32
        %dma_wait3A_289 = tpu.memref_slice %arg13[%dma_wait3A_287, %dma_wait3A_288] : memref<10240x128xf32, #tpu.memory_space<vmem_shared>> -> memref<10240x128xf32, #tpu.memory_space<vmem_shared>>
        tpu.wait_indirect_dma semaphore(%arg20 : memref<!tpu.dma_semaphore, #tpu.memory_space<semaphore_mem>>) src(%arg11 : memref<64x128xf32, #tpu.memory_space<vmem>>) dst(%dma_wait3A_289 : memref<10240x128xf32, #tpu.memory_space<vmem_shared>>)
        %sub3A = arith.constant 1 : i32
        %sub3A_290 = arith.subi %add3A_263, %sub3A : i32
        %add3A_291 = arith.constant 4 : i32
        %add3A_292 = arith.addi %sub3A_290, %add3A_291 : i32
        %lt3A = arith.constant 40 : i32
        %lt3A_293 = arith.cmpi slt, %add3A_292, %lt3A : i32
        %convert_element_type3A_294 = arith.extui %lt3A_293 : i1 to i32
        %cond3A_295 = arith.constant 0 : i32
        %cond3A_296 = arith.cmpi ne, %convert_element_type3A_294, %cond3A_295 : i32
        scf.if %cond3A_296 {
          %dma_start3A_297 = arith.constant 0 : i32
          %dma_start3A_298 = tpu.memref_slice %arg7[%add3A_292, %dma_start3A_297] : memref<40x64xi32, #tpu.memory_space<vmem>> -> memref<1x64xi32, #tpu.memory_space<vmem>>
          %dma_start3A_299 = tpu.memref_squeeze %dma_start3A_298 : memref<1x64xi32, #tpu.memory_space<vmem>> -> memref<64xi32, #tpu.memory_space<vmem>>
          %dma_start3A_300 = arith.constant 0 : i32
          %dma_start3A_301 = arith.constant 0 : i32
          %dma_start3A_302 = tpu.memref_slice %arg4[%dma_start3A_300, %dma_start3A_301] : memref<20480x128xf32, #tpu.memory_space<hbm>> -> memref<20480x128xf32, #tpu.memory_space<hbm>>
          tpu.enqueue_indirect_dma source(%dma_start3A_302 : memref<20480x128xf32, #tpu.memory_space<hbm>>) target(%arg11 : memref<64x128xf32, #tpu.memory_space<vmem>>) offsets(%dma_start3A_299 : memref<64xi32, #tpu.memory_space<vmem>>) semaphore(%arg16 : memref<!tpu.dma_semaphore, #tpu.memory_space<semaphore_mem>>)
        } else {
        }
      } else {
      }
      %scan3A_282 = arith.constant 0 : i32
      scf.yield %scan3A_282 : i32
    }
    %scan3A_94 = arith.constant 10 : i32
    %dma_wait3A_95 = arith.constant 0 : i32
    %dma_wait3A_96 = arith.constant 0 : i32
    %dma_wait3A_97 = tpu.memref_slice %arg8[%dma_wait3A_95, %dma_wait3A_96] : memref<40x64xi32, #tpu.memory_space<vmem>> -> memref<1x64xi32, #tpu.memory_space<vmem>>
    %dma_wait3A_98 = tpu.memref_squeeze %dma_wait3A_97 : memref<1x64xi32, #tpu.memory_space<vmem>> -> memref<64xi32, #tpu.memory_space<vmem>>
    %dma_wait3A_99 = arith.constant 0 : i32
    %dma_wait3A_100 = arith.constant 0 : i32
    %dma_wait3A_101 = tpu.memref_slice %arg13[%dma_wait3A_99, %dma_wait3A_100] : memref<10240x128xf32, #tpu.memory_space<vmem_shared>> -> memref<10240x128xf32, #tpu.memory_space<vmem_shared>>
    tpu.wait_indirect_dma semaphore(%arg21 : memref<!tpu.dma_semaphore, #tpu.memory_space<semaphore_mem>>) src(%arg12 : memref<64x128xf32, #tpu.memory_space<vmem>>) dst(%dma_wait3A_101 : memref<10240x128xf32, #tpu.memory_space<vmem_shared>>)
    %run_scoped3A_102 = arith.constant 2 : i32
    "tpu.region"() ({
      %run_scoped3A_195 = tpu.sem_alloc : memref<!tpu.dma_semaphore, #tpu.memory_space<semaphore_mem>>
      %dma_start3A_196 = arith.constant 0 : i32
      %dma_start3A_197 = arith.constant 0 : i32
      %dma_start3A_198 = tpu.memref_slice %arg2[%arg0, %arg1, %run_scoped3A_102, %dma_start3A_196, %dma_start3A_197] : memref<2x16x4x40x64xi32, #tpu.memory_space<hbm>> -> memref<1x1x1x40x64xi32, #tpu.memory_space<hbm>>
      %dma_start3A_199 = tpu.memref_squeeze %dma_start3A_198 : memref<1x1x1x40x64xi32, #tpu.memory_space<hbm>> -> memref<40x64xi32, #tpu.memory_space<hbm>>
      %dma_start3A_200 = arith.constant 0 : i32
      %dma_start3A_201 = arith.constant 0 : i32
      %dma_start3A_202 = tpu.memref_slice %arg2[%arg0, %arg1, %run_scoped3A_102, %dma_start3A_200, %dma_start3A_201] : memref<2x16x4x40x64xi32, #tpu.memory_space<hbm>> -> memref<1x1x1x40x64xi32, #tpu.memory_space<hbm>>
      %dma_start3A_203 = tpu.memref_squeeze %dma_start3A_202 : memref<1x1x1x40x64xi32, #tpu.memory_space<hbm>> -> memref<40x64xi32, #tpu.memory_space<hbm>>
      tpu.enqueue_dma source(%dma_start3A_203 : memref<40x64xi32, #tpu.memory_space<hbm>>) target(%arg7 : memref<40x64xi32, #tpu.memory_space<vmem>>) target_semaphore(%run_scoped3A_195 : memref<!tpu.dma_semaphore, #tpu.memory_space<semaphore_mem>>)
      %dma_wait3A_204 = arith.constant 0 : i32
      %dma_wait3A_205 = arith.constant 0 : i32
      %dma_wait3A_206 = tpu.memref_slice %arg2[%arg0, %arg1, %run_scoped3A_102, %dma_wait3A_204, %dma_wait3A_205] : memref<2x16x4x40x64xi32, #tpu.memory_space<hbm>> -> memref<1x1x1x40x64xi32, #tpu.memory_space<hbm>>
      %dma_wait3A_207 = tpu.memref_squeeze %dma_wait3A_206 : memref<1x1x1x40x64xi32, #tpu.memory_space<hbm>> -> memref<40x64xi32, #tpu.memory_space<hbm>>
      %dma_wait3A_208 = arith.constant 0 : i32
      %dma_wait3A_209 = arith.constant 0 : i32
      %dma_wait3A_210 = tpu.memref_slice %arg2[%arg0, %arg1, %run_scoped3A_102, %dma_wait3A_208, %dma_wait3A_209] : memref<2x16x4x40x64xi32, #tpu.memory_space<hbm>> -> memref<1x1x1x40x64xi32, #tpu.memory_space<hbm>>
      %dma_wait3A_211 = tpu.memref_squeeze %dma_wait3A_210 : memref<1x1x1x40x64xi32, #tpu.memory_space<hbm>> -> memref<40x64xi32, #tpu.memory_space<hbm>>
      tpu.wait_dma2 semaphore(%run_scoped3A_195 : memref<!tpu.dma_semaphore, #tpu.memory_space<semaphore_mem>>) src(%dma_wait3A_211 : memref<40x64xi32, #tpu.memory_space<hbm>>) dst(%arg7 : memref<40x64xi32, #tpu.memory_space<vmem>>)
      tpu.yield
    }) : () -> ()
    %run_scoped3A_103 = arith.constant 2 : i32
    "tpu.region"() ({
      %run_scoped3A_195 = tpu.sem_alloc : memref<!tpu.dma_semaphore, #tpu.memory_space<semaphore_mem>>
      %dma_start3A_196 = arith.constant 0 : i32
      %dma_start3A_197 = arith.constant 0 : i32
      %dma_start3A_198 = tpu.memref_slice %arg3[%arg1, %run_scoped3A_103, %dma_start3A_196, %dma_start3A_197] : memref<16x4x40x64xi32, #tpu.memory_space<hbm>> -> memref<1x1x40x64xi32, #tpu.memory_space<hbm>>
      %dma_start3A_199 = tpu.memref_squeeze %dma_start3A_198 : memref<1x1x40x64xi32, #tpu.memory_space<hbm>> -> memref<40x64xi32, #tpu.memory_space<hbm>>
      %dma_start3A_200 = arith.constant 0 : i32
      %dma_start3A_201 = arith.constant 0 : i32
      %dma_start3A_202 = tpu.memref_slice %arg3[%arg1, %run_scoped3A_103, %dma_start3A_200, %dma_start3A_201] : memref<16x4x40x64xi32, #tpu.memory_space<hbm>> -> memref<1x1x40x64xi32, #tpu.memory_space<hbm>>
      %dma_start3A_203 = tpu.memref_squeeze %dma_start3A_202 : memref<1x1x40x64xi32, #tpu.memory_space<hbm>> -> memref<40x64xi32, #tpu.memory_space<hbm>>
      tpu.enqueue_dma source(%dma_start3A_203 : memref<40x64xi32, #tpu.memory_space<hbm>>) target(%arg8 : memref<40x64xi32, #tpu.memory_space<vmem>>) target_semaphore(%run_scoped3A_195 : memref<!tpu.dma_semaphore, #tpu.memory_space<semaphore_mem>>)
      %dma_wait3A_204 = arith.constant 0 : i32
      %dma_wait3A_205 = arith.constant 0 : i32
      %dma_wait3A_206 = tpu.memref_slice %arg3[%arg1, %run_scoped3A_103, %dma_wait3A_204, %dma_wait3A_205] : memref<16x4x40x64xi32, #tpu.memory_space<hbm>> -> memref<1x1x40x64xi32, #tpu.memory_space<hbm>>
      %dma_wait3A_207 = tpu.memref_squeeze %dma_wait3A_206 : memref<1x1x40x64xi32, #tpu.memory_space<hbm>> -> memref<40x64xi32, #tpu.memory_space<hbm>>
      %dma_wait3A_208 = arith.constant 0 : i32
      %dma_wait3A_209 = arith.constant 0 : i32
      %dma_wait3A_210 = tpu.memref_slice %arg3[%arg1, %run_scoped3A_103, %dma_wait3A_208, %dma_wait3A_209] : memref<16x4x40x64xi32, #tpu.memory_space<hbm>> -> memref<1x1x40x64xi32, #tpu.memory_space<hbm>>
      %dma_wait3A_211 = tpu.memref_squeeze %dma_wait3A_210 : memref<1x1x40x64xi32, #tpu.memory_space<hbm>> -> memref<40x64xi32, #tpu.memory_space<hbm>>
      tpu.wait_dma2 semaphore(%run_scoped3A_195 : memref<!tpu.dma_semaphore, #tpu.memory_space<semaphore_mem>>) src(%dma_wait3A_211 : memref<40x64xi32, #tpu.memory_space<hbm>>) dst(%arg8 : memref<40x64xi32, #tpu.memory_space<vmem>>)
      tpu.yield
    }) : () -> ()
    %dma_start3A_104 = arith.constant 0 : i32
    %dma_start3A_105 = arith.constant 0 : i32
    %dma_start3A_106 = tpu.memref_slice %arg7[%dma_start3A_104, %dma_start3A_105] : memref<40x64xi32, #tpu.memory_space<vmem>> -> memref<1x64xi32, #tpu.memory_space<vmem>>
    %dma_start3A_107 = tpu.memref_squeeze %dma_start3A_106 : memref<1x64xi32, #tpu.memory_space<vmem>> -> memref<64xi32, #tpu.memory_space<vmem>>
    %dma_start3A_108 = arith.constant 0 : i32
    %dma_start3A_109 = arith.constant 0 : i32
    %dma_start3A_110 = tpu.memref_slice %arg4[%dma_start3A_108, %dma_start3A_109] : memref<20480x128xf32, #tpu.memory_space<hbm>> -> memref<20480x128xf32, #tpu.memory_space<hbm>>
    tpu.enqueue_indirect_dma source(%dma_start3A_110 : memref<20480x128xf32, #tpu.memory_space<hbm>>) target(%arg9 : memref<64x128xf32, #tpu.memory_space<vmem>>) offsets(%dma_start3A_107 : memref<64xi32, #tpu.memory_space<vmem>>) semaphore(%arg14 : memref<!tpu.dma_semaphore, #tpu.memory_space<semaphore_mem>>)
    %dma_start3A_111 = arith.constant 1 : i32
    %dma_start3A_112 = arith.constant 0 : i32
    %dma_start3A_113 = tpu.memref_slice %arg7[%dma_start3A_111, %dma_start3A_112] : memref<40x64xi32, #tpu.memory_space<vmem>> -> memref<1x64xi32, #tpu.memory_space<vmem>>
    %dma_start3A_114 = tpu.memref_squeeze %dma_start3A_113 : memref<1x64xi32, #tpu.memory_space<vmem>> -> memref<64xi32, #tpu.memory_space<vmem>>
    %dma_start3A_115 = arith.constant 0 : i32
    %dma_start3A_116 = arith.constant 0 : i32
    %dma_start3A_117 = tpu.memref_slice %arg4[%dma_start3A_115, %dma_start3A_116] : memref<20480x128xf32, #tpu.memory_space<hbm>> -> memref<20480x128xf32, #tpu.memory_space<hbm>>
    tpu.enqueue_indirect_dma source(%dma_start3A_117 : memref<20480x128xf32, #tpu.memory_space<hbm>>) target(%arg10 : memref<64x128xf32, #tpu.memory_space<vmem>>) offsets(%dma_start3A_114 : memref<64xi32, #tpu.memory_space<vmem>>) semaphore(%arg15 : memref<!tpu.dma_semaphore, #tpu.memory_space<semaphore_mem>>)
    %dma_start3A_118 = arith.constant 2 : i32
    %dma_start3A_119 = arith.constant 0 : i32
    %dma_start3A_120 = tpu.memref_slice %arg7[%dma_start3A_118, %dma_start3A_119] : memref<40x64xi32, #tpu.memory_space<vmem>> -> memref<1x64xi32, #tpu.memory_space<vmem>>
    %dma_start3A_121 = tpu.memref_squeeze %dma_start3A_120 : memref<1x64xi32, #tpu.memory_space<vmem>> -> memref<64xi32, #tpu.memory_space<vmem>>
    %dma_start3A_122 = arith.constant 0 : i32
    %dma_start3A_123 = arith.constant 0 : i32
    %dma_start3A_124 = tpu.memref_slice %arg4[%dma_start3A_122, %dma_start3A_123] : memref<20480x128xf32, #tpu.memory_space<hbm>> -> memref<20480x128xf32, #tpu.memory_space<hbm>>
    tpu.enqueue_indirect_dma source(%dma_start3A_124 : memref<20480x128xf32, #tpu.memory_space<hbm>>) target(%arg11 : memref<64x128xf32, #tpu.memory_space<vmem>>) offsets(%dma_start3A_121 : memref<64xi32, #tpu.memory_space<vmem>>) semaphore(%arg16 : memref<!tpu.dma_semaphore, #tpu.memory_space<semaphore_mem>>)
    %dma_start3A_125 = arith.constant 3 : i32
    %dma_start3A_126 = arith.constant 0 : i32
    %dma_start3A_127 = tpu.memref_slice %arg7[%dma_start3A_125, %dma_start3A_126] : memref<40x64xi32, #tpu.memory_space<vmem>> -> memref<1x64xi32, #tpu.memory_space<vmem>>
    %dma_start3A_128 = tpu.memref_squeeze %dma_start3A_127 : memref<1x64xi32, #tpu.memory_space<vmem>> -> memref<64xi32, #tpu.memory_space<vmem>>
    %dma_start3A_129 = arith.constant 0 : i32
    %dma_start3A_130 = arith.constant 0 : i32
    %dma_start3A_131 = tpu.memref_slice %arg4[%dma_start3A_129, %dma_start3A_130] : memref<20480x128xf32, #tpu.memory_space<hbm>> -> memref<20480x128xf32, #tpu.memory_space<hbm>>
    tpu.enqueue_indirect_dma source(%dma_start3A_131 : memref<20480x128xf32, #tpu.memory_space<hbm>>) target(%arg12 : memref<64x128xf32, #tpu.memory_space<vmem>>) offsets(%dma_start3A_128 : memref<64xi32, #tpu.memory_space<vmem>>) semaphore(%arg17 : memref<!tpu.dma_semaphore, #tpu.memory_space<semaphore_mem>>)
    %scan3A_132 = arith.constant 0 : i32
    %scan3A_133 = arith.constant 0 : i32
    %scan3A_134 = arith.constant 10 : i32
    %scan3A_135 = arith.addi %scan3A_133, %scan3A_134 : i32
    %scan3A_136 = arith.constant 1 : i32
    %scan3A_137 = scf.for %scan3A_195 = %scan3A_133 to %scan3A_135 step %scan3A_136 iter_args(%scan3A_196 = %scan3A_132) -> (i32)  : i32 {
      %mul3A_197 = arith.constant 4 : i32
      %mul3A_198 = arith.muli %scan3A_195, %mul3A_197 : i32
      %add3A_199 = arith.constant 0 : i32
      %add3A_200 = arith.addi %mul3A_198, %add3A_199 : i32
      %dma_wait3A_201 = arith.constant 0 : i32
      %dma_wait3A_202 = arith.constant 0 : i32
      %dma_wait3A_203 = tpu.memref_slice %arg7[%dma_wait3A_201, %dma_wait3A_202] : memref<40x64xi32, #tpu.memory_space<vmem>> -> memref<1x64xi32, #tpu.memory_space<vmem>>
      %dma_wait3A_204 = tpu.memref_squeeze %dma_wait3A_203 : memref<1x64xi32, #tpu.memory_space<vmem>> -> memref<64xi32, #tpu.memory_space<vmem>>
      %dma_wait3A_205 = arith.constant 0 : i32
      %dma_wait3A_206 = arith.constant 0 : i32
      %dma_wait3A_207 = tpu.memref_slice %arg4[%dma_wait3A_205, %dma_wait3A_206] : memref<20480x128xf32, #tpu.memory_space<hbm>> -> memref<20480x128xf32, #tpu.memory_space<hbm>>
      tpu.wait_indirect_dma semaphore(%arg14 : memref<!tpu.dma_semaphore, #tpu.memory_space<semaphore_mem>>) src(%dma_wait3A_207 : memref<20480x128xf32, #tpu.memory_space<hbm>>) dst(%arg9 : memref<64x128xf32, #tpu.memory_space<vmem>>)
      %dma_start3A_208 = arith.constant 0 : i32
      %dma_start3A_209 = tpu.memref_slice %arg8[%add3A_200, %dma_start3A_208] : memref<40x64xi32, #tpu.memory_space<vmem>> -> memref<1x64xi32, #tpu.memory_space<vmem>>
      %dma_start3A_210 = tpu.memref_squeeze %dma_start3A_209 : memref<1x64xi32, #tpu.memory_space<vmem>> -> memref<64xi32, #tpu.memory_space<vmem>>
      %dma_start3A_211 = arith.constant 0 : i32
      %dma_start3A_212 = arith.constant 0 : i32
      %dma_start3A_213 = tpu.memref_slice %arg13[%dma_start3A_211, %dma_start3A_212] : memref<10240x128xf32, #tpu.memory_space<vmem_shared>> -> memref<10240x128xf32, #tpu.memory_space<vmem_shared>>
      tpu.enqueue_indirect_dma source(%arg9 : memref<64x128xf32, #tpu.memory_space<vmem>>) target(%dma_start3A_213 : memref<10240x128xf32, #tpu.memory_space<vmem_shared>>) offsets(%dma_start3A_210 : memref<64xi32, #tpu.memory_space<vmem>>) semaphore(%arg18 : memref<!tpu.dma_semaphore, #tpu.memory_space<semaphore_mem>>) {add = true}
      %ge3A = arith.constant 1 : i32
      %ge3A_214 = arith.cmpi sge, %add3A_200, %ge3A : i32
      %convert_element_type3A = arith.extui %ge3A_214 : i1 to i32
      %cond3A = arith.constant 0 : i32
      %cond3A_215 = arith.cmpi ne, %convert_element_type3A, %cond3A : i32
      scf.if %cond3A_215 {
        %dma_wait3A_283 = arith.constant 0 : i32
        %dma_wait3A_284 = arith.constant 0 : i32
        %dma_wait3A_285 = tpu.memref_slice %arg8[%dma_wait3A_283, %dma_wait3A_284] : memref<40x64xi32, #tpu.memory_space<vmem>> -> memref<1x64xi32, #tpu.memory_space<vmem>>
        %dma_wait3A_286 = tpu.memref_squeeze %dma_wait3A_285 : memref<1x64xi32, #tpu.memory_space<vmem>> -> memref<64xi32, #tpu.memory_space<vmem>>
        %dma_wait3A_287 = arith.constant 0 : i32
        %dma_wait3A_288 = arith.constant 0 : i32
        %dma_wait3A_289 = tpu.memref_slice %arg13[%dma_wait3A_287, %dma_wait3A_288] : memref<10240x128xf32, #tpu.memory_space<vmem_shared>> -> memref<10240x128xf32, #tpu.memory_space<vmem_shared>>
        tpu.wait_indirect_dma semaphore(%arg21 : memref<!tpu.dma_semaphore, #tpu.memory_space<semaphore_mem>>) src(%arg12 : memref<64x128xf32, #tpu.memory_space<vmem>>) dst(%dma_wait3A_289 : memref<10240x128xf32, #tpu.memory_space<vmem_shared>>)
        %sub3A = arith.constant 1 : i32
        %sub3A_290 = arith.subi %add3A_200, %sub3A : i32
        %add3A_291 = arith.constant 4 : i32
        %add3A_292 = arith.addi %sub3A_290, %add3A_291 : i32
        %lt3A = arith.constant 40 : i32
        %lt3A_293 = arith.cmpi slt, %add3A_292, %lt3A : i32
        %convert_element_type3A_294 = arith.extui %lt3A_293 : i1 to i32
        %cond3A_295 = arith.constant 0 : i32
        %cond3A_296 = arith.cmpi ne, %convert_element_type3A_294, %cond3A_295 : i32
        scf.if %cond3A_296 {
          %dma_start3A_297 = arith.constant 0 : i32
          %dma_start3A_298 = tpu.memref_slice %arg7[%add3A_292, %dma_start3A_297] : memref<40x64xi32, #tpu.memory_space<vmem>> -> memref<1x64xi32, #tpu.memory_space<vmem>>
          %dma_start3A_299 = tpu.memref_squeeze %dma_start3A_298 : memref<1x64xi32, #tpu.memory_space<vmem>> -> memref<64xi32, #tpu.memory_space<vmem>>
          %dma_start3A_300 = arith.constant 0 : i32
          %dma_start3A_301 = arith.constant 0 : i32
          %dma_start3A_302 = tpu.memref_slice %arg4[%dma_start3A_300, %dma_start3A_301] : memref<20480x128xf32, #tpu.memory_space<hbm>> -> memref<20480x128xf32, #tpu.memory_space<hbm>>
          tpu.enqueue_indirect_dma source(%dma_start3A_302 : memref<20480x128xf32, #tpu.memory_space<hbm>>) target(%arg12 : memref<64x128xf32, #tpu.memory_space<vmem>>) offsets(%dma_start3A_299 : memref<64xi32, #tpu.memory_space<vmem>>) semaphore(%arg17 : memref<!tpu.dma_semaphore, #tpu.memory_space<semaphore_mem>>)
        } else {
        }
      } else {
      }
      %mul3A_216 = arith.constant 4 : i32
      %mul3A_217 = arith.muli %scan3A_195, %mul3A_216 : i32
      %add3A_218 = arith.constant 1 : i32
      %add3A_219 = arith.addi %mul3A_217, %add3A_218 : i32
      %dma_wait3A_220 = arith.constant 0 : i32
      %dma_wait3A_221 = arith.constant 0 : i32
      %dma_wait3A_222 = tpu.memref_slice %arg7[%dma_wait3A_220, %dma_wait3A_221] : memref<40x64xi32, #tpu.memory_space<vmem>> -> memref<1x64xi32, #tpu.memory_space<vmem>>
      %dma_wait3A_223 = tpu.memref_squeeze %dma_wait3A_222 : memref<1x64xi32, #tpu.memory_space<vmem>> -> memref<64xi32, #tpu.memory_space<vmem>>
      %dma_wait3A_224 = arith.constant 0 : i32
      %dma_wait3A_225 = arith.constant 0 : i32
      %dma_wait3A_226 = tpu.memref_slice %arg4[%dma_wait3A_224, %dma_wait3A_225] : memref<20480x128xf32, #tpu.memory_space<hbm>> -> memref<20480x128xf32, #tpu.memory_space<hbm>>
      tpu.wait_indirect_dma semaphore(%arg15 : memref<!tpu.dma_semaphore, #tpu.memory_space<semaphore_mem>>) src(%dma_wait3A_226 : memref<20480x128xf32, #tpu.memory_space<hbm>>) dst(%arg10 : memref<64x128xf32, #tpu.memory_space<vmem>>)
      %dma_start3A_227 = arith.constant 0 : i32
      %dma_start3A_228 = tpu.memref_slice %arg8[%add3A_219, %dma_start3A_227] : memref<40x64xi32, #tpu.memory_space<vmem>> -> memref<1x64xi32, #tpu.memory_space<vmem>>
      %dma_start3A_229 = tpu.memref_squeeze %dma_start3A_228 : memref<1x64xi32, #tpu.memory_space<vmem>> -> memref<64xi32, #tpu.memory_space<vmem>>
      %dma_start3A_230 = arith.constant 0 : i32
      %dma_start3A_231 = arith.constant 0 : i32
      %dma_start3A_232 = tpu.memref_slice %arg13[%dma_start3A_230, %dma_start3A_231] : memref<10240x128xf32, #tpu.memory_space<vmem_shared>> -> memref<10240x128xf32, #tpu.memory_space<vmem_shared>>
      tpu.enqueue_indirect_dma source(%arg10 : memref<64x128xf32, #tpu.memory_space<vmem>>) target(%dma_start3A_232 : memref<10240x128xf32, #tpu.memory_space<vmem_shared>>) offsets(%dma_start3A_229 : memref<64xi32, #tpu.memory_space<vmem>>) semaphore(%arg19 : memref<!tpu.dma_semaphore, #tpu.memory_space<semaphore_mem>>) {add = true}
      %ge3A_233 = arith.constant 1 : i32
      %ge3A_234 = arith.cmpi sge, %add3A_219, %ge3A_233 : i32
      %convert_element_type3A_235 = arith.extui %ge3A_234 : i1 to i32
      %cond3A_236 = arith.constant 0 : i32
      %cond3A_237 = arith.cmpi ne, %convert_element_type3A_235, %cond3A_236 : i32
      scf.if %cond3A_237 {
        %dma_wait3A_283 = arith.constant 0 : i32
        %dma_wait3A_284 = arith.constant 0 : i32
        %dma_wait3A_285 = tpu.memref_slice %arg8[%dma_wait3A_283, %dma_wait3A_284] : memref<40x64xi32, #tpu.memory_space<vmem>> -> memref<1x64xi32, #tpu.memory_space<vmem>>
        %dma_wait3A_286 = tpu.memref_squeeze %dma_wait3A_285 : memref<1x64xi32, #tpu.memory_space<vmem>> -> memref<64xi32, #tpu.memory_space<vmem>>
        %dma_wait3A_287 = arith.constant 0 : i32
        %dma_wait3A_288 = arith.constant 0 : i32
        %dma_wait3A_289 = tpu.memref_slice %arg13[%dma_wait3A_287, %dma_wait3A_288] : memref<10240x128xf32, #tpu.memory_space<vmem_shared>> -> memref<10240x128xf32, #tpu.memory_space<vmem_shared>>
        tpu.wait_indirect_dma semaphore(%arg18 : memref<!tpu.dma_semaphore, #tpu.memory_space<semaphore_mem>>) src(%arg9 : memref<64x128xf32, #tpu.memory_space<vmem>>) dst(%dma_wait3A_289 : memref<10240x128xf32, #tpu.memory_space<vmem_shared>>)
        %sub3A = arith.constant 1 : i32
        %sub3A_290 = arith.subi %add3A_219, %sub3A : i32
        %add3A_291 = arith.constant 4 : i32
        %add3A_292 = arith.addi %sub3A_290, %add3A_291 : i32
        %lt3A = arith.constant 40 : i32
        %lt3A_293 = arith.cmpi slt, %add3A_292, %lt3A : i32
        %convert_element_type3A_294 = arith.extui %lt3A_293 : i1 to i32
        %cond3A_295 = arith.constant 0 : i32
        %cond3A_296 = arith.cmpi ne, %convert_element_type3A_294, %cond3A_295 : i32
        scf.if %cond3A_296 {
          %dma_start3A_297 = arith.constant 0 : i32
          %dma_start3A_298 = tpu.memref_slice %arg7[%add3A_292, %dma_start3A_297] : memref<40x64xi32, #tpu.memory_space<vmem>> -> memref<1x64xi32, #tpu.memory_space<vmem>>
          %dma_start3A_299 = tpu.memref_squeeze %dma_start3A_298 : memref<1x64xi32, #tpu.memory_space<vmem>> -> memref<64xi32, #tpu.memory_space<vmem>>
          %dma_start3A_300 = arith.constant 0 : i32
          %dma_start3A_301 = arith.constant 0 : i32
          %dma_start3A_302 = tpu.memref_slice %arg4[%dma_start3A_300, %dma_start3A_301] : memref<20480x128xf32, #tpu.memory_space<hbm>> -> memref<20480x128xf32, #tpu.memory_space<hbm>>
          tpu.enqueue_indirect_dma source(%dma_start3A_302 : memref<20480x128xf32, #tpu.memory_space<hbm>>) target(%arg9 : memref<64x128xf32, #tpu.memory_space<vmem>>) offsets(%dma_start3A_299 : memref<64xi32, #tpu.memory_space<vmem>>) semaphore(%arg14 : memref<!tpu.dma_semaphore, #tpu.memory_space<semaphore_mem>>)
        } else {
        }
      } else {
      }
      %mul3A_238 = arith.constant 4 : i32
      %mul3A_239 = arith.muli %scan3A_195, %mul3A_238 : i32
      %add3A_240 = arith.constant 2 : i32
      %add3A_241 = arith.addi %mul3A_239, %add3A_240 : i32
      %dma_wait3A_242 = arith.constant 0 : i32
      %dma_wait3A_243 = arith.constant 0 : i32
      %dma_wait3A_244 = tpu.memref_slice %arg7[%dma_wait3A_242, %dma_wait3A_243] : memref<40x64xi32, #tpu.memory_space<vmem>> -> memref<1x64xi32, #tpu.memory_space<vmem>>
      %dma_wait3A_245 = tpu.memref_squeeze %dma_wait3A_244 : memref<1x64xi32, #tpu.memory_space<vmem>> -> memref<64xi32, #tpu.memory_space<vmem>>
      %dma_wait3A_246 = arith.constant 0 : i32
      %dma_wait3A_247 = arith.constant 0 : i32
      %dma_wait3A_248 = tpu.memref_slice %arg4[%dma_wait3A_246, %dma_wait3A_247] : memref<20480x128xf32, #tpu.memory_space<hbm>> -> memref<20480x128xf32, #tpu.memory_space<hbm>>
      tpu.wait_indirect_dma semaphore(%arg16 : memref<!tpu.dma_semaphore, #tpu.memory_space<semaphore_mem>>) src(%dma_wait3A_248 : memref<20480x128xf32, #tpu.memory_space<hbm>>) dst(%arg11 : memref<64x128xf32, #tpu.memory_space<vmem>>)
      %dma_start3A_249 = arith.constant 0 : i32
      %dma_start3A_250 = tpu.memref_slice %arg8[%add3A_241, %dma_start3A_249] : memref<40x64xi32, #tpu.memory_space<vmem>> -> memref<1x64xi32, #tpu.memory_space<vmem>>
      %dma_start3A_251 = tpu.memref_squeeze %dma_start3A_250 : memref<1x64xi32, #tpu.memory_space<vmem>> -> memref<64xi32, #tpu.memory_space<vmem>>
      %dma_start3A_252 = arith.constant 0 : i32
      %dma_start3A_253 = arith.constant 0 : i32
      %dma_start3A_254 = tpu.memref_slice %arg13[%dma_start3A_252, %dma_start3A_253] : memref<10240x128xf32, #tpu.memory_space<vmem_shared>> -> memref<10240x128xf32, #tpu.memory_space<vmem_shared>>
      tpu.enqueue_indirect_dma source(%arg11 : memref<64x128xf32, #tpu.memory_space<vmem>>) target(%dma_start3A_254 : memref<10240x128xf32, #tpu.memory_space<vmem_shared>>) offsets(%dma_start3A_251 : memref<64xi32, #tpu.memory_space<vmem>>) semaphore(%arg20 : memref<!tpu.dma_semaphore, #tpu.memory_space<semaphore_mem>>) {add = true}
      %ge3A_255 = arith.constant 1 : i32
      %ge3A_256 = arith.cmpi sge, %add3A_241, %ge3A_255 : i32
      %convert_element_type3A_257 = arith.extui %ge3A_256 : i1 to i32
      %cond3A_258 = arith.constant 0 : i32
      %cond3A_259 = arith.cmpi ne, %convert_element_type3A_257, %cond3A_258 : i32
      scf.if %cond3A_259 {
        %dma_wait3A_283 = arith.constant 0 : i32
        %dma_wait3A_284 = arith.constant 0 : i32
        %dma_wait3A_285 = tpu.memref_slice %arg8[%dma_wait3A_283, %dma_wait3A_284] : memref<40x64xi32, #tpu.memory_space<vmem>> -> memref<1x64xi32, #tpu.memory_space<vmem>>
        %dma_wait3A_286 = tpu.memref_squeeze %dma_wait3A_285 : memref<1x64xi32, #tpu.memory_space<vmem>> -> memref<64xi32, #tpu.memory_space<vmem>>
        %dma_wait3A_287 = arith.constant 0 : i32
        %dma_wait3A_288 = arith.constant 0 : i32
        %dma_wait3A_289 = tpu.memref_slice %arg13[%dma_wait3A_287, %dma_wait3A_288] : memref<10240x128xf32, #tpu.memory_space<vmem_shared>> -> memref<10240x128xf32, #tpu.memory_space<vmem_shared>>
        tpu.wait_indirect_dma semaphore(%arg19 : memref<!tpu.dma_semaphore, #tpu.memory_space<semaphore_mem>>) src(%arg10 : memref<64x128xf32, #tpu.memory_space<vmem>>) dst(%dma_wait3A_289 : memref<10240x128xf32, #tpu.memory_space<vmem_shared>>)
        %sub3A = arith.constant 1 : i32
        %sub3A_290 = arith.subi %add3A_241, %sub3A : i32
        %add3A_291 = arith.constant 4 : i32
        %add3A_292 = arith.addi %sub3A_290, %add3A_291 : i32
        %lt3A = arith.constant 40 : i32
        %lt3A_293 = arith.cmpi slt, %add3A_292, %lt3A : i32
        %convert_element_type3A_294 = arith.extui %lt3A_293 : i1 to i32
        %cond3A_295 = arith.constant 0 : i32
        %cond3A_296 = arith.cmpi ne, %convert_element_type3A_294, %cond3A_295 : i32
        scf.if %cond3A_296 {
          %dma_start3A_297 = arith.constant 0 : i32
          %dma_start3A_298 = tpu.memref_slice %arg7[%add3A_292, %dma_start3A_297] : memref<40x64xi32, #tpu.memory_space<vmem>> -> memref<1x64xi32, #tpu.memory_space<vmem>>
          %dma_start3A_299 = tpu.memref_squeeze %dma_start3A_298 : memref<1x64xi32, #tpu.memory_space<vmem>> -> memref<64xi32, #tpu.memory_space<vmem>>
          %dma_start3A_300 = arith.constant 0 : i32
          %dma_start3A_301 = arith.constant 0 : i32
          %dma_start3A_302 = tpu.memref_slice %arg4[%dma_start3A_300, %dma_start3A_301] : memref<20480x128xf32, #tpu.memory_space<hbm>> -> memref<20480x128xf32, #tpu.memory_space<hbm>>
          tpu.enqueue_indirect_dma source(%dma_start3A_302 : memref<20480x128xf32, #tpu.memory_space<hbm>>) target(%arg10 : memref<64x128xf32, #tpu.memory_space<vmem>>) offsets(%dma_start3A_299 : memref<64xi32, #tpu.memory_space<vmem>>) semaphore(%arg15 : memref<!tpu.dma_semaphore, #tpu.memory_space<semaphore_mem>>)
        } else {
        }
      } else {
      }
      %mul3A_260 = arith.constant 4 : i32
      %mul3A_261 = arith.muli %scan3A_195, %mul3A_260 : i32
      %add3A_262 = arith.constant 3 : i32
      %add3A_263 = arith.addi %mul3A_261, %add3A_262 : i32
      %dma_wait3A_264 = arith.constant 0 : i32
      %dma_wait3A_265 = arith.constant 0 : i32
      %dma_wait3A_266 = tpu.memref_slice %arg7[%dma_wait3A_264, %dma_wait3A_265] : memref<40x64xi32, #tpu.memory_space<vmem>> -> memref<1x64xi32, #tpu.memory_space<vmem>>
      %dma_wait3A_267 = tpu.memref_squeeze %dma_wait3A_266 : memref<1x64xi32, #tpu.memory_space<vmem>> -> memref<64xi32, #tpu.memory_space<vmem>>
      %dma_wait3A_268 = arith.constant 0 : i32
      %dma_wait3A_269 = arith.constant 0 : i32
      %dma_wait3A_270 = tpu.memref_slice %arg4[%dma_wait3A_268, %dma_wait3A_269] : memref<20480x128xf32, #tpu.memory_space<hbm>> -> memref<20480x128xf32, #tpu.memory_space<hbm>>
      tpu.wait_indirect_dma semaphore(%arg17 : memref<!tpu.dma_semaphore, #tpu.memory_space<semaphore_mem>>) src(%dma_wait3A_270 : memref<20480x128xf32, #tpu.memory_space<hbm>>) dst(%arg12 : memref<64x128xf32, #tpu.memory_space<vmem>>)
      %dma_start3A_271 = arith.constant 0 : i32
      %dma_start3A_272 = tpu.memref_slice %arg8[%add3A_263, %dma_start3A_271] : memref<40x64xi32, #tpu.memory_space<vmem>> -> memref<1x64xi32, #tpu.memory_space<vmem>>
      %dma_start3A_273 = tpu.memref_squeeze %dma_start3A_272 : memref<1x64xi32, #tpu.memory_space<vmem>> -> memref<64xi32, #tpu.memory_space<vmem>>
      %dma_start3A_274 = arith.constant 0 : i32
      %dma_start3A_275 = arith.constant 0 : i32
      %dma_start3A_276 = tpu.memref_slice %arg13[%dma_start3A_274, %dma_start3A_275] : memref<10240x128xf32, #tpu.memory_space<vmem_shared>> -> memref<10240x128xf32, #tpu.memory_space<vmem_shared>>
      tpu.enqueue_indirect_dma source(%arg12 : memref<64x128xf32, #tpu.memory_space<vmem>>) target(%dma_start3A_276 : memref<10240x128xf32, #tpu.memory_space<vmem_shared>>) offsets(%dma_start3A_273 : memref<64xi32, #tpu.memory_space<vmem>>) semaphore(%arg21 : memref<!tpu.dma_semaphore, #tpu.memory_space<semaphore_mem>>) {add = true}
      %ge3A_277 = arith.constant 1 : i32
      %ge3A_278 = arith.cmpi sge, %add3A_263, %ge3A_277 : i32
      %convert_element_type3A_279 = arith.extui %ge3A_278 : i1 to i32
      %cond3A_280 = arith.constant 0 : i32
      %cond3A_281 = arith.cmpi ne, %convert_element_type3A_279, %cond3A_280 : i32
      scf.if %cond3A_281 {
        %dma_wait3A_283 = arith.constant 0 : i32
        %dma_wait3A_284 = arith.constant 0 : i32
        %dma_wait3A_285 = tpu.memref_slice %arg8[%dma_wait3A_283, %dma_wait3A_284] : memref<40x64xi32, #tpu.memory_space<vmem>> -> memref<1x64xi32, #tpu.memory_space<vmem>>
        %dma_wait3A_286 = tpu.memref_squeeze %dma_wait3A_285 : memref<1x64xi32, #tpu.memory_space<vmem>> -> memref<64xi32, #tpu.memory_space<vmem>>
        %dma_wait3A_287 = arith.constant 0 : i32
        %dma_wait3A_288 = arith.constant 0 : i32
        %dma_wait3A_289 = tpu.memref_slice %arg13[%dma_wait3A_287, %dma_wait3A_288] : memref<10240x128xf32, #tpu.memory_space<vmem_shared>> -> memref<10240x128xf32, #tpu.memory_space<vmem_shared>>
        tpu.wait_indirect_dma semaphore(%arg20 : memref<!tpu.dma_semaphore, #tpu.memory_space<semaphore_mem>>) src(%arg11 : memref<64x128xf32, #tpu.memory_space<vmem>>) dst(%dma_wait3A_289 : memref<10240x128xf32, #tpu.memory_space<vmem_shared>>)
        %sub3A = arith.constant 1 : i32
        %sub3A_290 = arith.subi %add3A_263, %sub3A : i32
        %add3A_291 = arith.constant 4 : i32
        %add3A_292 = arith.addi %sub3A_290, %add3A_291 : i32
        %lt3A = arith.constant 40 : i32
        %lt3A_293 = arith.cmpi slt, %add3A_292, %lt3A : i32
        %convert_element_type3A_294 = arith.extui %lt3A_293 : i1 to i32
        %cond3A_295 = arith.constant 0 : i32
        %cond3A_296 = arith.cmpi ne, %convert_element_type3A_294, %cond3A_295 : i32
        scf.if %cond3A_296 {
          %dma_start3A_297 = arith.constant 0 : i32
          %dma_start3A_298 = tpu.memref_slice %arg7[%add3A_292, %dma_start3A_297] : memref<40x64xi32, #tpu.memory_space<vmem>> -> memref<1x64xi32, #tpu.memory_space<vmem>>
          %dma_start3A_299 = tpu.memref_squeeze %dma_start3A_298 : memref<1x64xi32, #tpu.memory_space<vmem>> -> memref<64xi32, #tpu.memory_space<vmem>>
          %dma_start3A_300 = arith.constant 0 : i32
          %dma_start3A_301 = arith.constant 0 : i32
          %dma_start3A_302 = tpu.memref_slice %arg4[%dma_start3A_300, %dma_start3A_301] : memref<20480x128xf32, #tpu.memory_space<hbm>> -> memref<20480x128xf32, #tpu.memory_space<hbm>>
          tpu.enqueue_indirect_dma source(%dma_start3A_302 : memref<20480x128xf32, #tpu.memory_space<hbm>>) target(%arg11 : memref<64x128xf32, #tpu.memory_space<vmem>>) offsets(%dma_start3A_299 : memref<64xi32, #tpu.memory_space<vmem>>) semaphore(%arg16 : memref<!tpu.dma_semaphore, #tpu.memory_space<semaphore_mem>>)
        } else {
        }
      } else {
      }
      %scan3A_282 = arith.constant 0 : i32
      scf.yield %scan3A_282 : i32
    }
    %scan3A_138 = arith.constant 10 : i32
    %dma_wait3A_139 = arith.constant 0 : i32
    %dma_wait3A_140 = arith.constant 0 : i32
    %dma_wait3A_141 = tpu.memref_slice %arg8[%dma_wait3A_139, %dma_wait3A_140] : memref<40x64xi32, #tpu.memory_space<vmem>> -> memref<1x64xi32, #tpu.memory_space<vmem>>
    %dma_wait3A_142 = tpu.memref_squeeze %dma_wait3A_141 : memref<1x64xi32, #tpu.memory_space<vmem>> -> memref<64xi32, #tpu.memory_space<vmem>>
    %dma_wait3A_143 = arith.constant 0 : i32
    %dma_wait3A_144 = arith.constant 0 : i32
    %dma_wait3A_145 = tpu.memref_slice %arg13[%dma_wait3A_143, %dma_wait3A_144] : memref<10240x128xf32, #tpu.memory_space<vmem_shared>> -> memref<10240x128xf32, #tpu.memory_space<vmem_shared>>
    tpu.wait_indirect_dma semaphore(%arg21 : memref<!tpu.dma_semaphore, #tpu.memory_space<semaphore_mem>>) src(%arg12 : memref<64x128xf32, #tpu.memory_space<vmem>>) dst(%dma_wait3A_145 : memref<10240x128xf32, #tpu.memory_space<vmem_shared>>)
    %run_scoped3A_146 = arith.constant 3 : i32
    "tpu.region"() ({
      %run_scoped3A_195 = tpu.sem_alloc : memref<!tpu.dma_semaphore, #tpu.memory_space<semaphore_mem>>
      %dma_start3A_196 = arith.constant 0 : i32
      %dma_start3A_197 = arith.constant 0 : i32
      %dma_start3A_198 = tpu.memref_slice %arg2[%arg0, %arg1, %run_scoped3A_146, %dma_start3A_196, %dma_start3A_197] : memref<2x16x4x40x64xi32, #tpu.memory_space<hbm>> -> memref<1x1x1x40x64xi32, #tpu.memory_space<hbm>>
      %dma_start3A_199 = tpu.memref_squeeze %dma_start3A_198 : memref<1x1x1x40x64xi32, #tpu.memory_space<hbm>> -> memref<40x64xi32, #tpu.memory_space<hbm>>
      %dma_start3A_200 = arith.constant 0 : i32
      %dma_start3A_201 = arith.constant 0 : i32
      %dma_start3A_202 = tpu.memref_slice %arg2[%arg0, %arg1, %run_scoped3A_146, %dma_start3A_200, %dma_start3A_201] : memref<2x16x4x40x64xi32, #tpu.memory_space<hbm>> -> memref<1x1x1x40x64xi32, #tpu.memory_space<hbm>>
      %dma_start3A_203 = tpu.memref_squeeze %dma_start3A_202 : memref<1x1x1x40x64xi32, #tpu.memory_space<hbm>> -> memref<40x64xi32, #tpu.memory_space<hbm>>
      tpu.enqueue_dma source(%dma_start3A_203 : memref<40x64xi32, #tpu.memory_space<hbm>>) target(%arg7 : memref<40x64xi32, #tpu.memory_space<vmem>>) target_semaphore(%run_scoped3A_195 : memref<!tpu.dma_semaphore, #tpu.memory_space<semaphore_mem>>)
      %dma_wait3A_204 = arith.constant 0 : i32
      %dma_wait3A_205 = arith.constant 0 : i32
      %dma_wait3A_206 = tpu.memref_slice %arg2[%arg0, %arg1, %run_scoped3A_146, %dma_wait3A_204, %dma_wait3A_205] : memref<2x16x4x40x64xi32, #tpu.memory_space<hbm>> -> memref<1x1x1x40x64xi32, #tpu.memory_space<hbm>>
      %dma_wait3A_207 = tpu.memref_squeeze %dma_wait3A_206 : memref<1x1x1x40x64xi32, #tpu.memory_space<hbm>> -> memref<40x64xi32, #tpu.memory_space<hbm>>
      %dma_wait3A_208 = arith.constant 0 : i32
      %dma_wait3A_209 = arith.constant 0 : i32
      %dma_wait3A_210 = tpu.memref_slice %arg2[%arg0, %arg1, %run_scoped3A_146, %dma_wait3A_208, %dma_wait3A_209] : memref<2x16x4x40x64xi32, #tpu.memory_space<hbm>> -> memref<1x1x1x40x64xi32, #tpu.memory_space<hbm>>
      %dma_wait3A_211 = tpu.memref_squeeze %dma_wait3A_210 : memref<1x1x1x40x64xi32, #tpu.memory_space<hbm>> -> memref<40x64xi32, #tpu.memory_space<hbm>>
      tpu.wait_dma2 semaphore(%run_scoped3A_195 : memref<!tpu.dma_semaphore, #tpu.memory_space<semaphore_mem>>) src(%dma_wait3A_211 : memref<40x64xi32, #tpu.memory_space<hbm>>) dst(%arg7 : memref<40x64xi32, #tpu.memory_space<vmem>>)
      tpu.yield
    }) : () -> ()
    %run_scoped3A_147 = arith.constant 3 : i32
    "tpu.region"() ({
      %run_scoped3A_195 = tpu.sem_alloc : memref<!tpu.dma_semaphore, #tpu.memory_space<semaphore_mem>>
      %dma_start3A_196 = arith.constant 0 : i32
      %dma_start3A_197 = arith.constant 0 : i32
      %dma_start3A_198 = tpu.memref_slice %arg3[%arg1, %run_scoped3A_147, %dma_start3A_196, %dma_start3A_197] : memref<16x4x40x64xi32, #tpu.memory_space<hbm>> -> memref<1x1x40x64xi32, #tpu.memory_space<hbm>>
      %dma_start3A_199 = tpu.memref_squeeze %dma_start3A_198 : memref<1x1x40x64xi32, #tpu.memory_space<hbm>> -> memref<40x64xi32, #tpu.memory_space<hbm>>
      %dma_start3A_200 = arith.constant 0 : i32
      %dma_start3A_201 = arith.constant 0 : i32
      %dma_start3A_202 = tpu.memref_slice %arg3[%arg1, %run_scoped3A_147, %dma_start3A_200, %dma_start3A_201] : memref<16x4x40x64xi32, #tpu.memory_space<hbm>> -> memref<1x1x40x64xi32, #tpu.memory_space<hbm>>
      %dma_start3A_203 = tpu.memref_squeeze %dma_start3A_202 : memref<1x1x40x64xi32, #tpu.memory_space<hbm>> -> memref<40x64xi32, #tpu.memory_space<hbm>>
      tpu.enqueue_dma source(%dma_start3A_203 : memref<40x64xi32, #tpu.memory_space<hbm>>) target(%arg8 : memref<40x64xi32, #tpu.memory_space<vmem>>) target_semaphore(%run_scoped3A_195 : memref<!tpu.dma_semaphore, #tpu.memory_space<semaphore_mem>>)
      %dma_wait3A_204 = arith.constant 0 : i32
      %dma_wait3A_205 = arith.constant 0 : i32
      %dma_wait3A_206 = tpu.memref_slice %arg3[%arg1, %run_scoped3A_147, %dma_wait3A_204, %dma_wait3A_205] : memref<16x4x40x64xi32, #tpu.memory_space<hbm>> -> memref<1x1x40x64xi32, #tpu.memory_space<hbm>>
      %dma_wait3A_207 = tpu.memref_squeeze %dma_wait3A_206 : memref<1x1x40x64xi32, #tpu.memory_space<hbm>> -> memref<40x64xi32, #tpu.memory_space<hbm>>
      %dma_wait3A_208 = arith.constant 0 : i32
      %dma_wait3A_209 = arith.constant 0 : i32
      %dma_wait3A_210 = tpu.memref_slice %arg3[%arg1, %run_scoped3A_147, %dma_wait3A_208, %dma_wait3A_209] : memref<16x4x40x64xi32, #tpu.memory_space<hbm>> -> memref<1x1x40x64xi32, #tpu.memory_space<hbm>>
      %dma_wait3A_211 = tpu.memref_squeeze %dma_wait3A_210 : memref<1x1x40x64xi32, #tpu.memory_space<hbm>> -> memref<40x64xi32, #tpu.memory_space<hbm>>
      tpu.wait_dma2 semaphore(%run_scoped3A_195 : memref<!tpu.dma_semaphore, #tpu.memory_space<semaphore_mem>>) src(%dma_wait3A_211 : memref<40x64xi32, #tpu.memory_space<hbm>>) dst(%arg8 : memref<40x64xi32, #tpu.memory_space<vmem>>)
      tpu.yield
    }) : () -> ()
    %dma_start3A_148 = arith.constant 0 : i32
    %dma_start3A_149 = arith.constant 0 : i32
    %dma_start3A_150 = tpu.memref_slice %arg7[%dma_start3A_148, %dma_start3A_149] : memref<40x64xi32, #tpu.memory_space<vmem>> -> memref<1x64xi32, #tpu.memory_space<vmem>>
    %dma_start3A_151 = tpu.memref_squeeze %dma_start3A_150 : memref<1x64xi32, #tpu.memory_space<vmem>> -> memref<64xi32, #tpu.memory_space<vmem>>
    %dma_start3A_152 = arith.constant 0 : i32
    %dma_start3A_153 = arith.constant 0 : i32
    %dma_start3A_154 = tpu.memref_slice %arg4[%dma_start3A_152, %dma_start3A_153] : memref<20480x128xf32, #tpu.memory_space<hbm>> -> memref<20480x128xf32, #tpu.memory_space<hbm>>
    tpu.enqueue_indirect_dma source(%dma_start3A_154 : memref<20480x128xf32, #tpu.memory_space<hbm>>) target(%arg9 : memref<64x128xf32, #tpu.memory_space<vmem>>) offsets(%dma_start3A_151 : memref<64xi32, #tpu.memory_space<vmem>>) semaphore(%arg14 : memref<!tpu.dma_semaphore, #tpu.memory_space<semaphore_mem>>)
    %dma_start3A_155 = arith.constant 1 : i32
    %dma_start3A_156 = arith.constant 0 : i32
    %dma_start3A_157 = tpu.memref_slice %arg7[%dma_start3A_155, %dma_start3A_156] : memref<40x64xi32, #tpu.memory_space<vmem>> -> memref<1x64xi32, #tpu.memory_space<vmem>>
    %dma_start3A_158 = tpu.memref_squeeze %dma_start3A_157 : memref<1x64xi32, #tpu.memory_space<vmem>> -> memref<64xi32, #tpu.memory_space<vmem>>
    %dma_start3A_159 = arith.constant 0 : i32
    %dma_start3A_160 = arith.constant 0 : i32
    %dma_start3A_161 = tpu.memref_slice %arg4[%dma_start3A_159, %dma_start3A_160] : memref<20480x128xf32, #tpu.memory_space<hbm>> -> memref<20480x128xf32, #tpu.memory_space<hbm>>
    tpu.enqueue_indirect_dma source(%dma_start3A_161 : memref<20480x128xf32, #tpu.memory_space<hbm>>) target(%arg10 : memref<64x128xf32, #tpu.memory_space<vmem>>) offsets(%dma_start3A_158 : memref<64xi32, #tpu.memory_space<vmem>>) semaphore(%arg15 : memref<!tpu.dma_semaphore, #tpu.memory_space<semaphore_mem>>)
    %dma_start3A_162 = arith.constant 2 : i32
    %dma_start3A_163 = arith.constant 0 : i32
    %dma_start3A_164 = tpu.memref_slice %arg7[%dma_start3A_162, %dma_start3A_163] : memref<40x64xi32, #tpu.memory_space<vmem>> -> memref<1x64xi32, #tpu.memory_space<vmem>>
    %dma_start3A_165 = tpu.memref_squeeze %dma_start3A_164 : memref<1x64xi32, #tpu.memory_space<vmem>> -> memref<64xi32, #tpu.memory_space<vmem>>
    %dma_start3A_166 = arith.constant 0 : i32
    %dma_start3A_167 = arith.constant 0 : i32
    %dma_start3A_168 = tpu.memref_slice %arg4[%dma_start3A_166, %dma_start3A_167] : memref<20480x128xf32, #tpu.memory_space<hbm>> -> memref<20480x128xf32, #tpu.memory_space<hbm>>
    tpu.enqueue_indirect_dma source(%dma_start3A_168 : memref<20480x128xf32, #tpu.memory_space<hbm>>) target(%arg11 : memref<64x128xf32, #tpu.memory_space<vmem>>) offsets(%dma_start3A_165 : memref<64xi32, #tpu.memory_space<vmem>>) semaphore(%arg16 : memref<!tpu.dma_semaphore, #tpu.memory_space<semaphore_mem>>)
    %dma_start3A_169 = arith.constant 3 : i32
    %dma_start3A_170 = arith.constant 0 : i32
    %dma_start3A_171 = tpu.memref_slice %arg7[%dma_start3A_169, %dma_start3A_170] : memref<40x64xi32, #tpu.memory_space<vmem>> -> memref<1x64xi32, #tpu.memory_space<vmem>>
    %dma_start3A_172 = tpu.memref_squeeze %dma_start3A_171 : memref<1x64xi32, #tpu.memory_space<vmem>> -> memref<64xi32, #tpu.memory_space<vmem>>
    %dma_start3A_173 = arith.constant 0 : i32
    %dma_start3A_174 = arith.constant 0 : i32
    %dma_start3A_175 = tpu.memref_slice %arg4[%dma_start3A_173, %dma_start3A_174] : memref<20480x128xf32, #tpu.memory_space<hbm>> -> memref<20480x128xf32, #tpu.memory_space<hbm>>
    tpu.enqueue_indirect_dma source(%dma_start3A_175 : memref<20480x128xf32, #tpu.memory_space<hbm>>) target(%arg12 : memref<64x128xf32, #tpu.memory_space<vmem>>) offsets(%dma_start3A_172 : memref<64xi32, #tpu.memory_space<vmem>>) semaphore(%arg17 : memref<!tpu.dma_semaphore, #tpu.memory_space<semaphore_mem>>)
    %scan3A_176 = arith.constant 0 : i32
    %scan3A_177 = arith.constant 0 : i32
    %scan3A_178 = arith.constant 10 : i32
    %scan3A_179 = arith.addi %scan3A_177, %scan3A_178 : i32
    %scan3A_180 = arith.constant 1 : i32
    %scan3A_181 = scf.for %scan3A_195 = %scan3A_177 to %scan3A_179 step %scan3A_180 iter_args(%scan3A_196 = %scan3A_176) -> (i32)  : i32 {
      %mul3A_197 = arith.constant 4 : i32
      %mul3A_198 = arith.muli %scan3A_195, %mul3A_197 : i32
      %add3A_199 = arith.constant 0 : i32
      %add3A_200 = arith.addi %mul3A_198, %add3A_199 : i32
      %dma_wait3A_201 = arith.constant 0 : i32
      %dma_wait3A_202 = arith.constant 0 : i32
      %dma_wait3A_203 = tpu.memref_slice %arg7[%dma_wait3A_201, %dma_wait3A_202] : memref<40x64xi32, #tpu.memory_space<vmem>> -> memref<1x64xi32, #tpu.memory_space<vmem>>
      %dma_wait3A_204 = tpu.memref_squeeze %dma_wait3A_203 : memref<1x64xi32, #tpu.memory_space<vmem>> -> memref<64xi32, #tpu.memory_space<vmem>>
      %dma_wait3A_205 = arith.constant 0 : i32
      %dma_wait3A_206 = arith.constant 0 : i32
      %dma_wait3A_207 = tpu.memref_slice %arg4[%dma_wait3A_205, %dma_wait3A_206] : memref<20480x128xf32, #tpu.memory_space<hbm>> -> memref<20480x128xf32, #tpu.memory_space<hbm>>
      tpu.wait_indirect_dma semaphore(%arg14 : memref<!tpu.dma_semaphore, #tpu.memory_space<semaphore_mem>>) src(%dma_wait3A_207 : memref<20480x128xf32, #tpu.memory_space<hbm>>) dst(%arg9 : memref<64x128xf32, #tpu.memory_space<vmem>>)
      %dma_start3A_208 = arith.constant 0 : i32
      %dma_start3A_209 = tpu.memref_slice %arg8[%add3A_200, %dma_start3A_208] : memref<40x64xi32, #tpu.memory_space<vmem>> -> memref<1x64xi32, #tpu.memory_space<vmem>>
      %dma_start3A_210 = tpu.memref_squeeze %dma_start3A_209 : memref<1x64xi32, #tpu.memory_space<vmem>> -> memref<64xi32, #tpu.memory_space<vmem>>
      %dma_start3A_211 = arith.constant 0 : i32
      %dma_start3A_212 = arith.constant 0 : i32
      %dma_start3A_213 = tpu.memref_slice %arg13[%dma_start3A_211, %dma_start3A_212] : memref<10240x128xf32, #tpu.memory_space<vmem_shared>> -> memref<10240x128xf32, #tpu.memory_space<vmem_shared>>
      tpu.enqueue_indirect_dma source(%arg9 : memref<64x128xf32, #tpu.memory_space<vmem>>) target(%dma_start3A_213 : memref<10240x128xf32, #tpu.memory_space<vmem_shared>>) offsets(%dma_start3A_210 : memref<64xi32, #tpu.memory_space<vmem>>) semaphore(%arg18 : memref<!tpu.dma_semaphore, #tpu.memory_space<semaphore_mem>>) {add = true}
      %ge3A = arith.constant 1 : i32
      %ge3A_214 = arith.cmpi sge, %add3A_200, %ge3A : i32
      %convert_element_type3A = arith.extui %ge3A_214 : i1 to i32
      %cond3A = arith.constant 0 : i32
      %cond3A_215 = arith.cmpi ne, %convert_element_type3A, %cond3A : i32
      scf.if %cond3A_215 {
        %dma_wait3A_283 = arith.constant 0 : i32
        %dma_wait3A_284 = arith.constant 0 : i32
        %dma_wait3A_285 = tpu.memref_slice %arg8[%dma_wait3A_283, %dma_wait3A_284] : memref<40x64xi32, #tpu.memory_space<vmem>> -> memref<1x64xi32, #tpu.memory_space<vmem>>
        %dma_wait3A_286 = tpu.memref_squeeze %dma_wait3A_285 : memref<1x64xi32, #tpu.memory_space<vmem>> -> memref<64xi32, #tpu.memory_space<vmem>>
        %dma_wait3A_287 = arith.constant 0 : i32
        %dma_wait3A_288 = arith.constant 0 : i32
        %dma_wait3A_289 = tpu.memref_slice %arg13[%dma_wait3A_287, %dma_wait3A_288] : memref<10240x128xf32, #tpu.memory_space<vmem_shared>> -> memref<10240x128xf32, #tpu.memory_space<vmem_shared>>
        tpu.wait_indirect_dma semaphore(%arg21 : memref<!tpu.dma_semaphore, #tpu.memory_space<semaphore_mem>>) src(%arg12 : memref<64x128xf32, #tpu.memory_space<vmem>>) dst(%dma_wait3A_289 : memref<10240x128xf32, #tpu.memory_space<vmem_shared>>)
        %sub3A = arith.constant 1 : i32
        %sub3A_290 = arith.subi %add3A_200, %sub3A : i32
        %add3A_291 = arith.constant 4 : i32
        %add3A_292 = arith.addi %sub3A_290, %add3A_291 : i32
        %lt3A = arith.constant 40 : i32
        %lt3A_293 = arith.cmpi slt, %add3A_292, %lt3A : i32
        %convert_element_type3A_294 = arith.extui %lt3A_293 : i1 to i32
        %cond3A_295 = arith.constant 0 : i32
        %cond3A_296 = arith.cmpi ne, %convert_element_type3A_294, %cond3A_295 : i32
        scf.if %cond3A_296 {
          %dma_start3A_297 = arith.constant 0 : i32
          %dma_start3A_298 = tpu.memref_slice %arg7[%add3A_292, %dma_start3A_297] : memref<40x64xi32, #tpu.memory_space<vmem>> -> memref<1x64xi32, #tpu.memory_space<vmem>>
          %dma_start3A_299 = tpu.memref_squeeze %dma_start3A_298 : memref<1x64xi32, #tpu.memory_space<vmem>> -> memref<64xi32, #tpu.memory_space<vmem>>
          %dma_start3A_300 = arith.constant 0 : i32
          %dma_start3A_301 = arith.constant 0 : i32
          %dma_start3A_302 = tpu.memref_slice %arg4[%dma_start3A_300, %dma_start3A_301] : memref<20480x128xf32, #tpu.memory_space<hbm>> -> memref<20480x128xf32, #tpu.memory_space<hbm>>
          tpu.enqueue_indirect_dma source(%dma_start3A_302 : memref<20480x128xf32, #tpu.memory_space<hbm>>) target(%arg12 : memref<64x128xf32, #tpu.memory_space<vmem>>) offsets(%dma_start3A_299 : memref<64xi32, #tpu.memory_space<vmem>>) semaphore(%arg17 : memref<!tpu.dma_semaphore, #tpu.memory_space<semaphore_mem>>)
        } else {
        }
      } else {
      }
      %mul3A_216 = arith.constant 4 : i32
      %mul3A_217 = arith.muli %scan3A_195, %mul3A_216 : i32
      %add3A_218 = arith.constant 1 : i32
      %add3A_219 = arith.addi %mul3A_217, %add3A_218 : i32
      %dma_wait3A_220 = arith.constant 0 : i32
      %dma_wait3A_221 = arith.constant 0 : i32
      %dma_wait3A_222 = tpu.memref_slice %arg7[%dma_wait3A_220, %dma_wait3A_221] : memref<40x64xi32, #tpu.memory_space<vmem>> -> memref<1x64xi32, #tpu.memory_space<vmem>>
      %dma_wait3A_223 = tpu.memref_squeeze %dma_wait3A_222 : memref<1x64xi32, #tpu.memory_space<vmem>> -> memref<64xi32, #tpu.memory_space<vmem>>
      %dma_wait3A_224 = arith.constant 0 : i32
      %dma_wait3A_225 = arith.constant 0 : i32
      %dma_wait3A_226 = tpu.memref_slice %arg4[%dma_wait3A_224, %dma_wait3A_225] : memref<20480x128xf32, #tpu.memory_space<hbm>> -> memref<20480x128xf32, #tpu.memory_space<hbm>>
      tpu.wait_indirect_dma semaphore(%arg15 : memref<!tpu.dma_semaphore, #tpu.memory_space<semaphore_mem>>) src(%dma_wait3A_226 : memref<20480x128xf32, #tpu.memory_space<hbm>>) dst(%arg10 : memref<64x128xf32, #tpu.memory_space<vmem>>)
      %dma_start3A_227 = arith.constant 0 : i32
      %dma_start3A_228 = tpu.memref_slice %arg8[%add3A_219, %dma_start3A_227] : memref<40x64xi32, #tpu.memory_space<vmem>> -> memref<1x64xi32, #tpu.memory_space<vmem>>
      %dma_start3A_229 = tpu.memref_squeeze %dma_start3A_228 : memref<1x64xi32, #tpu.memory_space<vmem>> -> memref<64xi32, #tpu.memory_space<vmem>>
      %dma_start3A_230 = arith.constant 0 : i32
      %dma_start3A_231 = arith.constant 0 : i32
      %dma_start3A_232 = tpu.memref_slice %arg13[%dma_start3A_230, %dma_start3A_231] : memref<10240x128xf32, #tpu.memory_space<vmem_shared>> -> memref<10240x128xf32, #tpu.memory_space<vmem_shared>>
      tpu.enqueue_indirect_dma source(%arg10 : memref<64x128xf32, #tpu.memory_space<vmem>>) target(%dma_start3A_232 : memref<10240x128xf32, #tpu.memory_space<vmem_shared>>) offsets(%dma_start3A_229 : memref<64xi32, #tpu.memory_space<vmem>>) semaphore(%arg19 : memref<!tpu.dma_semaphore, #tpu.memory_space<semaphore_mem>>) {add = true}
      %ge3A_233 = arith.constant 1 : i32
      %ge3A_234 = arith.cmpi sge, %add3A_219, %ge3A_233 : i32
      %convert_element_type3A_235 = arith.extui %ge3A_234 : i1 to i32
      %cond3A_236 = arith.constant 0 : i32
      %cond3A_237 = arith.cmpi ne, %convert_element_type3A_235, %cond3A_236 : i32
      scf.if %cond3A_237 {
        %dma_wait3A_283 = arith.constant 0 : i32
        %dma_wait3A_284 = arith.constant 0 : i32
        %dma_wait3A_285 = tpu.memref_slice %arg8[%dma_wait3A_283, %dma_wait3A_284] : memref<40x64xi32, #tpu.memory_space<vmem>> -> memref<1x64xi32, #tpu.memory_space<vmem>>
        %dma_wait3A_286 = tpu.memref_squeeze %dma_wait3A_285 : memref<1x64xi32, #tpu.memory_space<vmem>> -> memref<64xi32, #tpu.memory_space<vmem>>
        %dma_wait3A_287 = arith.constant 0 : i32
        %dma_wait3A_288 = arith.constant 0 : i32
        %dma_wait3A_289 = tpu.memref_slice %arg13[%dma_wait3A_287, %dma_wait3A_288] : memref<10240x128xf32, #tpu.memory_space<vmem_shared>> -> memref<10240x128xf32, #tpu.memory_space<vmem_shared>>
        tpu.wait_indirect_dma semaphore(%arg18 : memref<!tpu.dma_semaphore, #tpu.memory_space<semaphore_mem>>) src(%arg9 : memref<64x128xf32, #tpu.memory_space<vmem>>) dst(%dma_wait3A_289 : memref<10240x128xf32, #tpu.memory_space<vmem_shared>>)
        %sub3A = arith.constant 1 : i32
        %sub3A_290 = arith.subi %add3A_219, %sub3A : i32
        %add3A_291 = arith.constant 4 : i32
        %add3A_292 = arith.addi %sub3A_290, %add3A_291 : i32
        %lt3A = arith.constant 40 : i32
        %lt3A_293 = arith.cmpi slt, %add3A_292, %lt3A : i32
        %convert_element_type3A_294 = arith.extui %lt3A_293 : i1 to i32
        %cond3A_295 = arith.constant 0 : i32
        %cond3A_296 = arith.cmpi ne, %convert_element_type3A_294, %cond3A_295 : i32
        scf.if %cond3A_296 {
          %dma_start3A_297 = arith.constant 0 : i32
          %dma_start3A_298 = tpu.memref_slice %arg7[%add3A_292, %dma_start3A_297] : memref<40x64xi32, #tpu.memory_space<vmem>> -> memref<1x64xi32, #tpu.memory_space<vmem>>
          %dma_start3A_299 = tpu.memref_squeeze %dma_start3A_298 : memref<1x64xi32, #tpu.memory_space<vmem>> -> memref<64xi32, #tpu.memory_space<vmem>>
          %dma_start3A_300 = arith.constant 0 : i32
          %dma_start3A_301 = arith.constant 0 : i32
          %dma_start3A_302 = tpu.memref_slice %arg4[%dma_start3A_300, %dma_start3A_301] : memref<20480x128xf32, #tpu.memory_space<hbm>> -> memref<20480x128xf32, #tpu.memory_space<hbm>>
          tpu.enqueue_indirect_dma source(%dma_start3A_302 : memref<20480x128xf32, #tpu.memory_space<hbm>>) target(%arg9 : memref<64x128xf32, #tpu.memory_space<vmem>>) offsets(%dma_start3A_299 : memref<64xi32, #tpu.memory_space<vmem>>) semaphore(%arg14 : memref<!tpu.dma_semaphore, #tpu.memory_space<semaphore_mem>>)
        } else {
        }
      } else {
      }
      %mul3A_238 = arith.constant 4 : i32
      %mul3A_239 = arith.muli %scan3A_195, %mul3A_238 : i32
      %add3A_240 = arith.constant 2 : i32
      %add3A_241 = arith.addi %mul3A_239, %add3A_240 : i32
      %dma_wait3A_242 = arith.constant 0 : i32
      %dma_wait3A_243 = arith.constant 0 : i32
      %dma_wait3A_244 = tpu.memref_slice %arg7[%dma_wait3A_242, %dma_wait3A_243] : memref<40x64xi32, #tpu.memory_space<vmem>> -> memref<1x64xi32, #tpu.memory_space<vmem>>
      %dma_wait3A_245 = tpu.memref_squeeze %dma_wait3A_244 : memref<1x64xi32, #tpu.memory_space<vmem>> -> memref<64xi32, #tpu.memory_space<vmem>>
      %dma_wait3A_246 = arith.constant 0 : i32
      %dma_wait3A_247 = arith.constant 0 : i32
      %dma_wait3A_248 = tpu.memref_slice %arg4[%dma_wait3A_246, %dma_wait3A_247] : memref<20480x128xf32, #tpu.memory_space<hbm>> -> memref<20480x128xf32, #tpu.memory_space<hbm>>
      tpu.wait_indirect_dma semaphore(%arg16 : memref<!tpu.dma_semaphore, #tpu.memory_space<semaphore_mem>>) src(%dma_wait3A_248 : memref<20480x128xf32, #tpu.memory_space<hbm>>) dst(%arg11 : memref<64x128xf32, #tpu.memory_space<vmem>>)
      %dma_start3A_249 = arith.constant 0 : i32
      %dma_start3A_250 = tpu.memref_slice %arg8[%add3A_241, %dma_start3A_249] : memref<40x64xi32, #tpu.memory_space<vmem>> -> memref<1x64xi32, #tpu.memory_space<vmem>>
      %dma_start3A_251 = tpu.memref_squeeze %dma_start3A_250 : memref<1x64xi32, #tpu.memory_space<vmem>> -> memref<64xi32, #tpu.memory_space<vmem>>
      %dma_start3A_252 = arith.constant 0 : i32
      %dma_start3A_253 = arith.constant 0 : i32
      %dma_start3A_254 = tpu.memref_slice %arg13[%dma_start3A_252, %dma_start3A_253] : memref<10240x128xf32, #tpu.memory_space<vmem_shared>> -> memref<10240x128xf32, #tpu.memory_space<vmem_shared>>
      tpu.enqueue_indirect_dma source(%arg11 : memref<64x128xf32, #tpu.memory_space<vmem>>) target(%dma_start3A_254 : memref<10240x128xf32, #tpu.memory_space<vmem_shared>>) offsets(%dma_start3A_251 : memref<64xi32, #tpu.memory_space<vmem>>) semaphore(%arg20 : memref<!tpu.dma_semaphore, #tpu.memory_space<semaphore_mem>>) {add = true}
      %ge3A_255 = arith.constant 1 : i32
      %ge3A_256 = arith.cmpi sge, %add3A_241, %ge3A_255 : i32
      %convert_element_type3A_257 = arith.extui %ge3A_256 : i1 to i32
      %cond3A_258 = arith.constant 0 : i32
      %cond3A_259 = arith.cmpi ne, %convert_element_type3A_257, %cond3A_258 : i32
      scf.if %cond3A_259 {
        %dma_wait3A_283 = arith.constant 0 : i32
        %dma_wait3A_284 = arith.constant 0 : i32
        %dma_wait3A_285 = tpu.memref_slice %arg8[%dma_wait3A_283, %dma_wait3A_284] : memref<40x64xi32, #tpu.memory_space<vmem>> -> memref<1x64xi32, #tpu.memory_space<vmem>>
        %dma_wait3A_286 = tpu.memref_squeeze %dma_wait3A_285 : memref<1x64xi32, #tpu.memory_space<vmem>> -> memref<64xi32, #tpu.memory_space<vmem>>
        %dma_wait3A_287 = arith.constant 0 : i32
        %dma_wait3A_288 = arith.constant 0 : i32
        %dma_wait3A_289 = tpu.memref_slice %arg13[%dma_wait3A_287, %dma_wait3A_288] : memref<10240x128xf32, #tpu.memory_space<vmem_shared>> -> memref<10240x128xf32, #tpu.memory_space<vmem_shared>>
        tpu.wait_indirect_dma semaphore(%arg19 : memref<!tpu.dma_semaphore, #tpu.memory_space<semaphore_mem>>) src(%arg10 : memref<64x128xf32, #tpu.memory_space<vmem>>) dst(%dma_wait3A_289 : memref<10240x128xf32, #tpu.memory_space<vmem_shared>>)
        %sub3A = arith.constant 1 : i32
        %sub3A_290 = arith.subi %add3A_241, %sub3A : i32
        %add3A_291 = arith.constant 4 : i32
        %add3A_292 = arith.addi %sub3A_290, %add3A_291 : i32
        %lt3A = arith.constant 40 : i32
        %lt3A_293 = arith.cmpi slt, %add3A_292, %lt3A : i32
        %convert_element_type3A_294 = arith.extui %lt3A_293 : i1 to i32
        %cond3A_295 = arith.constant 0 : i32
        %cond3A_296 = arith.cmpi ne, %convert_element_type3A_294, %cond3A_295 : i32
        scf.if %cond3A_296 {
          %dma_start3A_297 = arith.constant 0 : i32
          %dma_start3A_298 = tpu.memref_slice %arg7[%add3A_292, %dma_start3A_297] : memref<40x64xi32, #tpu.memory_space<vmem>> -> memref<1x64xi32, #tpu.memory_space<vmem>>
          %dma_start3A_299 = tpu.memref_squeeze %dma_start3A_298 : memref<1x64xi32, #tpu.memory_space<vmem>> -> memref<64xi32, #tpu.memory_space<vmem>>
          %dma_start3A_300 = arith.constant 0 : i32
          %dma_start3A_301 = arith.constant 0 : i32
          %dma_start3A_302 = tpu.memref_slice %arg4[%dma_start3A_300, %dma_start3A_301] : memref<20480x128xf32, #tpu.memory_space<hbm>> -> memref<20480x128xf32, #tpu.memory_space<hbm>>
          tpu.enqueue_indirect_dma source(%dma_start3A_302 : memref<20480x128xf32, #tpu.memory_space<hbm>>) target(%arg10 : memref<64x128xf32, #tpu.memory_space<vmem>>) offsets(%dma_start3A_299 : memref<64xi32, #tpu.memory_space<vmem>>) semaphore(%arg15 : memref<!tpu.dma_semaphore, #tpu.memory_space<semaphore_mem>>)
        } else {
        }
      } else {
      }
      %mul3A_260 = arith.constant 4 : i32
      %mul3A_261 = arith.muli %scan3A_195, %mul3A_260 : i32
      %add3A_262 = arith.constant 3 : i32
      %add3A_263 = arith.addi %mul3A_261, %add3A_262 : i32
      %dma_wait3A_264 = arith.constant 0 : i32
      %dma_wait3A_265 = arith.constant 0 : i32
      %dma_wait3A_266 = tpu.memref_slice %arg7[%dma_wait3A_264, %dma_wait3A_265] : memref<40x64xi32, #tpu.memory_space<vmem>> -> memref<1x64xi32, #tpu.memory_space<vmem>>
      %dma_wait3A_267 = tpu.memref_squeeze %dma_wait3A_266 : memref<1x64xi32, #tpu.memory_space<vmem>> -> memref<64xi32, #tpu.memory_space<vmem>>
      %dma_wait3A_268 = arith.constant 0 : i32
      %dma_wait3A_269 = arith.constant 0 : i32
      %dma_wait3A_270 = tpu.memref_slice %arg4[%dma_wait3A_268, %dma_wait3A_269] : memref<20480x128xf32, #tpu.memory_space<hbm>> -> memref<20480x128xf32, #tpu.memory_space<hbm>>
      tpu.wait_indirect_dma semaphore(%arg17 : memref<!tpu.dma_semaphore, #tpu.memory_space<semaphore_mem>>) src(%dma_wait3A_270 : memref<20480x128xf32, #tpu.memory_space<hbm>>) dst(%arg12 : memref<64x128xf32, #tpu.memory_space<vmem>>)
      %dma_start3A_271 = arith.constant 0 : i32
      %dma_start3A_272 = tpu.memref_slice %arg8[%add3A_263, %dma_start3A_271] : memref<40x64xi32, #tpu.memory_space<vmem>> -> memref<1x64xi32, #tpu.memory_space<vmem>>
      %dma_start3A_273 = tpu.memref_squeeze %dma_start3A_272 : memref<1x64xi32, #tpu.memory_space<vmem>> -> memref<64xi32, #tpu.memory_space<vmem>>
      %dma_start3A_274 = arith.constant 0 : i32
      %dma_start3A_275 = arith.constant 0 : i32
      %dma_start3A_276 = tpu.memref_slice %arg13[%dma_start3A_274, %dma_start3A_275] : memref<10240x128xf32, #tpu.memory_space<vmem_shared>> -> memref<10240x128xf32, #tpu.memory_space<vmem_shared>>
      tpu.enqueue_indirect_dma source(%arg12 : memref<64x128xf32, #tpu.memory_space<vmem>>) target(%dma_start3A_276 : memref<10240x128xf32, #tpu.memory_space<vmem_shared>>) offsets(%dma_start3A_273 : memref<64xi32, #tpu.memory_space<vmem>>) semaphore(%arg21 : memref<!tpu.dma_semaphore, #tpu.memory_space<semaphore_mem>>) {add = true}
      %ge3A_277 = arith.constant 1 : i32
      %ge3A_278 = arith.cmpi sge, %add3A_263, %ge3A_277 : i32
      %convert_element_type3A_279 = arith.extui %ge3A_278 : i1 to i32
      %cond3A_280 = arith.constant 0 : i32
      %cond3A_281 = arith.cmpi ne, %convert_element_type3A_279, %cond3A_280 : i32
      scf.if %cond3A_281 {
        %dma_wait3A_283 = arith.constant 0 : i32
        %dma_wait3A_284 = arith.constant 0 : i32
        %dma_wait3A_285 = tpu.memref_slice %arg8[%dma_wait3A_283, %dma_wait3A_284] : memref<40x64xi32, #tpu.memory_space<vmem>> -> memref<1x64xi32, #tpu.memory_space<vmem>>
        %dma_wait3A_286 = tpu.memref_squeeze %dma_wait3A_285 : memref<1x64xi32, #tpu.memory_space<vmem>> -> memref<64xi32, #tpu.memory_space<vmem>>
        %dma_wait3A_287 = arith.constant 0 : i32
        %dma_wait3A_288 = arith.constant 0 : i32
        %dma_wait3A_289 = tpu.memref_slice %arg13[%dma_wait3A_287, %dma_wait3A_288] : memref<10240x128xf32, #tpu.memory_space<vmem_shared>> -> memref<10240x128xf32, #tpu.memory_space<vmem_shared>>
        tpu.wait_indirect_dma semaphore(%arg20 : memref<!tpu.dma_semaphore, #tpu.memory_space<semaphore_mem>>) src(%arg11 : memref<64x128xf32, #tpu.memory_space<vmem>>) dst(%dma_wait3A_289 : memref<10240x128xf32, #tpu.memory_space<vmem_shared>>)
        %sub3A = arith.constant 1 : i32
        %sub3A_290 = arith.subi %add3A_263, %sub3A : i32
        %add3A_291 = arith.constant 4 : i32
        %add3A_292 = arith.addi %sub3A_290, %add3A_291 : i32
        %lt3A = arith.constant 40 : i32
        %lt3A_293 = arith.cmpi slt, %add3A_292, %lt3A : i32
        %convert_element_type3A_294 = arith.extui %lt3A_293 : i1 to i32
        %cond3A_295 = arith.constant 0 : i32
        %cond3A_296 = arith.cmpi ne, %convert_element_type3A_294, %cond3A_295 : i32
        scf.if %cond3A_296 {
          %dma_start3A_297 = arith.constant 0 : i32
          %dma_start3A_298 = tpu.memref_slice %arg7[%add3A_292, %dma_start3A_297] : memref<40x64xi32, #tpu.memory_space<vmem>> -> memref<1x64xi32, #tpu.memory_space<vmem>>
          %dma_start3A_299 = tpu.memref_squeeze %dma_start3A_298 : memref<1x64xi32, #tpu.memory_space<vmem>> -> memref<64xi32, #tpu.memory_space<vmem>>
          %dma_start3A_300 = arith.constant 0 : i32
          %dma_start3A_301 = arith.constant 0 : i32
          %dma_start3A_302 = tpu.memref_slice %arg4[%dma_start3A_300, %dma_start3A_301] : memref<20480x128xf32, #tpu.memory_space<hbm>> -> memref<20480x128xf32, #tpu.memory_space<hbm>>
          tpu.enqueue_indirect_dma source(%dma_start3A_302 : memref<20480x128xf32, #tpu.memory_space<hbm>>) target(%arg11 : memref<64x128xf32, #tpu.memory_space<vmem>>) offsets(%dma_start3A_299 : memref<64xi32, #tpu.memory_space<vmem>>) semaphore(%arg16 : memref<!tpu.dma_semaphore, #tpu.memory_space<semaphore_mem>>)
        } else {
        }
      } else {
      }
      %scan3A_282 = arith.constant 0 : i32
      scf.yield %scan3A_282 : i32
    }
    %scan3A_182 = arith.constant 10 : i32
    %dma_wait3A_183 = arith.constant 0 : i32
    %dma_wait3A_184 = arith.constant 0 : i32
    %dma_wait3A_185 = tpu.memref_slice %arg8[%dma_wait3A_183, %dma_wait3A_184] : memref<40x64xi32, #tpu.memory_space<vmem>> -> memref<1x64xi32, #tpu.memory_space<vmem>>
    %dma_wait3A_186 = tpu.memref_squeeze %dma_wait3A_185 : memref<1x64xi32, #tpu.memory_space<vmem>> -> memref<64xi32, #tpu.memory_space<vmem>>
    %dma_wait3A_187 = arith.constant 0 : i32
    %dma_wait3A_188 = arith.constant 0 : i32
    %dma_wait3A_189 = tpu.memref_slice %arg13[%dma_wait3A_187, %dma_wait3A_188] : memref<10240x128xf32, #tpu.memory_space<vmem_shared>> -> memref<10240x128xf32, #tpu.memory_space<vmem_shared>>
    tpu.wait_indirect_dma semaphore(%arg21 : memref<!tpu.dma_semaphore, #tpu.memory_space<semaphore_mem>>) src(%arg12 : memref<64x128xf32, #tpu.memory_space<vmem>>) dst(%dma_wait3A_189 : memref<10240x128xf32, #tpu.memory_space<vmem_shared>>)
    %barrier3A_190 = arith.constant 0 : index
    tpu.barrier barrier_id(%barrier3A_190)
    %mul3A_191 = arith.constant 640 : i32
    %mul3A_192 = arith.muli %arg1, %mul3A_191 : i32
    %mul3A_193 = arith.constant 640 : i32
    %mul3A_194 = arith.muli %arg1, %mul3A_193 : i32
    "tpu.region"() ({
      %run_scoped3A_195 = tpu.sem_alloc : memref<!tpu.dma_semaphore, #tpu.memory_space<semaphore_mem>>
      %dma_start3A_196 = arith.constant 0 : i32
      %dma_start3A_197 = tpu.memref_slice %arg6[%arg0, %mul3A_194, %dma_start3A_196] : memref<2x10240x128xf32, #tpu.memory_space<hbm>> -> memref<1x640x128xf32, #tpu.memory_space<hbm>>
      %dma_start3A_198 = tpu.memref_squeeze %dma_start3A_197 : memref<1x640x128xf32, #tpu.memory_space<hbm>> -> memref<640x128xf32, #tpu.memory_space<hbm>>
      %dma_start3A_199 = arith.constant 0 : i32
      %dma_start3A_200 = tpu.memref_slice %arg13[%mul3A_192, %dma_start3A_199] : memref<10240x128xf32, #tpu.memory_space<vmem_shared>> -> memref<640x128xf32, #tpu.memory_space<vmem_shared>>
      tpu.enqueue_dma source(%dma_start3A_200 : memref<640x128xf32, #tpu.memory_space<vmem_shared>>) target(%dma_start3A_198 : memref<640x128xf32, #tpu.memory_space<hbm>>) target_semaphore(%run_scoped3A_195 : memref<!tpu.dma_semaphore, #tpu.memory_space<semaphore_mem>>)
      %dma_wait3A_201 = arith.constant 0 : i32
      %dma_wait3A_202 = tpu.memref_slice %arg6[%arg0, %mul3A_194, %dma_wait3A_201] : memref<2x10240x128xf32, #tpu.memory_space<hbm>> -> memref<1x640x128xf32, #tpu.memory_space<hbm>>
      %dma_wait3A_203 = tpu.memref_squeeze %dma_wait3A_202 : memref<1x640x128xf32, #tpu.memory_space<hbm>> -> memref<640x128xf32, #tpu.memory_space<hbm>>
      %dma_wait3A_204 = arith.constant 0 : i32
      %dma_wait3A_205 = tpu.memref_slice %arg13[%mul3A_192, %dma_wait3A_204] : memref<10240x128xf32, #tpu.memory_space<vmem_shared>> -> memref<640x128xf32, #tpu.memory_space<vmem_shared>>
      tpu.wait_dma2 semaphore(%run_scoped3A_195 : memref<!tpu.dma_semaphore, #tpu.memory_space<semaphore_mem>>) src(%dma_wait3A_205 : memref<640x128xf32, #tpu.memory_space<vmem_shared>>) dst(%dma_wait3A_203 : memref<640x128xf32, #tpu.memory_space<hbm>>)
      tpu.yield
    }) : () -> ()
    return
  }
}

module attributes {stable_mosaic.version = 14 : i64} {
  func.func @_mm1_body(%arg0: i32, %arg1: memref<2000x256xf32, #tpu.memory_space<vmem>>, %arg2: memref<256x256xf32, #tpu.memory_space<vmem>>, %arg3: memref<2x2000x128xf32, #tpu.memory_space<vmem>>) attributes {dimension_semantics = [#tpu.dimension_semantics<arbitrary>], iteration_bounds = array<i64: 5>, scalar_prefetch = 0 : i64, scratch_operands = 0 : i64, tpu.core_type = #tpu.core_type<tc>, window_params = [{transform_indices = @transform_0, window_bounds = array<i64: 2000, 256>}, {pipeline_mode = #tpu.pipeline_mode<synchronous>, transform_indices = @transform_1, window_bounds = array<i64: 256, 256>}, {transform_indices = @transform_2, window_bounds = array<i64: 2, 2000, 128>}]} {
    %get3A = arith.constant 0 : index
    %get3A_0 = arith.constant 0 : index
    %get3A_1 = vector.load %arg1[%get3A, %get3A_0] : memref<2000x256xf32, #tpu.memory_space<vmem>>, vector<2000x256xf32>
    %get3A_2 = arith.constant 0 : index
    %get3A_3 = arith.constant 0 : index
    %get3A_4 = vector.load %arg2[%get3A_2, %get3A_3] : memref<256x256xf32, #tpu.memory_space<vmem>>, vector<256x256xf32>
    %dot_general3A = arith.constant dense<0.000000e+00> : vector<2000x256xf32>
    %dot_general3A_5 = tpu.matmul %get3A_1, %get3A_4, %dot_general3A {dimension_numbers = #tpu.dot_dimension_numbers<[1], [0], [0], [1], [0, 0, 1, 1], [], []>, transpose_lhs_hint = false} : vector<2000x256xf32>, vector<256x256xf32>, vector<2000x256xf32> -> vector<2000x256xf32>
    %slice3A = vector.extract_strided_slice %dot_general3A_5 {offsets = [0, 0], sizes = [2000, 128], strides = [1, 1]} : vector<2000x256xf32> to vector<2000x128xf32>
    %swap3A = arith.constant 0 : index
    %swap3A_6 = arith.constant 0 : index
    %swap3A_7 = arith.constant 0 : index
    %swap3A_8 = vector.load %arg3[%swap3A, %swap3A_6, %swap3A_7] : memref<2x2000x128xf32, #tpu.memory_space<vmem>>, vector<1x2000x128xf32>
    %swap3A_9 = vector.shape_cast %swap3A_8 : vector<1x2000x128xf32> to vector<2000x128xf32>
    %swap3A_10 = vector.shape_cast %slice3A : vector<2000x128xf32> to vector<1x2000x128xf32>
    tpu.vector_store %arg3[%swap3A, %swap3A_6, %swap3A_7], %swap3A_10 {strides = array<i32>} : memref<2x2000x128xf32, #tpu.memory_space<vmem>>, vector<1x2000x128xf32>,
    %slice3A_11 = vector.extract_strided_slice %dot_general3A_5 {offsets = [0, 128], sizes = [2000, 128], strides = [1, 1]} : vector<2000x256xf32> to vector<2000x128xf32>
    %swap3A_12 = arith.constant 1 : index
    %swap3A_13 = arith.constant 0 : index
    %swap3A_14 = arith.constant 0 : index
    %swap3A_15 = vector.load %arg3[%swap3A_12, %swap3A_13, %swap3A_14] : memref<2x2000x128xf32, #tpu.memory_space<vmem>>, vector<1x2000x128xf32>
    %swap3A_16 = vector.shape_cast %swap3A_15 : vector<1x2000x128xf32> to vector<2000x128xf32>
    %swap3A_17 = vector.shape_cast %slice3A_11 : vector<2000x128xf32> to vector<1x2000x128xf32>
    tpu.vector_store %arg3[%swap3A_12, %swap3A_13, %swap3A_14], %swap3A_17 {strides = array<i32>} : memref<2x2000x128xf32, #tpu.memory_space<vmem>>, vector<1x2000x128xf32>,
    return
  }
  func.func @transform_0(%arg0: i32) -> (i32, i32) {
    %c0_i32 = arith.constant 0 : i32
    %c0_i32_0 = arith.constant 0 : i32
    return %arg0, %c0_i32 : i32, i32
  }
  func.func @transform_1(%arg0: i32) -> (i32, i32) {
    %c0_i32 = arith.constant 0 : i32
    %c0_i32_0 = arith.constant 0 : i32
    %c0_i32_1 = arith.constant 0 : i32
    return %c0_i32, %c0_i32_0 : i32, i32
  }
  func.func @transform_2(%arg0: i32) -> (i32, i32, i32) {
    %c0_i32 = arith.constant 0 : i32
    %c0_i32_0 = arith.constant 0 : i32
    %c0_i32_1 = arith.constant 0 : i32
    return %c0_i32, %arg0, %c0_i32_0 : i32, i32, i32
  }
}

module attributes {stable_mosaic.version = 14 : i64} {
  func.func @_dis_body(%arg0: memref<32x10240xf32, #tpu.memory_space<vmem>>, %arg1: memref<1x10240xf32, #tpu.memory_space<vmem>>) attributes {dimension_semantics = [], scalar_prefetch = 0 : i64, scratch_operands = 0 : i64, tpu.core_type = #tpu.core_type<tc>} {
    %get3A = arith.constant 0 : index
    %get3A_0 = arith.constant 0 : index
    %get3A_1 = vector.load %arg0[%get3A, %get3A_0] : memref<32x10240xf32, #tpu.memory_space<vmem>>, vector<32x10240xf32>
    %reduce_sum3A = arith.constant dense<0.000000e+00> : vector<10240xf32>
    %reduce_sum3A_2 = vector.multi_reduction <add>, %get3A_1, %reduce_sum3A [0] : vector<32x10240xf32> to vector<10240xf32>
    %broadcast_in_dim3A = vector.shape_cast %reduce_sum3A_2 : vector<10240xf32> to vector<1x10240xf32>
    %add3A = arith.constant 1.000000e+00 : f32
    %add3A_3 = vector.broadcast %add3A : f32 to vector<1x10240xf32>
    %add3A_4 = arith.addf %broadcast_in_dim3A, %add3A_3 : vector<1x10240xf32>
    %iota3A = tpu.iota {dimensions = array<i32: 1>} : vector<1x10240xi32>
    %lt3A = arith.constant 10000 : i32
    %lt3A_5 = vector.broadcast %lt3A : i32 to vector<1x10240xi32>
    %lt3A_6 = arith.cmpi slt, %iota3A, %lt3A_5 : vector<1x10240xi32>
    %rsqrt3A = math.rsqrt %add3A_4 : vector<1x10240xf32>
    %jit3A = arith.constant 0.000000e+00 : f32
    %broadcast_in_dim3A_7 = vector.broadcast %jit3A : f32 to vector<1x10240xf32>
    %select_n3A = arith.select %lt3A_6, %rsqrt3A, %broadcast_in_dim3A_7 : vector<1x10240xi1>, vector<1x10240xf32>
    %swap3A = arith.constant 0 : index
    %swap3A_8 = arith.constant 0 : index
    %swap3A_9 = vector.load %arg1[%swap3A, %swap3A_8] : memref<1x10240xf32, #tpu.memory_space<vmem>>, vector<1x10240xf32>
    tpu.vector_store %arg1[%swap3A, %swap3A_8], %select_n3A {strides = array<i32>} : memref<1x10240xf32, #tpu.memory_space<vmem>>, vector<1x10240xf32>,
    return
  }
}

module attributes {stable_mosaic.version = 14 : i64} {
  func.func @_scale_body(%arg0: i32, %arg1: memref<2x2000x128xf32, #tpu.memory_space<vmem>>, %arg2: memref<2000x1xf32, #tpu.memory_space<vmem>>, %arg3: memref<2x2000x128xf32, #tpu.memory_space<vmem>>) attributes {dimension_semantics = [#tpu.dimension_semantics<arbitrary>], iteration_bounds = array<i64: 5>, scalar_prefetch = 0 : i64, scratch_operands = 0 : i64, tpu.core_type = #tpu.core_type<tc>, window_params = [{transform_indices = @transform_0, window_bounds = array<i64: 2, 2000, 128>}, {transform_indices = @transform_1, window_bounds = array<i64: 2000, 1>}, {transform_indices = @transform_2, window_bounds = array<i64: 2, 2000, 128>}]} {
    %get3A = arith.constant 0 : index
    %get3A_0 = arith.constant 0 : index
    %get3A_1 = vector.load %arg2[%get3A, %get3A_0] : memref<2000x1xf32, #tpu.memory_space<vmem>>, vector<2000x1xf32>
    %get3A_2 = arith.constant 0 : index
    %get3A_3 = arith.constant 0 : index
    %get3A_4 = arith.constant 0 : index
    %get3A_5 = vector.load %arg1[%get3A_2, %get3A_3, %get3A_4] : memref<2x2000x128xf32, #tpu.memory_space<vmem>>, vector<1x2000x128xf32>
    %get3A_6 = vector.shape_cast %get3A_5 : vector<1x2000x128xf32> to vector<2000x128xf32>
    %mul3A = vector.broadcast %get3A_1 : vector<2000x1xf32> to vector<2000x128xf32>
    %mul3A_7 = arith.mulf %get3A_6, %mul3A : vector<2000x128xf32>
    %swap3A = arith.constant 0 : index
    %swap3A_8 = arith.constant 0 : index
    %swap3A_9 = arith.constant 0 : index
    %swap3A_10 = vector.load %arg3[%swap3A, %swap3A_8, %swap3A_9] : memref<2x2000x128xf32, #tpu.memory_space<vmem>>, vector<1x2000x128xf32>
    %swap3A_11 = vector.shape_cast %swap3A_10 : vector<1x2000x128xf32> to vector<2000x128xf32>
    %swap3A_12 = vector.shape_cast %mul3A_7 : vector<2000x128xf32> to vector<1x2000x128xf32>
    tpu.vector_store %arg3[%swap3A, %swap3A_8, %swap3A_9], %swap3A_12 {strides = array<i32>} : memref<2x2000x128xf32, #tpu.memory_space<vmem>>, vector<1x2000x128xf32>,
    %get3A_13 = arith.constant 1 : index
    %get3A_14 = arith.constant 0 : index
    %get3A_15 = arith.constant 0 : index
    %get3A_16 = vector.load %arg1[%get3A_13, %get3A_14, %get3A_15] : memref<2x2000x128xf32, #tpu.memory_space<vmem>>, vector<1x2000x128xf32>
    %get3A_17 = vector.shape_cast %get3A_16 : vector<1x2000x128xf32> to vector<2000x128xf32>
    %mul3A_18 = vector.broadcast %get3A_1 : vector<2000x1xf32> to vector<2000x128xf32>
    %mul3A_19 = arith.mulf %get3A_17, %mul3A_18 : vector<2000x128xf32>
    %swap3A_20 = arith.constant 1 : index
    %swap3A_21 = arith.constant 0 : index
    %swap3A_22 = arith.constant 0 : index
    %swap3A_23 = vector.load %arg3[%swap3A_20, %swap3A_21, %swap3A_22] : memref<2x2000x128xf32, #tpu.memory_space<vmem>>, vector<1x2000x128xf32>
    %swap3A_24 = vector.shape_cast %swap3A_23 : vector<1x2000x128xf32> to vector<2000x128xf32>
    %swap3A_25 = vector.shape_cast %mul3A_19 : vector<2000x128xf32> to vector<1x2000x128xf32>
    tpu.vector_store %arg3[%swap3A_20, %swap3A_21, %swap3A_22], %swap3A_25 {strides = array<i32>} : memref<2x2000x128xf32, #tpu.memory_space<vmem>>, vector<1x2000x128xf32>,
    return
  }
  func.func @transform_0(%arg0: i32) -> (i32, i32, i32) {
    %c0_i32 = arith.constant 0 : i32
    %c0_i32_0 = arith.constant 0 : i32
    %c0_i32_1 = arith.constant 0 : i32
    return %c0_i32, %arg0, %c0_i32_0 : i32, i32, i32
  }
  func.func @transform_1(%arg0: i32) -> (i32, i32) {
    %c0_i32 = arith.constant 0 : i32
    %c0_i32_0 = arith.constant 0 : i32
    return %arg0, %c0_i32 : i32, i32
  }
  func.func @transform_2(%arg0: i32) -> (i32, i32, i32) {
    %c0_i32 = arith.constant 0 : i32
    %c0_i32_0 = arith.constant 0 : i32
    %c0_i32_1 = arith.constant 0 : i32
    return %c0_i32, %arg0, %c0_i32_0 : i32, i32, i32
  }
}

module attributes {stable_mosaic.version = 14 : i64} {
  func.func @_mid1_body(%arg0: i32, %arg1: memref<2x2000x128xf32, #tpu.memory_space<vmem>>, %arg2: memref<2x2000x128xf32, #tpu.memory_space<vmem>>, %arg3: memref<2000x1xf32, #tpu.memory_space<vmem>>, %arg4: memref<1x256xf32, #tpu.memory_space<vmem>>, %arg5: memref<256x64xf32, #tpu.memory_space<vmem>>, %arg6: memref<2000x64xf32, #tpu.memory_space<vmem>>) attributes {dimension_semantics = [#tpu.dimension_semantics<arbitrary>], iteration_bounds = array<i64: 5>, scalar_prefetch = 0 : i64, scratch_operands = 0 : i64, tpu.core_type = #tpu.core_type<tc>, window_params = [{transform_indices = @transform_0, window_bounds = array<i64: 2, 2000, 128>}, {transform_indices = @transform_1, window_bounds = array<i64: 2, 2000, 128>}, {transform_indices = @transform_2, window_bounds = array<i64: 2000, 1>}, {pipeline_mode = #tpu.pipeline_mode<synchronous>, transform_indices = @transform_3, window_bounds = array<i64: 1, 256>}, {pipeline_mode = #tpu.pipeline_mode<synchronous>, transform_indices = @transform_4, window_bounds = array<i64: 256, 64>}, {transform_indices = @transform_5, window_bounds = array<i64: 2000, 64>}]} {
    %get3A = arith.constant 0 : index
    %get3A_0 = arith.constant 0 : index
    %get3A_1 = vector.load %arg3[%get3A, %get3A_0] : memref<2000x1xf32, #tpu.memory_space<vmem>>, vector<2000x1xf32>
    %get3A_2 = arith.constant 0 : index
    %get3A_3 = arith.constant 0 : index
    %get3A_4 = arith.constant 0 : index
    %get3A_5 = vector.load %arg1[%get3A_2, %get3A_3, %get3A_4] : memref<2x2000x128xf32, #tpu.memory_space<vmem>>, vector<1x2000x128xf32>
    %get3A_6 = vector.shape_cast %get3A_5 : vector<1x2000x128xf32> to vector<2000x128xf32>
    %get3A_7 = arith.constant 0 : index
    %get3A_8 = arith.constant 0 : index
    %get3A_9 = arith.constant 0 : index
    %get3A_10 = vector.load %arg2[%get3A_7, %get3A_8, %get3A_9] : memref<2x2000x128xf32, #tpu.memory_space<vmem>>, vector<1x2000x128xf32>
    %get3A_11 = vector.shape_cast %get3A_10 : vector<1x2000x128xf32> to vector<2000x128xf32>
    %add3A = arith.addf %get3A_6, %get3A_11 : vector<2000x128xf32>
    %mul3A = vector.broadcast %get3A_1 : vector<2000x1xf32> to vector<2000x128xf32>
    %mul3A_12 = arith.mulf %mul3A, %add3A : vector<2000x128xf32>
    %get3A_13 = arith.constant 0 : index
    %get3A_14 = arith.constant 0 : index
    %get3A_15 = vector.load %arg4[%get3A_13, %get3A_14] : memref<1x256xf32, #tpu.memory_space<vmem>>, vector<1x128xf32>
    %get3A_16 = vector.shape_cast %get3A_15 : vector<1x128xf32> to vector<128xf32>
    %broadcast_in_dim3A = vector.shape_cast %get3A_16 : vector<128xf32> to vector<1x128xf32>
    %add3A_17 = vector.broadcast %broadcast_in_dim3A : vector<1x128xf32> to vector<2000x128xf32>
    %add3A_18 = arith.addf %mul3A_12, %add3A_17 : vector<2000x128xf32>
    %max3A = arith.constant 0.000000e+00 : f32
    %max3A_19 = vector.broadcast %max3A : f32 to vector<2000x128xf32>
    %max3A_20 = arith.maximumf %add3A_18, %max3A_19 : vector<2000x128xf32>
    %get3A_21 = arith.constant 1 : index
    %get3A_22 = arith.constant 0 : index
    %get3A_23 = arith.constant 0 : index
    %get3A_24 = vector.load %arg1[%get3A_21, %get3A_22, %get3A_23] : memref<2x2000x128xf32, #tpu.memory_space<vmem>>, vector<1x2000x128xf32>
    %get3A_25 = vector.shape_cast %get3A_24 : vector<1x2000x128xf32> to vector<2000x128xf32>
    %get3A_26 = arith.constant 1 : index
    %get3A_27 = arith.constant 0 : index
    %get3A_28 = arith.constant 0 : index
    %get3A_29 = vector.load %arg2[%get3A_26, %get3A_27, %get3A_28] : memref<2x2000x128xf32, #tpu.memory_space<vmem>>, vector<1x2000x128xf32>
    %get3A_30 = vector.shape_cast %get3A_29 : vector<1x2000x128xf32> to vector<2000x128xf32>
    %add3A_31 = arith.addf %get3A_25, %get3A_30 : vector<2000x128xf32>
    %mul3A_32 = vector.broadcast %get3A_1 : vector<2000x1xf32> to vector<2000x128xf32>
    %mul3A_33 = arith.mulf %mul3A_32, %add3A_31 : vector<2000x128xf32>
    %get3A_34 = arith.constant 0 : index
    %get3A_35 = arith.constant 128 : index
    %get3A_36 = vector.load %arg4[%get3A_34, %get3A_35] : memref<1x256xf32, #tpu.memory_space<vmem>>, vector<1x128xf32>
    %get3A_37 = vector.shape_cast %get3A_36 : vector<1x128xf32> to vector<128xf32>
    %broadcast_in_dim3A_38 = vector.shape_cast %get3A_37 : vector<128xf32> to vector<1x128xf32>
    %add3A_39 = vector.broadcast %broadcast_in_dim3A_38 : vector<1x128xf32> to vector<2000x128xf32>
    %add3A_40 = arith.addf %mul3A_33, %add3A_39 : vector<2000x128xf32>
    %max3A_41 = arith.constant 0.000000e+00 : f32
    %max3A_42 = vector.broadcast %max3A_41 : f32 to vector<2000x128xf32>
    %max3A_43 = arith.maximumf %add3A_40, %max3A_42 : vector<2000x128xf32>
    %get3A_44 = arith.constant 0 : index
    %get3A_45 = arith.constant 0 : index
    %get3A_46 = vector.load %arg5[%get3A_44, %get3A_45] : memref<256x64xf32, #tpu.memory_space<vmem>>, vector<128x64xf32>
    %dot_general3A = arith.constant dense<0.000000e+00> : vector<2000x64xf32>
    %dot_general3A_47 = tpu.matmul %max3A_20, %get3A_46, %dot_general3A {dimension_numbers = #tpu.dot_dimension_numbers<[1], [0], [0], [1], [0, 0, 1, 1], [], []>, transpose_lhs_hint = false} : vector<2000x128xf32>, vector<128x64xf32>, vector<2000x64xf32> -> vector<2000x64xf32>
    %get3A_48 = arith.constant 128 : index
    %get3A_49 = arith.constant 0 : index
    %get3A_50 = vector.load %arg5[%get3A_48, %get3A_49] : memref<256x64xf32, #tpu.memory_space<vmem>>, vector<128x64xf32>
    %dot_general3A_51 = arith.constant dense<0.000000e+00> : vector<2000x64xf32>
    %dot_general3A_52 = tpu.matmul %max3A_43, %get3A_50, %dot_general3A_51 {dimension_numbers = #tpu.dot_dimension_numbers<[1], [0], [0], [1], [0, 0, 1, 1], [], []>, transpose_lhs_hint = false} : vector<2000x128xf32>, vector<128x64xf32>, vector<2000x64xf32> -> vector<2000x64xf32>
    %add3A_53 = arith.addf %dot_general3A_47, %dot_general3A_52 : vector<2000x64xf32>
    %mul3A_54 = vector.broadcast %get3A_1 : vector<2000x1xf32> to vector<2000x64xf32>
    %mul3A_55 = arith.mulf %add3A_53, %mul3A_54 : vector<2000x64xf32>
    %swap3A = arith.constant 0 : index
    %swap3A_56 = arith.constant 0 : index
    %swap3A_57 = vector.load %arg6[%swap3A, %swap3A_56] : memref<2000x64xf32, #tpu.memory_space<vmem>>, vector<2000x64xf32>
    tpu.vector_store %arg6[%swap3A, %swap3A_56], %mul3A_55 {strides = array<i32>} : memref<2000x64xf32, #tpu.memory_space<vmem>>, vector<2000x64xf32>,
    return
  }
  func.func @transform_0(%arg0: i32) -> (i32, i32, i32) {
    %c0_i32 = arith.constant 0 : i32
    %c0_i32_0 = arith.constant 0 : i32
    %c0_i32_1 = arith.constant 0 : i32
    return %c0_i32, %arg0, %c0_i32_0 : i32, i32, i32
  }
  func.func @transform_1(%arg0: i32) -> (i32, i32, i32) {
    %c0_i32 = arith.constant 0 : i32
    %c0_i32_0 = arith.constant 0 : i32
    %c0_i32_1 = arith.constant 0 : i32
    return %c0_i32, %arg0, %c0_i32_0 : i32, i32, i32
  }
  func.func @transform_2(%arg0: i32) -> (i32, i32) {
    %c0_i32 = arith.constant 0 : i32
    %c0_i32_0 = arith.constant 0 : i32
    return %arg0, %c0_i32 : i32, i32
  }
  func.func @transform_3(%arg0: i32) -> (i32, i32) {
    %c0_i32 = arith.constant 0 : i32
    %c0_i32_0 = arith.constant 0 : i32
    %c0_i32_1 = arith.constant 0 : i32
    return %c0_i32, %c0_i32_0 : i32, i32
  }
  func.func @transform_4(%arg0: i32) -> (i32, i32) {
    %c0_i32 = arith.constant 0 : i32
    %c0_i32_0 = arith.constant 0 : i32
    %c0_i32_1 = arith.constant 0 : i32
    return %c0_i32, %c0_i32_0 : i32, i32
  }
  func.func @transform_5(%arg0: i32) -> (i32, i32) {
    %c0_i32 = arith.constant 0 : i32
    %c0_i32_0 = arith.constant 0 : i32
    return %arg0, %c0_i32 : i32, i32
  }
}

module attributes {stable_mosaic.version = 14 : i64} {
  func.func @_mid2_body(%arg0: i32, %arg1: memref<2x2000x64xf32, #tpu.memory_space<vmem>>, %arg2: memref<2000x64xf32, #tpu.memory_space<vmem>>, %arg3: memref<2000x1xf32, #tpu.memory_space<vmem>>, %arg4: memref<1x64xf32, #tpu.memory_space<vmem>>, %arg5: memref<64x64xf32, #tpu.memory_space<vmem>>, %arg6: memref<2000x64xf32, #tpu.memory_space<vmem>>) attributes {dimension_semantics = [#tpu.dimension_semantics<arbitrary>], iteration_bounds = array<i64: 5>, scalar_prefetch = 0 : i64, scratch_operands = 0 : i64, tpu.core_type = #tpu.core_type<tc>, window_params = [{transform_indices = @transform_0, window_bounds = array<i64: 2, 2000, 64>}, {transform_indices = @transform_1, window_bounds = array<i64: 2000, 64>}, {transform_indices = @transform_2, window_bounds = array<i64: 2000, 1>}, {pipeline_mode = #tpu.pipeline_mode<synchronous>, transform_indices = @transform_3, window_bounds = array<i64: 1, 64>}, {pipeline_mode = #tpu.pipeline_mode<synchronous>, transform_indices = @transform_4, window_bounds = array<i64: 64, 64>}, {transform_indices = @transform_5, window_bounds = array<i64: 2000, 64>}]} {
    %get3A = arith.constant 0 : index
    %get3A_0 = arith.constant 0 : index
    %get3A_1 = vector.load %arg3[%get3A, %get3A_0] : memref<2000x1xf32, #tpu.memory_space<vmem>>, vector<2000x1xf32>
    %get3A_2 = arith.constant 0 : index
    %get3A_3 = arith.constant 0 : index
    %get3A_4 = arith.constant 0 : index
    %get3A_5 = vector.load %arg1[%get3A_2, %get3A_3, %get3A_4] : memref<2x2000x64xf32, #tpu.memory_space<vmem>>, vector<1x2000x64xf32>
    %get3A_6 = vector.shape_cast %get3A_5 : vector<1x2000x64xf32> to vector<2000x64xf32>
    %get3A_7 = arith.constant 1 : index
    %get3A_8 = arith.constant 0 : index
    %get3A_9 = arith.constant 0 : index
    %get3A_10 = vector.load %arg1[%get3A_7, %get3A_8, %get3A_9] : memref<2x2000x64xf32, #tpu.memory_space<vmem>>, vector<1x2000x64xf32>
    %get3A_11 = vector.shape_cast %get3A_10 : vector<1x2000x64xf32> to vector<2000x64xf32>
    %add3A = arith.addf %get3A_6, %get3A_11 : vector<2000x64xf32>
    %get3A_12 = arith.constant 0 : index
    %get3A_13 = arith.constant 0 : index
    %get3A_14 = vector.load %arg2[%get3A_12, %get3A_13] : memref<2000x64xf32, #tpu.memory_space<vmem>>, vector<2000x64xf32>
    %add3A_15 = arith.addf %add3A, %get3A_14 : vector<2000x64xf32>
    %mul3A = vector.broadcast %get3A_1 : vector<2000x1xf32> to vector<2000x64xf32>
    %mul3A_16 = arith.mulf %mul3A, %add3A_15 : vector<2000x64xf32>
    %get3A_17 = arith.constant 0 : index
    %get3A_18 = arith.constant 0 : index
    %get3A_19 = vector.load %arg4[%get3A_17, %get3A_18] : memref<1x64xf32, #tpu.memory_space<vmem>>, vector<1x64xf32>
    %add3A_20 = vector.broadcast %get3A_19 : vector<1x64xf32> to vector<2000x64xf32>
    %add3A_21 = arith.addf %mul3A_16, %add3A_20 : vector<2000x64xf32>
    %max3A = arith.constant 0.000000e+00 : f32
    %max3A_22 = vector.broadcast %max3A : f32 to vector<2000x64xf32>
    %max3A_23 = arith.maximumf %add3A_21, %max3A_22 : vector<2000x64xf32>
    %get3A_24 = arith.constant 0 : index
    %get3A_25 = arith.constant 0 : index
    %get3A_26 = vector.load %arg5[%get3A_24, %get3A_25] : memref<64x64xf32, #tpu.memory_space<vmem>>, vector<64x64xf32>
    %dot_general3A = arith.constant dense<0.000000e+00> : vector<2000x64xf32>
    %dot_general3A_27 = tpu.matmul %max3A_23, %get3A_26, %dot_general3A {dimension_numbers = #tpu.dot_dimension_numbers<[1], [0], [0], [1], [0, 0, 1, 1], [], []>, transpose_lhs_hint = false} : vector<2000x64xf32>, vector<64x64xf32>, vector<2000x64xf32> -> vector<2000x64xf32>
    %mul3A_28 = vector.broadcast %get3A_1 : vector<2000x1xf32> to vector<2000x64xf32>
    %mul3A_29 = arith.mulf %dot_general3A_27, %mul3A_28 : vector<2000x64xf32>
    %swap3A = arith.constant 0 : index
    %swap3A_30 = arith.constant 0 : index
    %swap3A_31 = vector.load %arg6[%swap3A, %swap3A_30] : memref<2000x64xf32, #tpu.memory_space<vmem>>, vector<2000x64xf32>
    tpu.vector_store %arg6[%swap3A, %swap3A_30], %mul3A_29 {strides = array<i32>} : memref<2000x64xf32, #tpu.memory_space<vmem>>, vector<2000x64xf32>,
    return
  }
  func.func @transform_0(%arg0: i32) -> (i32, i32, i32) {
    %c0_i32 = arith.constant 0 : i32
    %c0_i32_0 = arith.constant 0 : i32
    %c0_i32_1 = arith.constant 0 : i32
    return %c0_i32, %arg0, %c0_i32_0 : i32, i32, i32
  }
  func.func @transform_1(%arg0: i32) -> (i32, i32) {
    %c0_i32 = arith.constant 0 : i32
    %c0_i32_0 = arith.constant 0 : i32
    return %arg0, %c0_i32 : i32, i32
  }
  func.func @transform_2(%arg0: i32) -> (i32, i32) {
    %c0_i32 = arith.constant 0 : i32
    %c0_i32_0 = arith.constant 0 : i32
    return %arg0, %c0_i32 : i32, i32
  }
  func.func @transform_3(%arg0: i32) -> (i32, i32) {
    %c0_i32 = arith.constant 0 : i32
    %c0_i32_0 = arith.constant 0 : i32
    %c0_i32_1 = arith.constant 0 : i32
    return %c0_i32, %c0_i32_0 : i32, i32
  }
  func.func @transform_4(%arg0: i32) -> (i32, i32) {
    %c0_i32 = arith.constant 0 : i32
    %c0_i32_0 = arith.constant 0 : i32
    %c0_i32_1 = arith.constant 0 : i32
    return %c0_i32, %c0_i32_0 : i32, i32
  }
  func.func @transform_5(%arg0: i32) -> (i32, i32) {
    %c0_i32 = arith.constant 0 : i32
    %c0_i32_0 = arith.constant 0 : i32
    return %arg0, %c0_i32 : i32, i32
  }
}

module attributes {stable_mosaic.version = 14 : i64} {
  func.func @_final_body(%arg0: i32, %arg1: memref<2x2000x64xf32, #tpu.memory_space<vmem>>, %arg2: memref<2000x64xf32, #tpu.memory_space<vmem>>, %arg3: memref<2000x1xf32, #tpu.memory_space<vmem>>, %arg4: memref<1x64xf32, #tpu.memory_space<vmem>>, %arg5: memref<2000x40xf32, #tpu.memory_space<vmem>>) attributes {dimension_semantics = [#tpu.dimension_semantics<arbitrary>], iteration_bounds = array<i64: 5>, scalar_prefetch = 0 : i64, scratch_operands = 0 : i64, tpu.core_type = #tpu.core_type<tc>, window_params = [{transform_indices = @transform_0, window_bounds = array<i64: 2, 2000, 64>}, {transform_indices = @transform_1, window_bounds = array<i64: 2000, 64>}, {transform_indices = @transform_2, window_bounds = array<i64: 2000, 1>}, {pipeline_mode = #tpu.pipeline_mode<synchronous>, transform_indices = @transform_3, window_bounds = array<i64: 1, 64>}, {transform_indices = @transform_4, window_bounds = array<i64: 2000, 40>}]} {
    %get3A = arith.constant 0 : index
    %get3A_0 = arith.constant 0 : index
    %get3A_1 = vector.load %arg3[%get3A, %get3A_0] : memref<2000x1xf32, #tpu.memory_space<vmem>>, vector<2000x1xf32>
    %get3A_2 = arith.constant 0 : index
    %get3A_3 = arith.constant 0 : index
    %get3A_4 = arith.constant 0 : index
    %get3A_5 = vector.load %arg1[%get3A_2, %get3A_3, %get3A_4] : memref<2x2000x64xf32, #tpu.memory_space<vmem>>, vector<1x2000x64xf32>
    %get3A_6 = vector.shape_cast %get3A_5 : vector<1x2000x64xf32> to vector<2000x64xf32>
    %get3A_7 = arith.constant 1 : index
    %get3A_8 = arith.constant 0 : index
    %get3A_9 = arith.constant 0 : index
    %get3A_10 = vector.load %arg1[%get3A_7, %get3A_8, %get3A_9] : memref<2x2000x64xf32, #tpu.memory_space<vmem>>, vector<1x2000x64xf32>
    %get3A_11 = vector.shape_cast %get3A_10 : vector<1x2000x64xf32> to vector<2000x64xf32>
    %add3A = arith.addf %get3A_6, %get3A_11 : vector<2000x64xf32>
    %get3A_12 = arith.constant 0 : index
    %get3A_13 = arith.constant 0 : index
    %get3A_14 = vector.load %arg2[%get3A_12, %get3A_13] : memref<2000x64xf32, #tpu.memory_space<vmem>>, vector<2000x64xf32>
    %add3A_15 = arith.addf %add3A, %get3A_14 : vector<2000x64xf32>
    %mul3A = vector.broadcast %get3A_1 : vector<2000x1xf32> to vector<2000x64xf32>
    %mul3A_16 = arith.mulf %mul3A, %add3A_15 : vector<2000x64xf32>
    %get3A_17 = arith.constant 0 : index
    %get3A_18 = arith.constant 0 : index
    %get3A_19 = vector.load %arg4[%get3A_17, %get3A_18] : memref<1x64xf32, #tpu.memory_space<vmem>>, vector<1x64xf32>
    %add3A_20 = vector.broadcast %get3A_19 : vector<1x64xf32> to vector<2000x64xf32>
    %add3A_21 = arith.addf %mul3A_16, %add3A_20 : vector<2000x64xf32>
    %iota3A = tpu.iota {dimensions = array<i32: 1>} : vector<2000x64xi32>
    %lt3A = arith.constant 40 : i32
    %lt3A_22 = vector.broadcast %lt3A : i32 to vector<2000x64xi32>
    %lt3A_23 = arith.cmpi slt, %iota3A, %lt3A_22 : vector<2000x64xi32>
    %jit3A = arith.constant 0xFF800000 : f32
    %broadcast_in_dim3A = vector.broadcast %jit3A : f32 to vector<2000x64xf32>
    %select_n3A = arith.select %lt3A_23, %add3A_21, %broadcast_in_dim3A : vector<2000x64xi1>, vector<2000x64xf32>
    %reduce_max3A = arith.constant dense<0xFF800000> : vector<2000xf32>
    %reduce_max3A_24 = vector.multi_reduction <maximumf>, %select_n3A, %reduce_max3A [1] : vector<2000x64xf32> to vector<2000xf32>
    %broadcast_in_dim3A_25 = vector.shape_cast %reduce_max3A_24 : vector<2000xf32> to vector<2000x1xf32>
    %sub3A = vector.broadcast %broadcast_in_dim3A_25 : vector<2000x1xf32> to vector<2000x64xf32>
    %sub3A_26 = arith.subf %add3A_21, %sub3A : vector<2000x64xf32>
    %exp3A = math.exp %sub3A_26 : vector<2000x64xf32>
    %jit3A_27 = arith.constant 0.000000e+00 : f32
    %broadcast_in_dim3A_28 = vector.broadcast %jit3A_27 : f32 to vector<2000x64xf32>
    %select_n3A_29 = arith.select %lt3A_23, %exp3A, %broadcast_in_dim3A_28 : vector<2000x64xi1>, vector<2000x64xf32>
    %reduce_sum3A = arith.constant dense<0.000000e+00> : vector<2000xf32>
    %reduce_sum3A_30 = vector.multi_reduction <add>, %select_n3A_29, %reduce_sum3A [1] : vector<2000x64xf32> to vector<2000xf32>
    %broadcast_in_dim3A_31 = vector.shape_cast %reduce_sum3A_30 : vector<2000xf32> to vector<2000x1xf32>
    %sub3A_32 = vector.broadcast %broadcast_in_dim3A_25 : vector<2000x1xf32> to vector<2000x64xf32>
    %sub3A_33 = arith.subf %add3A_21, %sub3A_32 : vector<2000x64xf32>
    %log3A = math.log %broadcast_in_dim3A_31 : vector<2000x1xf32>
    %sub3A_34 = vector.broadcast %log3A : vector<2000x1xf32> to vector<2000x64xf32>
    %sub3A_35 = arith.subf %sub3A_33, %sub3A_34 : vector<2000x64xf32>
    %slice3A = vector.extract_strided_slice %sub3A_35 {offsets = [0, 0], sizes = [2000, 40], strides = [1, 1]} : vector<2000x64xf32> to vector<2000x40xf32>
    %swap3A = arith.constant 0 : index
    %swap3A_36 = arith.constant 0 : index
    %swap3A_37 = vector.load %arg5[%swap3A, %swap3A_36] : memref<2000x40xf32, #tpu.memory_space<vmem>>, vector<2000x40xf32>
    tpu.vector_store %arg5[%swap3A, %swap3A_36], %slice3A {strides = array<i32>} : memref<2000x40xf32, #tpu.memory_space<vmem>>, vector<2000x40xf32>,
    return
  }
  func.func @transform_0(%arg0: i32) -> (i32, i32, i32) {
    %c0_i32 = arith.constant 0 : i32
    %c0_i32_0 = arith.constant 0 : i32
    %c0_i32_1 = arith.constant 0 : i32
    return %c0_i32, %arg0, %c0_i32_0 : i32, i32, i32
  }
  func.func @transform_1(%arg0: i32) -> (i32, i32) {
    %c0_i32 = arith.constant 0 : i32
    %c0_i32_0 = arith.constant 0 : i32
    return %arg0, %c0_i32 : i32, i32
  }
  func.func @transform_2(%arg0: i32) -> (i32, i32) {
    %c0_i32 = arith.constant 0 : i32
    %c0_i32_0 = arith.constant 0 : i32
    return %arg0, %c0_i32 : i32, i32
  }
  func.func @transform_3(%arg0: i32) -> (i32, i32) {
    %c0_i32 = arith.constant 0 : i32
    %c0_i32_0 = arith.constant 0 : i32
    %c0_i32_1 = arith.constant 0 : i32
    return %c0_i32, %c0_i32_0 : i32, i32
  }
  func.func @transform_4(%arg0: i32) -> (i32, i32) {
    %c0_i32 = arith.constant 0 : i32
    %c0_i32_0 = arith.constant 0 : i32
    return %arg0, %c0_i32 : i32, i32
  }
}

</mosaic_0001>

<sc_bundles>
// kernel: kernel.12.cloned.1.call-start
scs
__scs_entry_jumppad:
0x0: {  	(pc) =	sbr.rel $0x88, $3  }
0x1: {  	(tag) =	ssettag $0x0;
	lr =	simm.s32 $0x1  }
0x2: {  	[smem:$0x3F99] =	sst lr;
	_ =	strace $0xD0000000  }
0x3: {  	_ = 	snop  }
0x4: {  	_ = 	snop  }
0x5: {  	_ = 	snop  }
0x6: {  	_ = 	snop  }
0x7: {  	_ = 	snop  }
__scs_overlays_trampoline_lowered:
0x8: {  	[smem:$0x3FA8] =	sst s0  }
0x9: {  	[smem:$0x3FA9] =	sst s1  }
0xa: {  	[smem:$0x3FAA] =	sst s2  }
0xb: {  	[smem:$0x3FAB] =	sst s3  }
0xc: {  	[smem:$0x3FAC] =	sst s4  }
0xd: {  	[smem:$0x3FAD] =	sst s5  }
0xe: {  	[smem:$0x3FAE] =	sst s6  }
0xf: {  	[smem:$0x3FAF] =	sst s7  }
0x10: {  	[smem:$0x3FB0] =	sst s8  }
0x11: {  	[smem:$0x3FB1] =	sst s9;
	s0 =	simm.s32 @!p0 $0x0  }
0x12: {  	s1 =	sld [smem:$0x3F97];
	s0 =	simm.s32 @p0 $0x1  }
0x13: {  	[smem:$0x3FB2] =	sst s0;
	s0 =	simm.s32 @!p1 $0x0  }
0x14: {  	s2 =	sld [smem:$0x3F96];
	s0 =	simm.s32 @p1 $0x1  }
0x15: {  	[smem:$0x3FB3] =	sst s0;
	s0 =	simm.s32 @!p2 $0x0  }
0x16: {  	s3 =	sld [smem:$0x3FDB];
	s0 =	simm.s32 @p2 $0x1  }
0x17: {  	s4 =	simm.s32 $0x1BF5;
	[smem:$0x3FB5] =	sst s0  }
0x18: {  	s0 =	sld [smem:$0x3F98];
	_ =	swait.ge [sflag:s4], $0x0  }
0x19: {  	s7 =	sld [smem:$0x3F99]  }
0x1a: {  	s8 =	sadd.s32 $0xFFFFE003, lr  }
0x1b: {  	s9 =	sadd.s32 $0xFFFFFEF7, lr;
	s5 =	simm.s32 $0xFFFFFFFF;
	p2 =	slt.u32 s8, $0xFFFFF086  }
0x1c: {  	p1 =	slt.u32 s9, $0xF7A;
	s5 =	simm.s32 @!p2 $0x0  }
0x1d: {  	s5 =	simm.s32 @p1 $0x1;
	p0 =	seq.s32 s7, s2  }
0x1e: {  	s7 =	smul.u32 @!p0 $0xF7A, s2;
	p2 =	seq.s32 @!p0 s5, $0x0  }
0x1f: {  	s9 =	smul.u32 $0xF7A, s1;
	s8 =	simm.s32 @!p0 $0x1BF5;
	p2 =	por !p2, p0  }
0x20: {  	[sflag:s8] =	ssyncset.s32 @!p0 $0xFFFFF086;
	s6 =	sadd.s32 @!p0 s3, s7;
	s7 =	simm.s32 @!p0 $0x108  }
0x21: {  	s3 =	sadd.s32 s3, s9;
	s6 =	sadd.s32 @!p0 $0x88, s6;
	s7 =	simm.s32 @p2 $0x1082  }
0x22: {  	[simem:s7], [sflag:s8] =	dma.local @!p0 [hbm:s6], $0xF7A  }
0x23: {  	s9 =	sor.u32 $0xD0000000, s2;
	s6 =	simm.s32 $0x108;
	_ =	swait.ge @!p0 [sflag:s8], $0x0  }
0x24: {  	s3 =	sadd.s32 $0x88, s3;
	s6 =	simm.s32 @!p1 $0x1082;
	[sflag:s4] =	ssyncset.s32 $0xFFFFF086  }
0x25: {  	[simem:s6], [sflag:s4] =	dma.local [hbm:s3], $0xF7A  }
0x26: {  	[smem:$0x3F99] =	sst s1;
	(tag) =	ssettag s2;
	_ =	strace s9  }
0x27: {  	s1 =	sld [smem:$0x3FA9]  }
0x28: {  	s2 =	sld [smem:$0x3FAA]  }
0x29: {  	s4 =	sld [smem:$0x3FAC]  }
0x2a: {  	p0 =	seq.s32 s5, $0x0;
	s5 =	sld [smem:$0x3FAD]  }
0x2b: {  	s6 =	sld [smem:$0x3FAE]  }
0x2c: {  	s7 =	sld [smem:$0x3FAF]  }
0x2d: {  	s3 =	simm.s32 $0x108;
	s8 =	sld [smem:$0x3FB0]  }
0x2e: {  	s3 =	simm.s32 @!p0 $0x1082;
	s9 =	sld [smem:$0x3FB1]  }
0x2f: {  	lr =	sadd.s32 s0, s3;
	s0 =	sld [smem:$0x3FA8]  }
0x30: {  	s3 =	sld [smem:$0x3FAB]  }
0x31: {  	[smem:$0x3FB4] =	sst s10  }
0x32: {  	s10 =	sld [smem:$0x3FB2];
	_ =	sdelay $0x3  }
0x33: {  	p0 =	seq.s32 s10, $0x1;
	s10 =	sld [smem:$0x3FB4];
	_ =	sdelay $0x3  }
0x34: {  	[smem:$0x3FB4] =	sst s10  }
0x35: {  	s10 =	sld [smem:$0x3FB3];
	_ =	sdelay $0x3  }
0x36: {  	p1 =	seq.s32 s10, $0x1;
	s10 =	sld [smem:$0x3FB4];
	_ =	sdelay $0x3  }
0x37: {  	[smem:$0x3FB4] =	sst s10  }
0x38: {  	s10 =	sld [smem:$0x3FB5]  }
0x39: {  	_ = 	snop;
	(pc) =	sbr.ind lr, $3  }
0x3a: {  	_ = 	snop  }
0x3b: {  	_ = 	snop  }
0x3c: {  	p2 =	seq.s32 s10, $0x1;
	s10 =	sld [smem:$0x3FB4]  }
0x3d: {  	_ =	shalt  }
0x3e: {  	_ =	shalt  }
0x3f: {  	_ =	shalt  }
0x40: {  	_ =	shalt  }
0x41: {  	_ =	shalt  }
0x42: {  	_ =	shalt  }
0x43: {  	_ =	shalt  }
0x44: {  	_ =	shalt  }
0x45: {  	_ =	shalt  }
0x46: {  	_ =	shalt  }
0x47: {  	_ =	shalt  }
0x48: {  	_ =	shalt  }
0x49: {  	_ =	shalt  }
0x4a: {  	_ =	shalt  }
0x4b: {  	_ =	shalt  }
0x4c: {  	_ =	shalt  }
0x4d: {  	_ =	shalt  }
0x4e: {  	_ =	shalt  }
0x4f: {  	_ =	shalt  }
0x50: {  	_ =	shalt  }
0x51: {  	_ =	shalt  }
0x52: {  	_ =	shalt  }
0x53: {  	_ =	shalt  }
0x54: {  	_ =	shalt  }
0x55: {  	_ =	shalt  }
0x56: {  	_ =	shalt  }
0x57: {  	_ =	shalt  }
0x58: {  	_ =	shalt  }
0x59: {  	_ =	shalt  }
0x5a: {  	_ =	shalt  }
0x5b: {  	_ =	shalt  }
0x5c: {  	_ =	shalt  }
0x5d: {  	_ =	shalt  }
0x5e: {  	_ =	shalt  }
0x5f: {  	_ =	shalt  }
0x60: {  	_ =	shalt  }
0x61: {  	_ =	shalt  }
0x62: {  	_ =	shalt  }
0x63: {  	_ =	shalt  }
0x64: {  	_ =	shalt  }
0x65: {  	_ =	shalt  }
0x66: {  	_ =	shalt  }
0x67: {  	_ =	shalt  }
0x68: {  	_ =	shalt  }
0x69: {  	_ =	shalt  }
0x6a: {  	_ =	shalt  }
0x6b: {  	_ =	shalt  }
0x6c: {  	_ =	shalt  }
0x6d: {  	_ =	shalt  }
0x6e: {  	_ =	shalt  }
0x6f: {  	_ =	shalt  }
0x70: {  	_ =	shalt  }
0x71: {  	_ =	shalt  }
0x72: {  	_ =	shalt  }
0x73: {  	_ =	shalt  }
0x74: {  	_ =	shalt  }
0x75: {  	_ =	shalt  }
0x76: {  	_ =	shalt  }
0x77: {  	_ =	shalt  }
0x78: {  	_ =	shalt  }
0x79: {  	_ =	shalt  }
0x7a: {  	_ =	shalt  }
0x7b: {  	_ =	shalt  }
0x7c: {  	_ =	shalt  }
0x7d: {  	_ =	shalt  }
0x7e: {  	_ =	shalt  }
0x7f: {  	_ =	shalt  }
0x80: {  	_ =	shalt  }
0x81: {  	_ =	shalt  }
0x82: {  	_ =	shalt  }
0x83: {  	_ =	shalt  }
0x84: {  	_ =	shalt  }
0x85: {  	_ =	shalt  }
0x86: {  	_ =	shalt  }
0x87: {  	_ =	shalt  }
.Lfunc_end0:
.L_simem_size_0:
called_computation_lowered:
.L_overlay_start_0:
0x88: {  	s2 =	sld [smem:$0x3FD9]  }
0x89: {  	s3 =	sld [smem:$0x3FFE];
	_ =	sdelay $0x1  }
0x8a: {  	s1 =	srdreg.scid  }
0x8b: {  	s0 =	sand.u32 $0x1, s1  }
0x8c: {  	s16 =	sshll.u32 s0, $0xA;
	s2 =	sadd.s32 s3, s2  }
0x8d: {  	s2 =	sadd.s32 s2, s16  }
0x8e: {  	[smem:$0x3FC0] =	sst s2  }
0x8f: {  	_ = 	snop  }
0x90: {  	(tm) =	ssettm $0x1  }
0x91: {  	s17 =	sld [smem:$0x3FFB];
	_ =	sdelay $0x3  }
0x92: {  	_ =	strace s17  }
0x93: {  	s2 =	sld [smem:$0x3FFC];
	_ =	sdelay $0x3  }
0x94: {  	_ =	strace s2  }
0x95: {  	s2 =	sld [smem:$0x3FFD];
	_ =	sdelay $0x3  }
0x96: {  	_ =	strace s2  }
0x97: {  	_ =	strace $0x8FFFFFFF  }
0x98: {  	s18 =	sld [smem:$0x3FDB];
	_ =	sdelay $0x1  }
0x99: {  	s19 =	simm.s32 $_scs_section_size  }
0x9a: {  	s4 =	simm.s32 $_size__tile_overlayer_lowered;
	s5 =	simm.s32 $_tile_overlayer_lowered  }
0x9b: {  	s22 =	simm.s32 $0x1BFF;
	s21 =	sshll.u32 s5, $0x1;
	s2 =	sadd.s32 s19, s18  }
0x9c: {  	s6 =	simm.s32 $0x0;
	s20 =	sshll.u32 s4, $0x1;
	s4 =	sadd.s32 s21, s2  }
0x9d: {  	[timem:s6], [sflag:s22] =	dma.local [hbm:s4], s20  }
0x9e: {  	_ =	swait.ge [sflag:s22], s20  }
0x9f: {  	s3 =	ssub.s32 $0x0, s20;
	[sflag:s22] =	ssyncset.done $0x0  }
0xa0: {  	[sflag:s22] =	ssyncadd.s32 s3;
	_ =	sdelay $0x1  }
0xa1: {  	s23 =	simm.s32 $0x1B8B  }
0xa2: {  	_ =	swait.ge [sflag:s23], $0x1  }
0xa3: {  	[sflag:s23] =	ssyncset.done $0x0  }
0xa4: {  	s25 =	simm.s32 $0x1B8E;
	s24 =	sld [smem:$0x3FFE];
	[sflag:s23] =	ssyncadd.s32 $0xFFFFFFFF  }
0xa5: {  	s26 =	simm.s32 $execute0_lowered;
	[smem:$0x3FD2] =	sst s25  }
0xa6: {  	s4 =	sshll.u32 s26, $0x1;
	_ =	strace $0x80000046;
	[dreg:$0x1] =	wrdreg $0xFFFFFFFF  }
0xa7: {  	s28 =	simm.s32 $_size_execute0_lowered;
	s2 =	sadd.s32 s2, s4;
	[dreg:$0x0] =	wrdreg $0x0  }
0xa8: {  	s4 =	sshll.u32 s28, $0x1;
	[dreg:$0x2] =	wrdreg s2  }
0xa9: {  	[dreg:$0x3] =	wrdreg s4  }
0xaa: {  	[dreg:$0x4] =	wrdreg $0xC0  }
0xab: {  	_ =	task [dreg:s6], $0x5FFFF  }
0xac: {  	[dreg:$0x1] =	wrdreg $0xFFFFFFFF  }
0xad: {  	[dreg:$0x0] =	wrdreg $0x60  }
0xae: {  	[dreg:$0x2] =	wrdreg s24  }
0xaf: {  	[dreg:$0x3] =	wrdreg $0x9  }
0xb0: {  	_ =	task.clear_ibuf [dreg:s6], $0x4FFFF;
	_ =	strace $0x90000046  }
0xb1: {  	s29 =	simm.s32 $0x9;
	_ =	strace $0x80000048  }
0xb2: {  	_ =	swait.ge [sflag:s29], $0x1  }
0xb3: {  	[sflag:s29] =	ssyncadd.s32 $0xFFFFFFFF  }
0xb4: {  	_ =	strace $0x90000048  }
0xb5: {  	_ =	sfence  }
0xb6: {  	s30 =	sld [smem:$0x0];
	_ =	sdelay $0x2  }
0xb7: {  	s31 =	sshll.u32 s1, $0xD;
	s1 =	sshrl.u32 s1, $0x2  }
0xb8: {  	s3 =	sand.u32 $0x4000, s31;
	s1 =	sadd.s32 s1, s30  }
0xb9: {  	s0 =	sor.u32 s3, s0;
	s1 =	sshll.u32 s1, $0x11  }
0xba: {  	s0 =	sor.u32 s1, s0  }
0xbb: {  	s0 =	sadd.s32 $0x8F2B, s0  }
0xbc: {  	[sflag:s0] =	ssyncadd.remote.s32 $0x1  }
0xbd: {  	_ =	sfence.sel $0xFFFF  }
0xbe: {  	[dreg:$0x0] =	wrdreg $0xFFFFFFFF;
	(pc) =	sbr.abs _section_cstart, $3  }
0xbf: {  	[dreg:$0x1] =	wrdreg $0xFFFFFFFF  }
0xc0: {  	_ =	task.clear_ibuf [dreg:s6], $0x2FFFF;
	_ =	strace $0x9FFFFFFF  }
0xc1: {  	(tm) =	ssettm $0x7FFFFFFF  }
tec
execute0_lowered:
.L_overlay_start_1:
0x0: {  	(tag) =	ssettag $0x1  }
0x1: {  	s0 =	srdreg.scid  }
0x2: {  	s5 =	rddreg [dreg:$0x0];
	s3 =	sand.u32 $0x1, s0  }
0x3: {  	s2 =	simm.s32 $0x0;
	s0 =	stileid.u32;
	s1 =	sshll.u32 s3, $0x4  }
0x4: {  	s8 =	simm.s32 $0x80;
	s9 =	simm.s32 $0x400;
	s4 =	sor.u32 s0, s1  }
0x5: {  	s10 =	simm.s32 $0x0;
	[smem:$0x7FF] =	sst s2;
	s1 =	sshrl.u32 s4, $0x3  }
0x6: {  	s7 =	sshll.u32 s0, $0x7;
	s3 =	ssub.s32 $0x2, s3;
	s6 =	smul.u32 $0x14000, s1  }
0x7: {  	s7 =	sand.u32 $0x380, s7;
	s31 =	sshrl.u32 s3, $0x1;
	s4 =	smul.u32 $0x280, s4  }
0x8: {  	s1 =	rddreg [dreg:$0x1];
	_ =	strace $0x80000047;
	s6 =	sor.u32 s7, s6  }
0x9: {  	s4 =	sadd.s32 s4, s5;
	s7 =	simm.s32 $0x1400;
	s6 =	sshrl.u32 s6, $0x3  }
0xa: {  	s5 =	sadd.s32 s6, s5;
	s6 =	ssub.s32 s3, s31;
	s3 =	sadd.s32 $0x2200, s4  }
0xb: {  	v0 =	vimm.f32 $0.0e+00;
	v1 =	vimm.f32 $1.000000000e+00;
	s4 =	sadd.s32 $0xC200, s5;
	s5 =	smax.u32 s6, $0x1;
	s6 =	simm.s32 $0x1  }
.LBB2_1:
0xc: {  	[tilespmem:s2], [sflag:$0x1] =	stream.linear.gather [hbm4b:s3+s2], $0x1400, $0x38;
	[tilespmem:$0x3C00] =	vst v63  }
0xd: {  	_ =	swait.ge [sflag:s6], $0x1400  }
0xe: {  	[sflag:s6] =	ssyncset.done $0x0  }
0xf: {  	s11 =	simm.s32 $0x0;
	s12 =	simm.s32 $0x200;
	[sflag:s6] =	ssyncadd.s32 $0xFFFFEC00  }
.LBB2_2:
0x10: {  	p0 =	sne.s32 s12, $0x9E00;
	[tilespmem:s11+$0x1470] =	vst v0  }
0x11: {  	[tilespmem:s11+$0x1400] =	vst v0  }
0x12: {  	[tilespmem:s11+$0x1410] =	vst v0  }
.Ltmp0:
0x13: {  	[tilespmem:s11+$0x1420] =	vst v0;
	(pc) =	sbr.rel @p0 .LBB2_2-.Ltmp0, $4  }
0x14: {  	[tilespmem:s11+$0x1430] =	vst v0  }
0x15: {  	[tilespmem:s11+$0x1440] =	vst v0  }
0x16: {  	[tilespmem:s11+$0x1450] =	vst v0  }
0x17: {  	[tilespmem:s11+$0x1460] =	vst v0;
	s11 =	sshra.s32 s12, $0x2;
	s12 =	sadd.s32 $0x200, s12  }
0x18: {  	[tilespmem:s11+$0x1470] =	vst v0  }
0x19: {  	[tilespmem:s11+$0x1400] =	vst v0  }
0x1a: {  	[tilespmem:s11+$0x1410] =	vst v0  }
0x1b: {  	[tilespmem:s11+$0x1420] =	vst v0  }
0x1c: {  	[tilespmem:s11+$0x1430] =	vst v0  }
0x1d: {  	[tilespmem:s11+$0x1440] =	vst v0  }
0x1e: {  	[tilespmem:s11+$0x1450] =	vst v0  }
0x1f: {  	[tilespmem:s11+$0x1460] =	vst v0;
	s11 =	simm.s32 $0x0  }
.LBB2_4:
0x20: {  	s12 =	sshra.s32 s11, $0x2  }
0x21: {  	v2 =	vld [tilespmem:s12+$0x0];
	_ =	sdelay $0x7  }
0x22: {  	[tilespmem:v2+s7+$0x0] =	vst.idx.add.f32.msk $0xffff, v1  }
0x23: {  	v2 =	vld [tilespmem:s12+$0x10];
	_ =	sdelay $0x7  }
0x24: {  	[tilespmem:v2+s7+$0x0] =	vst.idx.add.f32.msk $0xffff, v1  }
0x25: {  	v2 =	vld [tilespmem:s12+$0x20];
	_ =	sdelay $0x7  }
0x26: {  	[tilespmem:v2+s7+$0x0] =	vst.idx.add.f32.msk $0xffff, v1  }
0x27: {  	v2 =	vld [tilespmem:s12+$0x30];
	_ =	sdelay $0x7  }
0x28: {  	[tilespmem:v2+s7+$0x0] =	vst.idx.add.f32.msk $0xffff, v1  }
0x29: {  	v2 =	vld [tilespmem:s12+$0x40];
	_ =	sdelay $0x7  }
0x2a: {  	[tilespmem:v2+s7+$0x0] =	vst.idx.add.f32.msk $0xffff, v1  }
0x2b: {  	v2 =	vld [tilespmem:s12+$0x50];
	_ =	sdelay $0x7  }
0x2c: {  	[tilespmem:v2+s7+$0x0] =	vst.idx.add.f32.msk $0xffff, v1  }
0x2d: {  	v2 =	vld [tilespmem:s12+$0x60];
	_ =	sdelay $0x7  }
0x2e: {  	[tilespmem:v2+s7+$0x0] =	vst.idx.add.f32.msk $0xffff, v1  }
0x2f: {  	v2 =	vld [tilespmem:s12+$0x70];
	_ =	sdelay $0x2  }
0x30: {  	p0 =	sne.s32 s11, $0x4E00  }
.Ltmp1:
0x31: {  	_ = 	snop;
	(pc) =	sbr.rel @p0 .LBB2_4-.Ltmp1, $2  }
0x32: {  	_ =	sdelay $0x2  }
0x33: {  	s11 =	sadd.s32 $0x200, s11;
	[tilespmem:v2+s7+$0x0] =	vst.idx.add.f32.msk $0xffff, v1  }
0x34: {  	s10 =	sadd.s32 $0x1, s10  }
0x35: {  	p0 =	sne.s32 s10, s5  }
.Ltmp2:
0x36: {  	_ = 	snop;
	(pc) =	sbr.rel @p0 .LBB2_1-.Ltmp2, $4  }
0x37: {  	[hbm4b:s4+s8] =	stream.strided.scatter [tilespmem:s7], [sflag:$0x1], $0x2800, s9, s8, $0x38;
	[tilespmem:$0x3C00] =	vst v63  }
0x38: {  	_ =	swait.ge [sflag:s6], $0x2800  }
0x39: {  	[sflag:s6] =	ssyncset.done $0x0  }
0x3a: {  	[sflag:s6] =	ssyncadd.s32 $0xFFFFD800  }
0x3b: {  	_ =	sfence.sel $0x180000  }
0x3c: {  	[bflag:$0x0] =	sbarrier.arrive $0xFFFF  }
0x3d: {  	p0 =	sne.s32 s0, $0x0;
	_ =	strace $0x90000047  }
0x3e: {  	s0 =	sadd.s32 @!p0 $0x100000, s1;
	[bflag:$0x2] =	sbarrier.arrive $0xFFFF  }
0x3f: {  	[sflag:s0] =	ssyncadd.tile.s32 @!p0 $0x1;
	_ =	shalt  }
.Lfunc_end2:
_tile_overlayer_lowered:
.L_overlay_start_2:
0x40: {  	(tag) =	ssettag $0x2  }
0x41: {  	s0 =	rddreg [dreg:$0x0];
	s2 =	stileid.u32  }
0x42: {  	s1 =	rddreg [dreg:$0x1];
	p0 =	sne.s32 s2, $0x0  }
0x43: {  	s3 =	rddreg [dreg:$0x2];
	[bflag:$0x3] =	sbarrier.arrive $0xFFFF;
	s2 =	simm.s32 @!p0 $0x1C01  }
0x44: {  	[timem:s3], [sflag:s2] =	dma.local @!p0 [hbm:s0], s1  }
0x45: {  	s0 =	simm.s32 @!p0 $0x1  }
0x46: {  	_ =	swait.ge @!p0 [sflag:s0], s1  }
0x47: {  	s1 =	ssub.s32 @!p0 $0x0, s1;
	[sflag:s0] =	ssyncset.done @!p0 $0x0  }
0x48: {  	[sflag:s0] =	ssyncadd.s32 @!p0 s1  }
0x49: {  	[bflag:$0x3] =	sbarrier.arrive $0xFFFF  }
0x4a: {  	_ =	shalt  }

// kernel: kernel.15.cloned.1.call-start
scs
__scs_entry_jumppad:
0x0: {  	(pc) =	sbr.rel $0x88, $3  }
0x1: {  	(tag) =	ssettag $0x0;
	lr =	simm.s32 $0x1  }
0x2: {  	[smem:$0x3F99] =	sst lr;
	_ =	strace $0xD0000000  }
0x3: {  	_ = 	snop  }
0x4: {  	_ = 	snop  }
0x5: {  	_ = 	snop  }
0x6: {  	_ = 	snop  }
0x7: {  	_ = 	snop  }
__scs_overlays_trampoline_lowered:
0x8: {  	[smem:$0x3FA8] =	sst s0  }
0x9: {  	[smem:$0x3FA9] =	sst s1  }
0xa: {  	[smem:$0x3FAA] =	sst s2  }
0xb: {  	[smem:$0x3FAB] =	sst s3  }
0xc: {  	[smem:$0x3FAC] =	sst s4  }
0xd: {  	[smem:$0x3FAD] =	sst s5  }
0xe: {  	[smem:$0x3FAE] =	sst s6  }
0xf: {  	[smem:$0x3FAF] =	sst s7  }
0x10: {  	[smem:$0x3FB0] =	sst s8  }
0x11: {  	[smem:$0x3FB1] =	sst s9;
	s0 =	simm.s32 @!p0 $0x0  }
0x12: {  	s1 =	sld [smem:$0x3F97];
	s0 =	simm.s32 @p0 $0x1  }
0x13: {  	[smem:$0x3FB2] =	sst s0;
	s0 =	simm.s32 @!p1 $0x0  }
0x14: {  	s2 =	sld [smem:$0x3F96];
	s0 =	simm.s32 @p1 $0x1  }
0x15: {  	[smem:$0x3FB3] =	sst s0;
	s0 =	simm.s32 @!p2 $0x0  }
0x16: {  	s3 =	sld [smem:$0x3FDB];
	s0 =	simm.s32 @p2 $0x1  }
0x17: {  	s4 =	simm.s32 $0x1BF5;
	[smem:$0x3FB5] =	sst s0  }
0x18: {  	s0 =	sld [smem:$0x3F98];
	_ =	swait.ge [sflag:s4], $0x0  }
0x19: {  	s7 =	sld [smem:$0x3F99]  }
0x1a: {  	s8 =	sadd.s32 $0xFFFFE003, lr  }
0x1b: {  	s9 =	sadd.s32 $0xFFFFFEF7, lr;
	s5 =	simm.s32 $0xFFFFFFFF;
	p2 =	slt.u32 s8, $0xFFFFF086  }
0x1c: {  	p1 =	slt.u32 s9, $0xF7A;
	s5 =	simm.s32 @!p2 $0x0  }
0x1d: {  	s5 =	simm.s32 @p1 $0x1;
	p0 =	seq.s32 s7, s2  }
0x1e: {  	s7 =	smul.u32 @!p0 $0xF7A, s2;
	p2 =	seq.s32 @!p0 s5, $0x0  }
0x1f: {  	s9 =	smul.u32 $0xF7A, s1;
	s8 =	simm.s32 @!p0 $0x1BF5;
	p2 =	por !p2, p0  }
0x20: {  	[sflag:s8] =	ssyncset.s32 @!p0 $0xFFFFF086;
	s6 =	sadd.s32 @!p0 s3, s7;
	s7 =	simm.s32 @!p0 $0x108  }
0x21: {  	s3 =	sadd.s32 s3, s9;
	s6 =	sadd.s32 @!p0 $0x88, s6;
	s7 =	simm.s32 @p2 $0x1082  }
0x22: {  	[simem:s7], [sflag:s8] =	dma.local @!p0 [hbm:s6], $0xF7A  }
0x23: {  	s9 =	sor.u32 $0xD0000000, s2;
	s6 =	simm.s32 $0x108;
	_ =	swait.ge @!p0 [sflag:s8], $0x0  }
0x24: {  	s3 =	sadd.s32 $0x88, s3;
	s6 =	simm.s32 @!p1 $0x1082;
	[sflag:s4] =	ssyncset.s32 $0xFFFFF086  }
0x25: {  	[simem:s6], [sflag:s4] =	dma.local [hbm:s3], $0xF7A  }
0x26: {  	[smem:$0x3F99] =	sst s1;
	(tag) =	ssettag s2;
	_ =	strace s9  }
0x27: {  	s1 =	sld [smem:$0x3FA9]  }
0x28: {  	s2 =	sld [smem:$0x3FAA]  }
0x29: {  	s4 =	sld [smem:$0x3FAC]  }
0x2a: {  	p0 =	seq.s32 s5, $0x0;
	s5 =	sld [smem:$0x3FAD]  }
0x2b: {  	s6 =	sld [smem:$0x3FAE]  }
0x2c: {  	s7 =	sld [smem:$0x3FAF]  }
0x2d: {  	s3 =	simm.s32 $0x108;
	s8 =	sld [smem:$0x3FB0]  }
0x2e: {  	s3 =	simm.s32 @!p0 $0x1082;
	s9 =	sld [smem:$0x3FB1]  }
0x2f: {  	lr =	sadd.s32 s0, s3;
	s0 =	sld [smem:$0x3FA8]  }
0x30: {  	s3 =	sld [smem:$0x3FAB]  }
0x31: {  	[smem:$0x3FB4] =	sst s10  }
0x32: {  	s10 =	sld [smem:$0x3FB2];
	_ =	sdelay $0x3  }
0x33: {  	p0 =	seq.s32 s10, $0x1;
	s10 =	sld [smem:$0x3FB4];
	_ =	sdelay $0x3  }
0x34: {  	[smem:$0x3FB4] =	sst s10  }
0x35: {  	s10 =	sld [smem:$0x3FB3];
	_ =	sdelay $0x3  }
0x36: {  	p1 =	seq.s32 s10, $0x1;
	s10 =	sld [smem:$0x3FB4];
	_ =	sdelay $0x3  }
0x37: {  	[smem:$0x3FB4] =	sst s10  }
0x38: {  	s10 =	sld [smem:$0x3FB5]  }
0x39: {  	_ = 	snop;
	(pc) =	sbr.ind lr, $3  }
0x3a: {  	_ = 	snop  }
0x3b: {  	_ = 	snop  }
0x3c: {  	p2 =	seq.s32 s10, $0x1;
	s10 =	sld [smem:$0x3FB4]  }
0x3d: {  	_ =	shalt  }
0x3e: {  	_ =	shalt  }
0x3f: {  	_ =	shalt  }
0x40: {  	_ =	shalt  }
0x41: {  	_ =	shalt  }
0x42: {  	_ =	shalt  }
0x43: {  	_ =	shalt  }
0x44: {  	_ =	shalt  }
0x45: {  	_ =	shalt  }
0x46: {  	_ =	shalt  }
0x47: {  	_ =	shalt  }
0x48: {  	_ =	shalt  }
0x49: {  	_ =	shalt  }
0x4a: {  	_ =	shalt  }
0x4b: {  	_ =	shalt  }
0x4c: {  	_ =	shalt  }
0x4d: {  	_ =	shalt  }
0x4e: {  	_ =	shalt  }
0x4f: {  	_ =	shalt  }
0x50: {  	_ =	shalt  }
0x51: {  	_ =	shalt  }
0x52: {  	_ =	shalt  }
0x53: {  	_ =	shalt  }
0x54: {  	_ =	shalt  }
0x55: {  	_ =	shalt  }
0x56: {  	_ =	shalt  }
0x57: {  	_ =	shalt  }
0x58: {  	_ =	shalt  }
0x59: {  	_ =	shalt  }
0x5a: {  	_ =	shalt  }
0x5b: {  	_ =	shalt  }
0x5c: {  	_ =	shalt  }
0x5d: {  	_ =	shalt  }
0x5e: {  	_ =	shalt  }
0x5f: {  	_ =	shalt  }
0x60: {  	_ =	shalt  }
0x61: {  	_ =	shalt  }
0x62: {  	_ =	shalt  }
0x63: {  	_ =	shalt  }
0x64: {  	_ =	shalt  }
0x65: {  	_ =	shalt  }
0x66: {  	_ =	shalt  }
0x67: {  	_ =	shalt  }
0x68: {  	_ =	shalt  }
0x69: {  	_ =	shalt  }
0x6a: {  	_ =	shalt  }
0x6b: {  	_ =	shalt  }
0x6c: {  	_ =	shalt  }
0x6d: {  	_ =	shalt  }
0x6e: {  	_ =	shalt  }
0x6f: {  	_ =	shalt  }
0x70: {  	_ =	shalt  }
0x71: {  	_ =	shalt  }
0x72: {  	_ =	shalt  }
0x73: {  	_ =	shalt  }
0x74: {  	_ =	shalt  }
0x75: {  	_ =	shalt  }
0x76: {  	_ =	shalt  }
0x77: {  	_ =	shalt  }
0x78: {  	_ =	shalt  }
0x79: {  	_ =	shalt  }
0x7a: {  	_ =	shalt  }
0x7b: {  	_ =	shalt  }
0x7c: {  	_ =	shalt  }
0x7d: {  	_ =	shalt  }
0x7e: {  	_ =	shalt  }
0x7f: {  	_ =	shalt  }
0x80: {  	_ =	shalt  }
0x81: {  	_ =	shalt  }
0x82: {  	_ =	shalt  }
0x83: {  	_ =	shalt  }
0x84: {  	_ =	shalt  }
0x85: {  	_ =	shalt  }
0x86: {  	_ =	shalt  }
0x87: {  	_ =	shalt  }
.Lfunc_end0:
.L_simem_size_0:
called_computation.1_lowered:
.L_overlay_start_0:
0x88: {  	s2 =	sld [smem:$0x3FD9]  }
0x89: {  	s3 =	sld [smem:$0x3FFE];
	_ =	sdelay $0x1  }
0x8a: {  	s1 =	srdreg.scid  }
0x8b: {  	s0 =	sand.u32 $0x1, s1  }
0x8c: {  	s17 =	sshll.u32 s0, $0xA;
	s2 =	sadd.s32 s3, s2  }
0x8d: {  	s2 =	sadd.s32 s2, s17  }
0x8e: {  	[smem:$0x3FC0] =	sst s2  }
0x8f: {  	_ = 	snop  }
0x90: {  	s2 =	sld [smem:$0x3FD0];
	(tm) =	ssettm $0x1  }
0x91: {  	s18 =	sld [smem:$0x3FFB];
	_ =	sdelay $0x3  }
0x92: {  	_ =	strace s18  }
0x93: {  	s3 =	sld [smem:$0x3FFC];
	_ =	sdelay $0x3  }
0x94: {  	_ =	strace s3  }
0x95: {  	s3 =	sld [smem:$0x3FFD];
	_ =	sdelay $0x3  }
0x96: {  	_ =	strace s3  }
0x97: {  	_ =	strace $0x8FFFFFFF  }
0x98: {  	s19 =	sld [smem:$0x3FDB];
	_ =	sdelay $0x1  }
0x99: {  	s4 =	simm.s32 $_scs_section_size  }
0x9a: {  	s5 =	simm.s32 $_size__tile_overlayer_lowered;
	s6 =	simm.s32 $_tile_overlayer_lowered  }
0x9b: {  	s22 =	simm.s32 $0x1BFF;
	s21 =	sshll.u32 s6, $0x1;
	s3 =	sadd.s32 s4, s19  }
0x9c: {  	s7 =	simm.s32 $0x0;
	s20 =	sshll.u32 s5, $0x1;
	s5 =	sadd.s32 s21, s3  }
0x9d: {  	[timem:s7], [sflag:s22] =	dma.local [hbm:s5], s20  }
0x9e: {  	_ =	swait.ge [sflag:s22], s20  }
0x9f: {  	s4 =	ssub.s32 $0x0, s20;
	[sflag:s22] =	ssyncset.done $0x0  }
0xa0: {  	[sflag:s22] =	ssyncadd.s32 s4;
	_ =	sdelay $0x1  }
0xa1: {  	s23 =	simm.s32 $0x1B8B  }
0xa2: {  	_ =	swait.ge [sflag:s23], $0x1  }
0xa3: {  	[sflag:s23] =	ssyncset.done $0x0  }
0xa4: {  	s25 =	simm.s32 $0x1B8E;
	s24 =	sld [smem:$0x3FFE];
	[sflag:s23] =	ssyncadd.s32 $0xFFFFFFFF  }
0xa5: {  	s26 =	simm.s32 $execute0_lowered;
	[smem:$0x3FD2] =	sst s25  }
0xa6: {  	s5 =	sshll.u32 s26, $0x1;
	_ =	strace $0x80000049;
	[dreg:$0x1] =	wrdreg $0xFFFFFFFF  }
0xa7: {  	s28 =	simm.s32 $_size_execute0_lowered;
	s3 =	sadd.s32 s3, s5;
	[dreg:$0x0] =	wrdreg $0x0  }
0xa8: {  	s5 =	sshll.u32 s28, $0x1;
	[dreg:$0x2] =	wrdreg s3  }
0xa9: {  	[dreg:$0x3] =	wrdreg s5  }
0xaa: {  	[dreg:$0x4] =	wrdreg $0xC0  }
0xab: {  	_ =	task [dreg:s7], $0x5FFFF  }
0xac: {  	[dreg:$0x1] =	wrdreg $0xFFFFFFFF  }
0xad: {  	[dreg:$0x0] =	wrdreg $0x60  }
0xae: {  	[dreg:$0x2] =	wrdreg s24  }
0xaf: {  	[dreg:$0x3] =	wrdreg s2  }
0xb0: {  	[dreg:$0x4] =	wrdreg $0xA8000  }
0xb1: {  	[dreg:$0x5] =	wrdreg $0x9  }
0xb2: {  	_ =	task.clear_ibuf [dreg:s7], $0x6FFFF;
	_ =	strace $0x90000049  }
0xb3: {  	s29 =	simm.s32 $0x9;
	_ =	strace $0x8000004B  }
0xb4: {  	_ =	swait.ge [sflag:s29], $0x1  }
0xb5: {  	[sflag:s29] =	ssyncadd.s32 $0xFFFFFFFF  }
0xb6: {  	_ =	strace $0x9000004B  }
0xb7: {  	_ =	sfence  }
0xb8: {  	s30 =	sld [smem:$0x0];
	_ =	sdelay $0x2  }
0xb9: {  	s31 =	sshll.u32 s1, $0xD;
	s1 =	sshrl.u32 s1, $0x2  }
0xba: {  	s3 =	sand.u32 $0x4000, s31;
	s1 =	sadd.s32 s1, s30  }
0xbb: {  	s0 =	sor.u32 s3, s0;
	s1 =	sshll.u32 s1, $0x11  }
0xbc: {  	s0 =	sor.u32 s1, s0  }
0xbd: {  	s0 =	sadd.s32 $0x8F2B, s0  }
0xbe: {  	[sflag:s0] =	ssyncadd.remote.s32 $0x1  }
0xbf: {  	_ =	sfence.sel $0xFFFF  }
0xc0: {  	[dreg:$0x0] =	wrdreg $0xFFFFFFFF;
	(pc) =	sbr.abs _section_cstart, $3  }
0xc1: {  	[dreg:$0x1] =	wrdreg $0xFFFFFFFF  }
0xc2: {  	_ =	task.clear_ibuf [dreg:s7], $0x2FFFF;
	_ =	strace $0x9FFFFFFF  }
0xc3: {  	(tm) =	ssettm $0x7FFFFFFF  }
tec
execute0_lowered:
.L_overlay_start_1:
0x0: {  	(tag) =	ssettag $0x1  }
0x1: {  	s0 =	rddreg [dreg:$0x0];
	s1 =	srdreg.scid  }
0x2: {  	s3 =	rddreg [dreg:$0x1];
	s10 =	stileid.u32  }
0x3: {  	s2 =	rddreg [dreg:$0x2];
	s7 =	smul.u32 $0x5000, s10  }
0x4: {  	s8 =	simm.s32 $0x0;
	s28 =	simm.s32 $0x4800;
	s6 =	smul.u32 $0x14000, s10  }
0x5: {  	s30 =	simm.s32 $0x6800;
	s1 =	sand.u32 $0x1, s1;
	s9 =	smul.u32 $0x50000, s10  }
0x6: {  	s14 =	simm.s32 $0x6;
	[smem:$0x7FF] =	sst s8;
	s4 =	smul.u32 $0x50000, s1  }
0x7: {  	s10 =	sshll.u32 s10, $0x6;
	s5 =	smul.u32 $0x140000, s1;
	s1 =	ssub.s32 $0x2, s1  }
0x8: {  	s8 =	simm.s32 $0x2;
	_ =	strace $0x8000004A;
	s16 =	sshrl.u32 s1, $0x1  }
0x9: {  	s9 =	sshrl.u32 s9, $0x2;
	s4 =	sadd.s32 s7, s4;
	s5 =	sadd.s32 s6, s5  }
0xa: {  	s1 =	ssub.s32 s1, s16;
	s9 =	sadd.s32 s9, s2;
	s7 =	sshrl.u32 s7, $0x3  }
0xb: {  	s16 =	simm.s32 $0x4;
	s4 =	sshrl.u32 s4, $0x3;
	s6 =	sshrl.u32 s5, $0x3  }
0xc: {  	s5 =	sadd.s32 $0x5C200, s0;
	s17 =	sadd.s32 $0x4000, s9;
	s11 =	sadd.s32 $0x8000, s9  }
0xd: {  	s12 =	sadd.s32 $0xC000, s9;
	s13 =	sadd.s32 $0x10000, s9;
	s3 =	sadd.s32 s3, s7  }
0xe: {  	s24 =	smax.u32 s1, $0x1;
	s9 =	sshrl.u32 s9, $0x3;
	s1 =	simm.s32 $0x8800  }
0xf: {  	s7 =	simm.s32 $0x0;
	s15 =	sadd.s32 s4, s0;
	[dreg:$0x4] =	wrdreg s3  }
0x10: {  	s4 =	sadd.s32 $0xC200, s0;
	s20 =	sadd.s32 $0x280, s3;
	[dreg:$0xd] =	wrdreg s24  }
0x11: {  	s0 =	sadd.s32 s6, s0;
	s22 =	sadd.s32 $0x500, s3;
	[dreg:$0x7] =	wrdreg s20  }
0x12: {  	s6 =	sor.u32 $0x1C09, s10;
	s3 =	sadd.s32 $0x780, s3;
	[dreg:$0x9] =	wrdreg s22  }
0x13: {  	s25 =	sshrl.u32 s17, $0x3;
	s26 =	sshrl.u32 s11, $0x3;
	[dreg:$0xb] =	wrdreg s3  }
0x14: {  	s29 =	sshrl.u32 s12, $0x3;
	s31 =	sshrl.u32 s13, $0x3;
	[dreg:$0xe] =	wrdreg s25  }
0x15: {  	s24 =	simm.s32 $0x40;
	s10 =	simm.s32 $0x5;
	[dreg:$0xf] =	wrdreg s26  }
0x16: {  	s12 =	simm.s32 $0x3;
	s13 =	simm.s32 $0x1500;
	[dreg:$0x10] =	wrdreg s29  }
0x17: {  	s18 =	sadd.s32 $0x66200, s15;
	s19 =	sadd.s32 $0x66480, s15;
	[dreg:$0x11] =	wrdreg s31  }
0x18: {  	s21 =	sadd.s32 $0x66700, s15;
	s23 =	sadd.s32 $0x66980, s15;
	[dreg:$0x5] =	wrdreg s18  }
.Ltmp0:
0x19: {  	s0 =	sadd.s32 $0x7A200, s0;
	[dreg:$0x6] =	wrdreg s19;
	(pc) =	sbr.rel .LBB2_1-.Ltmp0, $4  }
0x1a: {  	s25 =	simm.s32 $0x2800;
	s15 =	simm.s32 $0x280;
	[dreg:$0x8] =	wrdreg s21  }
0x1b: {  	s20 =	simm.s32 $0x7;
	s22 =	simm.s32 $0x8;
	[dreg:$0xa] =	wrdreg s23  }
0x1c: {  	[dreg:$0xc] =	wrdreg s0;
	s18 =	simm.s32 $0x9;
	s23 =	simm.s32 $0x1400  }
0x1d: {  	s0 =	simm.s32 $0x1;
	s19 =	simm.s32 $0x1580;
	s21 =	simm.s32 $0x300  }
.LBB2_13:
0x1e: {  	_ =	swait.ge [sflag:s22], $0x2000  }
0x1f: {  	[sflag:s22] =	ssyncset.done $0x0  }
0x20: {  	[sflag:s22] =	ssyncadd.s32 $0xFFFFE000  }
0x21: {  	[bflag:$0x0] =	sbarrier.arrive $0xFFFF  }
0x22: {  	s3 =	rddreg [dreg:$0xc]  }
0x23: {  	[hbm:s3], [sflag:s6] =	dma.local [spmem:s11], $0x2800  }
0x24: {  	_ =	swait.ge [sflag:s18], $0x2800  }
0x25: {  	s7 =	sadd.s32 $0x1, s7;
	s31 =	rddreg [dreg:$0xd]  }
0x26: {  	p0 =	sne.s32 s7, s31  }
.Ltmp1:
0x27: {  	_ = 	snop;
	(pc) =	sbr.rel @!p0 .LBB2_14-.Ltmp1, $3  }
0x28: {  	_ =	sdelay $0x1  }
0x29: {  	[sflag:s18] =	ssyncset.done $0x0  }
0x2a: {  	s9 =	smov.u32 s11;
	[sflag:s18] =	ssyncadd.s32 $0xFFFFD800  }
.LBB2_1:
0x2b: {  	[spmem:s9], [sflag:s6] =	dma.local [hbm:s5], $0x800  }
0x2c: {  	_ =	swait.ge [sflag:s18], $0x800  }
0x2d: {  	[sflag:s18] =	ssyncset.done $0x0  }
0x2e: {  	s3 =	rddreg [dreg:$0xe];
	[sflag:s18] =	ssyncadd.s32 $0xFFFFF800  }
0x2f: {  	[spmem:s3], [sflag:s6] =	dma.local [hbm:s5], $0x800  }
0x30: {  	_ =	swait.ge [sflag:s18], $0x800  }
0x31: {  	[sflag:s18] =	ssyncset.done $0x0  }
0x32: {  	s31 =	rddreg [dreg:$0xf];
	[sflag:s18] =	ssyncadd.s32 $0xFFFFF800  }
0x33: {  	[spmem:s31], [sflag:s6] =	dma.local [hbm:s5], $0x800  }
0x34: {  	_ =	swait.ge [sflag:s18], $0x800  }
0x35: {  	[sflag:s18] =	ssyncset.done $0x0  }
0x36: {  	s11 =	smov.u32 s9;
	s9 =	rddreg [dreg:$0x10];
	[sflag:s18] =	ssyncadd.s32 $0xFFFFF800  }
0x37: {  	[spmem:s9], [sflag:s6] =	dma.local [hbm:s5], $0x800  }
0x38: {  	_ =	swait.ge [sflag:s18], $0x800  }
0x39: {  	[sflag:s18] =	ssyncset.done $0x0  }
0x3a: {  	s17 =	rddreg [dreg:$0x11];
	[sflag:s18] =	ssyncadd.s32 $0xFFFFF800  }
0x3b: {  	[spmem:s17], [sflag:s6] =	dma.local [hbm:s5], $0x800  }
0x3c: {  	_ =	swait.ge [sflag:s18], $0x800  }
0x3d: {  	[sflag:s18] =	ssyncset.done $0x0  }
0x3e: {  	[sflag:s18] =	ssyncadd.s32 $0xFFFFF800  }
0x3f: {  	[bflag:$0x0] =	sbarrier.arrive $0xFFFF  }
0x40: {  	s26 =	simm.s32 $0x0;
	s29 =	rddreg [dreg:$0x5]  }
0x41: {  	[tilespmem:s26], [sflag:$0x9] =	stream.linear.gather [hbm4b:s29+s26], $0x1400, $0x38;
	[tilespmem:$0x1E800] =	vst v63  }
0x42: {  	_ =	swait.ge [sflag:s18], $0x1400  }
0x43: {  	[sflag:s18] =	ssyncset.done $0x0  }
0x44: {  	s31 =	rddreg [dreg:$0x4];
	[sflag:s18] =	ssyncadd.s32 $0xFFFFEC00  }
0x45: {  	[tilespmem:s23], [sflag:$0x9] =	stream.linear.gather [hbm4b:s31+s26], $0x1400, $0x38;
	[tilespmem:$0x1E800] =	vst v63  }
0x46: {  	_ =	swait.ge [sflag:s18], $0x1400  }
0x47: {  	[sflag:s18] =	ssyncset.done $0x0  }
0x48: {  	[sflag:s18] =	ssyncadd.s32 $0xFFFFEC00  }
0x49: {  	[tilespmem:s25], [sflag:$0x1] =	stream.indirect.gather [hbm4b:s4+s24], $0x80, s26, s24, $0xb8;
	[tilespmem:$0x1E800] =	vst v63  }
0x4a: {  	s9 =	simm.s32 $0x80  }
0x4b: {  	[tilespmem:s28], [sflag:$0x2] =	stream.indirect.gather [hbm4b:s4+s24], $0x80, s9, s24, $0xb8;
	[tilespmem:$0x1E800] =	vst v63  }
0x4c: {  	s17 =	simm.s32 $0x100  }
0x4d: {  	[tilespmem:s30], [sflag:$0x3] =	stream.indirect.gather [hbm4b:s4+s24], $0x80, s17, s24, $0xb8;
	[tilespmem:$0x1E800] =	vst v63  }
0x4e: {  	s26 =	simm.s32 $0x180  }
0x4f: {  	[tilespmem:s1], [sflag:$0x4] =	stream.indirect.gather [hbm4b:s4+s24], $0x80, s26, s24, $0xb8;
	[tilespmem:$0x1E800] =	vst v63  }
0x50: {  	_ =	swait.ge [sflag:s0], $0x2000  }
0x51: {  	[sflag:s0] =	ssyncset.done $0x0  }
0x52: {  	[sflag:s0] =	ssyncadd.s32 $0xFFFFE000  }
0x53: {  	[spmem:s2] =	stream.indirect.scatter.add.f32 [tilespmem:s25], [sflag:$0x5], $0x80, s23, s24, $0xb8;
	[tilespmem:$0x1E800] =	vst v63  }
0x54: {  	_ =	swait.ge [sflag:s8], $0x2000  }
0x55: {  	[sflag:s8] =	ssyncset.done $0x0  }
0x56: {  	s29 =	simm.s32 $0x1480;
	[sflag:s8] =	ssyncadd.s32 $0xFFFFE000  }
0x57: {  	[spmem:s2] =	stream.indirect.scatter.add.f32 [tilespmem:s28], [sflag:$0x6], $0x80, s29, s24, $0xb8;
	[tilespmem:$0x1E800] =	vst v63  }
0x58: {  	_ =	swait.ge [sflag:s10], $0x2000  }
0x59: {  	[sflag:s10] =	ssyncset.done $0x0  }
0x5a: {  	s31 =	simm.s32 $0x200;
	[sflag:s10] =	ssyncadd.s32 $0xFFFFE000  }
0x5b: {  	[tilespmem:s25], [sflag:$0x1] =	stream.indirect.gather [hbm4b:s4+s24], $0x80, s31, s24, $0xb8;
	[tilespmem:$0x1E800] =	vst v63  }
0x5c: {  	_ =	swait.ge [sflag:s12], $0x2000  }
0x5d: {  	[sflag:s12] =	ssyncset.done $0x0  }
0x5e: {  	[sflag:s12] =	ssyncadd.s32 $0xFFFFE000  }
0x5f: {  	[spmem:s2] =	stream.indirect.scatter.add.f32 [tilespmem:s30], [sflag:$0x7], $0x80, s13, s24, $0xb8;
	[tilespmem:$0x1E800] =	vst v63  }
0x60: {  	_ =	swait.ge [sflag:s14], $0x2000  }
0x61: {  	[sflag:s14] =	ssyncset.done $0x0  }
0x62: {  	[sflag:s14] =	ssyncadd.s32 $0xFFFFE000  }
0x63: {  	[tilespmem:s28], [sflag:$0x2] =	stream.indirect.gather [hbm4b:s4+s24], $0x80, s15, s24, $0xb8;
	[tilespmem:$0x1E800] =	vst v63  }
0x64: {  	_ =	swait.ge [sflag:s16], $0x2000  }
0x65: {  	[sflag:s16] =	ssyncset.done $0x0  }
0x66: {  	[sflag:s16] =	ssyncadd.s32 $0xFFFFE000  }
0x67: {  	[spmem:s2] =	stream.indirect.scatter.add.f32 [tilespmem:s1], [sflag:$0x8], $0x80, s19, s24, $0xb8;
	[tilespmem:$0x1E800] =	vst v63  }
0x68: {  	_ =	swait.ge [sflag:s20], $0x2000  }
0x69: {  	[sflag:s20] =	ssyncset.done $0x0  }
0x6a: {  	s3 =	simm.s32 $0x0;
	[sflag:s20] =	ssyncadd.s32 $0xFFFFE000  }
0x6b: {  	[tilespmem:s30], [sflag:$0x3] =	stream.indirect.gather [hbm4b:s4+s24], $0x80, s21, s24, $0xb8;
	[tilespmem:$0x1E800] =	vst v63  }
.LBB2_2:
0x6c: {  	_ =	swait.ge [sflag:s0], $0x2000  }
0x6d: {  	s17 =	sshra.s32 s3, $0x2;
	[sflag:s0] =	ssyncset.done $0x0  }
0x6e: {  	s26 =	sadd.s32 $0x1600, s17;
	[sflag:s0] =	ssyncadd.s32 $0xFFFFE000  }
0x6f: {  	[spmem:s2] =	stream.indirect.scatter.add.f32 [tilespmem:s25], [sflag:$0x5], $0x80, s26, s24, $0xb8;
	[tilespmem:$0x1E800] =	vst v63  }
0x70: {  	_ =	swait.ge [sflag:s22], $0x2000  }
0x71: {  	[sflag:s22] =	ssyncset.done $0x0  }
0x72: {  	s9 =	sadd.s32 $0x380, s17;
	[sflag:s22] =	ssyncadd.s32 $0xFFFFE000  }
0x73: {  	[tilespmem:s1], [sflag:$0x4] =	stream.indirect.gather [hbm4b:s4+s24], $0x80, s9, s24, $0xb8;
	[tilespmem:$0x1E800] =	vst v63  }
0x74: {  	_ =	swait.ge [sflag:s8], $0x2000  }
0x75: {  	[sflag:s8] =	ssyncset.done $0x0  }
0x76: {  	s29 =	sadd.s32 $0x1680, s17;
	[sflag:s8] =	ssyncadd.s32 $0xFFFFE000  }
0x77: {  	[spmem:s2] =	stream.indirect.scatter.add.f32 [tilespmem:s28], [sflag:$0x6], $0x80, s29, s24, $0xb8;
	[tilespmem:$0x1E800] =	vst v63  }
0x78: {  	_ =	swait.ge [sflag:s10], $0x2000  }
0x79: {  	p0 =	seq.s32 s3, $0x4000;
	[sflag:s10] =	ssyncset.done $0x0  }
0x7a: {  	s26 =	simm.s32 @p0 $0x3;
	[sflag:s10] =	ssyncadd.s32 $0xFFFFE000  }
0x7b: {  	_ =	swait.ge @p0 [sflag:s26], $0x2000  }
0x7c: {  	[sflag:s26] =	ssyncset.done @p0 $0x0  }
0x7d: {  	[sflag:s26] =	ssyncadd.s32 @p0 $0xFFFFE000;
	s26 =	sshra.s32 @p0 s3, $0x2  }
0x7e: {  	s31 =	simm.s32 @p0 $0x6800;
	s29 =	simm.s32 @p0 $0x40;
	s26 =	sadd.s32 @p0 $0x1700, s26  }
0x7f: {  	[spmem:s2] =	stream.indirect.scatter.add.f32 @p0 [tilespmem:s31], [sflag:$0x7], $0x80, s26, s29, $0xb8;
	[tilespmem:$0x1E800] =	vst v63  }
0x80: {  	s26 =	simm.s32 @p0 $0x6  }
0x81: {  	_ =	swait.ge @p0 [sflag:s26], $0x2000  }
0x82: {  	[sflag:s26] =	ssyncset.done @p0 $0x0  }
0x83: {  	[sflag:s26] =	ssyncadd.s32 @p0 $0xFFFFE000;
	s26 =	sshra.s32 @!p0 s3, $0x2  }
0x84: {  	s9 =	simm.s32 @!p0 $0x2800;
	s31 =	simm.s32 @!p0 $0x40;
	s29 =	sadd.s32 @!p0 $0x400, s26  }
0x85: {  	[tilespmem:s9], [sflag:$0x1] =	stream.indirect.gather @!p0 [hbm4b:s4+s31], $0x80, s29, s31, $0xb8;
	[tilespmem:$0x1E800] =	vst v63  }
0x86: {  	s9 =	simm.s32 @!p0 $0x3  }
0x87: {  	_ =	swait.ge @!p0 [sflag:s9], $0x2000  }
0x88: {  	[sflag:s9] =	ssyncset.done @!p0 $0x0  }
0x89: {  	s29 =	simm.s32 @!p0 $0x6800;
	[sflag:s9] =	ssyncadd.s32 @!p0 $0xFFFFE000;
	s9 =	sadd.s32 @!p0 $0x1700, s26  }
0x8a: {  	[spmem:s2] =	stream.indirect.scatter.add.f32 @!p0 [tilespmem:s29], [sflag:$0x7], $0x80, s9, s31, $0xb8;
	[tilespmem:$0x1E800] =	vst v63  }
0x8b: {  	s9 =	simm.s32 @!p0 $0x6  }
0x8c: {  	_ =	swait.ge @!p0 [sflag:s9], $0x2000  }
0x8d: {  	[sflag:s9] =	ssyncset.done @!p0 $0x0  }
0x8e: {  	[sflag:s9] =	ssyncadd.s32 @!p0 $0xFFFFE000;
	s9 =	sadd.s32 @!p0 $0x480, s26;
	s26 =	simm.s32 @!p0 $0x4800  }
0x8f: {  	[tilespmem:s26], [sflag:$0x2] =	stream.indirect.gather @!p0 [hbm4b:s4+s31], $0x80, s9, s31, $0xb8;
	[tilespmem:$0x1E800] =	vst v63  }
0x90: {  	_ =	swait.ge [sflag:s16], $0x2000  }
0x91: {  	[sflag:s16] =	ssyncset.done $0x0  }
.Ltmp2:
0x92: {  	s31 =	sadd.s32 $0x1780, s17;
	[sflag:s16] =	ssyncadd.s32 $0xFFFFE000;
	(pc) =	sbr.rel @p0 .LBB2_4-.Ltmp2, $4  }
0x93: {  	[spmem:s2] =	stream.indirect.scatter.add.f32 [tilespmem:s1], [sflag:$0x8], $0x80, s31, s24, $0xb8;
	[tilespmem:$0x1E800] =	vst v63  }
0x94: {  	_ =	swait.ge [sflag:s20], $0x2000  }
0x95: {  	[sflag:s20] =	ssyncset.done $0x0  }
0x96: {  	[sflag:s20] =	ssyncadd.s32 $0xFFFFE000  }
.Ltmp3:
0x97: {  	(pc) =	sbr.rel .LBB2_2-.Ltmp3, $3  }
0x98: {  	_ =	sdelay $0x1  }
0x99: {  	s9 =	sadd.s32 $0x500, s17;
	s3 =	sadd.s32 $0x800, s3  }
0x9a: {  	[tilespmem:s30], [sflag:$0x3] =	stream.indirect.gather [hbm4b:s4+s24], $0x80, s9, s24, $0xb8;
	[tilespmem:$0x1E800] =	vst v63  }
.LBB2_4:
0x9b: {  	_ =	swait.ge [sflag:s22], $0x2000  }
0x9c: {  	[sflag:s22] =	ssyncset.done $0x0  }
0x9d: {  	s3 =	simm.s32 $0x0;
	s9 =	rddreg [dreg:$0x6];
	[sflag:s22] =	ssyncadd.s32 $0xFFFFE000  }
0x9e: {  	[tilespmem:s3], [sflag:$0x9] =	stream.linear.gather [hbm4b:s9+s3], $0x1400, $0x38;
	[tilespmem:$0x1E800] =	vst v63  }
0x9f: {  	_ =	swait.ge [sflag:s18], $0x1400  }
0xa0: {  	[sflag:s18] =	ssyncset.done $0x0  }
0xa1: {  	s29 =	rddreg [dreg:$0x7];
	[sflag:s18] =	ssyncadd.s32 $0xFFFFEC00  }
0xa2: {  	[tilespmem:s23], [sflag:$0x9] =	stream.linear.gather [hbm4b:s29+s3], $0x1400, $0x38;
	[tilespmem:$0x1E800] =	vst v63  }
0xa3: {  	_ =	swait.ge [sflag:s18], $0x1400  }
0xa4: {  	[sflag:s18] =	ssyncset.done $0x0  }
0xa5: {  	[sflag:s18] =	ssyncadd.s32 $0xFFFFEC00  }
0xa6: {  	[tilespmem:s25], [sflag:$0x1] =	stream.indirect.gather [hbm4b:s4+s24], $0x80, s3, s24, $0xb8;
	[tilespmem:$0x1E800] =	vst v63  }
0xa7: {  	s31 =	simm.s32 $0x80  }
0xa8: {  	[tilespmem:s28], [sflag:$0x2] =	stream.indirect.gather [hbm4b:s4+s24], $0x80, s31, s24, $0xb8;
	[tilespmem:$0x1E800] =	vst v63  }
0xa9: {  	s17 =	simm.s32 $0x100  }
0xaa: {  	[tilespmem:s30], [sflag:$0x3] =	stream.indirect.gather [hbm4b:s4+s24], $0x80, s17, s24, $0xb8;
	[tilespmem:$0x1E800] =	vst v63  }
0xab: {  	s26 =	simm.s32 $0x180  }
0xac: {  	[tilespmem:s1], [sflag:$0x4] =	stream.indirect.gather [hbm4b:s4+s24], $0x80, s26, s24, $0xb8;
	[tilespmem:$0x1E800] =	vst v63  }
0xad: {  	_ =	swait.ge [sflag:s0], $0x2000  }
0xae: {  	[sflag:s0] =	ssyncset.done $0x0  }
0xaf: {  	[sflag:s0] =	ssyncadd.s32 $0xFFFFE000  }
0xb0: {  	[spmem:s2] =	stream.indirect.scatter.add.f32 [tilespmem:s25], [sflag:$0x5], $0x80, s23, s24, $0xb8;
	[tilespmem:$0x1E800] =	vst v63  }
0xb1: {  	_ =	swait.ge [sflag:s8], $0x2000  }
0xb2: {  	[sflag:s8] =	ssyncset.done $0x0  }
0xb3: {  	s29 =	simm.s32 $0x1480;
	[sflag:s8] =	ssyncadd.s32 $0xFFFFE000  }
0xb4: {  	[spmem:s2] =	stream.indirect.scatter.add.f32 [tilespmem:s28], [sflag:$0x6], $0x80, s29, s24, $0xb8;
	[tilespmem:$0x1E800] =	vst v63  }
0xb5: {  	_ =	swait.ge [sflag:s10], $0x2000  }
0xb6: {  	[sflag:s10] =	ssyncset.done $0x0  }
0xb7: {  	s31 =	simm.s32 $0x200;
	[sflag:s10] =	ssyncadd.s32 $0xFFFFE000  }
0xb8: {  	[tilespmem:s25], [sflag:$0x1] =	stream.indirect.gather [hbm4b:s4+s24], $0x80, s31, s24, $0xb8;
	[tilespmem:$0x1E800] =	vst v63  }
0xb9: {  	_ =	swait.ge [sflag:s12], $0x2000  }
0xba: {  	[sflag:s12] =	ssyncset.done $0x0  }
0xbb: {  	[sflag:s12] =	ssyncadd.s32 $0xFFFFE000  }
0xbc: {  	[spmem:s2] =	stream.indirect.scatter.add.f32 [tilespmem:s30], [sflag:$0x7], $0x80, s13, s24, $0xb8;
	[tilespmem:$0x1E800] =	vst v63  }
0xbd: {  	_ =	swait.ge [sflag:s14], $0x2000  }
0xbe: {  	[sflag:s14] =	ssyncset.done $0x0  }
0xbf: {  	[sflag:s14] =	ssyncadd.s32 $0xFFFFE000  }
0xc0: {  	[tilespmem:s28], [sflag:$0x2] =	stream.indirect.gather [hbm4b:s4+s24], $0x80, s15, s24, $0xb8;
	[tilespmem:$0x1E800] =	vst v63  }
0xc1: {  	_ =	swait.ge [sflag:s16], $0x2000  }
0xc2: {  	[sflag:s16] =	ssyncset.done $0x0  }
0xc3: {  	[sflag:s16] =	ssyncadd.s32 $0xFFFFE000  }
0xc4: {  	[spmem:s2] =	stream.indirect.scatter.add.f32 [tilespmem:s1], [sflag:$0x8], $0x80, s19, s24, $0xb8;
	[tilespmem:$0x1E800] =	vst v63  }
0xc5: {  	_ =	swait.ge [sflag:s20], $0x2000  }
0xc6: {  	[sflag:s20] =	ssyncset.done $0x0  }
0xc7: {  	[sflag:s20] =	ssyncadd.s32 $0xFFFFE000  }
0xc8: {  	[tilespmem:s30], [sflag:$0x3] =	stream.indirect.gather [hbm4b:s4+s24], $0x80, s21, s24, $0xb8;
	[tilespmem:$0x1E800] =	vst v63  }
.LBB2_5:
0xc9: {  	_ =	swait.ge [sflag:s0], $0x2000  }
0xca: {  	s17 =	sshra.s32 s3, $0x2;
	[sflag:s0] =	ssyncset.done $0x0  }
0xcb: {  	s9 =	sadd.s32 $0x1600, s17;
	[sflag:s0] =	ssyncadd.s32 $0xFFFFE000  }
0xcc: {  	[spmem:s2] =	stream.indirect.scatter.add.f32 [tilespmem:s25], [sflag:$0x5], $0x80, s9, s24, $0xb8;
	[tilespmem:$0x1E800] =	vst v63  }
0xcd: {  	_ =	swait.ge [sflag:s22], $0x2000  }
0xce: {  	[sflag:s22] =	ssyncset.done $0x0  }
0xcf: {  	s26 =	sadd.s32 $0x380, s17;
	[sflag:s22] =	ssyncadd.s32 $0xFFFFE000  }
0xd0: {  	[tilespmem:s1], [sflag:$0x4] =	stream.indirect.gather [hbm4b:s4+s24], $0x80, s26, s24, $0xb8;
	[tilespmem:$0x1E800] =	vst v63  }
0xd1: {  	_ =	swait.ge [sflag:s8], $0x2000  }
0xd2: {  	[sflag:s8] =	ssyncset.done $0x0  }
0xd3: {  	s29 =	sadd.s32 $0x1680, s17;
	[sflag:s8] =	ssyncadd.s32 $0xFFFFE000  }
0xd4: {  	[spmem:s2] =	stream.indirect.scatter.add.f32 [tilespmem:s28], [sflag:$0x6], $0x80, s29, s24, $0xb8;
	[tilespmem:$0x1E800] =	vst v63  }
0xd5: {  	_ =	swait.ge [sflag:s10], $0x2000  }
0xd6: {  	p0 =	seq.s32 s3, $0x4000;
	[sflag:s10] =	ssyncset.done $0x0  }
0xd7: {  	s9 =	simm.s32 @p0 $0x3;
	[sflag:s10] =	ssyncadd.s32 $0xFFFFE000  }
0xd8: {  	_ =	swait.ge @p0 [sflag:s9], $0x2000  }
0xd9: {  	[sflag:s9] =	ssyncset.done @p0 $0x0  }
0xda: {  	[sflag:s9] =	ssyncadd.s32 @p0 $0xFFFFE000;
	s9 =	sshra.s32 @p0 s3, $0x2  }
0xdb: {  	s26 =	simm.s32 @p0 $0x40;
	s29 =	simm.s32 @p0 $0x6800;
	s9 =	sadd.s32 @p0 $0x1700, s9  }
0xdc: {  	[spmem:s2] =	stream.indirect.scatter.add.f32 @p0 [tilespmem:s29], [sflag:$0x7], $0x80, s9, s26, $0xb8;
	[tilespmem:$0x1E800] =	vst v63  }
0xdd: {  	s9 =	simm.s32 @p0 $0x6  }
0xde: {  	_ =	swait.ge @p0 [sflag:s9], $0x2000  }
0xdf: {  	[sflag:s9] =	ssyncset.done @p0 $0x0  }
0xe0: {  	[sflag:s9] =	ssyncadd.s32 @p0 $0xFFFFE000;
	s9 =	sshra.s32 @!p0 s3, $0x2  }
0xe1: {  	s31 =	simm.s32 @!p0 $0x2800;
	s29 =	simm.s32 @!p0 $0x40;
	s26 =	sadd.s32 @!p0 $0x400, s9  }
0xe2: {  	[tilespmem:s31], [sflag:$0x1] =	stream.indirect.gather @!p0 [hbm4b:s4+s29], $0x80, s26, s29, $0xb8;
	[tilespmem:$0x1E800] =	vst v63  }
0xe3: {  	s26 =	simm.s32 @!p0 $0x3  }
0xe4: {  	_ =	swait.ge @!p0 [sflag:s26], $0x2000  }
0xe5: {  	[sflag:s26] =	ssyncset.done @!p0 $0x0  }
0xe6: {  	s31 =	simm.s32 @!p0 $0x6800;
	[sflag:s26] =	ssyncadd.s32 @!p0 $0xFFFFE000;
	s26 =	sadd.s32 @!p0 $0x1700, s9  }
0xe7: {  	[spmem:s2] =	stream.indirect.scatter.add.f32 @!p0 [tilespmem:s31], [sflag:$0x7], $0x80, s26, s29, $0xb8;
	[tilespmem:$0x1E800] =	vst v63  }
0xe8: {  	s26 =	simm.s32 @!p0 $0x6  }
0xe9: {  	_ =	swait.ge @!p0 [sflag:s26], $0x2000  }
0xea: {  	[sflag:s26] =	ssyncset.done @!p0 $0x0  }
0xeb: {  	s9 =	sadd.s32 @!p0 $0x480, s9;
	[sflag:s26] =	ssyncadd.s32 @!p0 $0xFFFFE000;
	s26 =	simm.s32 @!p0 $0x4800  }
0xec: {  	[tilespmem:s26], [sflag:$0x2] =	stream.indirect.gather @!p0 [hbm4b:s4+s29], $0x80, s9, s29, $0xb8;
	[tilespmem:$0x1E800] =	vst v63  }
0xed: {  	_ =	swait.ge [sflag:s16], $0x2000  }
0xee: {  	[sflag:s16] =	ssyncset.done $0x0  }
.Ltmp4:
0xef: {  	s31 =	sadd.s32 $0x1780, s17;
	[sflag:s16] =	ssyncadd.s32 $0xFFFFE000;
	(pc) =	sbr.rel @p0 .LBB2_7-.Ltmp4, $4  }
0xf0: {  	[spmem:s2] =	stream.indirect.scatter.add.f32 [tilespmem:s1], [sflag:$0x8], $0x80, s31, s24, $0xb8;
	[tilespmem:$0x1E800] =	vst v63  }
0xf1: {  	_ =	swait.ge [sflag:s20], $0x2000  }
0xf2: {  	[sflag:s20] =	ssyncset.done $0x0  }
0xf3: {  	[sflag:s20] =	ssyncadd.s32 $0xFFFFE000  }
.Ltmp5:
0xf4: {  	(pc) =	sbr.rel .LBB2_5-.Ltmp5, $3  }
0xf5: {  	_ =	sdelay $0x1  }
0xf6: {  	s9 =	sadd.s32 $0x500, s17;
	s3 =	sadd.s32 $0x800, s3  }
0xf7: {  	[tilespmem:s30], [sflag:$0x3] =	stream.indirect.gather [hbm4b:s4+s24], $0x80, s9, s24, $0xb8;
	[tilespmem:$0x1E800] =	vst v63  }
.LBB2_7:
0xf8: {  	_ =	swait.ge [sflag:s22], $0x2000  }
0xf9: {  	[sflag:s22] =	ssyncset.done $0x0  }
0xfa: {  	s3 =	simm.s32 $0x0;
	s9 =	rddreg [dreg:$0x8];
	[sflag:s22] =	ssyncadd.s32 $0xFFFFE000  }
0xfb: {  	[tilespmem:s3], [sflag:$0x9] =	stream.linear.gather [hbm4b:s9+s3], $0x1400, $0x38;
	[tilespmem:$0x1E800] =	vst v63  }
0xfc: {  	_ =	swait.ge [sflag:s18], $0x1400  }
0xfd: {  	[sflag:s18] =	ssyncset.done $0x0  }
0xfe: {  	s29 =	rddreg [dreg:$0x9];
	[sflag:s18] =	ssyncadd.s32 $0xFFFFEC00  }
0xff: {  	[tilespmem:s23], [sflag:$0x9] =	stream.linear.gather [hbm4b:s29+s3], $0x1400, $0x38;
	[tilespmem:$0x1E800] =	vst v63  }
0x100: {  	_ =	swait.ge [sflag:s18], $0x1400  }
0x101: {  	[sflag:s18] =	ssyncset.done $0x0  }
0x102: {  	[sflag:s18] =	ssyncadd.s32 $0xFFFFEC00  }
0x103: {  	[tilespmem:s25], [sflag:$0x1] =	stream.indirect.gather [hbm4b:s4+s24], $0x80, s3, s24, $0xb8;
	[tilespmem:$0x1E800] =	vst v63  }
0x104: {  	s31 =	simm.s32 $0x80  }
0x105: {  	[tilespmem:s28], [sflag:$0x2] =	stream.indirect.gather [hbm4b:s4+s24], $0x80, s31, s24, $0xb8;
	[tilespmem:$0x1E800] =	vst v63  }
0x106: {  	s17 =	simm.s32 $0x100  }
0x107: {  	[tilespmem:s30], [sflag:$0x3] =	stream.indirect.gather [hbm4b:s4+s24], $0x80, s17, s24, $0xb8;
	[tilespmem:$0x1E800] =	vst v63  }
0x108: {  	s26 =	simm.s32 $0x180  }
0x109: {  	[tilespmem:s1], [sflag:$0x4] =	stream.indirect.gather [hbm4b:s4+s24], $0x80, s26, s24, $0xb8;
	[tilespmem:$0x1E800] =	vst v63  }
0x10a: {  	_ =	swait.ge [sflag:s0], $0x2000  }
0x10b: {  	[sflag:s0] =	ssyncset.done $0x0  }
0x10c: {  	[sflag:s0] =	ssyncadd.s32 $0xFFFFE000  }
0x10d: {  	[spmem:s2] =	stream.indirect.scatter.add.f32 [tilespmem:s25], [sflag:$0x5], $0x80, s23, s24, $0xb8;
	[tilespmem:$0x1E800] =	vst v63  }
0x10e: {  	_ =	swait.ge [sflag:s8], $0x2000  }
0x10f: {  	[sflag:s8] =	ssyncset.done $0x0  }
0x110: {  	s29 =	simm.s32 $0x1480;
	[sflag:s8] =	ssyncadd.s32 $0xFFFFE000  }
0x111: {  	[spmem:s2] =	stream.indirect.scatter.add.f32 [tilespmem:s28], [sflag:$0x6], $0x80, s29, s24, $0xb8;
	[tilespmem:$0x1E800] =	vst v63  }
0x112: {  	_ =	swait.ge [sflag:s10], $0x2000  }
0x113: {  	[sflag:s10] =	ssyncset.done $0x0  }
0x114: {  	s31 =	simm.s32 $0x200;
	[sflag:s10] =	ssyncadd.s32 $0xFFFFE000  }
0x115: {  	[tilespmem:s25], [sflag:$0x1] =	stream.indirect.gather [hbm4b:s4+s24], $0x80, s31, s24, $0xb8;
	[tilespmem:$0x1E800] =	vst v63  }
0x116: {  	_ =	swait.ge [sflag:s12], $0x2000  }
0x117: {  	[sflag:s12] =	ssyncset.done $0x0  }
0x118: {  	[sflag:s12] =	ssyncadd.s32 $0xFFFFE000  }
0x119: {  	[spmem:s2] =	stream.indirect.scatter.add.f32 [tilespmem:s30], [sflag:$0x7], $0x80, s13, s24, $0xb8;
	[tilespmem:$0x1E800] =	vst v63  }
0x11a: {  	_ =	swait.ge [sflag:s14], $0x2000  }
0x11b: {  	[sflag:s14] =	ssyncset.done $0x0  }
0x11c: {  	[sflag:s14] =	ssyncadd.s32 $0xFFFFE000  }
0x11d: {  	[tilespmem:s28], [sflag:$0x2] =	stream.indirect.gather [hbm4b:s4+s24], $0x80, s15, s24, $0xb8;
	[tilespmem:$0x1E800] =	vst v63  }
0x11e: {  	_ =	swait.ge [sflag:s16], $0x2000  }
0x11f: {  	[sflag:s16] =	ssyncset.done $0x0  }
0x120: {  	[sflag:s16] =	ssyncadd.s32 $0xFFFFE000  }
0x121: {  	[spmem:s2] =	stream.indirect.scatter.add.f32 [tilespmem:s1], [sflag:$0x8], $0x80, s19, s24, $0xb8;
	[tilespmem:$0x1E800] =	vst v63  }
0x122: {  	_ =	swait.ge [sflag:s20], $0x2000  }
0x123: {  	[sflag:s20] =	ssyncset.done $0x0  }
0x124: {  	[sflag:s20] =	ssyncadd.s32 $0xFFFFE000  }
0x125: {  	[tilespmem:s30], [sflag:$0x3] =	stream.indirect.gather [hbm4b:s4+s24], $0x80, s21, s24, $0xb8;
	[tilespmem:$0x1E800] =	vst v63  }
.LBB2_8:
0x126: {  	_ =	swait.ge [sflag:s0], $0x2000  }
0x127: {  	s17 =	sshra.s32 s3, $0x2;
	[sflag:s0] =	ssyncset.done $0x0  }
0x128: {  	s9 =	sadd.s32 $0x1600, s17;
	[sflag:s0] =	ssyncadd.s32 $0xFFFFE000  }
0x129: {  	[spmem:s2] =	stream.indirect.scatter.add.f32 [tilespmem:s25], [sflag:$0x5], $0x80, s9, s24, $0xb8;
	[tilespmem:$0x1E800] =	vst v63  }
0x12a: {  	_ =	swait.ge [sflag:s22], $0x2000  }
0x12b: {  	[sflag:s22] =	ssyncset.done $0x0  }
0x12c: {  	s26 =	sadd.s32 $0x380, s17;
	[sflag:s22] =	ssyncadd.s32 $0xFFFFE000  }
0x12d: {  	[tilespmem:s1], [sflag:$0x4] =	stream.indirect.gather [hbm4b:s4+s24], $0x80, s26, s24, $0xb8;
	[tilespmem:$0x1E800] =	vst v63  }
0x12e: {  	_ =	swait.ge [sflag:s8], $0x2000  }
0x12f: {  	[sflag:s8] =	ssyncset.done $0x0  }
0x130: {  	s29 =	sadd.s32 $0x1680, s17;
	[sflag:s8] =	ssyncadd.s32 $0xFFFFE000  }
0x131: {  	[spmem:s2] =	stream.indirect.scatter.add.f32 [tilespmem:s28], [sflag:$0x6], $0x80, s29, s24, $0xb8;
	[tilespmem:$0x1E800] =	vst v63  }
0x132: {  	_ =	swait.ge [sflag:s10], $0x2000  }
0x133: {  	p0 =	seq.s32 s3, $0x4000;
	[sflag:s10] =	ssyncset.done $0x0  }
0x134: {  	s9 =	simm.s32 @p0 $0x3;
	[sflag:s10] =	ssyncadd.s32 $0xFFFFE000  }
0x135: {  	_ =	swait.ge @p0 [sflag:s9], $0x2000  }
0x136: {  	[sflag:s9] =	ssyncset.done @p0 $0x0  }
0x137: {  	[sflag:s9] =	ssyncadd.s32 @p0 $0xFFFFE000;
	s9 =	sshra.s32 @p0 s3, $0x2  }
0x138: {  	s26 =	simm.s32 @p0 $0x40;
	s29 =	simm.s32 @p0 $0x6800;
	s9 =	sadd.s32 @p0 $0x1700, s9  }
0x139: {  	[spmem:s2] =	stream.indirect.scatter.add.f32 @p0 [tilespmem:s29], [sflag:$0x7], $0x80, s9, s26, $0xb8;
	[tilespmem:$0x1E800] =	vst v63  }
0x13a: {  	s9 =	simm.s32 @p0 $0x6  }
0x13b: {  	_ =	swait.ge @p0 [sflag:s9], $0x2000  }
0x13c: {  	[sflag:s9] =	ssyncset.done @p0 $0x0  }
0x13d: {  	[sflag:s9] =	ssyncadd.s32 @p0 $0xFFFFE000;
	s9 =	sshra.s32 @!p0 s3, $0x2  }
0x13e: {  	s31 =	simm.s32 @!p0 $0x2800;
	s29 =	simm.s32 @!p0 $0x40;
	s26 =	sadd.s32 @!p0 $0x400, s9  }
0x13f: {  	[tilespmem:s31], [sflag:$0x1] =	stream.indirect.gather @!p0 [hbm4b:s4+s29], $0x80, s26, s29, $0xb8;
	[tilespmem:$0x1E800] =	vst v63  }
0x140: {  	s26 =	simm.s32 @!p0 $0x3  }
0x141: {  	_ =	swait.ge @!p0 [sflag:s26], $0x2000  }
0x142: {  	[sflag:s26] =	ssyncset.done @!p0 $0x0  }
0x143: {  	s31 =	simm.s32 @!p0 $0x6800;
	[sflag:s26] =	ssyncadd.s32 @!p0 $0xFFFFE000;
	s26 =	sadd.s32 @!p0 $0x1700, s9  }
0x144: {  	[spmem:s2] =	stream.indirect.scatter.add.f32 @!p0 [tilespmem:s31], [sflag:$0x7], $0x80, s26, s29, $0xb8;
	[tilespmem:$0x1E800] =	vst v63  }
0x145: {  	s26 =	simm.s32 @!p0 $0x6  }
0x146: {  	_ =	swait.ge @!p0 [sflag:s26], $0x2000  }
0x147: {  	[sflag:s26] =	ssyncset.done @!p0 $0x0  }
0x148: {  	s9 =	sadd.s32 @!p0 $0x480, s9;
	[sflag:s26] =	ssyncadd.s32 @!p0 $0xFFFFE000;
	s26 =	simm.s32 @!p0 $0x4800  }
0x149: {  	[tilespmem:s26], [sflag:$0x2] =	stream.indirect.gather @!p0 [hbm4b:s4+s29], $0x80, s9, s29, $0xb8;
	[tilespmem:$0x1E800] =	vst v63  }
0x14a: {  	_ =	swait.ge [sflag:s16], $0x2000  }
0x14b: {  	[sflag:s16] =	ssyncset.done $0x0  }
.Ltmp6:
0x14c: {  	s31 =	sadd.s32 $0x1780, s17;
	[sflag:s16] =	ssyncadd.s32 $0xFFFFE000;
	(pc) =	sbr.rel @p0 .LBB2_10-.Ltmp6, $4  }
0x14d: {  	[spmem:s2] =	stream.indirect.scatter.add.f32 [tilespmem:s1], [sflag:$0x8], $0x80, s31, s24, $0xb8;
	[tilespmem:$0x1E800] =	vst v63  }
0x14e: {  	_ =	swait.ge [sflag:s20], $0x2000  }
0x14f: {  	[sflag:s20] =	ssyncset.done $0x0  }
0x150: {  	[sflag:s20] =	ssyncadd.s32 $0xFFFFE000  }
.Ltmp7:
0x151: {  	(pc) =	sbr.rel .LBB2_8-.Ltmp7, $3  }
0x152: {  	_ =	sdelay $0x1  }
0x153: {  	s9 =	sadd.s32 $0x500, s17;
	s3 =	sadd.s32 $0x800, s3  }
0x154: {  	[tilespmem:s30], [sflag:$0x3] =	stream.indirect.gather [hbm4b:s4+s24], $0x80, s9, s24, $0xb8;
	[tilespmem:$0x1E800] =	vst v63  }
.LBB2_10:
0x155: {  	_ =	swait.ge [sflag:s22], $0x2000  }
0x156: {  	[sflag:s22] =	ssyncset.done $0x0  }
0x157: {  	s3 =	simm.s32 $0x0;
	s9 =	rddreg [dreg:$0xa];
	[sflag:s22] =	ssyncadd.s32 $0xFFFFE000  }
0x158: {  	[tilespmem:s3], [sflag:$0x9] =	stream.linear.gather [hbm4b:s9+s3], $0x1400, $0x38;
	[tilespmem:$0x1E800] =	vst v63  }
0x159: {  	_ =	swait.ge [sflag:s18], $0x1400  }
0x15a: {  	[sflag:s18] =	ssyncset.done $0x0  }
0x15b: {  	s29 =	rddreg [dreg:$0xb];
	[sflag:s18] =	ssyncadd.s32 $0xFFFFEC00  }
0x15c: {  	[tilespmem:s23], [sflag:$0x9] =	stream.linear.gather [hbm4b:s29+s3], $0x1400, $0x38;
	[tilespmem:$0x1E800] =	vst v63  }
0x15d: {  	_ =	swait.ge [sflag:s18], $0x1400  }
0x15e: {  	[sflag:s18] =	ssyncset.done $0x0  }
0x15f: {  	[sflag:s18] =	ssyncadd.s32 $0xFFFFEC00  }
0x160: {  	[tilespmem:s25], [sflag:$0x1] =	stream.indirect.gather [hbm4b:s4+s24], $0x80, s3, s24, $0xb8;
	[tilespmem:$0x1E800] =	vst v63  }
0x161: {  	s31 =	simm.s32 $0x80  }
0x162: {  	[tilespmem:s28], [sflag:$0x2] =	stream.indirect.gather [hbm4b:s4+s24], $0x80, s31, s24, $0xb8;
	[tilespmem:$0x1E800] =	vst v63  }
0x163: {  	s17 =	simm.s32 $0x100  }
0x164: {  	[tilespmem:s30], [sflag:$0x3] =	stream.indirect.gather [hbm4b:s4+s24], $0x80, s17, s24, $0xb8;
	[tilespmem:$0x1E800] =	vst v63  }
0x165: {  	s26 =	simm.s32 $0x180  }
0x166: {  	[tilespmem:s1], [sflag:$0x4] =	stream.indirect.gather [hbm4b:s4+s24], $0x80, s26, s24, $0xb8;
	[tilespmem:$0x1E800] =	vst v63  }
0x167: {  	_ =	swait.ge [sflag:s0], $0x2000  }
0x168: {  	[sflag:s0] =	ssyncset.done $0x0  }
0x169: {  	[sflag:s0] =	ssyncadd.s32 $0xFFFFE000  }
0x16a: {  	[spmem:s2] =	stream.indirect.scatter.add.f32 [tilespmem:s25], [sflag:$0x5], $0x80, s23, s24, $0xb8;
	[tilespmem:$0x1E800] =	vst v63  }
0x16b: {  	_ =	swait.ge [sflag:s8], $0x2000  }
0x16c: {  	[sflag:s8] =	ssyncset.done $0x0  }
0x16d: {  	s29 =	simm.s32 $0x1480;
	[sflag:s8] =	ssyncadd.s32 $0xFFFFE000  }
0x16e: {  	[spmem:s2] =	stream.indirect.scatter.add.f32 [tilespmem:s28], [sflag:$0x6], $0x80, s29, s24, $0xb8;
	[tilespmem:$0x1E800] =	vst v63  }
0x16f: {  	_ =	swait.ge [sflag:s10], $0x2000  }
0x170: {  	[sflag:s10] =	ssyncset.done $0x0  }
0x171: {  	s31 =	simm.s32 $0x200;
	[sflag:s10] =	ssyncadd.s32 $0xFFFFE000  }
0x172: {  	[tilespmem:s25], [sflag:$0x1] =	stream.indirect.gather [hbm4b:s4+s24], $0x80, s31, s24, $0xb8;
	[tilespmem:$0x1E800] =	vst v63  }
0x173: {  	_ =	swait.ge [sflag:s12], $0x2000  }
0x174: {  	[sflag:s12] =	ssyncset.done $0x0  }
0x175: {  	[sflag:s12] =	ssyncadd.s32 $0xFFFFE000  }
0x176: {  	[spmem:s2] =	stream.indirect.scatter.add.f32 [tilespmem:s30], [sflag:$0x7], $0x80, s13, s24, $0xb8;
	[tilespmem:$0x1E800] =	vst v63  }
0x177: {  	_ =	swait.ge [sflag:s14], $0x2000  }
0x178: {  	[sflag:s14] =	ssyncset.done $0x0  }
0x179: {  	[sflag:s14] =	ssyncadd.s32 $0xFFFFE000  }
0x17a: {  	[tilespmem:s28], [sflag:$0x2] =	stream.indirect.gather [hbm4b:s4+s24], $0x80, s15, s24, $0xb8;
	[tilespmem:$0x1E800] =	vst v63  }
0x17b: {  	_ =	swait.ge [sflag:s16], $0x2000  }
0x17c: {  	[sflag:s16] =	ssyncset.done $0x0  }
0x17d: {  	[sflag:s16] =	ssyncadd.s32 $0xFFFFE000  }
0x17e: {  	[spmem:s2] =	stream.indirect.scatter.add.f32 [tilespmem:s1], [sflag:$0x8], $0x80, s19, s24, $0xb8;
	[tilespmem:$0x1E800] =	vst v63  }
0x17f: {  	_ =	swait.ge [sflag:s20], $0x2000  }
0x180: {  	[sflag:s20] =	ssyncset.done $0x0  }
0x181: {  	[sflag:s20] =	ssyncadd.s32 $0xFFFFE000  }
0x182: {  	[tilespmem:s30], [sflag:$0x3] =	stream.indirect.gather [hbm4b:s4+s24], $0x80, s21, s24, $0xb8;
	[tilespmem:$0x1E800] =	vst v63  }
.LBB2_11:
0x183: {  	_ =	swait.ge [sflag:s0], $0x2000  }
0x184: {  	s17 =	sshra.s32 s3, $0x2;
	[sflag:s0] =	ssyncset.done $0x0  }
0x185: {  	s9 =	sadd.s32 $0x1600, s17;
	[sflag:s0] =	ssyncadd.s32 $0xFFFFE000  }
0x186: {  	[spmem:s2] =	stream.indirect.scatter.add.f32 [tilespmem:s25], [sflag:$0x5], $0x80, s9, s24, $0xb8;
	[tilespmem:$0x1E800] =	vst v63  }
0x187: {  	_ =	swait.ge [sflag:s22], $0x2000  }
0x188: {  	[sflag:s22] =	ssyncset.done $0x0  }
0x189: {  	s26 =	sadd.s32 $0x380, s17;
	[sflag:s22] =	ssyncadd.s32 $0xFFFFE000  }
0x18a: {  	[tilespmem:s1], [sflag:$0x4] =	stream.indirect.gather [hbm4b:s4+s24], $0x80, s26, s24, $0xb8;
	[tilespmem:$0x1E800] =	vst v63  }
0x18b: {  	_ =	swait.ge [sflag:s8], $0x2000  }
0x18c: {  	[sflag:s8] =	ssyncset.done $0x0  }
0x18d: {  	s29 =	sadd.s32 $0x1680, s17;
	[sflag:s8] =	ssyncadd.s32 $0xFFFFE000  }
0x18e: {  	[spmem:s2] =	stream.indirect.scatter.add.f32 [tilespmem:s28], [sflag:$0x6], $0x80, s29, s24, $0xb8;
	[tilespmem:$0x1E800] =	vst v63  }
0x18f: {  	_ =	swait.ge [sflag:s10], $0x2000  }
0x190: {  	p0 =	seq.s32 s3, $0x4000;
	[sflag:s10] =	ssyncset.done $0x0  }
0x191: {  	s9 =	simm.s32 @p0 $0x3;
	[sflag:s10] =	ssyncadd.s32 $0xFFFFE000  }
0x192: {  	_ =	swait.ge @p0 [sflag:s9], $0x2000  }
0x193: {  	[sflag:s9] =	ssyncset.done @p0 $0x0  }
0x194: {  	[sflag:s9] =	ssyncadd.s32 @p0 $0xFFFFE000;
	s9 =	sshra.s32 @p0 s3, $0x2  }
0x195: {  	s26 =	simm.s32 @p0 $0x40;
	s29 =	simm.s32 @p0 $0x6800;
	s9 =	sadd.s32 @p0 $0x1700, s9  }
0x196: {  	[spmem:s2] =	stream.indirect.scatter.add.f32 @p0 [tilespmem:s29], [sflag:$0x7], $0x80, s9, s26, $0xb8;
	[tilespmem:$0x1E800] =	vst v63  }
0x197: {  	s9 =	simm.s32 @p0 $0x6  }
0x198: {  	_ =	swait.ge @p0 [sflag:s9], $0x2000  }
0x199: {  	[sflag:s9] =	ssyncset.done @p0 $0x0  }
0x19a: {  	[sflag:s9] =	ssyncadd.s32 @p0 $0xFFFFE000;
	s9 =	sshra.s32 @!p0 s3, $0x2  }
0x19b: {  	s31 =	simm.s32 @!p0 $0x2800;
	s29 =	simm.s32 @!p0 $0x40;
	s26 =	sadd.s32 @!p0 $0x400, s9  }
0x19c: {  	[tilespmem:s31], [sflag:$0x1] =	stream.indirect.gather @!p0 [hbm4b:s4+s29], $0x80, s26, s29, $0xb8;
	[tilespmem:$0x1E800] =	vst v63  }
0x19d: {  	s26 =	simm.s32 @!p0 $0x3  }
0x19e: {  	_ =	swait.ge @!p0 [sflag:s26], $0x2000  }
0x19f: {  	[sflag:s26] =	ssyncset.done @!p0 $0x0  }
0x1a0: {  	s31 =	simm.s32 @!p0 $0x6800;
	[sflag:s26] =	ssyncadd.s32 @!p0 $0xFFFFE000;
	s26 =	sadd.s32 @!p0 $0x1700, s9  }
0x1a1: {  	[spmem:s2] =	stream.indirect.scatter.add.f32 @!p0 [tilespmem:s31], [sflag:$0x7], $0x80, s26, s29, $0xb8;
	[tilespmem:$0x1E800] =	vst v63  }
0x1a2: {  	s26 =	simm.s32 @!p0 $0x6  }
0x1a3: {  	_ =	swait.ge @!p0 [sflag:s26], $0x2000  }
0x1a4: {  	[sflag:s26] =	ssyncset.done @!p0 $0x0  }
0x1a5: {  	s9 =	sadd.s32 @!p0 $0x480, s9;
	[sflag:s26] =	ssyncadd.s32 @!p0 $0xFFFFE000;
	s26 =	simm.s32 @!p0 $0x4800  }
0x1a6: {  	[tilespmem:s26], [sflag:$0x2] =	stream.indirect.gather @!p0 [hbm4b:s4+s29], $0x80, s9, s29, $0xb8;
	[tilespmem:$0x1E800] =	vst v63  }
0x1a7: {  	_ =	swait.ge [sflag:s16], $0x2000  }
0x1a8: {  	[sflag:s16] =	ssyncset.done $0x0  }
.Ltmp8:
0x1a9: {  	s31 =	sadd.s32 $0x1780, s17;
	[sflag:s16] =	ssyncadd.s32 $0xFFFFE000;
	(pc) =	sbr.rel @p0 .LBB2_13-.Ltmp8, $4  }
0x1aa: {  	[spmem:s2] =	stream.indirect.scatter.add.f32 [tilespmem:s1], [sflag:$0x8], $0x80, s31, s24, $0xb8;
	[tilespmem:$0x1E800] =	vst v63  }
0x1ab: {  	_ =	swait.ge [sflag:s20], $0x2000  }
0x1ac: {  	[sflag:s20] =	ssyncset.done $0x0  }
0x1ad: {  	[sflag:s20] =	ssyncadd.s32 $0xFFFFE000  }
.Ltmp9:
0x1ae: {  	(pc) =	sbr.rel .LBB2_11-.Ltmp9, $3  }
0x1af: {  	_ =	sdelay $0x1  }
0x1b0: {  	s9 =	sadd.s32 $0x500, s17;
	s3 =	sadd.s32 $0x800, s3  }
0x1b1: {  	[tilespmem:s30], [sflag:$0x3] =	stream.indirect.gather [hbm4b:s4+s24], $0x80, s9, s24, $0xb8;
	[tilespmem:$0x1E800] =	vst v63  }
.LBB2_14:
0x1b2: {  	_ =	sfence.sel $0x180000  }
0x1b3: {  	[bflag:$0x0] =	sbarrier.arrive $0xFFFF  }
0x1b4: {  	_ =	strace $0x9000004A  }
0x1b5: {  	s0 =	stileid.u32;
	[bflag:$0x2] =	sbarrier.arrive $0xFFFF  }
0x1b6: {  	p0 =	sne.s32 s0, $0x0;
	s0 =	rddreg [dreg:$0x3]  }
0x1b7: {  	s0 =	sadd.s32 @!p0 $0x100000, s0  }
0x1b8: {  	[sflag:s0] =	ssyncadd.tile.s32 @!p0 $0x1;
	_ =	shalt  }
.Lfunc_end2:
_tile_overlayer_lowered:
.L_overlay_start_2:
0x1b9: {  	(tag) =	ssettag $0x2  }
0x1ba: {  	s0 =	rddreg [dreg:$0x0];
	s2 =	stileid.u32  }
0x1bb: {  	s1 =	rddreg [dreg:$0x1];
	p0 =	sne.s32 s2, $0x0  }
0x1bc: {  	s3 =	rddreg [dreg:$0x2];
	[bflag:$0x3] =	sbarrier.arrive $0xFFFF;
	s2 =	simm.s32 @!p0 $0x1C09  }
0x1bd: {  	[timem:s3], [sflag:s2] =	dma.local @!p0 [hbm:s0], s1  }
0x1be: {  	s0 =	simm.s32 @!p0 $0x9  }
0x1bf: {  	_ =	swait.ge @!p0 [sflag:s0], s1  }
0x1c0: {  	s1 =	ssub.s32 @!p0 $0x0, s1;
	[sflag:s0] =	ssyncset.done @!p0 $0x0  }
0x1c1: {  	[sflag:s0] =	ssyncadd.s32 @!p0 s1  }
0x1c2: {  	[bflag:$0x3] =	sbarrier.arrive $0xFFFF  }
0x1c3: {  	_ =	shalt  }

// kernel: kernel.18.cloned.1.call-start
scs
__scs_entry_jumppad:
0x0: {  	(pc) =	sbr.rel $0x88, $3  }
0x1: {  	(tag) =	ssettag $0x0;
	lr =	simm.s32 $0x1  }
0x2: {  	[smem:$0x3F99] =	sst lr;
	_ =	strace $0xD0000000  }
0x3: {  	_ = 	snop  }
0x4: {  	_ = 	snop  }
0x5: {  	_ = 	snop  }
0x6: {  	_ = 	snop  }
0x7: {  	_ = 	snop  }
__scs_overlays_trampoline_lowered:
0x8: {  	[smem:$0x3FA8] =	sst s0  }
0x9: {  	[smem:$0x3FA9] =	sst s1  }
0xa: {  	[smem:$0x3FAA] =	sst s2  }
0xb: {  	[smem:$0x3FAB] =	sst s3  }
0xc: {  	[smem:$0x3FAC] =	sst s4  }
0xd: {  	[smem:$0x3FAD] =	sst s5  }
0xe: {  	[smem:$0x3FAE] =	sst s6  }
0xf: {  	[smem:$0x3FAF] =	sst s7  }
0x10: {  	[smem:$0x3FB0] =	sst s8  }
0x11: {  	[smem:$0x3FB1] =	sst s9;
	s0 =	simm.s32 @!p0 $0x0  }
0x12: {  	s1 =	sld [smem:$0x3F97];
	s0 =	simm.s32 @p0 $0x1  }
0x13: {  	[smem:$0x3FB2] =	sst s0;
	s0 =	simm.s32 @!p1 $0x0  }
0x14: {  	s2 =	sld [smem:$0x3F96];
	s0 =	simm.s32 @p1 $0x1  }
0x15: {  	[smem:$0x3FB3] =	sst s0;
	s0 =	simm.s32 @!p2 $0x0  }
0x16: {  	s3 =	sld [smem:$0x3FDB];
	s0 =	simm.s32 @p2 $0x1  }
0x17: {  	s4 =	simm.s32 $0x1BF5;
	[smem:$0x3FB5] =	sst s0  }
0x18: {  	s0 =	sld [smem:$0x3F98];
	_ =	swait.ge [sflag:s4], $0x0  }
0x19: {  	s7 =	sld [smem:$0x3F99]  }
0x1a: {  	s8 =	sadd.s32 $0xFFFFE003, lr  }
0x1b: {  	s9 =	sadd.s32 $0xFFFFFEF7, lr;
	s5 =	simm.s32 $0xFFFFFFFF;
	p2 =	slt.u32 s8, $0xFFFFF086  }
0x1c: {  	p1 =	slt.u32 s9, $0xF7A;
	s5 =	simm.s32 @!p2 $0x0  }
0x1d: {  	s5 =	simm.s32 @p1 $0x1;
	p0 =	seq.s32 s7, s2  }
0x1e: {  	s7 =	smul.u32 @!p0 $0xF7A, s2;
	p2 =	seq.s32 @!p0 s5, $0x0  }
0x1f: {  	s9 =	smul.u32 $0xF7A, s1;
	s8 =	simm.s32 @!p0 $0x1BF5;
	p2 =	por !p2, p0  }
0x20: {  	[sflag:s8] =	ssyncset.s32 @!p0 $0xFFFFF086;
	s6 =	sadd.s32 @!p0 s3, s7;
	s7 =	simm.s32 @!p0 $0x108  }
0x21: {  	s3 =	sadd.s32 s3, s9;
	s6 =	sadd.s32 @!p0 $0x88, s6;
	s7 =	simm.s32 @p2 $0x1082  }
0x22: {  	[simem:s7], [sflag:s8] =	dma.local @!p0 [hbm:s6], $0xF7A  }
0x23: {  	s9 =	sor.u32 $0xD0000000, s2;
	s6 =	simm.s32 $0x108;
	_ =	swait.ge @!p0 [sflag:s8], $0x0  }
0x24: {  	s3 =	sadd.s32 $0x88, s3;
	s6 =	simm.s32 @!p1 $0x1082;
	[sflag:s4] =	ssyncset.s32 $0xFFFFF086  }
0x25: {  	[simem:s6], [sflag:s4] =	dma.local [hbm:s3], $0xF7A  }
0x26: {  	[smem:$0x3F99] =	sst s1;
	(tag) =	ssettag s2;
	_ =	strace s9  }
0x27: {  	s1 =	sld [smem:$0x3FA9]  }
0x28: {  	s2 =	sld [smem:$0x3FAA]  }
0x29: {  	s4 =	sld [smem:$0x3FAC]  }
0x2a: {  	p0 =	seq.s32 s5, $0x0;
	s5 =	sld [smem:$0x3FAD]  }
0x2b: {  	s6 =	sld [smem:$0x3FAE]  }
0x2c: {  	s7 =	sld [smem:$0x3FAF]  }
0x2d: {  	s3 =	simm.s32 $0x108;
	s8 =	sld [smem:$0x3FB0]  }
0x2e: {  	s3 =	simm.s32 @!p0 $0x1082;
	s9 =	sld [smem:$0x3FB1]  }
0x2f: {  	lr =	sadd.s32 s0, s3;
	s0 =	sld [smem:$0x3FA8]  }
0x30: {  	s3 =	sld [smem:$0x3FAB]  }
0x31: {  	[smem:$0x3FB4] =	sst s10  }
0x32: {  	s10 =	sld [smem:$0x3FB2];
	_ =	sdelay $0x3  }
0x33: {  	p0 =	seq.s32 s10, $0x1;
	s10 =	sld [smem:$0x3FB4];
	_ =	sdelay $0x3  }
0x34: {  	[smem:$0x3FB4] =	sst s10  }
0x35: {  	s10 =	sld [smem:$0x3FB3];
	_ =	sdelay $0x3  }
0x36: {  	p1 =	seq.s32 s10, $0x1;
	s10 =	sld [smem:$0x3FB4];
	_ =	sdelay $0x3  }
0x37: {  	[smem:$0x3FB4] =	sst s10  }
0x38: {  	s10 =	sld [smem:$0x3FB5]  }
0x39: {  	_ = 	snop;
	(pc) =	sbr.ind lr, $3  }
0x3a: {  	_ = 	snop  }
0x3b: {  	_ = 	snop  }
0x3c: {  	p2 =	seq.s32 s10, $0x1;
	s10 =	sld [smem:$0x3FB4]  }
0x3d: {  	_ =	shalt  }
0x3e: {  	_ =	shalt  }
0x3f: {  	_ =	shalt  }
0x40: {  	_ =	shalt  }
0x41: {  	_ =	shalt  }
0x42: {  	_ =	shalt  }
0x43: {  	_ =	shalt  }
0x44: {  	_ =	shalt  }
0x45: {  	_ =	shalt  }
0x46: {  	_ =	shalt  }
0x47: {  	_ =	shalt  }
0x48: {  	_ =	shalt  }
0x49: {  	_ =	shalt  }
0x4a: {  	_ =	shalt  }
0x4b: {  	_ =	shalt  }
0x4c: {  	_ =	shalt  }
0x4d: {  	_ =	shalt  }
0x4e: {  	_ =	shalt  }
0x4f: {  	_ =	shalt  }
0x50: {  	_ =	shalt  }
0x51: {  	_ =	shalt  }
0x52: {  	_ =	shalt  }
0x53: {  	_ =	shalt  }
0x54: {  	_ =	shalt  }
0x55: {  	_ =	shalt  }
0x56: {  	_ =	shalt  }
0x57: {  	_ =	shalt  }
0x58: {  	_ =	shalt  }
0x59: {  	_ =	shalt  }
0x5a: {  	_ =	shalt  }
0x5b: {  	_ =	shalt  }
0x5c: {  	_ =	shalt  }
0x5d: {  	_ =	shalt  }
0x5e: {  	_ =	shalt  }
0x5f: {  	_ =	shalt  }
0x60: {  	_ =	shalt  }
0x61: {  	_ =	shalt  }
0x62: {  	_ =	shalt  }
0x63: {  	_ =	shalt  }
0x64: {  	_ =	shalt  }
0x65: {  	_ =	shalt  }
0x66: {  	_ =	shalt  }
0x67: {  	_ =	shalt  }
0x68: {  	_ =	shalt  }
0x69: {  	_ =	shalt  }
0x6a: {  	_ =	shalt  }
0x6b: {  	_ =	shalt  }
0x6c: {  	_ =	shalt  }
0x6d: {  	_ =	shalt  }
0x6e: {  	_ =	shalt  }
0x6f: {  	_ =	shalt  }
0x70: {  	_ =	shalt  }
0x71: {  	_ =	shalt  }
0x72: {  	_ =	shalt  }
0x73: {  	_ =	shalt  }
0x74: {  	_ =	shalt  }
0x75: {  	_ =	shalt  }
0x76: {  	_ =	shalt  }
0x77: {  	_ =	shalt  }
0x78: {  	_ =	shalt  }
0x79: {  	_ =	shalt  }
0x7a: {  	_ =	shalt  }
0x7b: {  	_ =	shalt  }
0x7c: {  	_ =	shalt  }
0x7d: {  	_ =	shalt  }
0x7e: {  	_ =	shalt  }
0x7f: {  	_ =	shalt  }
0x80: {  	_ =	shalt  }
0x81: {  	_ =	shalt  }
0x82: {  	_ =	shalt  }
0x83: {  	_ =	shalt  }
0x84: {  	_ =	shalt  }
0x85: {  	_ =	shalt  }
0x86: {  	_ =	shalt  }
0x87: {  	_ =	shalt  }
.Lfunc_end0:
.L_simem_size_0:
called_computation.2_lowered:
.L_overlay_start_0:
0x88: {  	s2 =	sld [smem:$0x3FD9]  }
0x89: {  	s3 =	sld [smem:$0x3FFE];
	_ =	sdelay $0x1  }
0x8a: {  	s1 =	srdreg.scid  }
0x8b: {  	s0 =	sand.u32 $0x1, s1  }
0x8c: {  	s17 =	sshll.u32 s0, $0xA;
	s2 =	sadd.s32 s3, s2  }
0x8d: {  	s2 =	sadd.s32 s2, s17  }
0x8e: {  	[smem:$0x3FC0] =	sst s2  }
0x8f: {  	_ = 	snop  }
0x90: {  	s2 =	sld [smem:$0x3FD0];
	(tm) =	ssettm $0x1  }
0x91: {  	s18 =	sld [smem:$0x3FFB];
	_ =	sdelay $0x3  }
0x92: {  	_ =	strace s18  }
0x93: {  	s3 =	sld [smem:$0x3FFC];
	_ =	sdelay $0x3  }
0x94: {  	_ =	strace s3  }
0x95: {  	s3 =	sld [smem:$0x3FFD];
	_ =	sdelay $0x3  }
0x96: {  	_ =	strace s3  }
0x97: {  	_ =	strace $0x8FFFFFFF  }
0x98: {  	s19 =	sld [smem:$0x3FDB];
	_ =	sdelay $0x1  }
0x99: {  	s4 =	simm.s32 $_scs_section_size  }
0x9a: {  	s5 =	simm.s32 $_size__tile_overlayer_lowered;
	s6 =	simm.s32 $_tile_overlayer_lowered  }
0x9b: {  	s22 =	simm.s32 $0x1BFF;
	s21 =	sshll.u32 s6, $0x1;
	s3 =	sadd.s32 s4, s19  }
0x9c: {  	s7 =	simm.s32 $0x0;
	s20 =	sshll.u32 s5, $0x1;
	s5 =	sadd.s32 s21, s3  }
0x9d: {  	[timem:s7], [sflag:s22] =	dma.local [hbm:s5], s20  }
0x9e: {  	_ =	swait.ge [sflag:s22], s20  }
0x9f: {  	s4 =	ssub.s32 $0x0, s20;
	[sflag:s22] =	ssyncset.done $0x0  }
0xa0: {  	[sflag:s22] =	ssyncadd.s32 s4;
	_ =	sdelay $0x1  }
0xa1: {  	s23 =	simm.s32 $0x1B8B  }
0xa2: {  	_ =	swait.ge [sflag:s23], $0x1  }
0xa3: {  	[sflag:s23] =	ssyncset.done $0x0  }
0xa4: {  	s25 =	simm.s32 $0x1B8E;
	s24 =	sld [smem:$0x3FFE];
	[sflag:s23] =	ssyncadd.s32 $0xFFFFFFFF  }
0xa5: {  	s26 =	simm.s32 $execute0_lowered;
	[smem:$0x3FD2] =	sst s25  }
0xa6: {  	s5 =	sshll.u32 s26, $0x1;
	_ =	strace $0x8000004C;
	[dreg:$0x1] =	wrdreg $0xFFFFFFFF  }
0xa7: {  	s28 =	simm.s32 $_size_execute0_lowered;
	s3 =	sadd.s32 s3, s5;
	[dreg:$0x0] =	wrdreg $0x0  }
0xa8: {  	s5 =	sshll.u32 s28, $0x1;
	[dreg:$0x2] =	wrdreg s3  }
0xa9: {  	[dreg:$0x3] =	wrdreg s5  }
0xaa: {  	[dreg:$0x4] =	wrdreg $0xC0  }
0xab: {  	_ =	task [dreg:s7], $0x5FFFF  }
0xac: {  	[dreg:$0x1] =	wrdreg $0xFFFFFFFF  }
0xad: {  	[dreg:$0x0] =	wrdreg $0x60  }
0xae: {  	[dreg:$0x2] =	wrdreg s24  }
0xaf: {  	[dreg:$0x3] =	wrdreg s2  }
0xb0: {  	[dreg:$0x4] =	wrdreg $0xC8000  }
0xb1: {  	[dreg:$0x5] =	wrdreg $0x9  }
0xb2: {  	_ =	task.clear_ibuf [dreg:s7], $0x6FFFF;
	_ =	strace $0x9000004C  }
0xb3: {  	s29 =	simm.s32 $0x9;
	_ =	strace $0x8000004E  }
0xb4: {  	_ =	swait.ge [sflag:s29], $0x1  }
0xb5: {  	[sflag:s29] =	ssyncadd.s32 $0xFFFFFFFF  }
0xb6: {  	_ =	strace $0x9000004E  }
0xb7: {  	_ =	sfence  }
0xb8: {  	s30 =	sld [smem:$0x0];
	_ =	sdelay $0x2  }
0xb9: {  	s31 =	sshll.u32 s1, $0xD;
	s1 =	sshrl.u32 s1, $0x2  }
0xba: {  	s3 =	sand.u32 $0x4000, s31;
	s1 =	sadd.s32 s1, s30  }
0xbb: {  	s0 =	sor.u32 s3, s0;
	s1 =	sshll.u32 s1, $0x11  }
0xbc: {  	s0 =	sor.u32 s1, s0  }
0xbd: {  	s0 =	sadd.s32 $0x8F2B, s0  }
0xbe: {  	[sflag:s0] =	ssyncadd.remote.s32 $0x1  }
0xbf: {  	_ =	sfence.sel $0xFFFF  }
0xc0: {  	[dreg:$0x0] =	wrdreg $0xFFFFFFFF;
	(pc) =	sbr.abs _section_cstart, $3  }
0xc1: {  	[dreg:$0x1] =	wrdreg $0xFFFFFFFF  }
0xc2: {  	_ =	task.clear_ibuf [dreg:s7], $0x2FFFF;
	_ =	strace $0x9FFFFFFF  }
0xc3: {  	(tm) =	ssettm $0x7FFFFFFF  }
tec
execute0_lowered:
.L_overlay_start_1:
0x0: {  	(tag) =	ssettag $0x1  }
0x1: {  	s0 =	srdreg.scid;
	s6 =	rddreg [dreg:$0x0]  }
0x2: {  	s12 =	stileid.u32;
	s2 =	rddreg [dreg:$0x1]  }
0x3: {  	s3 =	rddreg [dreg:$0x2];
	s4 =	simm.s32 $0x0;
	s10 =	simm.s32 $0xB  }
0x4: {  	s28 =	simm.s32 $0x1;
	s29 =	simm.s32 $0x2;
	s31 =	simm.s32 $0x3  }
0x5: {  	s30 =	simm.s32 $0x7;
	s0 =	sand.u32 $0x1, s0;
	s7 =	smul.u32 $0xA000, s12  }
0x6: {  	[smem:$0x7FF] =	sst s4;
	s9 =	smul.u32 $0x28000, s12;
	s23 =	sshll.u32 s12, $0x6  }
0x7: {  	s1 =	sshll.u32 s0, $0x4;
	s5 =	smul.u32 $0xA0000, s0;
	s0 =	ssub.s32 $0x2, s0  }
0x8: {  	_ =	strace $0x8000004D;
	s1 =	sor.u32 s12, s1;
	s18 =	sshrl.u32 s0, $0x1  }
0x9: {  	s20 =	sshrl.u32 s9, $0x2;
	s21 =	sadd.s32 s7, s3;
	s12 =	sor.u32 $0x1C0B, s23  }
0xa: {  	s23 =	simm.s32 $0x4;
	s1 =	smul.u32 $0x280, s1;
	s5 =	sadd.s32 s7, s5  }
0xb: {  	s0 =	ssub.s32 s0, s18;
	s22 =	sadd.s32 s20, s3;
	s13 =	sshrl.u32 s21, $0x3  }
0xc: {  	s18 =	simm.s32 $0x80;
	s20 =	simm.s32 $0x4800;
	s21 =	simm.s32 $0x5  }
0xd: {  	s8 =	sshrl.u32 s5, $0x3;
	s5 =	sadd.s32 $0xC200, s6;
	s11 =	sadd.s32 $0x4000, s22  }
0xe: {  	s16 =	sadd.s32 $0x6000, s22;
	s7 =	sadd.s32 $0x8000, s22;
	s0 =	smax.u32 s0, $0x1  }
0xf: {  	s1 =	sadd.s32 s1, s6;
	s6 =	sadd.s32 s8, s6;
	s8 =	sadd.s32 $0x2000, s22  }
0x10: {  	[dreg:$0x7] =	wrdreg s0;
	s25 =	sshrl.u32 s11, $0x3;
	s26 =	sshrl.u32 s16, $0x3  }
0x11: {  	s17 =	sshrl.u32 s7, $0x3;
	s22 =	simm.s32 $0x6800;
	[dreg:$0x9] =	wrdreg s25  }
0x12: {  	s0 =	simm.s32 $0x6;
	s19 =	sadd.s32 $0x7200, s1;
	[dreg:$0xa] =	wrdreg s26  }
.Ltmp0:
0x13: {  	s1 =	sadd.s32 $0x2200, s1;
	[dreg:$0x4] =	wrdreg s19;
	(pc) =	sbr.rel .LBB2_1-.Ltmp0, $4  }
0x14: {  	s7 =	simm.s32 $0x0;
	s6 =	sadd.s32 $0x20200, s6;
	[dreg:$0x5] =	wrdreg s1  }
0x15: {  	s24 =	sshrl.u32 s8, $0x3;
	s26 =	simm.s32 $0xA800;
	[dreg:$0x6] =	wrdreg s6  }
0x16: {  	s25 =	simm.s32 $0x9;
	[dreg:$0x8] =	wrdreg s24;
	s19 =	simm.s32 $0x2800  }
0x17: {  	s24 =	simm.s32 $0x8800;
	s1 =	simm.s32 $0x8;
	s6 =	simm.s32 $0xA  }
.LBB2_4:
0x18: {  	_ =	swait.ge [sflag:s25], $0x2000  }
0x19: {  	[sflag:s25] =	ssyncset.done $0x0  }
0x1a: {  	[sflag:s25] =	ssyncadd.s32 $0xFFFFE000  }
0x1b: {  	_ =	swait.ge [sflag:s6], $0x2000  }
0x1c: {  	[sflag:s6] =	ssyncset.done $0x0  }
0x1d: {  	[sflag:s6] =	ssyncadd.s32 $0xFFFFE000  }
0x1e: {  	[bflag:$0x0] =	sbarrier.arrive $0xFFFF  }
0x1f: {  	s8 =	rddreg [dreg:$0x6]  }
0x20: {  	[hbm:s8], [sflag:s12] =	dma.local [spmem:s13], $0x1400  }
0x21: {  	_ =	swait.ge [sflag:s10], $0x1400  }
0x22: {  	s7 =	sadd.s32 $0x1, s7;
	s16 =	rddreg [dreg:$0x7]  }
0x23: {  	p0 =	sne.s32 s7, s16  }
.Ltmp1:
0x24: {  	_ = 	snop;
	(pc) =	sbr.rel @!p0 .LBB2_5-.Ltmp1, $3  }
0x25: {  	_ =	sdelay $0x1  }
0x26: {  	[sflag:s10] =	ssyncset.done $0x0  }
0x27: {  	[sflag:s10] =	ssyncadd.s32 $0xFFFFEC00  }
.LBB2_1:
0x28: {  	s8 =	rddreg [dreg:$0x4]  }
0x29: {  	[tilespmem:s4], [sflag:$0xB] =	stream.linear.gather [hbm4b:s8+s4], $0x1400, $0x38;
	[tilespmem:$0x16800] =	vst v63  }
0x2a: {  	_ =	swait.ge [sflag:s10], $0x1400  }
0x2b: {  	[sflag:s10] =	ssyncset.done $0x0  }
0x2c: {  	s9 =	simm.s32 $0x1400;
	s16 =	rddreg [dreg:$0x5];
	[sflag:s10] =	ssyncadd.s32 $0xFFFFEC00  }
0x2d: {  	[tilespmem:s9], [sflag:$0xB] =	stream.linear.gather [hbm4b:s16+s4], $0x1400, $0x38;
	[tilespmem:$0x16800] =	vst v63  }
0x2e: {  	_ =	swait.ge [sflag:s10], $0x1400  }
0x2f: {  	[sflag:s10] =	ssyncset.done $0x0  }
0x30: {  	[sflag:s10] =	ssyncadd.s32 $0xFFFFEC00  }
0x31: {  	[spmem:s13], [sflag:s12] =	dma.local [hbm:s2], $0x400  }
0x32: {  	_ =	swait.ge [sflag:s10], $0x400  }
0x33: {  	[sflag:s10] =	ssyncset.done $0x0  }
0x34: {  	s11 =	rddreg [dreg:$0x8];
	[sflag:s10] =	ssyncadd.s32 $0xFFFFFC00  }
0x35: {  	[spmem:s11], [sflag:s12] =	dma.local [hbm:s2], $0x400  }
0x36: {  	_ =	swait.ge [sflag:s10], $0x400  }
0x37: {  	[sflag:s10] =	ssyncset.done $0x0  }
0x38: {  	s14 =	rddreg [dreg:$0x9];
	[sflag:s10] =	ssyncadd.s32 $0xFFFFFC00  }
0x39: {  	[spmem:s14], [sflag:s12] =	dma.local [hbm:s2], $0x400  }
0x3a: {  	_ =	swait.ge [sflag:s10], $0x400  }
0x3b: {  	[sflag:s10] =	ssyncset.done $0x0  }
0x3c: {  	s15 =	rddreg [dreg:$0xa];
	[sflag:s10] =	ssyncadd.s32 $0xFFFFFC00  }
0x3d: {  	[spmem:s15], [sflag:s12] =	dma.local [hbm:s2], $0x400  }
0x3e: {  	_ =	swait.ge [sflag:s10], $0x400  }
0x3f: {  	[sflag:s10] =	ssyncset.done $0x0  }
0x40: {  	[sflag:s10] =	ssyncadd.s32 $0xFFFFFC00  }
0x41: {  	[spmem:s17], [sflag:s12] =	dma.local [hbm:s2], $0x400  }
0x42: {  	_ =	swait.ge [sflag:s10], $0x400  }
0x43: {  	[sflag:s10] =	ssyncset.done $0x0  }
0x44: {  	[sflag:s10] =	ssyncadd.s32 $0xFFFFFC00  }
0x45: {  	[bflag:$0x0] =	sbarrier.arrive $0xFFFF  }
0x46: {  	[tilespmem:s19], [sflag:$0x1] =	stream.indirect.gather [hbm4b:s5+s18], $0x40, s4, s18, $0xb8;
	[tilespmem:$0x16800] =	vst v63  }
0x47: {  	_ = 	snop  }
0x48: {  	[tilespmem:s20], [sflag:$0x2] =	stream.indirect.gather [hbm4b:s5+s18], $0x40, s18, s18, $0xb8;
	[tilespmem:$0x16800] =	vst v63  }
0x49: {  	s16 =	simm.s32 $0x100  }
0x4a: {  	[tilespmem:s22], [sflag:$0x3] =	stream.indirect.gather [hbm4b:s5+s18], $0x40, s16, s18, $0xb8;
	[tilespmem:$0x16800] =	vst v63  }
0x4b: {  	s11 =	simm.s32 $0x180  }
0x4c: {  	[tilespmem:s24], [sflag:$0x4] =	stream.indirect.gather [hbm4b:s5+s18], $0x40, s11, s18, $0xb8;
	[tilespmem:$0x16800] =	vst v63  }
0x4d: {  	s14 =	simm.s32 $0x200  }
0x4e: {  	[tilespmem:s26], [sflag:$0x5] =	stream.indirect.gather [hbm4b:s5+s18], $0x40, s14, s18, $0xb8;
	[tilespmem:$0x16800] =	vst v63  }
0x4f: {  	_ =	swait.ge [sflag:s28], $0x2000  }
0x50: {  	[sflag:s28] =	ssyncset.done $0x0  }
0x51: {  	[sflag:s28] =	ssyncadd.s32 $0xFFFFE000  }
0x52: {  	[spmem:s3] =	stream.indirect.scatter.add.f32 [tilespmem:s19], [sflag:$0x6], $0x40, s9, s18, $0xb8;
	[tilespmem:$0x16800] =	vst v63  }
0x53: {  	_ =	swait.ge [sflag:s29], $0x2000  }
0x54: {  	[sflag:s29] =	ssyncset.done $0x0  }
0x55: {  	s15 =	simm.s32 $0x1480;
	[sflag:s29] =	ssyncadd.s32 $0xFFFFE000  }
0x56: {  	[spmem:s3] =	stream.indirect.scatter.add.f32 [tilespmem:s20], [sflag:$0x7], $0x40, s15, s18, $0xb8;
	[tilespmem:$0x16800] =	vst v63  }
0x57: {  	_ =	swait.ge [sflag:s31], $0x2000  }
0x58: {  	[sflag:s31] =	ssyncset.done $0x0  }
0x59: {  	s16 =	simm.s32 $0x1500;
	[sflag:s31] =	ssyncadd.s32 $0xFFFFE000  }
0x5a: {  	[spmem:s3] =	stream.indirect.scatter.add.f32 [tilespmem:s22], [sflag:$0x8], $0x40, s16, s18, $0xb8;
	[tilespmem:$0x16800] =	vst v63  }
0x5b: {  	_ =	swait.ge [sflag:s0], $0x2000  }
0x5c: {  	[sflag:s0] =	ssyncset.done $0x0  }
0x5d: {  	s9 =	simm.s32 $0x280;
	[sflag:s0] =	ssyncadd.s32 $0xFFFFE000  }
0x5e: {  	[tilespmem:s19], [sflag:$0x1] =	stream.indirect.gather [hbm4b:s5+s18], $0x40, s9, s18, $0xb8;
	[tilespmem:$0x16800] =	vst v63  }
0x5f: {  	_ =	swait.ge [sflag:s23], $0x2000  }
0x60: {  	[sflag:s23] =	ssyncset.done $0x0  }
0x61: {  	s11 =	simm.s32 $0x1580;
	[sflag:s23] =	ssyncadd.s32 $0xFFFFE000  }
0x62: {  	[spmem:s3] =	stream.indirect.scatter.add.f32 [tilespmem:s24], [sflag:$0x9], $0x40, s11, s18, $0xb8;
	[tilespmem:$0x16800] =	vst v63  }
0x63: {  	_ =	swait.ge [sflag:s30], $0x2000  }
0x64: {  	[sflag:s30] =	ssyncset.done $0x0  }
0x65: {  	s14 =	simm.s32 $0x300;
	[sflag:s30] =	ssyncadd.s32 $0xFFFFE000  }
0x66: {  	[tilespmem:s20], [sflag:$0x2] =	stream.indirect.gather [hbm4b:s5+s18], $0x40, s14, s18, $0xb8;
	[tilespmem:$0x16800] =	vst v63  }
0x67: {  	_ =	swait.ge [sflag:s21], $0x2000  }
0x68: {  	[sflag:s21] =	ssyncset.done $0x0  }
0x69: {  	s15 =	simm.s32 $0x1600;
	[sflag:s21] =	ssyncadd.s32 $0xFFFFE000  }
0x6a: {  	[spmem:s3] =	stream.indirect.scatter.add.f32 [tilespmem:s26], [sflag:$0xA], $0x40, s15, s18, $0xb8;
	[tilespmem:$0x16800] =	vst v63  }
0x6b: {  	_ =	swait.ge [sflag:s1], $0x2000  }
0x6c: {  	[sflag:s1] =	ssyncset.done $0x0  }
0x6d: {  	s16 =	simm.s32 $0x380;
	s11 =	simm.s32 $0x0;
	[sflag:s1] =	ssyncadd.s32 $0xFFFFE000  }
0x6e: {  	[tilespmem:s22], [sflag:$0x3] =	stream.indirect.gather [hbm4b:s5+s18], $0x40, s16, s18, $0xb8;
	[tilespmem:$0x16800] =	vst v63  }
.LBB2_2:
0x6f: {  	_ =	swait.ge [sflag:s28], $0x2000  }
0x70: {  	s8 =	sshra.s32 s11, $0x2;
	[sflag:s28] =	ssyncset.done $0x0  }
0x71: {  	s9 =	sadd.s32 $0x1680, s8;
	[sflag:s28] =	ssyncadd.s32 $0xFFFFE000  }
0x72: {  	[spmem:s3] =	stream.indirect.scatter.add.f32 [tilespmem:s19], [sflag:$0x6], $0x40, s9, s18, $0xb8;
	[tilespmem:$0x16800] =	vst v63  }
0x73: {  	_ =	swait.ge [sflag:s25], $0x2000  }
0x74: {  	[sflag:s25] =	ssyncset.done $0x0  }
0x75: {  	s15 =	sadd.s32 $0x400, s8;
	[sflag:s25] =	ssyncadd.s32 $0xFFFFE000  }
0x76: {  	[tilespmem:s24], [sflag:$0x4] =	stream.indirect.gather [hbm4b:s5+s18], $0x40, s15, s18, $0xb8;
	[tilespmem:$0x16800] =	vst v63  }
0x77: {  	_ =	swait.ge [sflag:s29], $0x2000  }
0x78: {  	[sflag:s29] =	ssyncset.done $0x0  }
0x79: {  	s16 =	sadd.s32 $0x1700, s8;
	[sflag:s29] =	ssyncadd.s32 $0xFFFFE000  }
0x7a: {  	[spmem:s3] =	stream.indirect.scatter.add.f32 [tilespmem:s20], [sflag:$0x7], $0x40, s16, s18, $0xb8;
	[tilespmem:$0x16800] =	vst v63  }
0x7b: {  	_ =	swait.ge [sflag:s6], $0x2000  }
0x7c: {  	[sflag:s6] =	ssyncset.done $0x0  }
0x7d: {  	s14 =	sadd.s32 $0x480, s8;
	[sflag:s6] =	ssyncadd.s32 $0xFFFFE000  }
0x7e: {  	[tilespmem:s26], [sflag:$0x5] =	stream.indirect.gather [hbm4b:s5+s18], $0x40, s14, s18, $0xb8;
	[tilespmem:$0x16800] =	vst v63  }
0x7f: {  	_ =	swait.ge [sflag:s31], $0x2000  }
0x80: {  	[sflag:s31] =	ssyncset.done $0x0  }
0x81: {  	s15 =	sadd.s32 $0x1780, s8;
	[sflag:s31] =	ssyncadd.s32 $0xFFFFE000  }
0x82: {  	[spmem:s3] =	stream.indirect.scatter.add.f32 [tilespmem:s22], [sflag:$0x8], $0x40, s15, s18, $0xb8;
	[tilespmem:$0x16800] =	vst v63  }
0x83: {  	_ =	swait.ge [sflag:s0], $0x2000  }
0x84: {  	p0 =	seq.s32 s11, $0x3C00;
	[sflag:s0] =	ssyncset.done $0x0  }
0x85: {  	s9 =	simm.s32 @p0 $0x4;
	[sflag:s0] =	ssyncadd.s32 $0xFFFFE000  }
0x86: {  	_ =	swait.ge @p0 [sflag:s9], $0x2000  }
0x87: {  	[sflag:s9] =	ssyncset.done @p0 $0x0  }
0x88: {  	[sflag:s9] =	ssyncadd.s32 @p0 $0xFFFFE000;
	s9 =	sshra.s32 @p0 s11, $0x2  }
0x89: {  	s14 =	simm.s32 @p0 $0x80;
	s15 =	simm.s32 @p0 $0x8800;
	s9 =	sadd.s32 @p0 $0x1800, s9  }
0x8a: {  	[spmem:s3] =	stream.indirect.scatter.add.f32 @p0 [tilespmem:s15], [sflag:$0x9], $0x40, s9, s14, $0xb8;
	[tilespmem:$0x16800] =	vst v63  }
0x8b: {  	s9 =	simm.s32 @p0 $0x7  }
0x8c: {  	_ =	swait.ge @p0 [sflag:s9], $0x2000  }
0x8d: {  	[sflag:s9] =	ssyncset.done @p0 $0x0  }
0x8e: {  	[sflag:s9] =	ssyncadd.s32 @p0 $0xFFFFE000;
	s9 =	sshra.s32 @!p0 s11, $0x2  }
0x8f: {  	s16 =	simm.s32 @!p0 $0x2800;
	s15 =	simm.s32 @!p0 $0x80;
	s14 =	sadd.s32 @!p0 $0x500, s9  }
0x90: {  	[tilespmem:s16], [sflag:$0x1] =	stream.indirect.gather @!p0 [hbm4b:s5+s15], $0x40, s14, s15, $0xb8;
	[tilespmem:$0x16800] =	vst v63  }
0x91: {  	s14 =	simm.s32 @!p0 $0x4  }
0x92: {  	_ =	swait.ge @!p0 [sflag:s14], $0x2000  }
0x93: {  	[sflag:s14] =	ssyncset.done @!p0 $0x0  }
0x94: {  	s16 =	simm.s32 @!p0 $0x8800;
	[sflag:s14] =	ssyncadd.s32 @!p0 $0xFFFFE000;
	s14 =	sadd.s32 @!p0 $0x1800, s9  }
0x95: {  	[spmem:s3] =	stream.indirect.scatter.add.f32 @!p0 [tilespmem:s16], [sflag:$0x9], $0x40, s14, s15, $0xb8;
	[tilespmem:$0x16800] =	vst v63  }
0x96: {  	s14 =	simm.s32 @!p0 $0x7  }
0x97: {  	_ =	swait.ge @!p0 [sflag:s14], $0x2000  }
0x98: {  	[sflag:s14] =	ssyncset.done @!p0 $0x0  }
0x99: {  	s9 =	sadd.s32 @!p0 $0x580, s9;
	[sflag:s14] =	ssyncadd.s32 @!p0 $0xFFFFE000;
	s14 =	simm.s32 @!p0 $0x4800  }
0x9a: {  	[tilespmem:s14], [sflag:$0x2] =	stream.indirect.gather @!p0 [hbm4b:s5+s15], $0x40, s9, s15, $0xb8;
	[tilespmem:$0x16800] =	vst v63  }
0x9b: {  	_ =	swait.ge [sflag:s21], $0x2000  }
0x9c: {  	[sflag:s21] =	ssyncset.done $0x0  }
.Ltmp2:
0x9d: {  	s16 =	sadd.s32 $0x1880, s8;
	[sflag:s21] =	ssyncadd.s32 $0xFFFFE000;
	(pc) =	sbr.rel @p0 .LBB2_4-.Ltmp2, $4  }
0x9e: {  	[spmem:s3] =	stream.indirect.scatter.add.f32 [tilespmem:s26], [sflag:$0xA], $0x40, s16, s18, $0xb8;
	[tilespmem:$0x16800] =	vst v63  }
0x9f: {  	_ =	swait.ge [sflag:s1], $0x2000  }
0xa0: {  	[sflag:s1] =	ssyncset.done $0x0  }
0xa1: {  	[sflag:s1] =	ssyncadd.s32 $0xFFFFE000  }
.Ltmp3:
0xa2: {  	(pc) =	sbr.rel .LBB2_2-.Ltmp3, $3  }
0xa3: {  	_ =	sdelay $0x1  }
0xa4: {  	s8 =	sadd.s32 $0x600, s8;
	s11 =	sadd.s32 $0xA00, s11  }
0xa5: {  	[tilespmem:s22], [sflag:$0x3] =	stream.indirect.gather [hbm4b:s5+s18], $0x40, s8, s18, $0xb8;
	[tilespmem:$0x16800] =	vst v63  }
.LBB2_5:
0xa6: {  	_ =	sfence.sel $0x180000  }
0xa7: {  	[bflag:$0x0] =	sbarrier.arrive $0xFFFF  }
0xa8: {  	_ =	strace $0x9000004D  }
0xa9: {  	s0 =	stileid.u32;
	[bflag:$0x2] =	sbarrier.arrive $0xFFFF  }
0xaa: {  	p0 =	sne.s32 s0, $0x0;
	s0 =	rddreg [dreg:$0x3]  }
0xab: {  	s0 =	sadd.s32 @!p0 $0x100000, s0  }
0xac: {  	[sflag:s0] =	ssyncadd.tile.s32 @!p0 $0x1;
	_ =	shalt  }
.Lfunc_end2:
_tile_overlayer_lowered:
.L_overlay_start_2:
0xad: {  	(tag) =	ssettag $0x2  }
0xae: {  	s0 =	rddreg [dreg:$0x0];
	s2 =	stileid.u32  }
0xaf: {  	s1 =	rddreg [dreg:$0x1];
	p0 =	sne.s32 s2, $0x0  }
0xb0: {  	s3 =	rddreg [dreg:$0x2];
	[bflag:$0x3] =	sbarrier.arrive $0xFFFF;
	s2 =	simm.s32 @!p0 $0x1C0B  }
0xb1: {  	[timem:s3], [sflag:s2] =	dma.local @!p0 [hbm:s0], s1  }
0xb2: {  	s0 =	simm.s32 @!p0 $0xB  }
0xb3: {  	_ =	swait.ge @!p0 [sflag:s0], s1  }
0xb4: {  	s1 =	ssub.s32 @!p0 $0x0, s1;
	[sflag:s0] =	ssyncset.done @!p0 $0x0  }
0xb5: {  	[sflag:s0] =	ssyncadd.s32 @!p0 s1  }
0xb6: {  	[bflag:$0x3] =	sbarrier.arrive $0xFFFF  }
0xb7: {  	_ =	shalt  }

// kernel: kernel.21.cloned.1.call-start
scs
__scs_entry_jumppad:
0x0: {  	(pc) =	sbr.rel $0x88, $3  }
0x1: {  	(tag) =	ssettag $0x0;
	lr =	simm.s32 $0x1  }
0x2: {  	[smem:$0x3F99] =	sst lr;
	_ =	strace $0xD0000000  }
0x3: {  	_ = 	snop  }
0x4: {  	_ = 	snop  }
0x5: {  	_ = 	snop  }
0x6: {  	_ = 	snop  }
0x7: {  	_ = 	snop  }
__scs_overlays_trampoline_lowered:
0x8: {  	[smem:$0x3FA8] =	sst s0  }
0x9: {  	[smem:$0x3FA9] =	sst s1  }
0xa: {  	[smem:$0x3FAA] =	sst s2  }
0xb: {  	[smem:$0x3FAB] =	sst s3  }
0xc: {  	[smem:$0x3FAC] =	sst s4  }
0xd: {  	[smem:$0x3FAD] =	sst s5  }
0xe: {  	[smem:$0x3FAE] =	sst s6  }
0xf: {  	[smem:$0x3FAF] =	sst s7  }
0x10: {  	[smem:$0x3FB0] =	sst s8  }
0x11: {  	[smem:$0x3FB1] =	sst s9;
	s0 =	simm.s32 @!p0 $0x0  }
0x12: {  	s1 =	sld [smem:$0x3F97];
	s0 =	simm.s32 @p0 $0x1  }
0x13: {  	[smem:$0x3FB2] =	sst s0;
	s0 =	simm.s32 @!p1 $0x0  }
0x14: {  	s2 =	sld [smem:$0x3F96];
	s0 =	simm.s32 @p1 $0x1  }
0x15: {  	[smem:$0x3FB3] =	sst s0;
	s0 =	simm.s32 @!p2 $0x0  }
0x16: {  	s3 =	sld [smem:$0x3FDB];
	s0 =	simm.s32 @p2 $0x1  }
0x17: {  	s4 =	simm.s32 $0x1BF5;
	[smem:$0x3FB5] =	sst s0  }
0x18: {  	s0 =	sld [smem:$0x3F98];
	_ =	swait.ge [sflag:s4], $0x0  }
0x19: {  	s7 =	sld [smem:$0x3F99]  }
0x1a: {  	s8 =	sadd.s32 $0xFFFFE003, lr  }
0x1b: {  	s9 =	sadd.s32 $0xFFFFFEF7, lr;
	s5 =	simm.s32 $0xFFFFFFFF;
	p2 =	slt.u32 s8, $0xFFFFF086  }
0x1c: {  	p1 =	slt.u32 s9, $0xF7A;
	s5 =	simm.s32 @!p2 $0x0  }
0x1d: {  	s5 =	simm.s32 @p1 $0x1;
	p0 =	seq.s32 s7, s2  }
0x1e: {  	s7 =	smul.u32 @!p0 $0xF7A, s2;
	p2 =	seq.s32 @!p0 s5, $0x0  }
0x1f: {  	s9 =	smul.u32 $0xF7A, s1;
	s8 =	simm.s32 @!p0 $0x1BF5;
	p2 =	por !p2, p0  }
0x20: {  	[sflag:s8] =	ssyncset.s32 @!p0 $0xFFFFF086;
	s6 =	sadd.s32 @!p0 s3, s7;
	s7 =	simm.s32 @!p0 $0x108  }
0x21: {  	s3 =	sadd.s32 s3, s9;
	s6 =	sadd.s32 @!p0 $0x88, s6;
	s7 =	simm.s32 @p2 $0x1082  }
0x22: {  	[simem:s7], [sflag:s8] =	dma.local @!p0 [hbm:s6], $0xF7A  }
0x23: {  	s9 =	sor.u32 $0xD0000000, s2;
	s6 =	simm.s32 $0x108;
	_ =	swait.ge @!p0 [sflag:s8], $0x0  }
0x24: {  	s3 =	sadd.s32 $0x88, s3;
	s6 =	simm.s32 @!p1 $0x1082;
	[sflag:s4] =	ssyncset.s32 $0xFFFFF086  }
0x25: {  	[simem:s6], [sflag:s4] =	dma.local [hbm:s3], $0xF7A  }
0x26: {  	[smem:$0x3F99] =	sst s1;
	(tag) =	ssettag s2;
	_ =	strace s9  }
0x27: {  	s1 =	sld [smem:$0x3FA9]  }
0x28: {  	s2 =	sld [smem:$0x3FAA]  }
0x29: {  	s4 =	sld [smem:$0x3FAC]  }
0x2a: {  	p0 =	seq.s32 s5, $0x0;
	s5 =	sld [smem:$0x3FAD]  }
0x2b: {  	s6 =	sld [smem:$0x3FAE]  }
0x2c: {  	s7 =	sld [smem:$0x3FAF]  }
0x2d: {  	s3 =	simm.s32 $0x108;
	s8 =	sld [smem:$0x3FB0]  }
0x2e: {  	s3 =	simm.s32 @!p0 $0x1082;
	s9 =	sld [smem:$0x3FB1]  }
0x2f: {  	lr =	sadd.s32 s0, s3;
	s0 =	sld [smem:$0x3FA8]  }
0x30: {  	s3 =	sld [smem:$0x3FAB]  }
0x31: {  	[smem:$0x3FB4] =	sst s10  }
0x32: {  	s10 =	sld [smem:$0x3FB2];
	_ =	sdelay $0x3  }
0x33: {  	p0 =	seq.s32 s10, $0x1;
	s10 =	sld [smem:$0x3FB4];
	_ =	sdelay $0x3  }
0x34: {  	[smem:$0x3FB4] =	sst s10  }
0x35: {  	s10 =	sld [smem:$0x3FB3];
	_ =	sdelay $0x3  }
0x36: {  	p1 =	seq.s32 s10, $0x1;
	s10 =	sld [smem:$0x3FB4];
	_ =	sdelay $0x3  }
0x37: {  	[smem:$0x3FB4] =	sst s10  }
0x38: {  	s10 =	sld [smem:$0x3FB5]  }
0x39: {  	_ = 	snop;
	(pc) =	sbr.ind lr, $3  }
0x3a: {  	_ = 	snop  }
0x3b: {  	_ = 	snop  }
0x3c: {  	p2 =	seq.s32 s10, $0x1;
	s10 =	sld [smem:$0x3FB4]  }
0x3d: {  	_ =	shalt  }
0x3e: {  	_ =	shalt  }
0x3f: {  	_ =	shalt  }
0x40: {  	_ =	shalt  }
0x41: {  	_ =	shalt  }
0x42: {  	_ =	shalt  }
0x43: {  	_ =	shalt  }
0x44: {  	_ =	shalt  }
0x45: {  	_ =	shalt  }
0x46: {  	_ =	shalt  }
0x47: {  	_ =	shalt  }
0x48: {  	_ =	shalt  }
0x49: {  	_ =	shalt  }
0x4a: {  	_ =	shalt  }
0x4b: {  	_ =	shalt  }
0x4c: {  	_ =	shalt  }
0x4d: {  	_ =	shalt  }
0x4e: {  	_ =	shalt  }
0x4f: {  	_ =	shalt  }
0x50: {  	_ =	shalt  }
0x51: {  	_ =	shalt  }
0x52: {  	_ =	shalt  }
0x53: {  	_ =	shalt  }
0x54: {  	_ =	shalt  }
0x55: {  	_ =	shalt  }
0x56: {  	_ =	shalt  }
0x57: {  	_ =	shalt  }
0x58: {  	_ =	shalt  }
0x59: {  	_ =	shalt  }
0x5a: {  	_ =	shalt  }
0x5b: {  	_ =	shalt  }
0x5c: {  	_ =	shalt  }
0x5d: {  	_ =	shalt  }
0x5e: {  	_ =	shalt  }
0x5f: {  	_ =	shalt  }
0x60: {  	_ =	shalt  }
0x61: {  	_ =	shalt  }
0x62: {  	_ =	shalt  }
0x63: {  	_ =	shalt  }
0x64: {  	_ =	shalt  }
0x65: {  	_ =	shalt  }
0x66: {  	_ =	shalt  }
0x67: {  	_ =	shalt  }
0x68: {  	_ =	shalt  }
0x69: {  	_ =	shalt  }
0x6a: {  	_ =	shalt  }
0x6b: {  	_ =	shalt  }
0x6c: {  	_ =	shalt  }
0x6d: {  	_ =	shalt  }
0x6e: {  	_ =	shalt  }
0x6f: {  	_ =	shalt  }
0x70: {  	_ =	shalt  }
0x71: {  	_ =	shalt  }
0x72: {  	_ =	shalt  }
0x73: {  	_ =	shalt  }
0x74: {  	_ =	shalt  }
0x75: {  	_ =	shalt  }
0x76: {  	_ =	shalt  }
0x77: {  	_ =	shalt  }
0x78: {  	_ =	shalt  }
0x79: {  	_ =	shalt  }
0x7a: {  	_ =	shalt  }
0x7b: {  	_ =	shalt  }
0x7c: {  	_ =	shalt  }
0x7d: {  	_ =	shalt  }
0x7e: {  	_ =	shalt  }
0x7f: {  	_ =	shalt  }
0x80: {  	_ =	shalt  }
0x81: {  	_ =	shalt  }
0x82: {  	_ =	shalt  }
0x83: {  	_ =	shalt  }
0x84: {  	_ =	shalt  }
0x85: {  	_ =	shalt  }
0x86: {  	_ =	shalt  }
0x87: {  	_ =	shalt  }
.Lfunc_end0:
.L_simem_size_0:
called_computation.3_lowered:
.L_overlay_start_0:
0x88: {  	s2 =	sld [smem:$0x3FD9]  }
0x89: {  	s3 =	sld [smem:$0x3FFE];
	_ =	sdelay $0x1  }
0x8a: {  	s1 =	srdreg.scid  }
0x8b: {  	s0 =	sand.u32 $0x1, s1  }
0x8c: {  	s17 =	sshll.u32 s0, $0xA;
	s2 =	sadd.s32 s3, s2  }
0x8d: {  	s2 =	sadd.s32 s2, s17  }
0x8e: {  	[smem:$0x3FC0] =	sst s2  }
0x8f: {  	_ = 	snop  }
0x90: {  	s2 =	sld [smem:$0x3FD0];
	(tm) =	ssettm $0x1  }
0x91: {  	s18 =	sld [smem:$0x3FFB];
	_ =	sdelay $0x3  }
0x92: {  	_ =	strace s18  }
0x93: {  	s3 =	sld [smem:$0x3FFC];
	_ =	sdelay $0x3  }
0x94: {  	_ =	strace s3  }
0x95: {  	s3 =	sld [smem:$0x3FFD];
	_ =	sdelay $0x3  }
0x96: {  	_ =	strace s3  }
0x97: {  	_ =	strace $0x8FFFFFFF  }
0x98: {  	s19 =	sld [smem:$0x3FDB];
	_ =	sdelay $0x1  }
0x99: {  	s4 =	simm.s32 $_scs_section_size  }
0x9a: {  	s5 =	simm.s32 $_size__tile_overlayer_lowered;
	s6 =	simm.s32 $_tile_overlayer_lowered  }
0x9b: {  	s22 =	simm.s32 $0x1BFF;
	s21 =	sshll.u32 s6, $0x1;
	s3 =	sadd.s32 s4, s19  }
0x9c: {  	s7 =	simm.s32 $0x0;
	s20 =	sshll.u32 s5, $0x1;
	s5 =	sadd.s32 s21, s3  }
0x9d: {  	[timem:s7], [sflag:s22] =	dma.local [hbm:s5], s20  }
0x9e: {  	_ =	swait.ge [sflag:s22], s20  }
0x9f: {  	s4 =	ssub.s32 $0x0, s20;
	[sflag:s22] =	ssyncset.done $0x0  }
0xa0: {  	[sflag:s22] =	ssyncadd.s32 s4;
	_ =	sdelay $0x1  }
0xa1: {  	s23 =	simm.s32 $0x1B8B  }
0xa2: {  	_ =	swait.ge [sflag:s23], $0x1  }
0xa3: {  	[sflag:s23] =	ssyncset.done $0x0  }
0xa4: {  	s25 =	simm.s32 $0x1B8E;
	s24 =	sld [smem:$0x3FFE];
	[sflag:s23] =	ssyncadd.s32 $0xFFFFFFFF  }
0xa5: {  	s26 =	simm.s32 $execute0_lowered;
	[smem:$0x3FD2] =	sst s25  }
0xa6: {  	s5 =	sshll.u32 s26, $0x1;
	_ =	strace $0x8000004F;
	[dreg:$0x1] =	wrdreg $0xFFFFFFFF  }
0xa7: {  	s28 =	simm.s32 $_size_execute0_lowered;
	s3 =	sadd.s32 s3, s5;
	[dreg:$0x0] =	wrdreg $0x0  }
0xa8: {  	s5 =	sshll.u32 s28, $0x1;
	[dreg:$0x2] =	wrdreg s3  }
0xa9: {  	[dreg:$0x3] =	wrdreg s5  }
0xaa: {  	[dreg:$0x4] =	wrdreg $0xC0  }
0xab: {  	_ =	task [dreg:s7], $0x5FFFF  }
0xac: {  	[dreg:$0x1] =	wrdreg $0xFFFFFFFF  }
0xad: {  	[dreg:$0x0] =	wrdreg $0x60  }
0xae: {  	[dreg:$0x2] =	wrdreg s24  }
0xaf: {  	[dreg:$0x3] =	wrdreg s2  }
0xb0: {  	[dreg:$0x4] =	wrdreg $0xC8000  }
0xb1: {  	[dreg:$0x5] =	wrdreg $0x9  }
0xb2: {  	_ =	task.clear_ibuf [dreg:s7], $0x6FFFF;
	_ =	strace $0x9000004F  }
0xb3: {  	s29 =	simm.s32 $0x9;
	_ =	strace $0x80000051  }
0xb4: {  	_ =	swait.ge [sflag:s29], $0x1  }
0xb5: {  	[sflag:s29] =	ssyncadd.s32 $0xFFFFFFFF  }
0xb6: {  	_ =	strace $0x90000051  }
0xb7: {  	_ =	sfence  }
0xb8: {  	s30 =	sld [smem:$0x0];
	_ =	sdelay $0x2  }
0xb9: {  	s31 =	sshll.u32 s1, $0xD;
	s1 =	sshrl.u32 s1, $0x2  }
0xba: {  	s3 =	sand.u32 $0x4000, s31;
	s1 =	sadd.s32 s1, s30  }
0xbb: {  	s0 =	sor.u32 s3, s0;
	s1 =	sshll.u32 s1, $0x11  }
0xbc: {  	s0 =	sor.u32 s1, s0  }
0xbd: {  	s0 =	sadd.s32 $0x8F2B, s0  }
0xbe: {  	[sflag:s0] =	ssyncadd.remote.s32 $0x1  }
0xbf: {  	_ =	sfence.sel $0xFFFF  }
0xc0: {  	[dreg:$0x0] =	wrdreg $0xFFFFFFFF;
	(pc) =	sbr.abs _section_cstart, $3  }
0xc1: {  	[dreg:$0x1] =	wrdreg $0xFFFFFFFF  }
0xc2: {  	_ =	task.clear_ibuf [dreg:s7], $0x2FFFF;
	_ =	strace $0x9FFFFFFF  }
0xc3: {  	(tm) =	ssettm $0x7FFFFFFF  }
tec
execute0_lowered:
.L_overlay_start_1:
0x0: {  	(tag) =	ssettag $0x1  }
0x1: {  	s0 =	srdreg.scid;
	s6 =	rddreg [dreg:$0x0]  }
0x2: {  	s12 =	stileid.u32;
	s2 =	rddreg [dreg:$0x1]  }
0x3: {  	s3 =	rddreg [dreg:$0x2];
	s4 =	simm.s32 $0x0;
	s10 =	simm.s32 $0xB  }
0x4: {  	s28 =	simm.s32 $0x1;
	s29 =	simm.s32 $0x2;
	s31 =	simm.s32 $0x3  }
0x5: {  	s30 =	simm.s32 $0x7;
	s0 =	sand.u32 $0x1, s0;
	s7 =	smul.u32 $0xA000, s12  }
0x6: {  	[smem:$0x7FF] =	sst s4;
	s9 =	smul.u32 $0x28000, s12;
	s23 =	sshll.u32 s12, $0x6  }
0x7: {  	s1 =	sshll.u32 s0, $0x4;
	s5 =	smul.u32 $0xA0000, s0;
	s0 =	ssub.s32 $0x2, s0  }
0x8: {  	_ =	strace $0x80000050;
	s1 =	sor.u32 s12, s1;
	s18 =	sshrl.u32 s0, $0x1  }
0x9: {  	s20 =	sshrl.u32 s9, $0x2;
	s21 =	sadd.s32 s7, s3;
	s12 =	sor.u32 $0x1C0B, s23  }
0xa: {  	s23 =	simm.s32 $0x4;
	s1 =	smul.u32 $0x280, s1;
	s5 =	sadd.s32 s7, s5  }
0xb: {  	s0 =	ssub.s32 s0, s18;
	s22 =	sadd.s32 s20, s3;
	s13 =	sshrl.u32 s21, $0x3  }
0xc: {  	s18 =	simm.s32 $0x80;
	s20 =	simm.s32 $0x4800;
	s21 =	simm.s32 $0x5  }
0xd: {  	s8 =	sshrl.u32 s5, $0x3;
	s5 =	sadd.s32 $0xC200, s6;
	s11 =	sadd.s32 $0x4000, s22  }
0xe: {  	s16 =	sadd.s32 $0x6000, s22;
	s7 =	sadd.s32 $0x8000, s22;
	s0 =	smax.u32 s0, $0x1  }
0xf: {  	s1 =	sadd.s32 s1, s6;
	s6 =	sadd.s32 s8, s6;
	s8 =	sadd.s32 $0x2000, s22  }
0x10: {  	[dreg:$0x7] =	wrdreg s0;
	s25 =	sshrl.u32 s11, $0x3;
	s26 =	sshrl.u32 s16, $0x3  }
0x11: {  	s17 =	sshrl.u32 s7, $0x3;
	s22 =	simm.s32 $0x6800;
	[dreg:$0x9] =	wrdreg s25  }
0x12: {  	s0 =	simm.s32 $0x6;
	s19 =	sadd.s32 $0x7200, s1;
	[dreg:$0xa] =	wrdreg s26  }
.Ltmp0:
0x13: {  	s1 =	sadd.s32 $0x2200, s1;
	[dreg:$0x4] =	wrdreg s19;
	(pc) =	sbr.rel .LBB2_1-.Ltmp0, $4  }
0x14: {  	s7 =	simm.s32 $0x0;
	s6 =	sadd.s32 $0x20200, s6;
	[dreg:$0x5] =	wrdreg s1  }
0x15: {  	s24 =	sshrl.u32 s8, $0x3;
	s26 =	simm.s32 $0xA800;
	[dreg:$0x6] =	wrdreg s6  }
0x16: {  	s25 =	simm.s32 $0x9;
	[dreg:$0x8] =	wrdreg s24;
	s19 =	simm.s32 $0x2800  }
0x17: {  	s24 =	simm.s32 $0x8800;
	s1 =	simm.s32 $0x8;
	s6 =	simm.s32 $0xA  }
.LBB2_4:
0x18: {  	_ =	swait.ge [sflag:s25], $0x2000  }
0x19: {  	[sflag:s25] =	ssyncset.done $0x0  }
0x1a: {  	[sflag:s25] =	ssyncadd.s32 $0xFFFFE000  }
0x1b: {  	_ =	swait.ge [sflag:s6], $0x2000  }
0x1c: {  	[sflag:s6] =	ssyncset.done $0x0  }
0x1d: {  	[sflag:s6] =	ssyncadd.s32 $0xFFFFE000  }
0x1e: {  	[bflag:$0x0] =	sbarrier.arrive $0xFFFF  }
0x1f: {  	s8 =	rddreg [dreg:$0x6]  }
0x20: {  	[hbm:s8], [sflag:s12] =	dma.local [spmem:s13], $0x1400  }
0x21: {  	_ =	swait.ge [sflag:s10], $0x1400  }
0x22: {  	s7 =	sadd.s32 $0x1, s7;
	s16 =	rddreg [dreg:$0x7]  }
0x23: {  	p0 =	sne.s32 s7, s16  }
.Ltmp1:
0x24: {  	_ = 	snop;
	(pc) =	sbr.rel @!p0 .LBB2_5-.Ltmp1, $3  }
0x25: {  	_ =	sdelay $0x1  }
0x26: {  	[sflag:s10] =	ssyncset.done $0x0  }
0x27: {  	[sflag:s10] =	ssyncadd.s32 $0xFFFFEC00  }
.LBB2_1:
0x28: {  	s8 =	rddreg [dreg:$0x4]  }
0x29: {  	[tilespmem:s4], [sflag:$0xB] =	stream.linear.gather [hbm4b:s8+s4], $0x1400, $0x38;
	[tilespmem:$0x16800] =	vst v63  }
0x2a: {  	_ =	swait.ge [sflag:s10], $0x1400  }
0x2b: {  	[sflag:s10] =	ssyncset.done $0x0  }
0x2c: {  	s9 =	simm.s32 $0x1400;
	s16 =	rddreg [dreg:$0x5];
	[sflag:s10] =	ssyncadd.s32 $0xFFFFEC00  }
0x2d: {  	[tilespmem:s9], [sflag:$0xB] =	stream.linear.gather [hbm4b:s16+s4], $0x1400, $0x38;
	[tilespmem:$0x16800] =	vst v63  }
0x2e: {  	_ =	swait.ge [sflag:s10], $0x1400  }
0x2f: {  	[sflag:s10] =	ssyncset.done $0x0  }
0x30: {  	[sflag:s10] =	ssyncadd.s32 $0xFFFFEC00  }
0x31: {  	[spmem:s13], [sflag:s12] =	dma.local [hbm:s2], $0x400  }
0x32: {  	_ =	swait.ge [sflag:s10], $0x400  }
0x33: {  	[sflag:s10] =	ssyncset.done $0x0  }
0x34: {  	s11 =	rddreg [dreg:$0x8];
	[sflag:s10] =	ssyncadd.s32 $0xFFFFFC00  }
0x35: {  	[spmem:s11], [sflag:s12] =	dma.local [hbm:s2], $0x400  }
0x36: {  	_ =	swait.ge [sflag:s10], $0x400  }
0x37: {  	[sflag:s10] =	ssyncset.done $0x0  }
0x38: {  	s14 =	rddreg [dreg:$0x9];
	[sflag:s10] =	ssyncadd.s32 $0xFFFFFC00  }
0x39: {  	[spmem:s14], [sflag:s12] =	dma.local [hbm:s2], $0x400  }
0x3a: {  	_ =	swait.ge [sflag:s10], $0x400  }
0x3b: {  	[sflag:s10] =	ssyncset.done $0x0  }
0x3c: {  	s15 =	rddreg [dreg:$0xa];
	[sflag:s10] =	ssyncadd.s32 $0xFFFFFC00  }
0x3d: {  	[spmem:s15], [sflag:s12] =	dma.local [hbm:s2], $0x400  }
0x3e: {  	_ =	swait.ge [sflag:s10], $0x400  }
0x3f: {  	[sflag:s10] =	ssyncset.done $0x0  }
0x40: {  	[sflag:s10] =	ssyncadd.s32 $0xFFFFFC00  }
0x41: {  	[spmem:s17], [sflag:s12] =	dma.local [hbm:s2], $0x400  }
0x42: {  	_ =	swait.ge [sflag:s10], $0x400  }
0x43: {  	[sflag:s10] =	ssyncset.done $0x0  }
0x44: {  	[sflag:s10] =	ssyncadd.s32 $0xFFFFFC00  }
0x45: {  	[bflag:$0x0] =	sbarrier.arrive $0xFFFF  }
0x46: {  	[tilespmem:s19], [sflag:$0x1] =	stream.indirect.gather [hbm4b:s5+s18], $0x40, s4, s18, $0xb8;
	[tilespmem:$0x16800] =	vst v63  }
0x47: {  	_ = 	snop  }
0x48: {  	[tilespmem:s20], [sflag:$0x2] =	stream.indirect.gather [hbm4b:s5+s18], $0x40, s18, s18, $0xb8;
	[tilespmem:$0x16800] =	vst v63  }
0x49: {  	s16 =	simm.s32 $0x100  }
0x4a: {  	[tilespmem:s22], [sflag:$0x3] =	stream.indirect.gather [hbm4b:s5+s18], $0x40, s16, s18, $0xb8;
	[tilespmem:$0x16800] =	vst v63  }
0x4b: {  	s11 =	simm.s32 $0x180  }
0x4c: {  	[tilespmem:s24], [sflag:$0x4] =	stream.indirect.gather [hbm4b:s5+s18], $0x40, s11, s18, $0xb8;
	[tilespmem:$0x16800] =	vst v63  }
0x4d: {  	s14 =	simm.s32 $0x200  }
0x4e: {  	[tilespmem:s26], [sflag:$0x5] =	stream.indirect.gather [hbm4b:s5+s18], $0x40, s14, s18, $0xb8;
	[tilespmem:$0x16800] =	vst v63  }
0x4f: {  	_ =	swait.ge [sflag:s28], $0x2000  }
0x50: {  	[sflag:s28] =	ssyncset.done $0x0  }
0x51: {  	[sflag:s28] =	ssyncadd.s32 $0xFFFFE000  }
0x52: {  	[spmem:s3] =	stream.indirect.scatter.add.f32 [tilespmem:s19], [sflag:$0x6], $0x40, s9, s18, $0xb8;
	[tilespmem:$0x16800] =	vst v63  }
0x53: {  	_ =	swait.ge [sflag:s29], $0x2000  }
0x54: {  	[sflag:s29] =	ssyncset.done $0x0  }
0x55: {  	s15 =	simm.s32 $0x1480;
	[sflag:s29] =	ssyncadd.s32 $0xFFFFE000  }
0x56: {  	[spmem:s3] =	stream.indirect.scatter.add.f32 [tilespmem:s20], [sflag:$0x7], $0x40, s15, s18, $0xb8;
	[tilespmem:$0x16800] =	vst v63  }
0x57: {  	_ =	swait.ge [sflag:s31], $0x2000  }
0x58: {  	[sflag:s31] =	ssyncset.done $0x0  }
0x59: {  	s16 =	simm.s32 $0x1500;
	[sflag:s31] =	ssyncadd.s32 $0xFFFFE000  }
0x5a: {  	[spmem:s3] =	stream.indirect.scatter.add.f32 [tilespmem:s22], [sflag:$0x8], $0x40, s16, s18, $0xb8;
	[tilespmem:$0x16800] =	vst v63  }
0x5b: {  	_ =	swait.ge [sflag:s0], $0x2000  }
0x5c: {  	[sflag:s0] =	ssyncset.done $0x0  }
0x5d: {  	s9 =	simm.s32 $0x280;
	[sflag:s0] =	ssyncadd.s32 $0xFFFFE000  }
0x5e: {  	[tilespmem:s19], [sflag:$0x1] =	stream.indirect.gather [hbm4b:s5+s18], $0x40, s9, s18, $0xb8;
	[tilespmem:$0x16800] =	vst v63  }
0x5f: {  	_ =	swait.ge [sflag:s23], $0x2000  }
0x60: {  	[sflag:s23] =	ssyncset.done $0x0  }
0x61: {  	s11 =	simm.s32 $0x1580;
	[sflag:s23] =	ssyncadd.s32 $0xFFFFE000  }
0x62: {  	[spmem:s3] =	stream.indirect.scatter.add.f32 [tilespmem:s24], [sflag:$0x9], $0x40, s11, s18, $0xb8;
	[tilespmem:$0x16800] =	vst v63  }
0x63: {  	_ =	swait.ge [sflag:s30], $0x2000  }
0x64: {  	[sflag:s30] =	ssyncset.done $0x0  }
0x65: {  	s14 =	simm.s32 $0x300;
	[sflag:s30] =	ssyncadd.s32 $0xFFFFE000  }
0x66: {  	[tilespmem:s20], [sflag:$0x2] =	stream.indirect.gather [hbm4b:s5+s18], $0x40, s14, s18, $0xb8;
	[tilespmem:$0x16800] =	vst v63  }
0x67: {  	_ =	swait.ge [sflag:s21], $0x2000  }
0x68: {  	[sflag:s21] =	ssyncset.done $0x0  }
0x69: {  	s15 =	simm.s32 $0x1600;
	[sflag:s21] =	ssyncadd.s32 $0xFFFFE000  }
0x6a: {  	[spmem:s3] =	stream.indirect.scatter.add.f32 [tilespmem:s26], [sflag:$0xA], $0x40, s15, s18, $0xb8;
	[tilespmem:$0x16800] =	vst v63  }
0x6b: {  	_ =	swait.ge [sflag:s1], $0x2000  }
0x6c: {  	[sflag:s1] =	ssyncset.done $0x0  }
0x6d: {  	s16 =	simm.s32 $0x380;
	s11 =	simm.s32 $0x0;
	[sflag:s1] =	ssyncadd.s32 $0xFFFFE000  }
0x6e: {  	[tilespmem:s22], [sflag:$0x3] =	stream.indirect.gather [hbm4b:s5+s18], $0x40, s16, s18, $0xb8;
	[tilespmem:$0x16800] =	vst v63  }
.LBB2_2:
0x6f: {  	_ =	swait.ge [sflag:s28], $0x2000  }
0x70: {  	s8 =	sshra.s32 s11, $0x2;
	[sflag:s28] =	ssyncset.done $0x0  }
0x71: {  	s9 =	sadd.s32 $0x1680, s8;
	[sflag:s28] =	ssyncadd.s32 $0xFFFFE000  }
0x72: {  	[spmem:s3] =	stream.indirect.scatter.add.f32 [tilespmem:s19], [sflag:$0x6], $0x40, s9, s18, $0xb8;
	[tilespmem:$0x16800] =	vst v63  }
0x73: {  	_ =	swait.ge [sflag:s25], $0x2000  }
0x74: {  	[sflag:s25] =	ssyncset.done $0x0  }
0x75: {  	s15 =	sadd.s32 $0x400, s8;
	[sflag:s25] =	ssyncadd.s32 $0xFFFFE000  }
0x76: {  	[tilespmem:s24], [sflag:$0x4] =	stream.indirect.gather [hbm4b:s5+s18], $0x40, s15, s18, $0xb8;
	[tilespmem:$0x16800] =	vst v63  }
0x77: {  	_ =	swait.ge [sflag:s29], $0x2000  }
0x78: {  	[sflag:s29] =	ssyncset.done $0x0  }
0x79: {  	s16 =	sadd.s32 $0x1700, s8;
	[sflag:s29] =	ssyncadd.s32 $0xFFFFE000  }
0x7a: {  	[spmem:s3] =	stream.indirect.scatter.add.f32 [tilespmem:s20], [sflag:$0x7], $0x40, s16, s18, $0xb8;
	[tilespmem:$0x16800] =	vst v63  }
0x7b: {  	_ =	swait.ge [sflag:s6], $0x2000  }
0x7c: {  	[sflag:s6] =	ssyncset.done $0x0  }
0x7d: {  	s14 =	sadd.s32 $0x480, s8;
	[sflag:s6] =	ssyncadd.s32 $0xFFFFE000  }
0x7e: {  	[tilespmem:s26], [sflag:$0x5] =	stream.indirect.gather [hbm4b:s5+s18], $0x40, s14, s18, $0xb8;
	[tilespmem:$0x16800] =	vst v63  }
0x7f: {  	_ =	swait.ge [sflag:s31], $0x2000  }
0x80: {  	[sflag:s31] =	ssyncset.done $0x0  }
0x81: {  	s15 =	sadd.s32 $0x1780, s8;
	[sflag:s31] =	ssyncadd.s32 $0xFFFFE000  }
0x82: {  	[spmem:s3] =	stream.indirect.scatter.add.f32 [tilespmem:s22], [sflag:$0x8], $0x40, s15, s18, $0xb8;
	[tilespmem:$0x16800] =	vst v63  }
0x83: {  	_ =	swait.ge [sflag:s0], $0x2000  }
0x84: {  	p0 =	seq.s32 s11, $0x3C00;
	[sflag:s0] =	ssyncset.done $0x0  }
0x85: {  	s9 =	simm.s32 @p0 $0x4;
	[sflag:s0] =	ssyncadd.s32 $0xFFFFE000  }
0x86: {  	_ =	swait.ge @p0 [sflag:s9], $0x2000  }
0x87: {  	[sflag:s9] =	ssyncset.done @p0 $0x0  }
0x88: {  	[sflag:s9] =	ssyncadd.s32 @p0 $0xFFFFE000;
	s9 =	sshra.s32 @p0 s11, $0x2  }
0x89: {  	s14 =	simm.s32 @p0 $0x80;
	s15 =	simm.s32 @p0 $0x8800;
	s9 =	sadd.s32 @p0 $0x1800, s9  }
0x8a: {  	[spmem:s3] =	stream.indirect.scatter.add.f32 @p0 [tilespmem:s15], [sflag:$0x9], $0x40, s9, s14, $0xb8;
	[tilespmem:$0x16800] =	vst v63  }
0x8b: {  	s9 =	simm.s32 @p0 $0x7  }
0x8c: {  	_ =	swait.ge @p0 [sflag:s9], $0x2000  }
0x8d: {  	[sflag:s9] =	ssyncset.done @p0 $0x0  }
0x8e: {  	[sflag:s9] =	ssyncadd.s32 @p0 $0xFFFFE000;
	s9 =	sshra.s32 @!p0 s11, $0x2  }
0x8f: {  	s16 =	simm.s32 @!p0 $0x2800;
	s15 =	simm.s32 @!p0 $0x80;
	s14 =	sadd.s32 @!p0 $0x500, s9  }
0x90: {  	[tilespmem:s16], [sflag:$0x1] =	stream.indirect.gather @!p0 [hbm4b:s5+s15], $0x40, s14, s15, $0xb8;
	[tilespmem:$0x16800] =	vst v63  }
0x91: {  	s14 =	simm.s32 @!p0 $0x4  }
0x92: {  	_ =	swait.ge @!p0 [sflag:s14], $0x2000  }
0x93: {  	[sflag:s14] =	ssyncset.done @!p0 $0x0  }
0x94: {  	s16 =	simm.s32 @!p0 $0x8800;
	[sflag:s14] =	ssyncadd.s32 @!p0 $0xFFFFE000;
	s14 =	sadd.s32 @!p0 $0x1800, s9  }
0x95: {  	[spmem:s3] =	stream.indirect.scatter.add.f32 @!p0 [tilespmem:s16], [sflag:$0x9], $0x40, s14, s15, $0xb8;
	[tilespmem:$0x16800] =	vst v63  }
0x96: {  	s14 =	simm.s32 @!p0 $0x7  }
0x97: {  	_ =	swait.ge @!p0 [sflag:s14], $0x2000  }
0x98: {  	[sflag:s14] =	ssyncset.done @!p0 $0x0  }
0x99: {  	s9 =	sadd.s32 @!p0 $0x580, s9;
	[sflag:s14] =	ssyncadd.s32 @!p0 $0xFFFFE000;
	s14 =	simm.s32 @!p0 $0x4800  }
0x9a: {  	[tilespmem:s14], [sflag:$0x2] =	stream.indirect.gather @!p0 [hbm4b:s5+s15], $0x40, s9, s15, $0xb8;
	[tilespmem:$0x16800] =	vst v63  }
0x9b: {  	_ =	swait.ge [sflag:s21], $0x2000  }
0x9c: {  	[sflag:s21] =	ssyncset.done $0x0  }
.Ltmp2:
0x9d: {  	s16 =	sadd.s32 $0x1880, s8;
	[sflag:s21] =	ssyncadd.s32 $0xFFFFE000;
	(pc) =	sbr.rel @p0 .LBB2_4-.Ltmp2, $4  }
0x9e: {  	[spmem:s3] =	stream.indirect.scatter.add.f32 [tilespmem:s26], [sflag:$0xA], $0x40, s16, s18, $0xb8;
	[tilespmem:$0x16800] =	vst v63  }
0x9f: {  	_ =	swait.ge [sflag:s1], $0x2000  }
0xa0: {  	[sflag:s1] =	ssyncset.done $0x0  }
0xa1: {  	[sflag:s1] =	ssyncadd.s32 $0xFFFFE000  }
.Ltmp3:
0xa2: {  	(pc) =	sbr.rel .LBB2_2-.Ltmp3, $3  }
0xa3: {  	_ =	sdelay $0x1  }
0xa4: {  	s8 =	sadd.s32 $0x600, s8;
	s11 =	sadd.s32 $0xA00, s11  }
0xa5: {  	[tilespmem:s22], [sflag:$0x3] =	stream.indirect.gather [hbm4b:s5+s18], $0x40, s8, s18, $0xb8;
	[tilespmem:$0x16800] =	vst v63  }
.LBB2_5:
0xa6: {  	_ =	sfence.sel $0x180000  }
0xa7: {  	[bflag:$0x0] =	sbarrier.arrive $0xFFFF  }
0xa8: {  	_ =	strace $0x90000050  }
0xa9: {  	s0 =	stileid.u32;
	[bflag:$0x2] =	sbarrier.arrive $0xFFFF  }
0xaa: {  	p0 =	sne.s32 s0, $0x0;
	s0 =	rddreg [dreg:$0x3]  }
0xab: {  	s0 =	sadd.s32 @!p0 $0x100000, s0  }
0xac: {  	[sflag:s0] =	ssyncadd.tile.s32 @!p0 $0x1;
	_ =	shalt  }
.Lfunc_end2:
_tile_overlayer_lowered:
.L_overlay_start_2:
0xad: {  	(tag) =	ssettag $0x2  }
0xae: {  	s0 =	rddreg [dreg:$0x0];
	s2 =	stileid.u32  }
0xaf: {  	s1 =	rddreg [dreg:$0x1];
	p0 =	sne.s32 s2, $0x0  }
0xb0: {  	s3 =	rddreg [dreg:$0x2];
	[bflag:$0x3] =	sbarrier.arrive $0xFFFF;
	s2 =	simm.s32 @!p0 $0x1C0B  }
0xb1: {  	[timem:s3], [sflag:s2] =	dma.local @!p0 [hbm:s0], s1  }
0xb2: {  	s0 =	simm.s32 @!p0 $0xB  }
0xb3: {  	_ =	swait.ge @!p0 [sflag:s0], s1  }
0xb4: {  	s1 =	ssub.s32 @!p0 $0x0, s1;
	[sflag:s0] =	ssyncset.done @!p0 $0x0  }
0xb5: {  	[sflag:s0] =	ssyncadd.s32 @!p0 s1  }
0xb6: {  	[bflag:$0x3] =	sbarrier.arrive $0xFFFF  }
0xb7: {  	_ =	shalt  }

</sc_bundles>
